<compile_context>
chip_gen: v7x
topology: tpu7x:2x2x1
jax: 0.10.2.dev20260603
libtpu: 0.0.44.dev20260713+nightly
codegen_flags: <defaults>
</compile_context>

<pallas_src>
import functools

import jax
import jax.numpy as jnp
from jax import lax
from jax.experimental import pallas as pl
from jax.experimental.pallas import tpu as pltpu, tpu_sc as plsc

N = 10000
E = 320000
F = 128
G = 64

NC = 2
NS = 16
NW = NC * NS

CH = 128
E_PAD = 327680
TOTCH = E_PAD // CH
NCHUNK0 = 123
NCHUNK1 = TOTCH // NS - NCHUNK0
NAGG = 10240
DEPTH = 2
IDEPTH = 4
ZROWS = NAGG // NS

PCHUNKS = 96
PC0 = 5
PC1 = PCHUNKS // NS - PC0
PROWS = 128


def _msgpass_body(h_hbm, idxw, zeros_hbm, out_hbm,
                  iring, rows2, acc_sh, isem, rsem):
    c = lax.axis_index("c")
    s = lax.axis_index("s")
    base = jnp.where(c == 0, s * NCHUNK0, NS * NCHUNK0 + s * NCHUNK1)
    nch = jnp.where(c == 0, NCHUNK0, NCHUNK1)
    pltpu.sync_copy(zeros_hbm, acc_sh.at[pl.ds(s * ZROWS, ZROWS)])
    for k in range(IDEPTH):
        pltpu.async_copy(idxw.at[base + k], iring.at[k], isem)
    plsc.subcore_barrier()
    for k in range(DEPTH):
        pltpu.make_async_copy(idxw.at[base + k], iring.at[k], isem).wait()
        pltpu.async_copy(h_hbm.at[iring.at[k, 0]], rows2.at[k], rsem)

    def body(j, carry):
        rj = lax.rem(j, DEPTH)
        ij = lax.rem(j, IDEPTH)
        pltpu.make_async_copy(h_hbm.at[iring.at[ij, 0]],
                              rows2.at[rj], rsem).wait()
        pltpu.sync_copy(rows2.at[rj], acc_sh.at[iring.at[ij, 1]], add=True)

        @pl.when(j + IDEPTH < nch)
        def _():
            pltpu.async_copy(idxw.at[base + j + IDEPTH], iring.at[ij], isem)

        @pl.when(j + DEPTH < nch)
        def _():
            i2 = lax.rem(j + DEPTH, IDEPTH)
            pltpu.make_async_copy(idxw.at[base + j + DEPTH],
                                  iring.at[i2], isem).wait()
            pltpu.async_copy(h_hbm.at[iring.at[i2, 0]], rows2.at[rj], rsem)

        return carry

    lax.fori_loop(0, nch, body, 0)
    plsc.subcore_barrier()

    @pl.when(s < NS - 1)
    def _():
        pltpu.sync_copy(acc_sh.at[pl.ds(s * ZROWS, ZROWS)],
                        out_hbm.at[c, pl.ds(s * ZROWS, ZROWS)])

    @pl.when(s == NS - 1)
    def _():
        pltpu.sync_copy(
            acc_sh.at[pl.ds((NS - 1) * ZROWS, N - (NS - 1) * ZROWS)],
            out_hbm.at[c, pl.ds((NS - 1) * ZROWS, N - (NS - 1) * ZROWS)])


@functools.cache
def _msgpass_kernel():
    return pl.kernel(
        _msgpass_body,
        out_type=jax.ShapeDtypeStruct((NC, N, F), jnp.float32),
        mesh=plsc.VectorSubcoreMesh(core_axis_name="c", subcore_axis_name="s",
                                    num_cores=NC, num_subcores=NS),
        scratch_types=[
            pltpu.VMEM((IDEPTH, 2, CH), jnp.int32),
            pltpu.VMEM((DEPTH, CH, F), jnp.float32),
            pltpu.VMEM_SHARED((NAGG, F), jnp.float32),
            pltpu.SemaphoreType.DMA,
            pltpu.SemaphoreType.DMA,
        ],
    )


def _msgpass(*args):
    return _msgpass_kernel()(*args)


def _pool_body(h_hbm, idp, zeros_hbm, ones_hbm, outp, outc,
               iring, rows_v, ones_v, pool_sh, cnt_sh, sem):
    c = lax.axis_index("c")
    s = lax.axis_index("s")
    base = jnp.where(c == 0, s * PC0, NS * PC0 + s * PC1)
    nch = jnp.where(c == 0, PC0, PC1)
    pltpu.sync_copy(ones_hbm, ones_v)

    @pl.when(s == 0)
    def _():
        pltpu.sync_copy(zeros_hbm.at[pl.ds(0, PROWS)], pool_sh)
        pltpu.sync_copy(zeros_hbm.at[pl.ds(PROWS, PROWS)], cnt_sh)

    plsc.subcore_barrier()

    def body(j, carry):
        ij = lax.rem(j, 2)
        pltpu.sync_copy(idp.at[base + j], iring.at[ij])
        pltpu.async_copy(h_hbm.at[iring.at[ij, 0]], rows_v, sem).wait()
        pltpu.sync_copy(rows_v, pool_sh.at[iring.at[ij, 1]], add=True)
        pltpu.sync_copy(ones_v, cnt_sh.at[iring.at[ij, 1]], add=True)
        return carry

    lax.fori_loop(0, nch, body, 0)
    plsc.subcore_barrier()

    @pl.when(s == 0)
    def _():
        pltpu.sync_copy(pool_sh.at[pl.ds(0, G)], outp.at[c])
        pltpu.sync_copy(cnt_sh.at[pl.ds(0, G)], outc.at[c])


@functools.cache
def _pool_kernel():
    return pl.kernel(
        _pool_body,
        out_type=(jax.ShapeDtypeStruct((NC, G, F), jnp.float32),
                  jax.ShapeDtypeStruct((NC, G, F), jnp.float32)),
        mesh=plsc.VectorSubcoreMesh(core_axis_name="c", subcore_axis_name="s",
                                    num_cores=NC, num_subcores=NS),
        scratch_types=[
            pltpu.VMEM((2, 2, CH), jnp.int32),
            pltpu.VMEM((CH, F), jnp.float32),
            pltpu.VMEM((CH, F), jnp.float32),
            pltpu.VMEM_SHARED((PROWS, F), jnp.float32),
            pltpu.VMEM_SHARED((PROWS, F), jnp.float32),
            pltpu.SemaphoreType.DMA,
        ],
    )


def _pool(*args):
    return _pool_kernel()(*args)


_RB = 1000


def _dense_body(a0, a1, h, wrel, brel, wroot, out):
    agg = a0[...] + a1[...]
    t = lax.dot_general(agg, wrel[...], (((1,), (1,)), ((), ())),
                        precision=lax.Precision.HIGHEST,
                        preferred_element_type=jnp.float32)
    t += lax.dot_general(h[...], wroot[...], (((1,), (1,)), ((), ())),
                         precision=lax.Precision.HIGHEST,
                         preferred_element_type=jnp.float32)
    t += brel[...]
    x = t
    out[...] = 0.5 * x * (1.0 + lax.erf(x * 0.7071067811865476))


def _dense_layer(a0, a1, h, wrel, brel, wroot):
    grid = (N // _RB,)
    row = pl.BlockSpec((_RB, F), lambda i: (i, 0))
    full = pl.BlockSpec((F, F), lambda i: (0, 0))
    return pl.pallas_call(
        _dense_body,
        grid=grid,
        in_specs=[row, row, row, full,
                  pl.BlockSpec((1, F), lambda i: (0, 0)), full],
        out_specs=row,
        out_shape=jax.ShapeDtypeStruct((N, F), jnp.float32),
    )(a0, a1, h, wrel, brel, wroot)


def _final_body(bout, p0, p1, c0, c1, wout, out):
    sums = p0[...] + p1[...]
    cnt = jnp.maximum(c0[...] + c1[...], 1.0)
    pooled = sums / cnt
    sval = jnp.sum(pooled * wout[...], axis=1, keepdims=True) + bout[0]
    out[...] = jnp.broadcast_to(sval, (G, F))


def _final(p0, p1, c0, c1, wout, bout):
    b = pl.BlockSpec((G, F), lambda: (0, 0))
    res = pl.pallas_call(
        _final_body,
        in_specs=[pl.BlockSpec(memory_space=pltpu.MemorySpace.SMEM),
                  b, b, b, b, pl.BlockSpec((1, F), lambda: (0, 0))],
        out_specs=b,
        out_shape=jax.ShapeDtypeStruct((G, F), jnp.float32),
    )(bout, p0, p1, c0, c1, wout)
    return res[:, :1]


def kernel(x, edge_index, batch_index,
           W_rel0, b_rel0, W_root0,
           W_rel1, b_rel1, W_root1,
           W_rel2, b_rel2, W_root2,
           W_rel3, b_rel3, W_root3,
           W_out, b_out):
    x = x.astype(jnp.float32)

    pad = E_PAD - E
    src = jnp.concatenate([edge_index[0], jnp.zeros((pad,), jnp.int32)])
    dst = jnp.concatenate([edge_index[1],
                           N + (jnp.arange(pad, dtype=jnp.int32)
                                % (NAGG - N))])
    idxw = jnp.stack([src.reshape(TOTCH, CH),
                      dst.reshape(TOTCH, CH)], axis=1)

    zeros_hbm = jnp.zeros((ZROWS, F), jnp.float32)
    ones_hbm = jnp.ones((CH, F), jnp.float32)

    ppad = PCHUNKS * CH - N
    nid = jnp.concatenate([jnp.arange(N, dtype=jnp.int32),
                           jnp.zeros((ppad,), jnp.int32)])
    bid = jnp.concatenate([batch_index.astype(jnp.int32),
                           G + (jnp.arange(ppad, dtype=jnp.int32)
                                % (PROWS - G))])
    idp = jnp.stack([nid.reshape(PCHUNKS, CH),
                     bid.reshape(PCHUNKS, CH)], axis=1)

    weights = [(W_rel0, b_rel0, W_root0), (W_rel1, b_rel1, W_root1),
               (W_rel2, b_rel2, W_root2), (W_rel3, b_rel3, W_root3)]

    h = x
    for (wrel, brel, wroot) in weights:
        parts = _msgpass(h, idxw, zeros_hbm)
        h = _dense_layer(parts[0], parts[1], h, wrel,
                         brel.reshape(1, F), wroot)

    psum, pcnt = _pool(h, idp, jnp.zeros((2 * PROWS, F), jnp.float32),
                       ones_hbm)
    return _final(psum[0], psum[1], pcnt[0], pcnt[1], W_out, b_out)

# --- scband reference (transcript-rebuilt; emitter-appended) ---
"""Pipeline reference for scband-graph-conv-model-13597866459243 (READ-ONLY COPY).

The authoritative reference and input builder live on the scoring server;
editing this copy changes nothing except your own understanding.
"""

import jax, jax.numpy as jnp
import numpy as np

N = 10000
E = 320000
F_IN = 128
H = 128
G = 64


def setup_inputs(seed: int = 0) -> dict:
    key = jax.random.key(seed)
    ks = jax.random.split(key, 16)
    x = jax.random.normal(ks[0], (N, F_IN), dtype=jnp.float32)
    edge_index = jax.random.randint(ks[1], (2, E), 0, N, dtype=jnp.int32)
    batch_index = jnp.sort(jax.random.randint(ks[2], (N,), 0, G, dtype=jnp.int32))
    s = 0.05
    W_rel0 = jax.random.normal(ks[3], (H, F_IN), dtype=jnp.float32) * s
    b_rel0 = jnp.zeros((H,), dtype=jnp.float32)
    W_root0 = jax.random.normal(ks[4], (H, F_IN), dtype=jnp.float32) * s
    W_rel1 = jax.random.normal(ks[5], (H, H), dtype=jnp.float32) * s
    b_rel1 = jnp.zeros((H,), dtype=jnp.float32)
    W_root1 = jax.random.normal(ks[6], (H, H), dtype=jnp.float32) * s
    W_rel2 = jax.random.normal(ks[7], (H, H), dtype=jnp.float32) * s
    b_rel2 = jnp.zeros((H,), dtype=jnp.float32)
    W_root2 = jax.random.normal(ks[8], (H, H), dtype=jnp.float32) * s
    W_rel3 = jax.random.normal(ks[9], (H, H), dtype=jnp.float32) * s
    b_rel3 = jnp.zeros((H,), dtype=jnp.float32)
    W_root3 = jax.random.normal(ks[10], (H, H), dtype=jnp.float32) * s
    W_out = jax.random.normal(ks[11], (1, H), dtype=jnp.float32) * s
    b_out = jnp.zeros((1,), dtype=jnp.float32)
    return {"x": x, "edge_index": edge_index, "batch_index": batch_index,
            "W_rel0": W_rel0, "b_rel0": b_rel0, "W_root0": W_root0,
            "W_rel1": W_rel1, "b_rel1": b_rel1, "W_root1": W_root1,
            "W_rel2": W_rel2, "b_rel2": b_rel2, "W_root2": W_root2,
            "W_rel3": W_rel3, "b_rel3": b_rel3, "W_root3": W_root3,
            "W_out": W_out, "b_out": b_out}


def _graph_conv(x, src, dst, W_rel, b_rel, W_root):
    # PyG GraphConv: out = lin_rel(sum_{j in N(i)} x_j) + lin_root(x_i)
    agg = jnp.zeros(x.shape, dtype=x.dtype).at[dst].add(x[src])
    return agg @ W_rel.T + b_rel + x @ W_root.T


def reference(x, edge_index, batch_index,
              W_rel0, b_rel0, W_root0,
              W_rel1, b_rel1, W_root1,
              W_rel2, b_rel2, W_root2,
              W_rel3, b_rel3, W_root3,
              W_out, b_out):
    x = x.astype(jnp.float32)
    src = edge_index[0]
    dst = edge_index[1]
    h = _graph_conv(x, src, dst, W_rel0, b_rel0, W_root0)
    h = jax.nn.gelu(h, approximate=False)
    h = _graph_conv(h, src, dst, W_rel1, b_rel1, W_root1)
    h = jax.nn.gelu(h, approximate=False)
    h = _graph_conv(h, src, dst, W_rel2, b_rel2, W_root2)
    h = jax.nn.gelu(h, approximate=False)
    h = _graph_conv(h, src, dst, W_rel3, b_rel3, W_root3)
    h = jax.nn.gelu(h, approximate=False)
    # global mean pool (gap)
    sums = jax.ops.segment_sum(h, batch_index, num_segments=G)
    counts = jax.ops.segment_sum(jnp.ones((h.shape[0],), dtype=h.dtype), batch_index, num_segments=G)
    pooled = sums / jnp.clip(counts, 1.0)[:, None]
    out = pooled @ W_out.T + b_out
    return out

if __name__ == "__main__":
    import jax
    _d = setup_inputs()
    print(jax.jit(kernel)(*tuple(_d.values())))

</pallas_src>

<mosaic_0001>
#map = affine_map<(d0, d1) -> (0, 0)>
#map1 = affine_map<(d0, d1) -> (0, 0, 0)>
module attributes {stable_mosaic.version = 14 : i64} {
  func.func @_msgpass_body(%arg0: i32, %arg1: i32, %arg2: memref<10000x128xf32, #tpu.memory_space<hbm>>, %arg3: memref<2560x2x128xi32, #tpu.memory_space<hbm>>, %arg4: memref<640x128xf32, #tpu.memory_space<hbm>>, %arg5: memref<2x10000x128xf32, #tpu.memory_space<hbm>>, %arg6: memref<4x2x128xi32, #tpu.memory_space<vmem>>, %arg7: memref<2x128x128xf32, #tpu.memory_space<vmem>>, %arg8: memref<10240x128xf32, #tpu.memory_space<vmem_shared>>, %arg9: memref<!tpu.dma_semaphore, #tpu.memory_space<semaphore_mem>>, %arg10: memref<!tpu.dma_semaphore, #tpu.memory_space<semaphore_mem>>) attributes {dimension_semantics = [#tpu.dimension_semantics<core_parallel>, #tpu.dimension_semantics<subcore_parallel>], iteration_bounds = array<i64: 2, 16>, scalar_prefetch = 0 : i64, scratch_operands = 5 : i64, tpu.core_type = #tpu.core_type<sc_vector_subcore>, window_params = [{transform_indices = #map}, {transform_indices = #map1}, {transform_indices = #map}, {transform_indices = #map1}]} {
    %eq3A = arith.constant 0 : i32
    %eq3A_0 = arith.cmpi eq, %arg0, %eq3A : i32
    %mul3A = arith.constant 123 : i32
    %mul3A_1 = arith.muli %arg1, %mul3A : i32
    %mul3A_2 = arith.constant 37 : i32
    %mul3A_3 = arith.muli %arg1, %mul3A_2 : i32
    %add3A = arith.constant 1968 : i32
    %add3A_4 = arith.addi %add3A, %mul3A_3 : i32
    %select_n3A = arith.select %eq3A_0, %mul3A_1, %add3A_4 : i32
    %eq3A_5 = arith.constant 0 : i32
    %eq3A_6 = arith.cmpi eq, %arg0, %eq3A_5 : i32
    %jit3A = arith.constant 123 : i32
    %jit3A_7 = arith.constant 37 : i32
    %select_n3A_8 = arith.select %eq3A_6, %jit3A, %jit3A_7 : i32
    %mul3A_9 = arith.constant 640 : i32
    %mul3A_10 = arith.muli %arg1, %mul3A_9 : i32
    "tpu.region"() ({
      %run_scoped3A = tpu.sem_alloc : memref<!tpu.dma_semaphore, #tpu.memory_space<semaphore_mem>>
      %dma_start3A_166 = arith.constant 0 : i32
      %dma_start3A_167 = tpu.memref_slice %arg8[%mul3A_10, %dma_start3A_166] : memref<10240x128xf32, #tpu.memory_space<vmem_shared>> -> memref<640x128xf32, #tpu.memory_space<vmem_shared>>
      tpu.enqueue_dma source(%arg4 : memref<640x128xf32, #tpu.memory_space<hbm>>) target(%dma_start3A_167 : memref<640x128xf32, #tpu.memory_space<vmem_shared>>) target_semaphore(%run_scoped3A : memref<!tpu.dma_semaphore, #tpu.memory_space<semaphore_mem>>)
      %dma_wait3A_168 = arith.constant 0 : i32
      %dma_wait3A_169 = tpu.memref_slice %arg8[%mul3A_10, %dma_wait3A_168] : memref<10240x128xf32, #tpu.memory_space<vmem_shared>> -> memref<640x128xf32, #tpu.memory_space<vmem_shared>>
      tpu.wait_dma2 semaphore(%run_scoped3A : memref<!tpu.dma_semaphore, #tpu.memory_space<semaphore_mem>>) src(%arg4 : memref<640x128xf32, #tpu.memory_space<hbm>>) dst(%dma_wait3A_169 : memref<640x128xf32, #tpu.memory_space<vmem_shared>>)
      tpu.yield
    }) : () -> ()
    %add3A_11 = arith.constant 0 : i32
    %add3A_12 = arith.addi %select_n3A, %add3A_11 : i32
    %dma_start3A = arith.constant 0 : i32
    %dma_start3A_13 = arith.constant 0 : i32
    %dma_start3A_14 = arith.constant 0 : i32
    %dma_start3A_15 = tpu.memref_slice %arg6[%dma_start3A, %dma_start3A_13, %dma_start3A_14] : memref<4x2x128xi32, #tpu.memory_space<vmem>> -> memref<1x2x128xi32, #tpu.memory_space<vmem>>
    %dma_start3A_16 = tpu.memref_squeeze %dma_start3A_15 : memref<1x2x128xi32, #tpu.memory_space<vmem>> -> memref<2x128xi32, #tpu.memory_space<vmem>>
    %dma_start3A_17 = arith.constant 0 : i32
    %dma_start3A_18 = arith.constant 0 : i32
    %dma_start3A_19 = tpu.memref_slice %arg3[%add3A_12, %dma_start3A_17, %dma_start3A_18] : memref<2560x2x128xi32, #tpu.memory_space<hbm>> -> memref<1x2x128xi32, #tpu.memory_space<hbm>>
    %dma_start3A_20 = tpu.memref_squeeze %dma_start3A_19 : memref<1x2x128xi32, #tpu.memory_space<hbm>> -> memref<2x128xi32, #tpu.memory_space<hbm>>
    %dma_start3A_21 = arith.constant 0 : i32
    %dma_start3A_22 = arith.constant 0 : i32
    %dma_start3A_23 = tpu.memref_slice %arg6[%dma_start3A, %dma_start3A_21, %dma_start3A_22] : memref<4x2x128xi32, #tpu.memory_space<vmem>> -> memref<1x2x128xi32, #tpu.memory_space<vmem>>
    %dma_start3A_24 = tpu.memref_squeeze %dma_start3A_23 : memref<1x2x128xi32, #tpu.memory_space<vmem>> -> memref<2x128xi32, #tpu.memory_space<vmem>>
    %dma_start3A_25 = arith.constant 0 : i32
    %dma_start3A_26 = arith.constant 0 : i32
    %dma_start3A_27 = tpu.memref_slice %arg3[%add3A_12, %dma_start3A_25, %dma_start3A_26] : memref<2560x2x128xi32, #tpu.memory_space<hbm>> -> memref<1x2x128xi32, #tpu.memory_space<hbm>>
    %dma_start3A_28 = tpu.memref_squeeze %dma_start3A_27 : memref<1x2x128xi32, #tpu.memory_space<hbm>> -> memref<2x128xi32, #tpu.memory_space<hbm>>
    tpu.enqueue_dma source(%dma_start3A_28 : memref<2x128xi32, #tpu.memory_space<hbm>>) target(%dma_start3A_24 : memref<2x128xi32, #tpu.memory_space<vmem>>) target_semaphore(%arg9 : memref<!tpu.dma_semaphore, #tpu.memory_space<semaphore_mem>>)
    %add3A_29 = arith.constant 1 : i32
    %add3A_30 = arith.addi %select_n3A, %add3A_29 : i32
    %dma_start3A_31 = arith.constant 1 : i32
    %dma_start3A_32 = arith.constant 0 : i32
    %dma_start3A_33 = arith.constant 0 : i32
    %dma_start3A_34 = tpu.memref_slice %arg6[%dma_start3A_31, %dma_start3A_32, %dma_start3A_33] : memref<4x2x128xi32, #tpu.memory_space<vmem>> -> memref<1x2x128xi32, #tpu.memory_space<vmem>>
    %dma_start3A_35 = tpu.memref_squeeze %dma_start3A_34 : memref<1x2x128xi32, #tpu.memory_space<vmem>> -> memref<2x128xi32, #tpu.memory_space<vmem>>
    %dma_start3A_36 = arith.constant 0 : i32
    %dma_start3A_37 = arith.constant 0 : i32
    %dma_start3A_38 = tpu.memref_slice %arg3[%add3A_30, %dma_start3A_36, %dma_start3A_37] : memref<2560x2x128xi32, #tpu.memory_space<hbm>> -> memref<1x2x128xi32, #tpu.memory_space<hbm>>
    %dma_start3A_39 = tpu.memref_squeeze %dma_start3A_38 : memref<1x2x128xi32, #tpu.memory_space<hbm>> -> memref<2x128xi32, #tpu.memory_space<hbm>>
    %dma_start3A_40 = arith.constant 0 : i32
    %dma_start3A_41 = arith.constant 0 : i32
    %dma_start3A_42 = tpu.memref_slice %arg6[%dma_start3A_31, %dma_start3A_40, %dma_start3A_41] : memref<4x2x128xi32, #tpu.memory_space<vmem>> -> memref<1x2x128xi32, #tpu.memory_space<vmem>>
    %dma_start3A_43 = tpu.memref_squeeze %dma_start3A_42 : memref<1x2x128xi32, #tpu.memory_space<vmem>> -> memref<2x128xi32, #tpu.memory_space<vmem>>
    %dma_start3A_44 = arith.constant 0 : i32
    %dma_start3A_45 = arith.constant 0 : i32
    %dma_start3A_46 = tpu.memref_slice %arg3[%add3A_30, %dma_start3A_44, %dma_start3A_45] : memref<2560x2x128xi32, #tpu.memory_space<hbm>> -> memref<1x2x128xi32, #tpu.memory_space<hbm>>
    %dma_start3A_47 = tpu.memref_squeeze %dma_start3A_46 : memref<1x2x128xi32, #tpu.memory_space<hbm>> -> memref<2x128xi32, #tpu.memory_space<hbm>>
    tpu.enqueue_dma source(%dma_start3A_47 : memref<2x128xi32, #tpu.memory_space<hbm>>) target(%dma_start3A_43 : memref<2x128xi32, #tpu.memory_space<vmem>>) target_semaphore(%arg9 : memref<!tpu.dma_semaphore, #tpu.memory_space<semaphore_mem>>)
    %add3A_48 = arith.constant 2 : i32
    %add3A_49 = arith.addi %select_n3A, %add3A_48 : i32
    %dma_start3A_50 = arith.constant 2 : i32
    %dma_start3A_51 = arith.constant 0 : i32
    %dma_start3A_52 = arith.constant 0 : i32
    %dma_start3A_53 = tpu.memref_slice %arg6[%dma_start3A_50, %dma_start3A_51, %dma_start3A_52] : memref<4x2x128xi32, #tpu.memory_space<vmem>> -> memref<1x2x128xi32, #tpu.memory_space<vmem>>
    %dma_start3A_54 = tpu.memref_squeeze %dma_start3A_53 : memref<1x2x128xi32, #tpu.memory_space<vmem>> -> memref<2x128xi32, #tpu.memory_space<vmem>>
    %dma_start3A_55 = arith.constant 0 : i32
    %dma_start3A_56 = arith.constant 0 : i32
    %dma_start3A_57 = tpu.memref_slice %arg3[%add3A_49, %dma_start3A_55, %dma_start3A_56] : memref<2560x2x128xi32, #tpu.memory_space<hbm>> -> memref<1x2x128xi32, #tpu.memory_space<hbm>>
    %dma_start3A_58 = tpu.memref_squeeze %dma_start3A_57 : memref<1x2x128xi32, #tpu.memory_space<hbm>> -> memref<2x128xi32, #tpu.memory_space<hbm>>
    %dma_start3A_59 = arith.constant 0 : i32
    %dma_start3A_60 = arith.constant 0 : i32
    %dma_start3A_61 = tpu.memref_slice %arg6[%dma_start3A_50, %dma_start3A_59, %dma_start3A_60] : memref<4x2x128xi32, #tpu.memory_space<vmem>> -> memref<1x2x128xi32, #tpu.memory_space<vmem>>
    %dma_start3A_62 = tpu.memref_squeeze %dma_start3A_61 : memref<1x2x128xi32, #tpu.memory_space<vmem>> -> memref<2x128xi32, #tpu.memory_space<vmem>>
    %dma_start3A_63 = arith.constant 0 : i32
    %dma_start3A_64 = arith.constant 0 : i32
    %dma_start3A_65 = tpu.memref_slice %arg3[%add3A_49, %dma_start3A_63, %dma_start3A_64] : memref<2560x2x128xi32, #tpu.memory_space<hbm>> -> memref<1x2x128xi32, #tpu.memory_space<hbm>>
    %dma_start3A_66 = tpu.memref_squeeze %dma_start3A_65 : memref<1x2x128xi32, #tpu.memory_space<hbm>> -> memref<2x128xi32, #tpu.memory_space<hbm>>
    tpu.enqueue_dma source(%dma_start3A_66 : memref<2x128xi32, #tpu.memory_space<hbm>>) target(%dma_start3A_62 : memref<2x128xi32, #tpu.memory_space<vmem>>) target_semaphore(%arg9 : memref<!tpu.dma_semaphore, #tpu.memory_space<semaphore_mem>>)
    %add3A_67 = arith.constant 3 : i32
    %add3A_68 = arith.addi %select_n3A, %add3A_67 : i32
    %dma_start3A_69 = arith.constant 3 : i32
    %dma_start3A_70 = arith.constant 0 : i32
    %dma_start3A_71 = arith.constant 0 : i32
    %dma_start3A_72 = tpu.memref_slice %arg6[%dma_start3A_69, %dma_start3A_70, %dma_start3A_71] : memref<4x2x128xi32, #tpu.memory_space<vmem>> -> memref<1x2x128xi32, #tpu.memory_space<vmem>>
    %dma_start3A_73 = tpu.memref_squeeze %dma_start3A_72 : memref<1x2x128xi32, #tpu.memory_space<vmem>> -> memref<2x128xi32, #tpu.memory_space<vmem>>
    %dma_start3A_74 = arith.constant 0 : i32
    %dma_start3A_75 = arith.constant 0 : i32
    %dma_start3A_76 = tpu.memref_slice %arg3[%add3A_68, %dma_start3A_74, %dma_start3A_75] : memref<2560x2x128xi32, #tpu.memory_space<hbm>> -> memref<1x2x128xi32, #tpu.memory_space<hbm>>
    %dma_start3A_77 = tpu.memref_squeeze %dma_start3A_76 : memref<1x2x128xi32, #tpu.memory_space<hbm>> -> memref<2x128xi32, #tpu.memory_space<hbm>>
    %dma_start3A_78 = arith.constant 0 : i32
    %dma_start3A_79 = arith.constant 0 : i32
    %dma_start3A_80 = tpu.memref_slice %arg6[%dma_start3A_69, %dma_start3A_78, %dma_start3A_79] : memref<4x2x128xi32, #tpu.memory_space<vmem>> -> memref<1x2x128xi32, #tpu.memory_space<vmem>>
    %dma_start3A_81 = tpu.memref_squeeze %dma_start3A_80 : memref<1x2x128xi32, #tpu.memory_space<vmem>> -> memref<2x128xi32, #tpu.memory_space<vmem>>
    %dma_start3A_82 = arith.constant 0 : i32
    %dma_start3A_83 = arith.constant 0 : i32
    %dma_start3A_84 = tpu.memref_slice %arg3[%add3A_68, %dma_start3A_82, %dma_start3A_83] : memref<2560x2x128xi32, #tpu.memory_space<hbm>> -> memref<1x2x128xi32, #tpu.memory_space<hbm>>
    %dma_start3A_85 = tpu.memref_squeeze %dma_start3A_84 : memref<1x2x128xi32, #tpu.memory_space<hbm>> -> memref<2x128xi32, #tpu.memory_space<hbm>>
    tpu.enqueue_dma source(%dma_start3A_85 : memref<2x128xi32, #tpu.memory_space<hbm>>) target(%dma_start3A_81 : memref<2x128xi32, #tpu.memory_space<vmem>>) target_semaphore(%arg9 : memref<!tpu.dma_semaphore, #tpu.memory_space<semaphore_mem>>)
    %barrier3A = arith.constant 0 : index
    tpu.barrier barrier_id(%barrier3A)
    %add3A_86 = arith.constant 0 : i32
    %add3A_87 = arith.addi %select_n3A, %add3A_86 : i32
    %dma_wait3A = arith.constant 0 : i32
    %dma_wait3A_88 = arith.constant 0 : i32
    %dma_wait3A_89 = arith.constant 0 : i32
    %dma_wait3A_90 = tpu.memref_slice %arg6[%dma_wait3A, %dma_wait3A_88, %dma_wait3A_89] : memref<4x2x128xi32, #tpu.memory_space<vmem>> -> memref<1x2x128xi32, #tpu.memory_space<vmem>>
    %dma_wait3A_91 = tpu.memref_squeeze %dma_wait3A_90 : memref<1x2x128xi32, #tpu.memory_space<vmem>> -> memref<2x128xi32, #tpu.memory_space<vmem>>
    %dma_wait3A_92 = arith.constant 0 : i32
    %dma_wait3A_93 = arith.constant 0 : i32
    %dma_wait3A_94 = tpu.memref_slice %arg3[%add3A_87, %dma_wait3A_92, %dma_wait3A_93] : memref<2560x2x128xi32, #tpu.memory_space<hbm>> -> memref<1x2x128xi32, #tpu.memory_space<hbm>>
    %dma_wait3A_95 = tpu.memref_squeeze %dma_wait3A_94 : memref<1x2x128xi32, #tpu.memory_space<hbm>> -> memref<2x128xi32, #tpu.memory_space<hbm>>
    %dma_wait3A_96 = arith.constant 0 : i32
    %dma_wait3A_97 = arith.constant 0 : i32
    %dma_wait3A_98 = tpu.memref_slice %arg6[%dma_wait3A, %dma_wait3A_96, %dma_wait3A_97] : memref<4x2x128xi32, #tpu.memory_space<vmem>> -> memref<1x2x128xi32, #tpu.memory_space<vmem>>
    %dma_wait3A_99 = tpu.memref_squeeze %dma_wait3A_98 : memref<1x2x128xi32, #tpu.memory_space<vmem>> -> memref<2x128xi32, #tpu.memory_space<vmem>>
    %dma_wait3A_100 = arith.constant 0 : i32
    %dma_wait3A_101 = arith.constant 0 : i32
    %dma_wait3A_102 = tpu.memref_slice %arg3[%add3A_87, %dma_wait3A_100, %dma_wait3A_101] : memref<2560x2x128xi32, #tpu.memory_space<hbm>> -> memref<1x2x128xi32, #tpu.memory_space<hbm>>
    %dma_wait3A_103 = tpu.memref_squeeze %dma_wait3A_102 : memref<1x2x128xi32, #tpu.memory_space<hbm>> -> memref<2x128xi32, #tpu.memory_space<hbm>>
    tpu.wait_dma2 semaphore(%arg9 : memref<!tpu.dma_semaphore, #tpu.memory_space<semaphore_mem>>) src(%dma_wait3A_103 : memref<2x128xi32, #tpu.memory_space<hbm>>) dst(%dma_wait3A_99 : memref<2x128xi32, #tpu.memory_space<vmem>>)
    %dma_start3A_104 = arith.constant 0 : i32
    %dma_start3A_105 = arith.constant 0 : i32
    %dma_start3A_106 = arith.constant 0 : i32
    %dma_start3A_107 = arith.constant 0 : i32
    %dma_start3A_108 = arith.constant 0 : i32
    %dma_start3A_109 = tpu.memref_slice %arg7[%dma_start3A_106, %dma_start3A_107, %dma_start3A_108] : memref<2x128x128xf32, #tpu.memory_space<vmem>> -> memref<1x128x128xf32, #tpu.memory_space<vmem>>
    %dma_start3A_110 = tpu.memref_squeeze %dma_start3A_109 : memref<1x128x128xf32, #tpu.memory_space<vmem>> -> memref<128x128xf32, #tpu.memory_space<vmem>>
    %dma_start3A_111 = arith.constant 0 : i32
    %dma_start3A_112 = tpu.memref_slice %arg6[%dma_start3A_104, %dma_start3A_105, %dma_start3A_111] : memref<4x2x128xi32, #tpu.memory_space<vmem>> -> memref<1x1x128xi32, #tpu.memory_space<vmem>>
    %dma_start3A_113 = tpu.memref_squeeze %dma_start3A_112 : memref<1x1x128xi32, #tpu.memory_space<vmem>> -> memref<128xi32, #tpu.memory_space<vmem>>
    %dma_start3A_114 = arith.constant 0 : i32
    %dma_start3A_115 = arith.constant 0 : i32
    %dma_start3A_116 = tpu.memref_slice %arg2[%dma_start3A_114, %dma_start3A_115] : memref<10000x128xf32, #tpu.memory_space<hbm>> -> memref<10000x128xf32, #tpu.memory_space<hbm>>
    tpu.enqueue_indirect_dma source(%dma_start3A_116 : memref<10000x128xf32, #tpu.memory_space<hbm>>) target(%dma_start3A_110 : memref<128x128xf32, #tpu.memory_space<vmem>>) offsets(%dma_start3A_113 : memref<128xi32, #tpu.memory_space<vmem>>) semaphore(%arg10 : memref<!tpu.dma_semaphore, #tpu.memory_space<semaphore_mem>>)
    %add3A_117 = arith.constant 1 : i32
    %add3A_118 = arith.addi %select_n3A, %add3A_117 : i32
    %dma_wait3A_119 = arith.constant 1 : i32
    %dma_wait3A_120 = arith.constant 0 : i32
    %dma_wait3A_121 = arith.constant 0 : i32
    %dma_wait3A_122 = tpu.memref_slice %arg6[%dma_wait3A_119, %dma_wait3A_120, %dma_wait3A_121] : memref<4x2x128xi32, #tpu.memory_space<vmem>> -> memref<1x2x128xi32, #tpu.memory_space<vmem>>
    %dma_wait3A_123 = tpu.memref_squeeze %dma_wait3A_122 : memref<1x2x128xi32, #tpu.memory_space<vmem>> -> memref<2x128xi32, #tpu.memory_space<vmem>>
    %dma_wait3A_124 = arith.constant 0 : i32
    %dma_wait3A_125 = arith.constant 0 : i32
    %dma_wait3A_126 = tpu.memref_slice %arg3[%add3A_118, %dma_wait3A_124, %dma_wait3A_125] : memref<2560x2x128xi32, #tpu.memory_space<hbm>> -> memref<1x2x128xi32, #tpu.memory_space<hbm>>
    %dma_wait3A_127 = tpu.memref_squeeze %dma_wait3A_126 : memref<1x2x128xi32, #tpu.memory_space<hbm>> -> memref<2x128xi32, #tpu.memory_space<hbm>>
    %dma_wait3A_128 = arith.constant 0 : i32
    %dma_wait3A_129 = arith.constant 0 : i32
    %dma_wait3A_130 = tpu.memref_slice %arg6[%dma_wait3A_119, %dma_wait3A_128, %dma_wait3A_129] : memref<4x2x128xi32, #tpu.memory_space<vmem>> -> memref<1x2x128xi32, #tpu.memory_space<vmem>>
    %dma_wait3A_131 = tpu.memref_squeeze %dma_wait3A_130 : memref<1x2x128xi32, #tpu.memory_space<vmem>> -> memref<2x128xi32, #tpu.memory_space<vmem>>
    %dma_wait3A_132 = arith.constant 0 : i32
    %dma_wait3A_133 = arith.constant 0 : i32
    %dma_wait3A_134 = tpu.memref_slice %arg3[%add3A_118, %dma_wait3A_132, %dma_wait3A_133] : memref<2560x2x128xi32, #tpu.memory_space<hbm>> -> memref<1x2x128xi32, #tpu.memory_space<hbm>>
    %dma_wait3A_135 = tpu.memref_squeeze %dma_wait3A_134 : memref<1x2x128xi32, #tpu.memory_space<hbm>> -> memref<2x128xi32, #tpu.memory_space<hbm>>
    tpu.wait_dma2 semaphore(%arg9 : memref<!tpu.dma_semaphore, #tpu.memory_space<semaphore_mem>>) src(%dma_wait3A_135 : memref<2x128xi32, #tpu.memory_space<hbm>>) dst(%dma_wait3A_131 : memref<2x128xi32, #tpu.memory_space<vmem>>)
    %dma_start3A_136 = arith.constant 1 : i32
    %dma_start3A_137 = arith.constant 0 : i32
    %dma_start3A_138 = arith.constant 1 : i32
    %dma_start3A_139 = arith.constant 0 : i32
    %dma_start3A_140 = arith.constant 0 : i32
    %dma_start3A_141 = tpu.memref_slice %arg7[%dma_start3A_138, %dma_start3A_139, %dma_start3A_140] : memref<2x128x128xf32, #tpu.memory_space<vmem>> -> memref<1x128x128xf32, #tpu.memory_space<vmem>>
    %dma_start3A_142 = tpu.memref_squeeze %dma_start3A_141 : memref<1x128x128xf32, #tpu.memory_space<vmem>> -> memref<128x128xf32, #tpu.memory_space<vmem>>
    %dma_start3A_143 = arith.constant 0 : i32
    %dma_start3A_144 = tpu.memref_slice %arg6[%dma_start3A_136, %dma_start3A_137, %dma_start3A_143] : memref<4x2x128xi32, #tpu.memory_space<vmem>> -> memref<1x1x128xi32, #tpu.memory_space<vmem>>
    %dma_start3A_145 = tpu.memref_squeeze %dma_start3A_144 : memref<1x1x128xi32, #tpu.memory_space<vmem>> -> memref<128xi32, #tpu.memory_space<vmem>>
    %dma_start3A_146 = arith.constant 0 : i32
    %dma_start3A_147 = arith.constant 0 : i32
    %dma_start3A_148 = tpu.memref_slice %arg2[%dma_start3A_146, %dma_start3A_147] : memref<10000x128xf32, #tpu.memory_space<hbm>> -> memref<10000x128xf32, #tpu.memory_space<hbm>>
    tpu.enqueue_indirect_dma source(%dma_start3A_148 : memref<10000x128xf32, #tpu.memory_space<hbm>>) target(%dma_start3A_142 : memref<128x128xf32, #tpu.memory_space<vmem>>) offsets(%dma_start3A_145 : memref<128xi32, #tpu.memory_space<vmem>>) semaphore(%arg10 : memref<!tpu.dma_semaphore, #tpu.memory_space<semaphore_mem>>)
    %while3A = arith.constant 0 : i32
    %while3A_149 = arith.constant 0 : i32
    %while3A_150 = arith.subi %select_n3A_8, %while3A_149 : i32
    %while3A_151 = arith.addi %while3A_149, %while3A_150 : i32
    %while3A_152 = arith.constant 1 : i32
    %while3A_153 = arith.divsi %while3A_150, %while3A_152 : i32
    %while3A_154 = arith.muli %while3A_153, %while3A_152 : i32
    %while3A_155 = arith.addi %while3A_149, %while3A_154 : i32
    %while3A_156 = arith.constant 1 : i32
    scf.for %while3A_166 = %while3A_149 to %while3A_155 step %while3A_156  : i32 {
      %rem3A = arith.constant 2 : i32
      %rem3A_167 = arith.remsi %while3A_166, %rem3A : i32
      %rem3A_168 = arith.constant 4 : i32
      %rem3A_169 = arith.remsi %while3A_166, %rem3A_168 : i32
      %dma_wait3A_170 = arith.constant 0 : i32
      %dma_wait3A_171 = arith.constant 0 : i32
      %dma_wait3A_172 = arith.constant 0 : i32
      %dma_wait3A_173 = tpu.memref_slice %arg7[%rem3A_167, %dma_wait3A_171, %dma_wait3A_172] : memref<2x128x128xf32, #tpu.memory_space<vmem>> -> memref<1x128x128xf32, #tpu.memory_space<vmem>>
      %dma_wait3A_174 = tpu.memref_squeeze %dma_wait3A_173 : memref<1x128x128xf32, #tpu.memory_space<vmem>> -> memref<128x128xf32, #tpu.memory_space<vmem>>
      %dma_wait3A_175 = arith.constant 0 : i32
      %dma_wait3A_176 = tpu.memref_slice %arg6[%rem3A_169, %dma_wait3A_170, %dma_wait3A_175] : memref<4x2x128xi32, #tpu.memory_space<vmem>> -> memref<1x1x128xi32, #tpu.memory_space<vmem>>
      %dma_wait3A_177 = tpu.memref_squeeze %dma_wait3A_176 : memref<1x1x128xi32, #tpu.memory_space<vmem>> -> memref<128xi32, #tpu.memory_space<vmem>>
      %dma_wait3A_178 = arith.constant 0 : i32
      %dma_wait3A_179 = arith.constant 0 : i32
      %dma_wait3A_180 = tpu.memref_slice %arg2[%dma_wait3A_178, %dma_wait3A_179] : memref<10000x128xf32, #tpu.memory_space<hbm>> -> memref<10000x128xf32, #tpu.memory_space<hbm>>
      tpu.wait_indirect_dma semaphore(%arg10 : memref<!tpu.dma_semaphore, #tpu.memory_space<semaphore_mem>>) src(%dma_wait3A_180 : memref<10000x128xf32, #tpu.memory_space<hbm>>) dst(%dma_wait3A_174 : memref<128x128xf32, #tpu.memory_space<vmem>>)
      %run_scoped3A = arith.constant 1 : i32
      "tpu.region"() ({
        %run_scoped3A_193 = tpu.sem_alloc : memref<!tpu.dma_semaphore, #tpu.memory_space<semaphore_mem>>
        %dma_start3A_194 = arith.constant 0 : i32
        %dma_start3A_195 = arith.constant 0 : i32
        %dma_start3A_196 = tpu.memref_slice %arg7[%rem3A_167, %dma_start3A_194, %dma_start3A_195] : memref<2x128x128xf32, #tpu.memory_space<vmem>> -> memref<1x128x128xf32, #tpu.memory_space<vmem>>
        %dma_start3A_197 = tpu.memref_squeeze %dma_start3A_196 : memref<1x128x128xf32, #tpu.memory_space<vmem>> -> memref<128x128xf32, #tpu.memory_space<vmem>>
        %dma_start3A_198 = arith.constant 0 : i32
        %dma_start3A_199 = tpu.memref_slice %arg6[%rem3A_169, %run_scoped3A, %dma_start3A_198] : memref<4x2x128xi32, #tpu.memory_space<vmem>> -> memref<1x1x128xi32, #tpu.memory_space<vmem>>
        %dma_start3A_200 = tpu.memref_squeeze %dma_start3A_199 : memref<1x1x128xi32, #tpu.memory_space<vmem>> -> memref<128xi32, #tpu.memory_space<vmem>>
        %dma_start3A_201 = arith.constant 0 : i32
        %dma_start3A_202 = arith.constant 0 : i32
        %dma_start3A_203 = tpu.memref_slice %arg8[%dma_start3A_201, %dma_start3A_202] : memref<10240x128xf32, #tpu.memory_space<vmem_shared>> -> memref<10240x128xf32, #tpu.memory_space<vmem_shared>>
        tpu.enqueue_indirect_dma source(%dma_start3A_197 : memref<128x128xf32, #tpu.memory_space<vmem>>) target(%dma_start3A_203 : memref<10240x128xf32, #tpu.memory_space<vmem_shared>>) offsets(%dma_start3A_200 : memref<128xi32, #tpu.memory_space<vmem>>) semaphore(%run_scoped3A_193 : memref<!tpu.dma_semaphore, #tpu.memory_space<semaphore_mem>>) {add = true}
        %dma_wait3A_204 = arith.constant 0 : i32
        %dma_wait3A_205 = arith.constant 0 : i32
        %dma_wait3A_206 = tpu.memref_slice %arg7[%rem3A_167, %dma_wait3A_204, %dma_wait3A_205] : memref<2x128x128xf32, #tpu.memory_space<vmem>> -> memref<1x128x128xf32, #tpu.memory_space<vmem>>
        %dma_wait3A_207 = tpu.memref_squeeze %dma_wait3A_206 : memref<1x128x128xf32, #tpu.memory_space<vmem>> -> memref<128x128xf32, #tpu.memory_space<vmem>>
        %dma_wait3A_208 = arith.constant 0 : i32
        %dma_wait3A_209 = tpu.memref_slice %arg6[%rem3A_169, %run_scoped3A, %dma_wait3A_208] : memref<4x2x128xi32, #tpu.memory_space<vmem>> -> memref<1x1x128xi32, #tpu.memory_space<vmem>>
        %dma_wait3A_210 = tpu.memref_squeeze %dma_wait3A_209 : memref<1x1x128xi32, #tpu.memory_space<vmem>> -> memref<128xi32, #tpu.memory_space<vmem>>
        %dma_wait3A_211 = arith.constant 0 : i32
        %dma_wait3A_212 = arith.constant 0 : i32
        %dma_wait3A_213 = tpu.memref_slice %arg8[%dma_wait3A_211, %dma_wait3A_212] : memref<10240x128xf32, #tpu.memory_space<vmem_shared>> -> memref<10240x128xf32, #tpu.memory_space<vmem_shared>>
        tpu.wait_indirect_dma semaphore(%run_scoped3A_193 : memref<!tpu.dma_semaphore, #tpu.memory_space<semaphore_mem>>) src(%dma_wait3A_207 : memref<128x128xf32, #tpu.memory_space<vmem>>) dst(%dma_wait3A_213 : memref<10240x128xf32, #tpu.memory_space<vmem_shared>>)
        tpu.yield
      }) : () -> ()
      %add3A_181 = arith.constant 4 : i32
      %add3A_182 = arith.addi %while3A_166, %add3A_181 : i32
      %lt3A_183 = arith.cmpi slt, %add3A_182, %select_n3A_8 : i32
      %convert_element_type3A_184 = arith.extui %lt3A_183 : i1 to i32
      %cond3A_185 = arith.constant 0 : i32
      %cond3A_186 = arith.cmpi ne, %convert_element_type3A_184, %cond3A_185 : i32
      scf.if %cond3A_186 {
        %add3A_193 = arith.addi %select_n3A, %while3A_166 : i32
        %add3A_194 = arith.constant 4 : i32
        %add3A_195 = arith.addi %add3A_193, %add3A_194 : i32
        %dma_start3A_196 = arith.constant 0 : i32
        %dma_start3A_197 = arith.constant 0 : i32
        %dma_start3A_198 = tpu.memref_slice %arg6[%rem3A_169, %dma_start3A_196, %dma_start3A_197] : memref<4x2x128xi32, #tpu.memory_space<vmem>> -> memref<1x2x128xi32, #tpu.memory_space<vmem>>
        %dma_start3A_199 = tpu.memref_squeeze %dma_start3A_198 : memref<1x2x128xi32, #tpu.memory_space<vmem>> -> memref<2x128xi32, #tpu.memory_space<vmem>>
        %dma_start3A_200 = arith.constant 0 : i32
        %dma_start3A_201 = arith.constant 0 : i32
        %dma_start3A_202 = tpu.memref_slice %arg3[%add3A_195, %dma_start3A_200, %dma_start3A_201] : memref<2560x2x128xi32, #tpu.memory_space<hbm>> -> memref<1x2x128xi32, #tpu.memory_space<hbm>>
        %dma_start3A_203 = tpu.memref_squeeze %dma_start3A_202 : memref<1x2x128xi32, #tpu.memory_space<hbm>> -> memref<2x128xi32, #tpu.memory_space<hbm>>
        %dma_start3A_204 = arith.constant 0 : i32
        %dma_start3A_205 = arith.constant 0 : i32
        %dma_start3A_206 = tpu.memref_slice %arg6[%rem3A_169, %dma_start3A_204, %dma_start3A_205] : memref<4x2x128xi32, #tpu.memory_space<vmem>> -> memref<1x2x128xi32, #tpu.memory_space<vmem>>
        %dma_start3A_207 = tpu.memref_squeeze %dma_start3A_206 : memref<1x2x128xi32, #tpu.memory_space<vmem>> -> memref<2x128xi32, #tpu.memory_space<vmem>>
        %dma_start3A_208 = arith.constant 0 : i32
        %dma_start3A_209 = arith.constant 0 : i32
        %dma_start3A_210 = tpu.memref_slice %arg3[%add3A_195, %dma_start3A_208, %dma_start3A_209] : memref<2560x2x128xi32, #tpu.memory_space<hbm>> -> memref<1x2x128xi32, #tpu.memory_space<hbm>>
        %dma_start3A_211 = tpu.memref_squeeze %dma_start3A_210 : memref<1x2x128xi32, #tpu.memory_space<hbm>> -> memref<2x128xi32, #tpu.memory_space<hbm>>
        tpu.enqueue_dma source(%dma_start3A_211 : memref<2x128xi32, #tpu.memory_space<hbm>>) target(%dma_start3A_207 : memref<2x128xi32, #tpu.memory_space<vmem>>) target_semaphore(%arg9 : memref<!tpu.dma_semaphore, #tpu.memory_space<semaphore_mem>>)
      } else {
      }
      %add3A_187 = arith.constant 2 : i32
      %add3A_188 = arith.addi %while3A_166, %add3A_187 : i32
      %lt3A_189 = arith.cmpi slt, %add3A_188, %select_n3A_8 : i32
      %convert_element_type3A_190 = arith.extui %lt3A_189 : i1 to i32
      %cond3A_191 = arith.constant 0 : i32
      %cond3A_192 = arith.cmpi ne, %convert_element_type3A_190, %cond3A_191 : i32
      scf.if %cond3A_192 {
        %add3A_193 = arith.constant 2 : i32
        %add3A_194 = arith.addi %while3A_166, %add3A_193 : i32
        %rem3A_195 = arith.constant 4 : i32
        %rem3A_196 = arith.remsi %add3A_194, %rem3A_195 : i32
        %add3A_197 = arith.addi %select_n3A, %while3A_166 : i32
        %add3A_198 = arith.constant 2 : i32
        %add3A_199 = arith.addi %add3A_197, %add3A_198 : i32
        %dma_wait3A_200 = arith.constant 0 : i32
        %dma_wait3A_201 = arith.constant 0 : i32
        %dma_wait3A_202 = tpu.memref_slice %arg6[%rem3A_196, %dma_wait3A_200, %dma_wait3A_201] : memref<4x2x128xi32, #tpu.memory_space<vmem>> -> memref<1x2x128xi32, #tpu.memory_space<vmem>>
        %dma_wait3A_203 = tpu.memref_squeeze %dma_wait3A_202 : memref<1x2x128xi32, #tpu.memory_space<vmem>> -> memref<2x128xi32, #tpu.memory_space<vmem>>
        %dma_wait3A_204 = arith.constant 0 : i32
        %dma_wait3A_205 = arith.constant 0 : i32
        %dma_wait3A_206 = tpu.memref_slice %arg3[%add3A_199, %dma_wait3A_204, %dma_wait3A_205] : memref<2560x2x128xi32, #tpu.memory_space<hbm>> -> memref<1x2x128xi32, #tpu.memory_space<hbm>>
        %dma_wait3A_207 = tpu.memref_squeeze %dma_wait3A_206 : memref<1x2x128xi32, #tpu.memory_space<hbm>> -> memref<2x128xi32, #tpu.memory_space<hbm>>
        %dma_wait3A_208 = arith.constant 0 : i32
        %dma_wait3A_209 = arith.constant 0 : i32
        %dma_wait3A_210 = tpu.memref_slice %arg6[%rem3A_196, %dma_wait3A_208, %dma_wait3A_209] : memref<4x2x128xi32, #tpu.memory_space<vmem>> -> memref<1x2x128xi32, #tpu.memory_space<vmem>>
        %dma_wait3A_211 = tpu.memref_squeeze %dma_wait3A_210 : memref<1x2x128xi32, #tpu.memory_space<vmem>> -> memref<2x128xi32, #tpu.memory_space<vmem>>
        %dma_wait3A_212 = arith.constant 0 : i32
        %dma_wait3A_213 = arith.constant 0 : i32
        %dma_wait3A_214 = tpu.memref_slice %arg3[%add3A_199, %dma_wait3A_212, %dma_wait3A_213] : memref<2560x2x128xi32, #tpu.memory_space<hbm>> -> memref<1x2x128xi32, #tpu.memory_space<hbm>>
        %dma_wait3A_215 = tpu.memref_squeeze %dma_wait3A_214 : memref<1x2x128xi32, #tpu.memory_space<hbm>> -> memref<2x128xi32, #tpu.memory_space<hbm>>
        tpu.wait_dma2 semaphore(%arg9 : memref<!tpu.dma_semaphore, #tpu.memory_space<semaphore_mem>>) src(%dma_wait3A_215 : memref<2x128xi32, #tpu.memory_space<hbm>>) dst(%dma_wait3A_211 : memref<2x128xi32, #tpu.memory_space<vmem>>)
        %dma_start3A_216 = arith.constant 0 : i32
        %dma_start3A_217 = arith.constant 0 : i32
        %dma_start3A_218 = arith.constant 0 : i32
        %dma_start3A_219 = tpu.memref_slice %arg7[%rem3A_167, %dma_start3A_217, %dma_start3A_218] : memref<2x128x128xf32, #tpu.memory_space<vmem>> -> memref<1x128x128xf32, #tpu.memory_space<vmem>>
        %dma_start3A_220 = tpu.memref_squeeze %dma_start3A_219 : memref<1x128x128xf32, #tpu.memory_space<vmem>> -> memref<128x128xf32, #tpu.memory_space<vmem>>
        %dma_start3A_221 = arith.constant 0 : i32
        %dma_start3A_222 = tpu.memref_slice %arg6[%rem3A_196, %dma_start3A_216, %dma_start3A_221] : memref<4x2x128xi32, #tpu.memory_space<vmem>> -> memref<1x1x128xi32, #tpu.memory_space<vmem>>
        %dma_start3A_223 = tpu.memref_squeeze %dma_start3A_222 : memref<1x1x128xi32, #tpu.memory_space<vmem>> -> memref<128xi32, #tpu.memory_space<vmem>>
        %dma_start3A_224 = arith.constant 0 : i32
        %dma_start3A_225 = arith.constant 0 : i32
        %dma_start3A_226 = tpu.memref_slice %arg2[%dma_start3A_224, %dma_start3A_225] : memref<10000x128xf32, #tpu.memory_space<hbm>> -> memref<10000x128xf32, #tpu.memory_space<hbm>>
        tpu.enqueue_indirect_dma source(%dma_start3A_226 : memref<10000x128xf32, #tpu.memory_space<hbm>>) target(%dma_start3A_220 : memref<128x128xf32, #tpu.memory_space<vmem>>) offsets(%dma_start3A_223 : memref<128xi32, #tpu.memory_space<vmem>>) semaphore(%arg10 : memref<!tpu.dma_semaphore, #tpu.memory_space<semaphore_mem>>)
      } else {
      }
    }
    %while3A_157 = arith.constant 1 : i32
    scf.for %while3A_166 = %while3A_155 to %while3A_151 step %while3A_157  : i32 {
      %rem3A = arith.constant 2 : i32
      %rem3A_167 = arith.remsi %while3A_166, %rem3A : i32
      %rem3A_168 = arith.constant 4 : i32
      %rem3A_169 = arith.remsi %while3A_166, %rem3A_168 : i32
      %dma_wait3A_170 = arith.constant 0 : i32
      %dma_wait3A_171 = arith.constant 0 : i32
      %dma_wait3A_172 = arith.constant 0 : i32
      %dma_wait3A_173 = tpu.memref_slice %arg7[%rem3A_167, %dma_wait3A_171, %dma_wait3A_172] : memref<2x128x128xf32, #tpu.memory_space<vmem>> -> memref<1x128x128xf32, #tpu.memory_space<vmem>>
      %dma_wait3A_174 = tpu.memref_squeeze %dma_wait3A_173 : memref<1x128x128xf32, #tpu.memory_space<vmem>> -> memref<128x128xf32, #tpu.memory_space<vmem>>
      %dma_wait3A_175 = arith.constant 0 : i32
      %dma_wait3A_176 = tpu.memref_slice %arg6[%rem3A_169, %dma_wait3A_170, %dma_wait3A_175] : memref<4x2x128xi32, #tpu.memory_space<vmem>> -> memref<1x1x128xi32, #tpu.memory_space<vmem>>
      %dma_wait3A_177 = tpu.memref_squeeze %dma_wait3A_176 : memref<1x1x128xi32, #tpu.memory_space<vmem>> -> memref<128xi32, #tpu.memory_space<vmem>>
      %dma_wait3A_178 = arith.constant 0 : i32
      %dma_wait3A_179 = arith.constant 0 : i32
      %dma_wait3A_180 = tpu.memref_slice %arg2[%dma_wait3A_178, %dma_wait3A_179] : memref<10000x128xf32, #tpu.memory_space<hbm>> -> memref<10000x128xf32, #tpu.memory_space<hbm>>
      tpu.wait_indirect_dma semaphore(%arg10 : memref<!tpu.dma_semaphore, #tpu.memory_space<semaphore_mem>>) src(%dma_wait3A_180 : memref<10000x128xf32, #tpu.memory_space<hbm>>) dst(%dma_wait3A_174 : memref<128x128xf32, #tpu.memory_space<vmem>>)
      %run_scoped3A = arith.constant 1 : i32
      "tpu.region"() ({
        %run_scoped3A_193 = tpu.sem_alloc : memref<!tpu.dma_semaphore, #tpu.memory_space<semaphore_mem>>
        %dma_start3A_194 = arith.constant 0 : i32
        %dma_start3A_195 = arith.constant 0 : i32
        %dma_start3A_196 = tpu.memref_slice %arg7[%rem3A_167, %dma_start3A_194, %dma_start3A_195] : memref<2x128x128xf32, #tpu.memory_space<vmem>> -> memref<1x128x128xf32, #tpu.memory_space<vmem>>
        %dma_start3A_197 = tpu.memref_squeeze %dma_start3A_196 : memref<1x128x128xf32, #tpu.memory_space<vmem>> -> memref<128x128xf32, #tpu.memory_space<vmem>>
        %dma_start3A_198 = arith.constant 0 : i32
        %dma_start3A_199 = tpu.memref_slice %arg6[%rem3A_169, %run_scoped3A, %dma_start3A_198] : memref<4x2x128xi32, #tpu.memory_space<vmem>> -> memref<1x1x128xi32, #tpu.memory_space<vmem>>
        %dma_start3A_200 = tpu.memref_squeeze %dma_start3A_199 : memref<1x1x128xi32, #tpu.memory_space<vmem>> -> memref<128xi32, #tpu.memory_space<vmem>>
        %dma_start3A_201 = arith.constant 0 : i32
        %dma_start3A_202 = arith.constant 0 : i32
        %dma_start3A_203 = tpu.memref_slice %arg8[%dma_start3A_201, %dma_start3A_202] : memref<10240x128xf32, #tpu.memory_space<vmem_shared>> -> memref<10240x128xf32, #tpu.memory_space<vmem_shared>>
        tpu.enqueue_indirect_dma source(%dma_start3A_197 : memref<128x128xf32, #tpu.memory_space<vmem>>) target(%dma_start3A_203 : memref<10240x128xf32, #tpu.memory_space<vmem_shared>>) offsets(%dma_start3A_200 : memref<128xi32, #tpu.memory_space<vmem>>) semaphore(%run_scoped3A_193 : memref<!tpu.dma_semaphore, #tpu.memory_space<semaphore_mem>>) {add = true}
        %dma_wait3A_204 = arith.constant 0 : i32
        %dma_wait3A_205 = arith.constant 0 : i32
        %dma_wait3A_206 = tpu.memref_slice %arg7[%rem3A_167, %dma_wait3A_204, %dma_wait3A_205] : memref<2x128x128xf32, #tpu.memory_space<vmem>> -> memref<1x128x128xf32, #tpu.memory_space<vmem>>
        %dma_wait3A_207 = tpu.memref_squeeze %dma_wait3A_206 : memref<1x128x128xf32, #tpu.memory_space<vmem>> -> memref<128x128xf32, #tpu.memory_space<vmem>>
        %dma_wait3A_208 = arith.constant 0 : i32
        %dma_wait3A_209 = tpu.memref_slice %arg6[%rem3A_169, %run_scoped3A, %dma_wait3A_208] : memref<4x2x128xi32, #tpu.memory_space<vmem>> -> memref<1x1x128xi32, #tpu.memory_space<vmem>>
        %dma_wait3A_210 = tpu.memref_squeeze %dma_wait3A_209 : memref<1x1x128xi32, #tpu.memory_space<vmem>> -> memref<128xi32, #tpu.memory_space<vmem>>
        %dma_wait3A_211 = arith.constant 0 : i32
        %dma_wait3A_212 = arith.constant 0 : i32
        %dma_wait3A_213 = tpu.memref_slice %arg8[%dma_wait3A_211, %dma_wait3A_212] : memref<10240x128xf32, #tpu.memory_space<vmem_shared>> -> memref<10240x128xf32, #tpu.memory_space<vmem_shared>>
        tpu.wait_indirect_dma semaphore(%run_scoped3A_193 : memref<!tpu.dma_semaphore, #tpu.memory_space<semaphore_mem>>) src(%dma_wait3A_207 : memref<128x128xf32, #tpu.memory_space<vmem>>) dst(%dma_wait3A_213 : memref<10240x128xf32, #tpu.memory_space<vmem_shared>>)
        tpu.yield
      }) : () -> ()
      %add3A_181 = arith.constant 4 : i32
      %add3A_182 = arith.addi %while3A_166, %add3A_181 : i32
      %lt3A_183 = arith.cmpi slt, %add3A_182, %select_n3A_8 : i32
      %convert_element_type3A_184 = arith.extui %lt3A_183 : i1 to i32
      %cond3A_185 = arith.constant 0 : i32
      %cond3A_186 = arith.cmpi ne, %convert_element_type3A_184, %cond3A_185 : i32
      scf.if %cond3A_186 {
        %add3A_193 = arith.addi %select_n3A, %while3A_166 : i32
        %add3A_194 = arith.constant 4 : i32
        %add3A_195 = arith.addi %add3A_193, %add3A_194 : i32
        %dma_start3A_196 = arith.constant 0 : i32
        %dma_start3A_197 = arith.constant 0 : i32
        %dma_start3A_198 = tpu.memref_slice %arg6[%rem3A_169, %dma_start3A_196, %dma_start3A_197] : memref<4x2x128xi32, #tpu.memory_space<vmem>> -> memref<1x2x128xi32, #tpu.memory_space<vmem>>
        %dma_start3A_199 = tpu.memref_squeeze %dma_start3A_198 : memref<1x2x128xi32, #tpu.memory_space<vmem>> -> memref<2x128xi32, #tpu.memory_space<vmem>>
        %dma_start3A_200 = arith.constant 0 : i32
        %dma_start3A_201 = arith.constant 0 : i32
        %dma_start3A_202 = tpu.memref_slice %arg3[%add3A_195, %dma_start3A_200, %dma_start3A_201] : memref<2560x2x128xi32, #tpu.memory_space<hbm>> -> memref<1x2x128xi32, #tpu.memory_space<hbm>>
        %dma_start3A_203 = tpu.memref_squeeze %dma_start3A_202 : memref<1x2x128xi32, #tpu.memory_space<hbm>> -> memref<2x128xi32, #tpu.memory_space<hbm>>
        %dma_start3A_204 = arith.constant 0 : i32
        %dma_start3A_205 = arith.constant 0 : i32
        %dma_start3A_206 = tpu.memref_slice %arg6[%rem3A_169, %dma_start3A_204, %dma_start3A_205] : memref<4x2x128xi32, #tpu.memory_space<vmem>> -> memref<1x2x128xi32, #tpu.memory_space<vmem>>
        %dma_start3A_207 = tpu.memref_squeeze %dma_start3A_206 : memref<1x2x128xi32, #tpu.memory_space<vmem>> -> memref<2x128xi32, #tpu.memory_space<vmem>>
        %dma_start3A_208 = arith.constant 0 : i32
        %dma_start3A_209 = arith.constant 0 : i32
        %dma_start3A_210 = tpu.memref_slice %arg3[%add3A_195, %dma_start3A_208, %dma_start3A_209] : memref<2560x2x128xi32, #tpu.memory_space<hbm>> -> memref<1x2x128xi32, #tpu.memory_space<hbm>>
        %dma_start3A_211 = tpu.memref_squeeze %dma_start3A_210 : memref<1x2x128xi32, #tpu.memory_space<hbm>> -> memref<2x128xi32, #tpu.memory_space<hbm>>
        tpu.enqueue_dma source(%dma_start3A_211 : memref<2x128xi32, #tpu.memory_space<hbm>>) target(%dma_start3A_207 : memref<2x128xi32, #tpu.memory_space<vmem>>) target_semaphore(%arg9 : memref<!tpu.dma_semaphore, #tpu.memory_space<semaphore_mem>>)
      } else {
      }
      %add3A_187 = arith.constant 2 : i32
      %add3A_188 = arith.addi %while3A_166, %add3A_187 : i32
      %lt3A_189 = arith.cmpi slt, %add3A_188, %select_n3A_8 : i32
      %convert_element_type3A_190 = arith.extui %lt3A_189 : i1 to i32
      %cond3A_191 = arith.constant 0 : i32
      %cond3A_192 = arith.cmpi ne, %convert_element_type3A_190, %cond3A_191 : i32
      scf.if %cond3A_192 {
        %add3A_193 = arith.constant 2 : i32
        %add3A_194 = arith.addi %while3A_166, %add3A_193 : i32
        %rem3A_195 = arith.constant 4 : i32
        %rem3A_196 = arith.remsi %add3A_194, %rem3A_195 : i32
        %add3A_197 = arith.addi %select_n3A, %while3A_166 : i32
        %add3A_198 = arith.constant 2 : i32
        %add3A_199 = arith.addi %add3A_197, %add3A_198 : i32
        %dma_wait3A_200 = arith.constant 0 : i32
        %dma_wait3A_201 = arith.constant 0 : i32
        %dma_wait3A_202 = tpu.memref_slice %arg6[%rem3A_196, %dma_wait3A_200, %dma_wait3A_201] : memref<4x2x128xi32, #tpu.memory_space<vmem>> -> memref<1x2x128xi32, #tpu.memory_space<vmem>>
        %dma_wait3A_203 = tpu.memref_squeeze %dma_wait3A_202 : memref<1x2x128xi32, #tpu.memory_space<vmem>> -> memref<2x128xi32, #tpu.memory_space<vmem>>
        %dma_wait3A_204 = arith.constant 0 : i32
        %dma_wait3A_205 = arith.constant 0 : i32
        %dma_wait3A_206 = tpu.memref_slice %arg3[%add3A_199, %dma_wait3A_204, %dma_wait3A_205] : memref<2560x2x128xi32, #tpu.memory_space<hbm>> -> memref<1x2x128xi32, #tpu.memory_space<hbm>>
        %dma_wait3A_207 = tpu.memref_squeeze %dma_wait3A_206 : memref<1x2x128xi32, #tpu.memory_space<hbm>> -> memref<2x128xi32, #tpu.memory_space<hbm>>
        %dma_wait3A_208 = arith.constant 0 : i32
        %dma_wait3A_209 = arith.constant 0 : i32
        %dma_wait3A_210 = tpu.memref_slice %arg6[%rem3A_196, %dma_wait3A_208, %dma_wait3A_209] : memref<4x2x128xi32, #tpu.memory_space<vmem>> -> memref<1x2x128xi32, #tpu.memory_space<vmem>>
        %dma_wait3A_211 = tpu.memref_squeeze %dma_wait3A_210 : memref<1x2x128xi32, #tpu.memory_space<vmem>> -> memref<2x128xi32, #tpu.memory_space<vmem>>
        %dma_wait3A_212 = arith.constant 0 : i32
        %dma_wait3A_213 = arith.constant 0 : i32
        %dma_wait3A_214 = tpu.memref_slice %arg3[%add3A_199, %dma_wait3A_212, %dma_wait3A_213] : memref<2560x2x128xi32, #tpu.memory_space<hbm>> -> memref<1x2x128xi32, #tpu.memory_space<hbm>>
        %dma_wait3A_215 = tpu.memref_squeeze %dma_wait3A_214 : memref<1x2x128xi32, #tpu.memory_space<hbm>> -> memref<2x128xi32, #tpu.memory_space<hbm>>
        tpu.wait_dma2 semaphore(%arg9 : memref<!tpu.dma_semaphore, #tpu.memory_space<semaphore_mem>>) src(%dma_wait3A_215 : memref<2x128xi32, #tpu.memory_space<hbm>>) dst(%dma_wait3A_211 : memref<2x128xi32, #tpu.memory_space<vmem>>)
        %dma_start3A_216 = arith.constant 0 : i32
        %dma_start3A_217 = arith.constant 0 : i32
        %dma_start3A_218 = arith.constant 0 : i32
        %dma_start3A_219 = tpu.memref_slice %arg7[%rem3A_167, %dma_start3A_217, %dma_start3A_218] : memref<2x128x128xf32, #tpu.memory_space<vmem>> -> memref<1x128x128xf32, #tpu.memory_space<vmem>>
        %dma_start3A_220 = tpu.memref_squeeze %dma_start3A_219 : memref<1x128x128xf32, #tpu.memory_space<vmem>> -> memref<128x128xf32, #tpu.memory_space<vmem>>
        %dma_start3A_221 = arith.constant 0 : i32
        %dma_start3A_222 = tpu.memref_slice %arg6[%rem3A_196, %dma_start3A_216, %dma_start3A_221] : memref<4x2x128xi32, #tpu.memory_space<vmem>> -> memref<1x1x128xi32, #tpu.memory_space<vmem>>
        %dma_start3A_223 = tpu.memref_squeeze %dma_start3A_222 : memref<1x1x128xi32, #tpu.memory_space<vmem>> -> memref<128xi32, #tpu.memory_space<vmem>>
        %dma_start3A_224 = arith.constant 0 : i32
        %dma_start3A_225 = arith.constant 0 : i32
        %dma_start3A_226 = tpu.memref_slice %arg2[%dma_start3A_224, %dma_start3A_225] : memref<10000x128xf32, #tpu.memory_space<hbm>> -> memref<10000x128xf32, #tpu.memory_space<hbm>>
        tpu.enqueue_indirect_dma source(%dma_start3A_226 : memref<10000x128xf32, #tpu.memory_space<hbm>>) target(%dma_start3A_220 : memref<128x128xf32, #tpu.memory_space<vmem>>) offsets(%dma_start3A_223 : memref<128xi32, #tpu.memory_space<vmem>>) semaphore(%arg10 : memref<!tpu.dma_semaphore, #tpu.memory_space<semaphore_mem>>)
      } else {
      }
    }
    %barrier3A_158 = arith.constant 0 : index
    tpu.barrier barrier_id(%barrier3A_158)
    %lt3A = arith.constant 15 : i32
    %lt3A_159 = arith.cmpi slt, %arg1, %lt3A : i32
    %convert_element_type3A = arith.extui %lt3A_159 : i1 to i32
    %cond3A = arith.constant 0 : i32
    %cond3A_160 = arith.cmpi ne, %convert_element_type3A, %cond3A : i32
    scf.if %cond3A_160 {
      %mul3A_166 = arith.constant 640 : i32
      %mul3A_167 = arith.muli %arg1, %mul3A_166 : i32
      %mul3A_168 = arith.constant 640 : i32
      %mul3A_169 = arith.muli %arg1, %mul3A_168 : i32
      "tpu.region"() ({
        %run_scoped3A = tpu.sem_alloc : memref<!tpu.dma_semaphore, #tpu.memory_space<semaphore_mem>>
        %dma_start3A_170 = arith.constant 0 : i32
        %dma_start3A_171 = tpu.memref_slice %arg5[%arg0, %mul3A_169, %dma_start3A_170] : memref<2x10000x128xf32, #tpu.memory_space<hbm>> -> memref<1x640x128xf32, #tpu.memory_space<hbm>>
        %dma_start3A_172 = tpu.memref_squeeze %dma_start3A_171 : memref<1x640x128xf32, #tpu.memory_space<hbm>> -> memref<640x128xf32, #tpu.memory_space<hbm>>
        %dma_start3A_173 = arith.constant 0 : i32
        %dma_start3A_174 = tpu.memref_slice %arg8[%mul3A_167, %dma_start3A_173] : memref<10240x128xf32, #tpu.memory_space<vmem_shared>> -> memref<640x128xf32, #tpu.memory_space<vmem_shared>>
        tpu.enqueue_dma source(%dma_start3A_174 : memref<640x128xf32, #tpu.memory_space<vmem_shared>>) target(%dma_start3A_172 : memref<640x128xf32, #tpu.memory_space<hbm>>) target_semaphore(%run_scoped3A : memref<!tpu.dma_semaphore, #tpu.memory_space<semaphore_mem>>)
        %dma_wait3A_175 = arith.constant 0 : i32
        %dma_wait3A_176 = tpu.memref_slice %arg5[%arg0, %mul3A_169, %dma_wait3A_175] : memref<2x10000x128xf32, #tpu.memory_space<hbm>> -> memref<1x640x128xf32, #tpu.memory_space<hbm>>
        %dma_wait3A_177 = tpu.memref_squeeze %dma_wait3A_176 : memref<1x640x128xf32, #tpu.memory_space<hbm>> -> memref<640x128xf32, #tpu.memory_space<hbm>>
        %dma_wait3A_178 = arith.constant 0 : i32
        %dma_wait3A_179 = tpu.memref_slice %arg8[%mul3A_167, %dma_wait3A_178] : memref<10240x128xf32, #tpu.memory_space<vmem_shared>> -> memref<640x128xf32, #tpu.memory_space<vmem_shared>>
        tpu.wait_dma2 semaphore(%run_scoped3A : memref<!tpu.dma_semaphore, #tpu.memory_space<semaphore_mem>>) src(%dma_wait3A_179 : memref<640x128xf32, #tpu.memory_space<vmem_shared>>) dst(%dma_wait3A_177 : memref<640x128xf32, #tpu.memory_space<hbm>>)
        tpu.yield
      }) : () -> ()
    } else {
    }
    %eq3A_161 = arith.constant 15 : i32
    %eq3A_162 = arith.cmpi eq, %arg1, %eq3A_161 : i32
    %convert_element_type3A_163 = arith.extui %eq3A_162 : i1 to i32
    %cond3A_164 = arith.constant 0 : i32
    %cond3A_165 = arith.cmpi ne, %convert_element_type3A_163, %cond3A_164 : i32
    scf.if %cond3A_165 {
      "tpu.region"() ({
        %run_scoped3A = tpu.sem_alloc : memref<!tpu.dma_semaphore, #tpu.memory_space<semaphore_mem>>
        %dma_start3A_166 = arith.constant 9600 : i32
        %dma_start3A_167 = arith.constant 0 : i32
        %dma_start3A_168 = tpu.memref_slice %arg5[%arg0, %dma_start3A_166, %dma_start3A_167] : memref<2x10000x128xf32, #tpu.memory_space<hbm>> -> memref<1x400x128xf32, #tpu.memory_space<hbm>>
        %dma_start3A_169 = tpu.memref_squeeze %dma_start3A_168 : memref<1x400x128xf32, #tpu.memory_space<hbm>> -> memref<400x128xf32, #tpu.memory_space<hbm>>
        %dma_start3A_170 = arith.constant 9600 : i32
        %dma_start3A_171 = arith.constant 0 : i32
        %dma_start3A_172 = tpu.memref_slice %arg8[%dma_start3A_170, %dma_start3A_171] : memref<10240x128xf32, #tpu.memory_space<vmem_shared>> -> memref<400x128xf32, #tpu.memory_space<vmem_shared>>
        tpu.enqueue_dma source(%dma_start3A_172 : memref<400x128xf32, #tpu.memory_space<vmem_shared>>) target(%dma_start3A_169 : memref<400x128xf32, #tpu.memory_space<hbm>>) target_semaphore(%run_scoped3A : memref<!tpu.dma_semaphore, #tpu.memory_space<semaphore_mem>>)
        %dma_wait3A_173 = arith.constant 9600 : i32
        %dma_wait3A_174 = arith.constant 0 : i32
        %dma_wait3A_175 = tpu.memref_slice %arg5[%arg0, %dma_wait3A_173, %dma_wait3A_174] : memref<2x10000x128xf32, #tpu.memory_space<hbm>> -> memref<1x400x128xf32, #tpu.memory_space<hbm>>
        %dma_wait3A_176 = tpu.memref_squeeze %dma_wait3A_175 : memref<1x400x128xf32, #tpu.memory_space<hbm>> -> memref<400x128xf32, #tpu.memory_space<hbm>>
        %dma_wait3A_177 = arith.constant 9600 : i32
        %dma_wait3A_178 = arith.constant 0 : i32
        %dma_wait3A_179 = tpu.memref_slice %arg8[%dma_wait3A_177, %dma_wait3A_178] : memref<10240x128xf32, #tpu.memory_space<vmem_shared>> -> memref<400x128xf32, #tpu.memory_space<vmem_shared>>
        tpu.wait_dma2 semaphore(%run_scoped3A : memref<!tpu.dma_semaphore, #tpu.memory_space<semaphore_mem>>) src(%dma_wait3A_179 : memref<400x128xf32, #tpu.memory_space<vmem_shared>>) dst(%dma_wait3A_176 : memref<400x128xf32, #tpu.memory_space<hbm>>)
        tpu.yield
      }) : () -> ()
    } else {
    }
    return
  }
}

#map = affine_map<(d0, d1) -> (0, 0)>
#map1 = affine_map<(d0, d1) -> (0, 0, 0)>
module attributes {stable_mosaic.version = 14 : i64} {
  func.func @_msgpass_body(%arg0: i32, %arg1: i32, %arg2: memref<10000x128xf32, #tpu.memory_space<hbm>>, %arg3: memref<2560x2x128xi32, #tpu.memory_space<hbm>>, %arg4: memref<640x128xf32, #tpu.memory_space<hbm>>, %arg5: memref<2x10000x128xf32, #tpu.memory_space<hbm>>, %arg6: memref<4x2x128xi32, #tpu.memory_space<vmem>>, %arg7: memref<2x128x128xf32, #tpu.memory_space<vmem>>, %arg8: memref<10240x128xf32, #tpu.memory_space<vmem_shared>>, %arg9: memref<!tpu.dma_semaphore, #tpu.memory_space<semaphore_mem>>, %arg10: memref<!tpu.dma_semaphore, #tpu.memory_space<semaphore_mem>>) attributes {dimension_semantics = [#tpu.dimension_semantics<core_parallel>, #tpu.dimension_semantics<subcore_parallel>], iteration_bounds = array<i64: 2, 16>, scalar_prefetch = 0 : i64, scratch_operands = 5 : i64, tpu.core_type = #tpu.core_type<sc_vector_subcore>, window_params = [{transform_indices = #map}, {transform_indices = #map1}, {transform_indices = #map}, {transform_indices = #map1}]} {
    %eq3A = arith.constant 0 : i32
    %eq3A_0 = arith.cmpi eq, %arg0, %eq3A : i32
    %mul3A = arith.constant 123 : i32
    %mul3A_1 = arith.muli %arg1, %mul3A : i32
    %mul3A_2 = arith.constant 37 : i32
    %mul3A_3 = arith.muli %arg1, %mul3A_2 : i32
    %add3A = arith.constant 1968 : i32
    %add3A_4 = arith.addi %add3A, %mul3A_3 : i32
    %select_n3A = arith.select %eq3A_0, %mul3A_1, %add3A_4 : i32
    %eq3A_5 = arith.constant 0 : i32
    %eq3A_6 = arith.cmpi eq, %arg0, %eq3A_5 : i32
    %jit3A = arith.constant 123 : i32
    %jit3A_7 = arith.constant 37 : i32
    %select_n3A_8 = arith.select %eq3A_6, %jit3A, %jit3A_7 : i32
    %mul3A_9 = arith.constant 640 : i32
    %mul3A_10 = arith.muli %arg1, %mul3A_9 : i32
    "tpu.region"() ({
      %run_scoped3A = tpu.sem_alloc : memref<!tpu.dma_semaphore, #tpu.memory_space<semaphore_mem>>
      %dma_start3A_166 = arith.constant 0 : i32
      %dma_start3A_167 = tpu.memref_slice %arg8[%mul3A_10, %dma_start3A_166] : memref<10240x128xf32, #tpu.memory_space<vmem_shared>> -> memref<640x128xf32, #tpu.memory_space<vmem_shared>>
      tpu.enqueue_dma source(%arg4 : memref<640x128xf32, #tpu.memory_space<hbm>>) target(%dma_start3A_167 : memref<640x128xf32, #tpu.memory_space<vmem_shared>>) target_semaphore(%run_scoped3A : memref<!tpu.dma_semaphore, #tpu.memory_space<semaphore_mem>>)
      %dma_wait3A_168 = arith.constant 0 : i32
      %dma_wait3A_169 = tpu.memref_slice %arg8[%mul3A_10, %dma_wait3A_168] : memref<10240x128xf32, #tpu.memory_space<vmem_shared>> -> memref<640x128xf32, #tpu.memory_space<vmem_shared>>
      tpu.wait_dma2 semaphore(%run_scoped3A : memref<!tpu.dma_semaphore, #tpu.memory_space<semaphore_mem>>) src(%arg4 : memref<640x128xf32, #tpu.memory_space<hbm>>) dst(%dma_wait3A_169 : memref<640x128xf32, #tpu.memory_space<vmem_shared>>)
      tpu.yield
    }) : () -> ()
    %add3A_11 = arith.constant 0 : i32
    %add3A_12 = arith.addi %select_n3A, %add3A_11 : i32
    %dma_start3A = arith.constant 0 : i32
    %dma_start3A_13 = arith.constant 0 : i32
    %dma_start3A_14 = arith.constant 0 : i32
    %dma_start3A_15 = tpu.memref_slice %arg6[%dma_start3A, %dma_start3A_13, %dma_start3A_14] : memref<4x2x128xi32, #tpu.memory_space<vmem>> -> memref<1x2x128xi32, #tpu.memory_space<vmem>>
    %dma_start3A_16 = tpu.memref_squeeze %dma_start3A_15 : memref<1x2x128xi32, #tpu.memory_space<vmem>> -> memref<2x128xi32, #tpu.memory_space<vmem>>
    %dma_start3A_17 = arith.constant 0 : i32
    %dma_start3A_18 = arith.constant 0 : i32
    %dma_start3A_19 = tpu.memref_slice %arg3[%add3A_12, %dma_start3A_17, %dma_start3A_18] : memref<2560x2x128xi32, #tpu.memory_space<hbm>> -> memref<1x2x128xi32, #tpu.memory_space<hbm>>
    %dma_start3A_20 = tpu.memref_squeeze %dma_start3A_19 : memref<1x2x128xi32, #tpu.memory_space<hbm>> -> memref<2x128xi32, #tpu.memory_space<hbm>>
    %dma_start3A_21 = arith.constant 0 : i32
    %dma_start3A_22 = arith.constant 0 : i32
    %dma_start3A_23 = tpu.memref_slice %arg6[%dma_start3A, %dma_start3A_21, %dma_start3A_22] : memref<4x2x128xi32, #tpu.memory_space<vmem>> -> memref<1x2x128xi32, #tpu.memory_space<vmem>>
    %dma_start3A_24 = tpu.memref_squeeze %dma_start3A_23 : memref<1x2x128xi32, #tpu.memory_space<vmem>> -> memref<2x128xi32, #tpu.memory_space<vmem>>
    %dma_start3A_25 = arith.constant 0 : i32
    %dma_start3A_26 = arith.constant 0 : i32
    %dma_start3A_27 = tpu.memref_slice %arg3[%add3A_12, %dma_start3A_25, %dma_start3A_26] : memref<2560x2x128xi32, #tpu.memory_space<hbm>> -> memref<1x2x128xi32, #tpu.memory_space<hbm>>
    %dma_start3A_28 = tpu.memref_squeeze %dma_start3A_27 : memref<1x2x128xi32, #tpu.memory_space<hbm>> -> memref<2x128xi32, #tpu.memory_space<hbm>>
    tpu.enqueue_dma source(%dma_start3A_28 : memref<2x128xi32, #tpu.memory_space<hbm>>) target(%dma_start3A_24 : memref<2x128xi32, #tpu.memory_space<vmem>>) target_semaphore(%arg9 : memref<!tpu.dma_semaphore, #tpu.memory_space<semaphore_mem>>)
    %add3A_29 = arith.constant 1 : i32
    %add3A_30 = arith.addi %select_n3A, %add3A_29 : i32
    %dma_start3A_31 = arith.constant 1 : i32
    %dma_start3A_32 = arith.constant 0 : i32
    %dma_start3A_33 = arith.constant 0 : i32
    %dma_start3A_34 = tpu.memref_slice %arg6[%dma_start3A_31, %dma_start3A_32, %dma_start3A_33] : memref<4x2x128xi32, #tpu.memory_space<vmem>> -> memref<1x2x128xi32, #tpu.memory_space<vmem>>
    %dma_start3A_35 = tpu.memref_squeeze %dma_start3A_34 : memref<1x2x128xi32, #tpu.memory_space<vmem>> -> memref<2x128xi32, #tpu.memory_space<vmem>>
    %dma_start3A_36 = arith.constant 0 : i32
    %dma_start3A_37 = arith.constant 0 : i32
    %dma_start3A_38 = tpu.memref_slice %arg3[%add3A_30, %dma_start3A_36, %dma_start3A_37] : memref<2560x2x128xi32, #tpu.memory_space<hbm>> -> memref<1x2x128xi32, #tpu.memory_space<hbm>>
    %dma_start3A_39 = tpu.memref_squeeze %dma_start3A_38 : memref<1x2x128xi32, #tpu.memory_space<hbm>> -> memref<2x128xi32, #tpu.memory_space<hbm>>
    %dma_start3A_40 = arith.constant 0 : i32
    %dma_start3A_41 = arith.constant 0 : i32
    %dma_start3A_42 = tpu.memref_slice %arg6[%dma_start3A_31, %dma_start3A_40, %dma_start3A_41] : memref<4x2x128xi32, #tpu.memory_space<vmem>> -> memref<1x2x128xi32, #tpu.memory_space<vmem>>
    %dma_start3A_43 = tpu.memref_squeeze %dma_start3A_42 : memref<1x2x128xi32, #tpu.memory_space<vmem>> -> memref<2x128xi32, #tpu.memory_space<vmem>>
    %dma_start3A_44 = arith.constant 0 : i32
    %dma_start3A_45 = arith.constant 0 : i32
    %dma_start3A_46 = tpu.memref_slice %arg3[%add3A_30, %dma_start3A_44, %dma_start3A_45] : memref<2560x2x128xi32, #tpu.memory_space<hbm>> -> memref<1x2x128xi32, #tpu.memory_space<hbm>>
    %dma_start3A_47 = tpu.memref_squeeze %dma_start3A_46 : memref<1x2x128xi32, #tpu.memory_space<hbm>> -> memref<2x128xi32, #tpu.memory_space<hbm>>
    tpu.enqueue_dma source(%dma_start3A_47 : memref<2x128xi32, #tpu.memory_space<hbm>>) target(%dma_start3A_43 : memref<2x128xi32, #tpu.memory_space<vmem>>) target_semaphore(%arg9 : memref<!tpu.dma_semaphore, #tpu.memory_space<semaphore_mem>>)
    %add3A_48 = arith.constant 2 : i32
    %add3A_49 = arith.addi %select_n3A, %add3A_48 : i32
    %dma_start3A_50 = arith.constant 2 : i32
    %dma_start3A_51 = arith.constant 0 : i32
    %dma_start3A_52 = arith.constant 0 : i32
    %dma_start3A_53 = tpu.memref_slice %arg6[%dma_start3A_50, %dma_start3A_51, %dma_start3A_52] : memref<4x2x128xi32, #tpu.memory_space<vmem>> -> memref<1x2x128xi32, #tpu.memory_space<vmem>>
    %dma_start3A_54 = tpu.memref_squeeze %dma_start3A_53 : memref<1x2x128xi32, #tpu.memory_space<vmem>> -> memref<2x128xi32, #tpu.memory_space<vmem>>
    %dma_start3A_55 = arith.constant 0 : i32
    %dma_start3A_56 = arith.constant 0 : i32
    %dma_start3A_57 = tpu.memref_slice %arg3[%add3A_49, %dma_start3A_55, %dma_start3A_56] : memref<2560x2x128xi32, #tpu.memory_space<hbm>> -> memref<1x2x128xi32, #tpu.memory_space<hbm>>
    %dma_start3A_58 = tpu.memref_squeeze %dma_start3A_57 : memref<1x2x128xi32, #tpu.memory_space<hbm>> -> memref<2x128xi32, #tpu.memory_space<hbm>>
    %dma_start3A_59 = arith.constant 0 : i32
    %dma_start3A_60 = arith.constant 0 : i32
    %dma_start3A_61 = tpu.memref_slice %arg6[%dma_start3A_50, %dma_start3A_59, %dma_start3A_60] : memref<4x2x128xi32, #tpu.memory_space<vmem>> -> memref<1x2x128xi32, #tpu.memory_space<vmem>>
    %dma_start3A_62 = tpu.memref_squeeze %dma_start3A_61 : memref<1x2x128xi32, #tpu.memory_space<vmem>> -> memref<2x128xi32, #tpu.memory_space<vmem>>
    %dma_start3A_63 = arith.constant 0 : i32
    %dma_start3A_64 = arith.constant 0 : i32
    %dma_start3A_65 = tpu.memref_slice %arg3[%add3A_49, %dma_start3A_63, %dma_start3A_64] : memref<2560x2x128xi32, #tpu.memory_space<hbm>> -> memref<1x2x128xi32, #tpu.memory_space<hbm>>
    %dma_start3A_66 = tpu.memref_squeeze %dma_start3A_65 : memref<1x2x128xi32, #tpu.memory_space<hbm>> -> memref<2x128xi32, #tpu.memory_space<hbm>>
    tpu.enqueue_dma source(%dma_start3A_66 : memref<2x128xi32, #tpu.memory_space<hbm>>) target(%dma_start3A_62 : memref<2x128xi32, #tpu.memory_space<vmem>>) target_semaphore(%arg9 : memref<!tpu.dma_semaphore, #tpu.memory_space<semaphore_mem>>)
    %add3A_67 = arith.constant 3 : i32
    %add3A_68 = arith.addi %select_n3A, %add3A_67 : i32
    %dma_start3A_69 = arith.constant 3 : i32
    %dma_start3A_70 = arith.constant 0 : i32
    %dma_start3A_71 = arith.constant 0 : i32
    %dma_start3A_72 = tpu.memref_slice %arg6[%dma_start3A_69, %dma_start3A_70, %dma_start3A_71] : memref<4x2x128xi32, #tpu.memory_space<vmem>> -> memref<1x2x128xi32, #tpu.memory_space<vmem>>
    %dma_start3A_73 = tpu.memref_squeeze %dma_start3A_72 : memref<1x2x128xi32, #tpu.memory_space<vmem>> -> memref<2x128xi32, #tpu.memory_space<vmem>>
    %dma_start3A_74 = arith.constant 0 : i32
    %dma_start3A_75 = arith.constant 0 : i32
    %dma_start3A_76 = tpu.memref_slice %arg3[%add3A_68, %dma_start3A_74, %dma_start3A_75] : memref<2560x2x128xi32, #tpu.memory_space<hbm>> -> memref<1x2x128xi32, #tpu.memory_space<hbm>>
    %dma_start3A_77 = tpu.memref_squeeze %dma_start3A_76 : memref<1x2x128xi32, #tpu.memory_space<hbm>> -> memref<2x128xi32, #tpu.memory_space<hbm>>
    %dma_start3A_78 = arith.constant 0 : i32
    %dma_start3A_79 = arith.constant 0 : i32
    %dma_start3A_80 = tpu.memref_slice %arg6[%dma_start3A_69, %dma_start3A_78, %dma_start3A_79] : memref<4x2x128xi32, #tpu.memory_space<vmem>> -> memref<1x2x128xi32, #tpu.memory_space<vmem>>
    %dma_start3A_81 = tpu.memref_squeeze %dma_start3A_80 : memref<1x2x128xi32, #tpu.memory_space<vmem>> -> memref<2x128xi32, #tpu.memory_space<vmem>>
    %dma_start3A_82 = arith.constant 0 : i32
    %dma_start3A_83 = arith.constant 0 : i32
    %dma_start3A_84 = tpu.memref_slice %arg3[%add3A_68, %dma_start3A_82, %dma_start3A_83] : memref<2560x2x128xi32, #tpu.memory_space<hbm>> -> memref<1x2x128xi32, #tpu.memory_space<hbm>>
    %dma_start3A_85 = tpu.memref_squeeze %dma_start3A_84 : memref<1x2x128xi32, #tpu.memory_space<hbm>> -> memref<2x128xi32, #tpu.memory_space<hbm>>
    tpu.enqueue_dma source(%dma_start3A_85 : memref<2x128xi32, #tpu.memory_space<hbm>>) target(%dma_start3A_81 : memref<2x128xi32, #tpu.memory_space<vmem>>) target_semaphore(%arg9 : memref<!tpu.dma_semaphore, #tpu.memory_space<semaphore_mem>>)
    %barrier3A = arith.constant 0 : index
    tpu.barrier barrier_id(%barrier3A)
    %add3A_86 = arith.constant 0 : i32
    %add3A_87 = arith.addi %select_n3A, %add3A_86 : i32
    %dma_wait3A = arith.constant 0 : i32
    %dma_wait3A_88 = arith.constant 0 : i32
    %dma_wait3A_89 = arith.constant 0 : i32
    %dma_wait3A_90 = tpu.memref_slice %arg6[%dma_wait3A, %dma_wait3A_88, %dma_wait3A_89] : memref<4x2x128xi32, #tpu.memory_space<vmem>> -> memref<1x2x128xi32, #tpu.memory_space<vmem>>
    %dma_wait3A_91 = tpu.memref_squeeze %dma_wait3A_90 : memref<1x2x128xi32, #tpu.memory_space<vmem>> -> memref<2x128xi32, #tpu.memory_space<vmem>>
    %dma_wait3A_92 = arith.constant 0 : i32
    %dma_wait3A_93 = arith.constant 0 : i32
    %dma_wait3A_94 = tpu.memref_slice %arg3[%add3A_87, %dma_wait3A_92, %dma_wait3A_93] : memref<2560x2x128xi32, #tpu.memory_space<hbm>> -> memref<1x2x128xi32, #tpu.memory_space<hbm>>
    %dma_wait3A_95 = tpu.memref_squeeze %dma_wait3A_94 : memref<1x2x128xi32, #tpu.memory_space<hbm>> -> memref<2x128xi32, #tpu.memory_space<hbm>>
    %dma_wait3A_96 = arith.constant 0 : i32
    %dma_wait3A_97 = arith.constant 0 : i32
    %dma_wait3A_98 = tpu.memref_slice %arg6[%dma_wait3A, %dma_wait3A_96, %dma_wait3A_97] : memref<4x2x128xi32, #tpu.memory_space<vmem>> -> memref<1x2x128xi32, #tpu.memory_space<vmem>>
    %dma_wait3A_99 = tpu.memref_squeeze %dma_wait3A_98 : memref<1x2x128xi32, #tpu.memory_space<vmem>> -> memref<2x128xi32, #tpu.memory_space<vmem>>
    %dma_wait3A_100 = arith.constant 0 : i32
    %dma_wait3A_101 = arith.constant 0 : i32
    %dma_wait3A_102 = tpu.memref_slice %arg3[%add3A_87, %dma_wait3A_100, %dma_wait3A_101] : memref<2560x2x128xi32, #tpu.memory_space<hbm>> -> memref<1x2x128xi32, #tpu.memory_space<hbm>>
    %dma_wait3A_103 = tpu.memref_squeeze %dma_wait3A_102 : memref<1x2x128xi32, #tpu.memory_space<hbm>> -> memref<2x128xi32, #tpu.memory_space<hbm>>
    tpu.wait_dma2 semaphore(%arg9 : memref<!tpu.dma_semaphore, #tpu.memory_space<semaphore_mem>>) src(%dma_wait3A_103 : memref<2x128xi32, #tpu.memory_space<hbm>>) dst(%dma_wait3A_99 : memref<2x128xi32, #tpu.memory_space<vmem>>)
    %dma_start3A_104 = arith.constant 0 : i32
    %dma_start3A_105 = arith.constant 0 : i32
    %dma_start3A_106 = arith.constant 0 : i32
    %dma_start3A_107 = arith.constant 0 : i32
    %dma_start3A_108 = arith.constant 0 : i32
    %dma_start3A_109 = tpu.memref_slice %arg7[%dma_start3A_106, %dma_start3A_107, %dma_start3A_108] : memref<2x128x128xf32, #tpu.memory_space<vmem>> -> memref<1x128x128xf32, #tpu.memory_space<vmem>>
    %dma_start3A_110 = tpu.memref_squeeze %dma_start3A_109 : memref<1x128x128xf32, #tpu.memory_space<vmem>> -> memref<128x128xf32, #tpu.memory_space<vmem>>
    %dma_start3A_111 = arith.constant 0 : i32
    %dma_start3A_112 = tpu.memref_slice %arg6[%dma_start3A_104, %dma_start3A_105, %dma_start3A_111] : memref<4x2x128xi32, #tpu.memory_space<vmem>> -> memref<1x1x128xi32, #tpu.memory_space<vmem>>
    %dma_start3A_113 = tpu.memref_squeeze %dma_start3A_112 : memref<1x1x128xi32, #tpu.memory_space<vmem>> -> memref<128xi32, #tpu.memory_space<vmem>>
    %dma_start3A_114 = arith.constant 0 : i32
    %dma_start3A_115 = arith.constant 0 : i32
    %dma_start3A_116 = tpu.memref_slice %arg2[%dma_start3A_114, %dma_start3A_115] : memref<10000x128xf32, #tpu.memory_space<hbm>> -> memref<10000x128xf32, #tpu.memory_space<hbm>>
    tpu.enqueue_indirect_dma source(%dma_start3A_116 : memref<10000x128xf32, #tpu.memory_space<hbm>>) target(%dma_start3A_110 : memref<128x128xf32, #tpu.memory_space<vmem>>) offsets(%dma_start3A_113 : memref<128xi32, #tpu.memory_space<vmem>>) semaphore(%arg10 : memref<!tpu.dma_semaphore, #tpu.memory_space<semaphore_mem>>)
    %add3A_117 = arith.constant 1 : i32
    %add3A_118 = arith.addi %select_n3A, %add3A_117 : i32
    %dma_wait3A_119 = arith.constant 1 : i32
    %dma_wait3A_120 = arith.constant 0 : i32
    %dma_wait3A_121 = arith.constant 0 : i32
    %dma_wait3A_122 = tpu.memref_slice %arg6[%dma_wait3A_119, %dma_wait3A_120, %dma_wait3A_121] : memref<4x2x128xi32, #tpu.memory_space<vmem>> -> memref<1x2x128xi32, #tpu.memory_space<vmem>>
    %dma_wait3A_123 = tpu.memref_squeeze %dma_wait3A_122 : memref<1x2x128xi32, #tpu.memory_space<vmem>> -> memref<2x128xi32, #tpu.memory_space<vmem>>
    %dma_wait3A_124 = arith.constant 0 : i32
    %dma_wait3A_125 = arith.constant 0 : i32
    %dma_wait3A_126 = tpu.memref_slice %arg3[%add3A_118, %dma_wait3A_124, %dma_wait3A_125] : memref<2560x2x128xi32, #tpu.memory_space<hbm>> -> memref<1x2x128xi32, #tpu.memory_space<hbm>>
    %dma_wait3A_127 = tpu.memref_squeeze %dma_wait3A_126 : memref<1x2x128xi32, #tpu.memory_space<hbm>> -> memref<2x128xi32, #tpu.memory_space<hbm>>
    %dma_wait3A_128 = arith.constant 0 : i32
    %dma_wait3A_129 = arith.constant 0 : i32
    %dma_wait3A_130 = tpu.memref_slice %arg6[%dma_wait3A_119, %dma_wait3A_128, %dma_wait3A_129] : memref<4x2x128xi32, #tpu.memory_space<vmem>> -> memref<1x2x128xi32, #tpu.memory_space<vmem>>
    %dma_wait3A_131 = tpu.memref_squeeze %dma_wait3A_130 : memref<1x2x128xi32, #tpu.memory_space<vmem>> -> memref<2x128xi32, #tpu.memory_space<vmem>>
    %dma_wait3A_132 = arith.constant 0 : i32
    %dma_wait3A_133 = arith.constant 0 : i32
    %dma_wait3A_134 = tpu.memref_slice %arg3[%add3A_118, %dma_wait3A_132, %dma_wait3A_133] : memref<2560x2x128xi32, #tpu.memory_space<hbm>> -> memref<1x2x128xi32, #tpu.memory_space<hbm>>
    %dma_wait3A_135 = tpu.memref_squeeze %dma_wait3A_134 : memref<1x2x128xi32, #tpu.memory_space<hbm>> -> memref<2x128xi32, #tpu.memory_space<hbm>>
    tpu.wait_dma2 semaphore(%arg9 : memref<!tpu.dma_semaphore, #tpu.memory_space<semaphore_mem>>) src(%dma_wait3A_135 : memref<2x128xi32, #tpu.memory_space<hbm>>) dst(%dma_wait3A_131 : memref<2x128xi32, #tpu.memory_space<vmem>>)
    %dma_start3A_136 = arith.constant 1 : i32
    %dma_start3A_137 = arith.constant 0 : i32
    %dma_start3A_138 = arith.constant 1 : i32
    %dma_start3A_139 = arith.constant 0 : i32
    %dma_start3A_140 = arith.constant 0 : i32
    %dma_start3A_141 = tpu.memref_slice %arg7[%dma_start3A_138, %dma_start3A_139, %dma_start3A_140] : memref<2x128x128xf32, #tpu.memory_space<vmem>> -> memref<1x128x128xf32, #tpu.memory_space<vmem>>
    %dma_start3A_142 = tpu.memref_squeeze %dma_start3A_141 : memref<1x128x128xf32, #tpu.memory_space<vmem>> -> memref<128x128xf32, #tpu.memory_space<vmem>>
    %dma_start3A_143 = arith.constant 0 : i32
    %dma_start3A_144 = tpu.memref_slice %arg6[%dma_start3A_136, %dma_start3A_137, %dma_start3A_143] : memref<4x2x128xi32, #tpu.memory_space<vmem>> -> memref<1x1x128xi32, #tpu.memory_space<vmem>>
    %dma_start3A_145 = tpu.memref_squeeze %dma_start3A_144 : memref<1x1x128xi32, #tpu.memory_space<vmem>> -> memref<128xi32, #tpu.memory_space<vmem>>
    %dma_start3A_146 = arith.constant 0 : i32
    %dma_start3A_147 = arith.constant 0 : i32
    %dma_start3A_148 = tpu.memref_slice %arg2[%dma_start3A_146, %dma_start3A_147] : memref<10000x128xf32, #tpu.memory_space<hbm>> -> memref<10000x128xf32, #tpu.memory_space<hbm>>
    tpu.enqueue_indirect_dma source(%dma_start3A_148 : memref<10000x128xf32, #tpu.memory_space<hbm>>) target(%dma_start3A_142 : memref<128x128xf32, #tpu.memory_space<vmem>>) offsets(%dma_start3A_145 : memref<128xi32, #tpu.memory_space<vmem>>) semaphore(%arg10 : memref<!tpu.dma_semaphore, #tpu.memory_space<semaphore_mem>>)
    %while3A = arith.constant 0 : i32
    %while3A_149 = arith.constant 0 : i32
    %while3A_150 = arith.subi %select_n3A_8, %while3A_149 : i32
    %while3A_151 = arith.addi %while3A_149, %while3A_150 : i32
    %while3A_152 = arith.constant 1 : i32
    %while3A_153 = arith.divsi %while3A_150, %while3A_152 : i32
    %while3A_154 = arith.muli %while3A_153, %while3A_152 : i32
    %while3A_155 = arith.addi %while3A_149, %while3A_154 : i32
    %while3A_156 = arith.constant 1 : i32
    scf.for %while3A_166 = %while3A_149 to %while3A_155 step %while3A_156  : i32 {
      %rem3A = arith.constant 2 : i32
      %rem3A_167 = arith.remsi %while3A_166, %rem3A : i32
      %rem3A_168 = arith.constant 4 : i32
      %rem3A_169 = arith.remsi %while3A_166, %rem3A_168 : i32
      %dma_wait3A_170 = arith.constant 0 : i32
      %dma_wait3A_171 = arith.constant 0 : i32
      %dma_wait3A_172 = arith.constant 0 : i32
      %dma_wait3A_173 = tpu.memref_slice %arg7[%rem3A_167, %dma_wait3A_171, %dma_wait3A_172] : memref<2x128x128xf32, #tpu.memory_space<vmem>> -> memref<1x128x128xf32, #tpu.memory_space<vmem>>
      %dma_wait3A_174 = tpu.memref_squeeze %dma_wait3A_173 : memref<1x128x128xf32, #tpu.memory_space<vmem>> -> memref<128x128xf32, #tpu.memory_space<vmem>>
      %dma_wait3A_175 = arith.constant 0 : i32
      %dma_wait3A_176 = tpu.memref_slice %arg6[%rem3A_169, %dma_wait3A_170, %dma_wait3A_175] : memref<4x2x128xi32, #tpu.memory_space<vmem>> -> memref<1x1x128xi32, #tpu.memory_space<vmem>>
      %dma_wait3A_177 = tpu.memref_squeeze %dma_wait3A_176 : memref<1x1x128xi32, #tpu.memory_space<vmem>> -> memref<128xi32, #tpu.memory_space<vmem>>
      %dma_wait3A_178 = arith.constant 0 : i32
      %dma_wait3A_179 = arith.constant 0 : i32
      %dma_wait3A_180 = tpu.memref_slice %arg2[%dma_wait3A_178, %dma_wait3A_179] : memref<10000x128xf32, #tpu.memory_space<hbm>> -> memref<10000x128xf32, #tpu.memory_space<hbm>>
      tpu.wait_indirect_dma semaphore(%arg10 : memref<!tpu.dma_semaphore, #tpu.memory_space<semaphore_mem>>) src(%dma_wait3A_180 : memref<10000x128xf32, #tpu.memory_space<hbm>>) dst(%dma_wait3A_174 : memref<128x128xf32, #tpu.memory_space<vmem>>)
      %run_scoped3A = arith.constant 1 : i32
      "tpu.region"() ({
        %run_scoped3A_193 = tpu.sem_alloc : memref<!tpu.dma_semaphore, #tpu.memory_space<semaphore_mem>>
        %dma_start3A_194 = arith.constant 0 : i32
        %dma_start3A_195 = arith.constant 0 : i32
        %dma_start3A_196 = tpu.memref_slice %arg7[%rem3A_167, %dma_start3A_194, %dma_start3A_195] : memref<2x128x128xf32, #tpu.memory_space<vmem>> -> memref<1x128x128xf32, #tpu.memory_space<vmem>>
        %dma_start3A_197 = tpu.memref_squeeze %dma_start3A_196 : memref<1x128x128xf32, #tpu.memory_space<vmem>> -> memref<128x128xf32, #tpu.memory_space<vmem>>
        %dma_start3A_198 = arith.constant 0 : i32
        %dma_start3A_199 = tpu.memref_slice %arg6[%rem3A_169, %run_scoped3A, %dma_start3A_198] : memref<4x2x128xi32, #tpu.memory_space<vmem>> -> memref<1x1x128xi32, #tpu.memory_space<vmem>>
        %dma_start3A_200 = tpu.memref_squeeze %dma_start3A_199 : memref<1x1x128xi32, #tpu.memory_space<vmem>> -> memref<128xi32, #tpu.memory_space<vmem>>
        %dma_start3A_201 = arith.constant 0 : i32
        %dma_start3A_202 = arith.constant 0 : i32
        %dma_start3A_203 = tpu.memref_slice %arg8[%dma_start3A_201, %dma_start3A_202] : memref<10240x128xf32, #tpu.memory_space<vmem_shared>> -> memref<10240x128xf32, #tpu.memory_space<vmem_shared>>
        tpu.enqueue_indirect_dma source(%dma_start3A_197 : memref<128x128xf32, #tpu.memory_space<vmem>>) target(%dma_start3A_203 : memref<10240x128xf32, #tpu.memory_space<vmem_shared>>) offsets(%dma_start3A_200 : memref<128xi32, #tpu.memory_space<vmem>>) semaphore(%run_scoped3A_193 : memref<!tpu.dma_semaphore, #tpu.memory_space<semaphore_mem>>) {add = true}
        %dma_wait3A_204 = arith.constant 0 : i32
        %dma_wait3A_205 = arith.constant 0 : i32
        %dma_wait3A_206 = tpu.memref_slice %arg7[%rem3A_167, %dma_wait3A_204, %dma_wait3A_205] : memref<2x128x128xf32, #tpu.memory_space<vmem>> -> memref<1x128x128xf32, #tpu.memory_space<vmem>>
        %dma_wait3A_207 = tpu.memref_squeeze %dma_wait3A_206 : memref<1x128x128xf32, #tpu.memory_space<vmem>> -> memref<128x128xf32, #tpu.memory_space<vmem>>
        %dma_wait3A_208 = arith.constant 0 : i32
        %dma_wait3A_209 = tpu.memref_slice %arg6[%rem3A_169, %run_scoped3A, %dma_wait3A_208] : memref<4x2x128xi32, #tpu.memory_space<vmem>> -> memref<1x1x128xi32, #tpu.memory_space<vmem>>
        %dma_wait3A_210 = tpu.memref_squeeze %dma_wait3A_209 : memref<1x1x128xi32, #tpu.memory_space<vmem>> -> memref<128xi32, #tpu.memory_space<vmem>>
        %dma_wait3A_211 = arith.constant 0 : i32
        %dma_wait3A_212 = arith.constant 0 : i32
        %dma_wait3A_213 = tpu.memref_slice %arg8[%dma_wait3A_211, %dma_wait3A_212] : memref<10240x128xf32, #tpu.memory_space<vmem_shared>> -> memref<10240x128xf32, #tpu.memory_space<vmem_shared>>
        tpu.wait_indirect_dma semaphore(%run_scoped3A_193 : memref<!tpu.dma_semaphore, #tpu.memory_space<semaphore_mem>>) src(%dma_wait3A_207 : memref<128x128xf32, #tpu.memory_space<vmem>>) dst(%dma_wait3A_213 : memref<10240x128xf32, #tpu.memory_space<vmem_shared>>)
        tpu.yield
      }) : () -> ()
      %add3A_181 = arith.constant 4 : i32
      %add3A_182 = arith.addi %while3A_166, %add3A_181 : i32
      %lt3A_183 = arith.cmpi slt, %add3A_182, %select_n3A_8 : i32
      %convert_element_type3A_184 = arith.extui %lt3A_183 : i1 to i32
      %cond3A_185 = arith.constant 0 : i32
      %cond3A_186 = arith.cmpi ne, %convert_element_type3A_184, %cond3A_185 : i32
      scf.if %cond3A_186 {
        %add3A_193 = arith.addi %select_n3A, %while3A_166 : i32
        %add3A_194 = arith.constant 4 : i32
        %add3A_195 = arith.addi %add3A_193, %add3A_194 : i32
        %dma_start3A_196 = arith.constant 0 : i32
        %dma_start3A_197 = arith.constant 0 : i32
        %dma_start3A_198 = tpu.memref_slice %arg6[%rem3A_169, %dma_start3A_196, %dma_start3A_197] : memref<4x2x128xi32, #tpu.memory_space<vmem>> -> memref<1x2x128xi32, #tpu.memory_space<vmem>>
        %dma_start3A_199 = tpu.memref_squeeze %dma_start3A_198 : memref<1x2x128xi32, #tpu.memory_space<vmem>> -> memref<2x128xi32, #tpu.memory_space<vmem>>
        %dma_start3A_200 = arith.constant 0 : i32
        %dma_start3A_201 = arith.constant 0 : i32
        %dma_start3A_202 = tpu.memref_slice %arg3[%add3A_195, %dma_start3A_200, %dma_start3A_201] : memref<2560x2x128xi32, #tpu.memory_space<hbm>> -> memref<1x2x128xi32, #tpu.memory_space<hbm>>
        %dma_start3A_203 = tpu.memref_squeeze %dma_start3A_202 : memref<1x2x128xi32, #tpu.memory_space<hbm>> -> memref<2x128xi32, #tpu.memory_space<hbm>>
        %dma_start3A_204 = arith.constant 0 : i32
        %dma_start3A_205 = arith.constant 0 : i32
        %dma_start3A_206 = tpu.memref_slice %arg6[%rem3A_169, %dma_start3A_204, %dma_start3A_205] : memref<4x2x128xi32, #tpu.memory_space<vmem>> -> memref<1x2x128xi32, #tpu.memory_space<vmem>>
        %dma_start3A_207 = tpu.memref_squeeze %dma_start3A_206 : memref<1x2x128xi32, #tpu.memory_space<vmem>> -> memref<2x128xi32, #tpu.memory_space<vmem>>
        %dma_start3A_208 = arith.constant 0 : i32
        %dma_start3A_209 = arith.constant 0 : i32
        %dma_start3A_210 = tpu.memref_slice %arg3[%add3A_195, %dma_start3A_208, %dma_start3A_209] : memref<2560x2x128xi32, #tpu.memory_space<hbm>> -> memref<1x2x128xi32, #tpu.memory_space<hbm>>
        %dma_start3A_211 = tpu.memref_squeeze %dma_start3A_210 : memref<1x2x128xi32, #tpu.memory_space<hbm>> -> memref<2x128xi32, #tpu.memory_space<hbm>>
        tpu.enqueue_dma source(%dma_start3A_211 : memref<2x128xi32, #tpu.memory_space<hbm>>) target(%dma_start3A_207 : memref<2x128xi32, #tpu.memory_space<vmem>>) target_semaphore(%arg9 : memref<!tpu.dma_semaphore, #tpu.memory_space<semaphore_mem>>)
      } else {
      }
      %add3A_187 = arith.constant 2 : i32
      %add3A_188 = arith.addi %while3A_166, %add3A_187 : i32
      %lt3A_189 = arith.cmpi slt, %add3A_188, %select_n3A_8 : i32
      %convert_element_type3A_190 = arith.extui %lt3A_189 : i1 to i32
      %cond3A_191 = arith.constant 0 : i32
      %cond3A_192 = arith.cmpi ne, %convert_element_type3A_190, %cond3A_191 : i32
      scf.if %cond3A_192 {
        %add3A_193 = arith.constant 2 : i32
        %add3A_194 = arith.addi %while3A_166, %add3A_193 : i32
        %rem3A_195 = arith.constant 4 : i32
        %rem3A_196 = arith.remsi %add3A_194, %rem3A_195 : i32
        %add3A_197 = arith.addi %select_n3A, %while3A_166 : i32
        %add3A_198 = arith.constant 2 : i32
        %add3A_199 = arith.addi %add3A_197, %add3A_198 : i32
        %dma_wait3A_200 = arith.constant 0 : i32
        %dma_wait3A_201 = arith.constant 0 : i32
        %dma_wait3A_202 = tpu.memref_slice %arg6[%rem3A_196, %dma_wait3A_200, %dma_wait3A_201] : memref<4x2x128xi32, #tpu.memory_space<vmem>> -> memref<1x2x128xi32, #tpu.memory_space<vmem>>
        %dma_wait3A_203 = tpu.memref_squeeze %dma_wait3A_202 : memref<1x2x128xi32, #tpu.memory_space<vmem>> -> memref<2x128xi32, #tpu.memory_space<vmem>>
        %dma_wait3A_204 = arith.constant 0 : i32
        %dma_wait3A_205 = arith.constant 0 : i32
        %dma_wait3A_206 = tpu.memref_slice %arg3[%add3A_199, %dma_wait3A_204, %dma_wait3A_205] : memref<2560x2x128xi32, #tpu.memory_space<hbm>> -> memref<1x2x128xi32, #tpu.memory_space<hbm>>
        %dma_wait3A_207 = tpu.memref_squeeze %dma_wait3A_206 : memref<1x2x128xi32, #tpu.memory_space<hbm>> -> memref<2x128xi32, #tpu.memory_space<hbm>>
        %dma_wait3A_208 = arith.constant 0 : i32
        %dma_wait3A_209 = arith.constant 0 : i32
        %dma_wait3A_210 = tpu.memref_slice %arg6[%rem3A_196, %dma_wait3A_208, %dma_wait3A_209] : memref<4x2x128xi32, #tpu.memory_space<vmem>> -> memref<1x2x128xi32, #tpu.memory_space<vmem>>
        %dma_wait3A_211 = tpu.memref_squeeze %dma_wait3A_210 : memref<1x2x128xi32, #tpu.memory_space<vmem>> -> memref<2x128xi32, #tpu.memory_space<vmem>>
        %dma_wait3A_212 = arith.constant 0 : i32
        %dma_wait3A_213 = arith.constant 0 : i32
        %dma_wait3A_214 = tpu.memref_slice %arg3[%add3A_199, %dma_wait3A_212, %dma_wait3A_213] : memref<2560x2x128xi32, #tpu.memory_space<hbm>> -> memref<1x2x128xi32, #tpu.memory_space<hbm>>
        %dma_wait3A_215 = tpu.memref_squeeze %dma_wait3A_214 : memref<1x2x128xi32, #tpu.memory_space<hbm>> -> memref<2x128xi32, #tpu.memory_space<hbm>>
        tpu.wait_dma2 semaphore(%arg9 : memref<!tpu.dma_semaphore, #tpu.memory_space<semaphore_mem>>) src(%dma_wait3A_215 : memref<2x128xi32, #tpu.memory_space<hbm>>) dst(%dma_wait3A_211 : memref<2x128xi32, #tpu.memory_space<vmem>>)
        %dma_start3A_216 = arith.constant 0 : i32
        %dma_start3A_217 = arith.constant 0 : i32
        %dma_start3A_218 = arith.constant 0 : i32
        %dma_start3A_219 = tpu.memref_slice %arg7[%rem3A_167, %dma_start3A_217, %dma_start3A_218] : memref<2x128x128xf32, #tpu.memory_space<vmem>> -> memref<1x128x128xf32, #tpu.memory_space<vmem>>
        %dma_start3A_220 = tpu.memref_squeeze %dma_start3A_219 : memref<1x128x128xf32, #tpu.memory_space<vmem>> -> memref<128x128xf32, #tpu.memory_space<vmem>>
        %dma_start3A_221 = arith.constant 0 : i32
        %dma_start3A_222 = tpu.memref_slice %arg6[%rem3A_196, %dma_start3A_216, %dma_start3A_221] : memref<4x2x128xi32, #tpu.memory_space<vmem>> -> memref<1x1x128xi32, #tpu.memory_space<vmem>>
        %dma_start3A_223 = tpu.memref_squeeze %dma_start3A_222 : memref<1x1x128xi32, #tpu.memory_space<vmem>> -> memref<128xi32, #tpu.memory_space<vmem>>
        %dma_start3A_224 = arith.constant 0 : i32
        %dma_start3A_225 = arith.constant 0 : i32
        %dma_start3A_226 = tpu.memref_slice %arg2[%dma_start3A_224, %dma_start3A_225] : memref<10000x128xf32, #tpu.memory_space<hbm>> -> memref<10000x128xf32, #tpu.memory_space<hbm>>
        tpu.enqueue_indirect_dma source(%dma_start3A_226 : memref<10000x128xf32, #tpu.memory_space<hbm>>) target(%dma_start3A_220 : memref<128x128xf32, #tpu.memory_space<vmem>>) offsets(%dma_start3A_223 : memref<128xi32, #tpu.memory_space<vmem>>) semaphore(%arg10 : memref<!tpu.dma_semaphore, #tpu.memory_space<semaphore_mem>>)
      } else {
      }
    }
    %while3A_157 = arith.constant 1 : i32
    scf.for %while3A_166 = %while3A_155 to %while3A_151 step %while3A_157  : i32 {
      %rem3A = arith.constant 2 : i32
      %rem3A_167 = arith.remsi %while3A_166, %rem3A : i32
      %rem3A_168 = arith.constant 4 : i32
      %rem3A_169 = arith.remsi %while3A_166, %rem3A_168 : i32
      %dma_wait3A_170 = arith.constant 0 : i32
      %dma_wait3A_171 = arith.constant 0 : i32
      %dma_wait3A_172 = arith.constant 0 : i32
      %dma_wait3A_173 = tpu.memref_slice %arg7[%rem3A_167, %dma_wait3A_171, %dma_wait3A_172] : memref<2x128x128xf32, #tpu.memory_space<vmem>> -> memref<1x128x128xf32, #tpu.memory_space<vmem>>
      %dma_wait3A_174 = tpu.memref_squeeze %dma_wait3A_173 : memref<1x128x128xf32, #tpu.memory_space<vmem>> -> memref<128x128xf32, #tpu.memory_space<vmem>>
      %dma_wait3A_175 = arith.constant 0 : i32
      %dma_wait3A_176 = tpu.memref_slice %arg6[%rem3A_169, %dma_wait3A_170, %dma_wait3A_175] : memref<4x2x128xi32, #tpu.memory_space<vmem>> -> memref<1x1x128xi32, #tpu.memory_space<vmem>>
      %dma_wait3A_177 = tpu.memref_squeeze %dma_wait3A_176 : memref<1x1x128xi32, #tpu.memory_space<vmem>> -> memref<128xi32, #tpu.memory_space<vmem>>
      %dma_wait3A_178 = arith.constant 0 : i32
      %dma_wait3A_179 = arith.constant 0 : i32
      %dma_wait3A_180 = tpu.memref_slice %arg2[%dma_wait3A_178, %dma_wait3A_179] : memref<10000x128xf32, #tpu.memory_space<hbm>> -> memref<10000x128xf32, #tpu.memory_space<hbm>>
      tpu.wait_indirect_dma semaphore(%arg10 : memref<!tpu.dma_semaphore, #tpu.memory_space<semaphore_mem>>) src(%dma_wait3A_180 : memref<10000x128xf32, #tpu.memory_space<hbm>>) dst(%dma_wait3A_174 : memref<128x128xf32, #tpu.memory_space<vmem>>)
      %run_scoped3A = arith.constant 1 : i32
      "tpu.region"() ({
        %run_scoped3A_193 = tpu.sem_alloc : memref<!tpu.dma_semaphore, #tpu.memory_space<semaphore_mem>>
        %dma_start3A_194 = arith.constant 0 : i32
        %dma_start3A_195 = arith.constant 0 : i32
        %dma_start3A_196 = tpu.memref_slice %arg7[%rem3A_167, %dma_start3A_194, %dma_start3A_195] : memref<2x128x128xf32, #tpu.memory_space<vmem>> -> memref<1x128x128xf32, #tpu.memory_space<vmem>>
        %dma_start3A_197 = tpu.memref_squeeze %dma_start3A_196 : memref<1x128x128xf32, #tpu.memory_space<vmem>> -> memref<128x128xf32, #tpu.memory_space<vmem>>
        %dma_start3A_198 = arith.constant 0 : i32
        %dma_start3A_199 = tpu.memref_slice %arg6[%rem3A_169, %run_scoped3A, %dma_start3A_198] : memref<4x2x128xi32, #tpu.memory_space<vmem>> -> memref<1x1x128xi32, #tpu.memory_space<vmem>>
        %dma_start3A_200 = tpu.memref_squeeze %dma_start3A_199 : memref<1x1x128xi32, #tpu.memory_space<vmem>> -> memref<128xi32, #tpu.memory_space<vmem>>
        %dma_start3A_201 = arith.constant 0 : i32
        %dma_start3A_202 = arith.constant 0 : i32
        %dma_start3A_203 = tpu.memref_slice %arg8[%dma_start3A_201, %dma_start3A_202] : memref<10240x128xf32, #tpu.memory_space<vmem_shared>> -> memref<10240x128xf32, #tpu.memory_space<vmem_shared>>
        tpu.enqueue_indirect_dma source(%dma_start3A_197 : memref<128x128xf32, #tpu.memory_space<vmem>>) target(%dma_start3A_203 : memref<10240x128xf32, #tpu.memory_space<vmem_shared>>) offsets(%dma_start3A_200 : memref<128xi32, #tpu.memory_space<vmem>>) semaphore(%run_scoped3A_193 : memref<!tpu.dma_semaphore, #tpu.memory_space<semaphore_mem>>) {add = true}
        %dma_wait3A_204 = arith.constant 0 : i32
        %dma_wait3A_205 = arith.constant 0 : i32
        %dma_wait3A_206 = tpu.memref_slice %arg7[%rem3A_167, %dma_wait3A_204, %dma_wait3A_205] : memref<2x128x128xf32, #tpu.memory_space<vmem>> -> memref<1x128x128xf32, #tpu.memory_space<vmem>>
        %dma_wait3A_207 = tpu.memref_squeeze %dma_wait3A_206 : memref<1x128x128xf32, #tpu.memory_space<vmem>> -> memref<128x128xf32, #tpu.memory_space<vmem>>
        %dma_wait3A_208 = arith.constant 0 : i32
        %dma_wait3A_209 = tpu.memref_slice %arg6[%rem3A_169, %run_scoped3A, %dma_wait3A_208] : memref<4x2x128xi32, #tpu.memory_space<vmem>> -> memref<1x1x128xi32, #tpu.memory_space<vmem>>
        %dma_wait3A_210 = tpu.memref_squeeze %dma_wait3A_209 : memref<1x1x128xi32, #tpu.memory_space<vmem>> -> memref<128xi32, #tpu.memory_space<vmem>>
        %dma_wait3A_211 = arith.constant 0 : i32
        %dma_wait3A_212 = arith.constant 0 : i32
        %dma_wait3A_213 = tpu.memref_slice %arg8[%dma_wait3A_211, %dma_wait3A_212] : memref<10240x128xf32, #tpu.memory_space<vmem_shared>> -> memref<10240x128xf32, #tpu.memory_space<vmem_shared>>
        tpu.wait_indirect_dma semaphore(%run_scoped3A_193 : memref<!tpu.dma_semaphore, #tpu.memory_space<semaphore_mem>>) src(%dma_wait3A_207 : memref<128x128xf32, #tpu.memory_space<vmem>>) dst(%dma_wait3A_213 : memref<10240x128xf32, #tpu.memory_space<vmem_shared>>)
        tpu.yield
      }) : () -> ()
      %add3A_181 = arith.constant 4 : i32
      %add3A_182 = arith.addi %while3A_166, %add3A_181 : i32
      %lt3A_183 = arith.cmpi slt, %add3A_182, %select_n3A_8 : i32
      %convert_element_type3A_184 = arith.extui %lt3A_183 : i1 to i32
      %cond3A_185 = arith.constant 0 : i32
      %cond3A_186 = arith.cmpi ne, %convert_element_type3A_184, %cond3A_185 : i32
      scf.if %cond3A_186 {
        %add3A_193 = arith.addi %select_n3A, %while3A_166 : i32
        %add3A_194 = arith.constant 4 : i32
        %add3A_195 = arith.addi %add3A_193, %add3A_194 : i32
        %dma_start3A_196 = arith.constant 0 : i32
        %dma_start3A_197 = arith.constant 0 : i32
        %dma_start3A_198 = tpu.memref_slice %arg6[%rem3A_169, %dma_start3A_196, %dma_start3A_197] : memref<4x2x128xi32, #tpu.memory_space<vmem>> -> memref<1x2x128xi32, #tpu.memory_space<vmem>>
        %dma_start3A_199 = tpu.memref_squeeze %dma_start3A_198 : memref<1x2x128xi32, #tpu.memory_space<vmem>> -> memref<2x128xi32, #tpu.memory_space<vmem>>
        %dma_start3A_200 = arith.constant 0 : i32
        %dma_start3A_201 = arith.constant 0 : i32
        %dma_start3A_202 = tpu.memref_slice %arg3[%add3A_195, %dma_start3A_200, %dma_start3A_201] : memref<2560x2x128xi32, #tpu.memory_space<hbm>> -> memref<1x2x128xi32, #tpu.memory_space<hbm>>
        %dma_start3A_203 = tpu.memref_squeeze %dma_start3A_202 : memref<1x2x128xi32, #tpu.memory_space<hbm>> -> memref<2x128xi32, #tpu.memory_space<hbm>>
        %dma_start3A_204 = arith.constant 0 : i32
        %dma_start3A_205 = arith.constant 0 : i32
        %dma_start3A_206 = tpu.memref_slice %arg6[%rem3A_169, %dma_start3A_204, %dma_start3A_205] : memref<4x2x128xi32, #tpu.memory_space<vmem>> -> memref<1x2x128xi32, #tpu.memory_space<vmem>>
        %dma_start3A_207 = tpu.memref_squeeze %dma_start3A_206 : memref<1x2x128xi32, #tpu.memory_space<vmem>> -> memref<2x128xi32, #tpu.memory_space<vmem>>
        %dma_start3A_208 = arith.constant 0 : i32
        %dma_start3A_209 = arith.constant 0 : i32
        %dma_start3A_210 = tpu.memref_slice %arg3[%add3A_195, %dma_start3A_208, %dma_start3A_209] : memref<2560x2x128xi32, #tpu.memory_space<hbm>> -> memref<1x2x128xi32, #tpu.memory_space<hbm>>
        %dma_start3A_211 = tpu.memref_squeeze %dma_start3A_210 : memref<1x2x128xi32, #tpu.memory_space<hbm>> -> memref<2x128xi32, #tpu.memory_space<hbm>>
        tpu.enqueue_dma source(%dma_start3A_211 : memref<2x128xi32, #tpu.memory_space<hbm>>) target(%dma_start3A_207 : memref<2x128xi32, #tpu.memory_space<vmem>>) target_semaphore(%arg9 : memref<!tpu.dma_semaphore, #tpu.memory_space<semaphore_mem>>)
      } else {
      }
      %add3A_187 = arith.constant 2 : i32
      %add3A_188 = arith.addi %while3A_166, %add3A_187 : i32
      %lt3A_189 = arith.cmpi slt, %add3A_188, %select_n3A_8 : i32
      %convert_element_type3A_190 = arith.extui %lt3A_189 : i1 to i32
      %cond3A_191 = arith.constant 0 : i32
      %cond3A_192 = arith.cmpi ne, %convert_element_type3A_190, %cond3A_191 : i32
      scf.if %cond3A_192 {
        %add3A_193 = arith.constant 2 : i32
        %add3A_194 = arith.addi %while3A_166, %add3A_193 : i32
        %rem3A_195 = arith.constant 4 : i32
        %rem3A_196 = arith.remsi %add3A_194, %rem3A_195 : i32
        %add3A_197 = arith.addi %select_n3A, %while3A_166 : i32
        %add3A_198 = arith.constant 2 : i32
        %add3A_199 = arith.addi %add3A_197, %add3A_198 : i32
        %dma_wait3A_200 = arith.constant 0 : i32
        %dma_wait3A_201 = arith.constant 0 : i32
        %dma_wait3A_202 = tpu.memref_slice %arg6[%rem3A_196, %dma_wait3A_200, %dma_wait3A_201] : memref<4x2x128xi32, #tpu.memory_space<vmem>> -> memref<1x2x128xi32, #tpu.memory_space<vmem>>
        %dma_wait3A_203 = tpu.memref_squeeze %dma_wait3A_202 : memref<1x2x128xi32, #tpu.memory_space<vmem>> -> memref<2x128xi32, #tpu.memory_space<vmem>>
        %dma_wait3A_204 = arith.constant 0 : i32
        %dma_wait3A_205 = arith.constant 0 : i32
        %dma_wait3A_206 = tpu.memref_slice %arg3[%add3A_199, %dma_wait3A_204, %dma_wait3A_205] : memref<2560x2x128xi32, #tpu.memory_space<hbm>> -> memref<1x2x128xi32, #tpu.memory_space<hbm>>
        %dma_wait3A_207 = tpu.memref_squeeze %dma_wait3A_206 : memref<1x2x128xi32, #tpu.memory_space<hbm>> -> memref<2x128xi32, #tpu.memory_space<hbm>>
        %dma_wait3A_208 = arith.constant 0 : i32
        %dma_wait3A_209 = arith.constant 0 : i32
        %dma_wait3A_210 = tpu.memref_slice %arg6[%rem3A_196, %dma_wait3A_208, %dma_wait3A_209] : memref<4x2x128xi32, #tpu.memory_space<vmem>> -> memref<1x2x128xi32, #tpu.memory_space<vmem>>
        %dma_wait3A_211 = tpu.memref_squeeze %dma_wait3A_210 : memref<1x2x128xi32, #tpu.memory_space<vmem>> -> memref<2x128xi32, #tpu.memory_space<vmem>>
        %dma_wait3A_212 = arith.constant 0 : i32
        %dma_wait3A_213 = arith.constant 0 : i32
        %dma_wait3A_214 = tpu.memref_slice %arg3[%add3A_199, %dma_wait3A_212, %dma_wait3A_213] : memref<2560x2x128xi32, #tpu.memory_space<hbm>> -> memref<1x2x128xi32, #tpu.memory_space<hbm>>
        %dma_wait3A_215 = tpu.memref_squeeze %dma_wait3A_214 : memref<1x2x128xi32, #tpu.memory_space<hbm>> -> memref<2x128xi32, #tpu.memory_space<hbm>>
        tpu.wait_dma2 semaphore(%arg9 : memref<!tpu.dma_semaphore, #tpu.memory_space<semaphore_mem>>) src(%dma_wait3A_215 : memref<2x128xi32, #tpu.memory_space<hbm>>) dst(%dma_wait3A_211 : memref<2x128xi32, #tpu.memory_space<vmem>>)
        %dma_start3A_216 = arith.constant 0 : i32
        %dma_start3A_217 = arith.constant 0 : i32
        %dma_start3A_218 = arith.constant 0 : i32
        %dma_start3A_219 = tpu.memref_slice %arg7[%rem3A_167, %dma_start3A_217, %dma_start3A_218] : memref<2x128x128xf32, #tpu.memory_space<vmem>> -> memref<1x128x128xf32, #tpu.memory_space<vmem>>
        %dma_start3A_220 = tpu.memref_squeeze %dma_start3A_219 : memref<1x128x128xf32, #tpu.memory_space<vmem>> -> memref<128x128xf32, #tpu.memory_space<vmem>>
        %dma_start3A_221 = arith.constant 0 : i32
        %dma_start3A_222 = tpu.memref_slice %arg6[%rem3A_196, %dma_start3A_216, %dma_start3A_221] : memref<4x2x128xi32, #tpu.memory_space<vmem>> -> memref<1x1x128xi32, #tpu.memory_space<vmem>>
        %dma_start3A_223 = tpu.memref_squeeze %dma_start3A_222 : memref<1x1x128xi32, #tpu.memory_space<vmem>> -> memref<128xi32, #tpu.memory_space<vmem>>
        %dma_start3A_224 = arith.constant 0 : i32
        %dma_start3A_225 = arith.constant 0 : i32
        %dma_start3A_226 = tpu.memref_slice %arg2[%dma_start3A_224, %dma_start3A_225] : memref<10000x128xf32, #tpu.memory_space<hbm>> -> memref<10000x128xf32, #tpu.memory_space<hbm>>
        tpu.enqueue_indirect_dma source(%dma_start3A_226 : memref<10000x128xf32, #tpu.memory_space<hbm>>) target(%dma_start3A_220 : memref<128x128xf32, #tpu.memory_space<vmem>>) offsets(%dma_start3A_223 : memref<128xi32, #tpu.memory_space<vmem>>) semaphore(%arg10 : memref<!tpu.dma_semaphore, #tpu.memory_space<semaphore_mem>>)
      } else {
      }
    }
    %barrier3A_158 = arith.constant 0 : index
    tpu.barrier barrier_id(%barrier3A_158)
    %lt3A = arith.constant 15 : i32
    %lt3A_159 = arith.cmpi slt, %arg1, %lt3A : i32
    %convert_element_type3A = arith.extui %lt3A_159 : i1 to i32
    %cond3A = arith.constant 0 : i32
    %cond3A_160 = arith.cmpi ne, %convert_element_type3A, %cond3A : i32
    scf.if %cond3A_160 {
      %mul3A_166 = arith.constant 640 : i32
      %mul3A_167 = arith.muli %arg1, %mul3A_166 : i32
      %mul3A_168 = arith.constant 640 : i32
      %mul3A_169 = arith.muli %arg1, %mul3A_168 : i32
      "tpu.region"() ({
        %run_scoped3A = tpu.sem_alloc : memref<!tpu.dma_semaphore, #tpu.memory_space<semaphore_mem>>
        %dma_start3A_170 = arith.constant 0 : i32
        %dma_start3A_171 = tpu.memref_slice %arg5[%arg0, %mul3A_169, %dma_start3A_170] : memref<2x10000x128xf32, #tpu.memory_space<hbm>> -> memref<1x640x128xf32, #tpu.memory_space<hbm>>
        %dma_start3A_172 = tpu.memref_squeeze %dma_start3A_171 : memref<1x640x128xf32, #tpu.memory_space<hbm>> -> memref<640x128xf32, #tpu.memory_space<hbm>>
        %dma_start3A_173 = arith.constant 0 : i32
        %dma_start3A_174 = tpu.memref_slice %arg8[%mul3A_167, %dma_start3A_173] : memref<10240x128xf32, #tpu.memory_space<vmem_shared>> -> memref<640x128xf32, #tpu.memory_space<vmem_shared>>
        tpu.enqueue_dma source(%dma_start3A_174 : memref<640x128xf32, #tpu.memory_space<vmem_shared>>) target(%dma_start3A_172 : memref<640x128xf32, #tpu.memory_space<hbm>>) target_semaphore(%run_scoped3A : memref<!tpu.dma_semaphore, #tpu.memory_space<semaphore_mem>>)
        %dma_wait3A_175 = arith.constant 0 : i32
        %dma_wait3A_176 = tpu.memref_slice %arg5[%arg0, %mul3A_169, %dma_wait3A_175] : memref<2x10000x128xf32, #tpu.memory_space<hbm>> -> memref<1x640x128xf32, #tpu.memory_space<hbm>>
        %dma_wait3A_177 = tpu.memref_squeeze %dma_wait3A_176 : memref<1x640x128xf32, #tpu.memory_space<hbm>> -> memref<640x128xf32, #tpu.memory_space<hbm>>
        %dma_wait3A_178 = arith.constant 0 : i32
        %dma_wait3A_179 = tpu.memref_slice %arg8[%mul3A_167, %dma_wait3A_178] : memref<10240x128xf32, #tpu.memory_space<vmem_shared>> -> memref<640x128xf32, #tpu.memory_space<vmem_shared>>
        tpu.wait_dma2 semaphore(%run_scoped3A : memref<!tpu.dma_semaphore, #tpu.memory_space<semaphore_mem>>) src(%dma_wait3A_179 : memref<640x128xf32, #tpu.memory_space<vmem_shared>>) dst(%dma_wait3A_177 : memref<640x128xf32, #tpu.memory_space<hbm>>)
        tpu.yield
      }) : () -> ()
    } else {
    }
    %eq3A_161 = arith.constant 15 : i32
    %eq3A_162 = arith.cmpi eq, %arg1, %eq3A_161 : i32
    %convert_element_type3A_163 = arith.extui %eq3A_162 : i1 to i32
    %cond3A_164 = arith.constant 0 : i32
    %cond3A_165 = arith.cmpi ne, %convert_element_type3A_163, %cond3A_164 : i32
    scf.if %cond3A_165 {
      "tpu.region"() ({
        %run_scoped3A = tpu.sem_alloc : memref<!tpu.dma_semaphore, #tpu.memory_space<semaphore_mem>>
        %dma_start3A_166 = arith.constant 9600 : i32
        %dma_start3A_167 = arith.constant 0 : i32
        %dma_start3A_168 = tpu.memref_slice %arg5[%arg0, %dma_start3A_166, %dma_start3A_167] : memref<2x10000x128xf32, #tpu.memory_space<hbm>> -> memref<1x400x128xf32, #tpu.memory_space<hbm>>
        %dma_start3A_169 = tpu.memref_squeeze %dma_start3A_168 : memref<1x400x128xf32, #tpu.memory_space<hbm>> -> memref<400x128xf32, #tpu.memory_space<hbm>>
        %dma_start3A_170 = arith.constant 9600 : i32
        %dma_start3A_171 = arith.constant 0 : i32
        %dma_start3A_172 = tpu.memref_slice %arg8[%dma_start3A_170, %dma_start3A_171] : memref<10240x128xf32, #tpu.memory_space<vmem_shared>> -> memref<400x128xf32, #tpu.memory_space<vmem_shared>>
        tpu.enqueue_dma source(%dma_start3A_172 : memref<400x128xf32, #tpu.memory_space<vmem_shared>>) target(%dma_start3A_169 : memref<400x128xf32, #tpu.memory_space<hbm>>) target_semaphore(%run_scoped3A : memref<!tpu.dma_semaphore, #tpu.memory_space<semaphore_mem>>)
        %dma_wait3A_173 = arith.constant 9600 : i32
        %dma_wait3A_174 = arith.constant 0 : i32
        %dma_wait3A_175 = tpu.memref_slice %arg5[%arg0, %dma_wait3A_173, %dma_wait3A_174] : memref<2x10000x128xf32, #tpu.memory_space<hbm>> -> memref<1x400x128xf32, #tpu.memory_space<hbm>>
        %dma_wait3A_176 = tpu.memref_squeeze %dma_wait3A_175 : memref<1x400x128xf32, #tpu.memory_space<hbm>> -> memref<400x128xf32, #tpu.memory_space<hbm>>
        %dma_wait3A_177 = arith.constant 9600 : i32
        %dma_wait3A_178 = arith.constant 0 : i32
        %dma_wait3A_179 = tpu.memref_slice %arg8[%dma_wait3A_177, %dma_wait3A_178] : memref<10240x128xf32, #tpu.memory_space<vmem_shared>> -> memref<400x128xf32, #tpu.memory_space<vmem_shared>>
        tpu.wait_dma2 semaphore(%run_scoped3A : memref<!tpu.dma_semaphore, #tpu.memory_space<semaphore_mem>>) src(%dma_wait3A_179 : memref<400x128xf32, #tpu.memory_space<vmem_shared>>) dst(%dma_wait3A_176 : memref<400x128xf32, #tpu.memory_space<hbm>>)
        tpu.yield
      }) : () -> ()
    } else {
    }
    return
  }
}

#map = affine_map<(d0, d1) -> (0, 0)>
#map1 = affine_map<(d0, d1) -> (0, 0, 0)>
module attributes {stable_mosaic.version = 14 : i64} {
  func.func @_msgpass_body(%arg0: i32, %arg1: i32, %arg2: memref<10000x128xf32, #tpu.memory_space<hbm>>, %arg3: memref<2560x2x128xi32, #tpu.memory_space<hbm>>, %arg4: memref<640x128xf32, #tpu.memory_space<hbm>>, %arg5: memref<2x10000x128xf32, #tpu.memory_space<hbm>>, %arg6: memref<4x2x128xi32, #tpu.memory_space<vmem>>, %arg7: memref<2x128x128xf32, #tpu.memory_space<vmem>>, %arg8: memref<10240x128xf32, #tpu.memory_space<vmem_shared>>, %arg9: memref<!tpu.dma_semaphore, #tpu.memory_space<semaphore_mem>>, %arg10: memref<!tpu.dma_semaphore, #tpu.memory_space<semaphore_mem>>) attributes {dimension_semantics = [#tpu.dimension_semantics<core_parallel>, #tpu.dimension_semantics<subcore_parallel>], iteration_bounds = array<i64: 2, 16>, scalar_prefetch = 0 : i64, scratch_operands = 5 : i64, tpu.core_type = #tpu.core_type<sc_vector_subcore>, window_params = [{transform_indices = #map}, {transform_indices = #map1}, {transform_indices = #map}, {transform_indices = #map1}]} {
    %eq3A = arith.constant 0 : i32
    %eq3A_0 = arith.cmpi eq, %arg0, %eq3A : i32
    %mul3A = arith.constant 123 : i32
    %mul3A_1 = arith.muli %arg1, %mul3A : i32
    %mul3A_2 = arith.constant 37 : i32
    %mul3A_3 = arith.muli %arg1, %mul3A_2 : i32
    %add3A = arith.constant 1968 : i32
    %add3A_4 = arith.addi %add3A, %mul3A_3 : i32
    %select_n3A = arith.select %eq3A_0, %mul3A_1, %add3A_4 : i32
    %eq3A_5 = arith.constant 0 : i32
    %eq3A_6 = arith.cmpi eq, %arg0, %eq3A_5 : i32
    %jit3A = arith.constant 123 : i32
    %jit3A_7 = arith.constant 37 : i32
    %select_n3A_8 = arith.select %eq3A_6, %jit3A, %jit3A_7 : i32
    %mul3A_9 = arith.constant 640 : i32
    %mul3A_10 = arith.muli %arg1, %mul3A_9 : i32
    "tpu.region"() ({
      %run_scoped3A = tpu.sem_alloc : memref<!tpu.dma_semaphore, #tpu.memory_space<semaphore_mem>>
      %dma_start3A_166 = arith.constant 0 : i32
      %dma_start3A_167 = tpu.memref_slice %arg8[%mul3A_10, %dma_start3A_166] : memref<10240x128xf32, #tpu.memory_space<vmem_shared>> -> memref<640x128xf32, #tpu.memory_space<vmem_shared>>
      tpu.enqueue_dma source(%arg4 : memref<640x128xf32, #tpu.memory_space<hbm>>) target(%dma_start3A_167 : memref<640x128xf32, #tpu.memory_space<vmem_shared>>) target_semaphore(%run_scoped3A : memref<!tpu.dma_semaphore, #tpu.memory_space<semaphore_mem>>)
      %dma_wait3A_168 = arith.constant 0 : i32
      %dma_wait3A_169 = tpu.memref_slice %arg8[%mul3A_10, %dma_wait3A_168] : memref<10240x128xf32, #tpu.memory_space<vmem_shared>> -> memref<640x128xf32, #tpu.memory_space<vmem_shared>>
      tpu.wait_dma2 semaphore(%run_scoped3A : memref<!tpu.dma_semaphore, #tpu.memory_space<semaphore_mem>>) src(%arg4 : memref<640x128xf32, #tpu.memory_space<hbm>>) dst(%dma_wait3A_169 : memref<640x128xf32, #tpu.memory_space<vmem_shared>>)
      tpu.yield
    }) : () -> ()
    %add3A_11 = arith.constant 0 : i32
    %add3A_12 = arith.addi %select_n3A, %add3A_11 : i32
    %dma_start3A = arith.constant 0 : i32
    %dma_start3A_13 = arith.constant 0 : i32
    %dma_start3A_14 = arith.constant 0 : i32
    %dma_start3A_15 = tpu.memref_slice %arg6[%dma_start3A, %dma_start3A_13, %dma_start3A_14] : memref<4x2x128xi32, #tpu.memory_space<vmem>> -> memref<1x2x128xi32, #tpu.memory_space<vmem>>
    %dma_start3A_16 = tpu.memref_squeeze %dma_start3A_15 : memref<1x2x128xi32, #tpu.memory_space<vmem>> -> memref<2x128xi32, #tpu.memory_space<vmem>>
    %dma_start3A_17 = arith.constant 0 : i32
    %dma_start3A_18 = arith.constant 0 : i32
    %dma_start3A_19 = tpu.memref_slice %arg3[%add3A_12, %dma_start3A_17, %dma_start3A_18] : memref<2560x2x128xi32, #tpu.memory_space<hbm>> -> memref<1x2x128xi32, #tpu.memory_space<hbm>>
    %dma_start3A_20 = tpu.memref_squeeze %dma_start3A_19 : memref<1x2x128xi32, #tpu.memory_space<hbm>> -> memref<2x128xi32, #tpu.memory_space<hbm>>
    %dma_start3A_21 = arith.constant 0 : i32
    %dma_start3A_22 = arith.constant 0 : i32
    %dma_start3A_23 = tpu.memref_slice %arg6[%dma_start3A, %dma_start3A_21, %dma_start3A_22] : memref<4x2x128xi32, #tpu.memory_space<vmem>> -> memref<1x2x128xi32, #tpu.memory_space<vmem>>
    %dma_start3A_24 = tpu.memref_squeeze %dma_start3A_23 : memref<1x2x128xi32, #tpu.memory_space<vmem>> -> memref<2x128xi32, #tpu.memory_space<vmem>>
    %dma_start3A_25 = arith.constant 0 : i32
    %dma_start3A_26 = arith.constant 0 : i32
    %dma_start3A_27 = tpu.memref_slice %arg3[%add3A_12, %dma_start3A_25, %dma_start3A_26] : memref<2560x2x128xi32, #tpu.memory_space<hbm>> -> memref<1x2x128xi32, #tpu.memory_space<hbm>>
    %dma_start3A_28 = tpu.memref_squeeze %dma_start3A_27 : memref<1x2x128xi32, #tpu.memory_space<hbm>> -> memref<2x128xi32, #tpu.memory_space<hbm>>
    tpu.enqueue_dma source(%dma_start3A_28 : memref<2x128xi32, #tpu.memory_space<hbm>>) target(%dma_start3A_24 : memref<2x128xi32, #tpu.memory_space<vmem>>) target_semaphore(%arg9 : memref<!tpu.dma_semaphore, #tpu.memory_space<semaphore_mem>>)
    %add3A_29 = arith.constant 1 : i32
    %add3A_30 = arith.addi %select_n3A, %add3A_29 : i32
    %dma_start3A_31 = arith.constant 1 : i32
    %dma_start3A_32 = arith.constant 0 : i32
    %dma_start3A_33 = arith.constant 0 : i32
    %dma_start3A_34 = tpu.memref_slice %arg6[%dma_start3A_31, %dma_start3A_32, %dma_start3A_33] : memref<4x2x128xi32, #tpu.memory_space<vmem>> -> memref<1x2x128xi32, #tpu.memory_space<vmem>>
    %dma_start3A_35 = tpu.memref_squeeze %dma_start3A_34 : memref<1x2x128xi32, #tpu.memory_space<vmem>> -> memref<2x128xi32, #tpu.memory_space<vmem>>
    %dma_start3A_36 = arith.constant 0 : i32
    %dma_start3A_37 = arith.constant 0 : i32
    %dma_start3A_38 = tpu.memref_slice %arg3[%add3A_30, %dma_start3A_36, %dma_start3A_37] : memref<2560x2x128xi32, #tpu.memory_space<hbm>> -> memref<1x2x128xi32, #tpu.memory_space<hbm>>
    %dma_start3A_39 = tpu.memref_squeeze %dma_start3A_38 : memref<1x2x128xi32, #tpu.memory_space<hbm>> -> memref<2x128xi32, #tpu.memory_space<hbm>>
    %dma_start3A_40 = arith.constant 0 : i32
    %dma_start3A_41 = arith.constant 0 : i32
    %dma_start3A_42 = tpu.memref_slice %arg6[%dma_start3A_31, %dma_start3A_40, %dma_start3A_41] : memref<4x2x128xi32, #tpu.memory_space<vmem>> -> memref<1x2x128xi32, #tpu.memory_space<vmem>>
    %dma_start3A_43 = tpu.memref_squeeze %dma_start3A_42 : memref<1x2x128xi32, #tpu.memory_space<vmem>> -> memref<2x128xi32, #tpu.memory_space<vmem>>
    %dma_start3A_44 = arith.constant 0 : i32
    %dma_start3A_45 = arith.constant 0 : i32
    %dma_start3A_46 = tpu.memref_slice %arg3[%add3A_30, %dma_start3A_44, %dma_start3A_45] : memref<2560x2x128xi32, #tpu.memory_space<hbm>> -> memref<1x2x128xi32, #tpu.memory_space<hbm>>
    %dma_start3A_47 = tpu.memref_squeeze %dma_start3A_46 : memref<1x2x128xi32, #tpu.memory_space<hbm>> -> memref<2x128xi32, #tpu.memory_space<hbm>>
    tpu.enqueue_dma source(%dma_start3A_47 : memref<2x128xi32, #tpu.memory_space<hbm>>) target(%dma_start3A_43 : memref<2x128xi32, #tpu.memory_space<vmem>>) target_semaphore(%arg9 : memref<!tpu.dma_semaphore, #tpu.memory_space<semaphore_mem>>)
    %add3A_48 = arith.constant 2 : i32
    %add3A_49 = arith.addi %select_n3A, %add3A_48 : i32
    %dma_start3A_50 = arith.constant 2 : i32
    %dma_start3A_51 = arith.constant 0 : i32
    %dma_start3A_52 = arith.constant 0 : i32
    %dma_start3A_53 = tpu.memref_slice %arg6[%dma_start3A_50, %dma_start3A_51, %dma_start3A_52] : memref<4x2x128xi32, #tpu.memory_space<vmem>> -> memref<1x2x128xi32, #tpu.memory_space<vmem>>
    %dma_start3A_54 = tpu.memref_squeeze %dma_start3A_53 : memref<1x2x128xi32, #tpu.memory_space<vmem>> -> memref<2x128xi32, #tpu.memory_space<vmem>>
    %dma_start3A_55 = arith.constant 0 : i32
    %dma_start3A_56 = arith.constant 0 : i32
    %dma_start3A_57 = tpu.memref_slice %arg3[%add3A_49, %dma_start3A_55, %dma_start3A_56] : memref<2560x2x128xi32, #tpu.memory_space<hbm>> -> memref<1x2x128xi32, #tpu.memory_space<hbm>>
    %dma_start3A_58 = tpu.memref_squeeze %dma_start3A_57 : memref<1x2x128xi32, #tpu.memory_space<hbm>> -> memref<2x128xi32, #tpu.memory_space<hbm>>
    %dma_start3A_59 = arith.constant 0 : i32
    %dma_start3A_60 = arith.constant 0 : i32
    %dma_start3A_61 = tpu.memref_slice %arg6[%dma_start3A_50, %dma_start3A_59, %dma_start3A_60] : memref<4x2x128xi32, #tpu.memory_space<vmem>> -> memref<1x2x128xi32, #tpu.memory_space<vmem>>
    %dma_start3A_62 = tpu.memref_squeeze %dma_start3A_61 : memref<1x2x128xi32, #tpu.memory_space<vmem>> -> memref<2x128xi32, #tpu.memory_space<vmem>>
    %dma_start3A_63 = arith.constant 0 : i32
    %dma_start3A_64 = arith.constant 0 : i32
    %dma_start3A_65 = tpu.memref_slice %arg3[%add3A_49, %dma_start3A_63, %dma_start3A_64] : memref<2560x2x128xi32, #tpu.memory_space<hbm>> -> memref<1x2x128xi32, #tpu.memory_space<hbm>>
    %dma_start3A_66 = tpu.memref_squeeze %dma_start3A_65 : memref<1x2x128xi32, #tpu.memory_space<hbm>> -> memref<2x128xi32, #tpu.memory_space<hbm>>
    tpu.enqueue_dma source(%dma_start3A_66 : memref<2x128xi32, #tpu.memory_space<hbm>>) target(%dma_start3A_62 : memref<2x128xi32, #tpu.memory_space<vmem>>) target_semaphore(%arg9 : memref<!tpu.dma_semaphore, #tpu.memory_space<semaphore_mem>>)
    %add3A_67 = arith.constant 3 : i32
    %add3A_68 = arith.addi %select_n3A, %add3A_67 : i32
    %dma_start3A_69 = arith.constant 3 : i32
    %dma_start3A_70 = arith.constant 0 : i32
    %dma_start3A_71 = arith.constant 0 : i32
    %dma_start3A_72 = tpu.memref_slice %arg6[%dma_start3A_69, %dma_start3A_70, %dma_start3A_71] : memref<4x2x128xi32, #tpu.memory_space<vmem>> -> memref<1x2x128xi32, #tpu.memory_space<vmem>>
    %dma_start3A_73 = tpu.memref_squeeze %dma_start3A_72 : memref<1x2x128xi32, #tpu.memory_space<vmem>> -> memref<2x128xi32, #tpu.memory_space<vmem>>
    %dma_start3A_74 = arith.constant 0 : i32
    %dma_start3A_75 = arith.constant 0 : i32
    %dma_start3A_76 = tpu.memref_slice %arg3[%add3A_68, %dma_start3A_74, %dma_start3A_75] : memref<2560x2x128xi32, #tpu.memory_space<hbm>> -> memref<1x2x128xi32, #tpu.memory_space<hbm>>
    %dma_start3A_77 = tpu.memref_squeeze %dma_start3A_76 : memref<1x2x128xi32, #tpu.memory_space<hbm>> -> memref<2x128xi32, #tpu.memory_space<hbm>>
    %dma_start3A_78 = arith.constant 0 : i32
    %dma_start3A_79 = arith.constant 0 : i32
    %dma_start3A_80 = tpu.memref_slice %arg6[%dma_start3A_69, %dma_start3A_78, %dma_start3A_79] : memref<4x2x128xi32, #tpu.memory_space<vmem>> -> memref<1x2x128xi32, #tpu.memory_space<vmem>>
    %dma_start3A_81 = tpu.memref_squeeze %dma_start3A_80 : memref<1x2x128xi32, #tpu.memory_space<vmem>> -> memref<2x128xi32, #tpu.memory_space<vmem>>
    %dma_start3A_82 = arith.constant 0 : i32
    %dma_start3A_83 = arith.constant 0 : i32
    %dma_start3A_84 = tpu.memref_slice %arg3[%add3A_68, %dma_start3A_82, %dma_start3A_83] : memref<2560x2x128xi32, #tpu.memory_space<hbm>> -> memref<1x2x128xi32, #tpu.memory_space<hbm>>
    %dma_start3A_85 = tpu.memref_squeeze %dma_start3A_84 : memref<1x2x128xi32, #tpu.memory_space<hbm>> -> memref<2x128xi32, #tpu.memory_space<hbm>>
    tpu.enqueue_dma source(%dma_start3A_85 : memref<2x128xi32, #tpu.memory_space<hbm>>) target(%dma_start3A_81 : memref<2x128xi32, #tpu.memory_space<vmem>>) target_semaphore(%arg9 : memref<!tpu.dma_semaphore, #tpu.memory_space<semaphore_mem>>)
    %barrier3A = arith.constant 0 : index
    tpu.barrier barrier_id(%barrier3A)
    %add3A_86 = arith.constant 0 : i32
    %add3A_87 = arith.addi %select_n3A, %add3A_86 : i32
    %dma_wait3A = arith.constant 0 : i32
    %dma_wait3A_88 = arith.constant 0 : i32
    %dma_wait3A_89 = arith.constant 0 : i32
    %dma_wait3A_90 = tpu.memref_slice %arg6[%dma_wait3A, %dma_wait3A_88, %dma_wait3A_89] : memref<4x2x128xi32, #tpu.memory_space<vmem>> -> memref<1x2x128xi32, #tpu.memory_space<vmem>>
    %dma_wait3A_91 = tpu.memref_squeeze %dma_wait3A_90 : memref<1x2x128xi32, #tpu.memory_space<vmem>> -> memref<2x128xi32, #tpu.memory_space<vmem>>
    %dma_wait3A_92 = arith.constant 0 : i32
    %dma_wait3A_93 = arith.constant 0 : i32
    %dma_wait3A_94 = tpu.memref_slice %arg3[%add3A_87, %dma_wait3A_92, %dma_wait3A_93] : memref<2560x2x128xi32, #tpu.memory_space<hbm>> -> memref<1x2x128xi32, #tpu.memory_space<hbm>>
    %dma_wait3A_95 = tpu.memref_squeeze %dma_wait3A_94 : memref<1x2x128xi32, #tpu.memory_space<hbm>> -> memref<2x128xi32, #tpu.memory_space<hbm>>
    %dma_wait3A_96 = arith.constant 0 : i32
    %dma_wait3A_97 = arith.constant 0 : i32
    %dma_wait3A_98 = tpu.memref_slice %arg6[%dma_wait3A, %dma_wait3A_96, %dma_wait3A_97] : memref<4x2x128xi32, #tpu.memory_space<vmem>> -> memref<1x2x128xi32, #tpu.memory_space<vmem>>
    %dma_wait3A_99 = tpu.memref_squeeze %dma_wait3A_98 : memref<1x2x128xi32, #tpu.memory_space<vmem>> -> memref<2x128xi32, #tpu.memory_space<vmem>>
    %dma_wait3A_100 = arith.constant 0 : i32
    %dma_wait3A_101 = arith.constant 0 : i32
    %dma_wait3A_102 = tpu.memref_slice %arg3[%add3A_87, %dma_wait3A_100, %dma_wait3A_101] : memref<2560x2x128xi32, #tpu.memory_space<hbm>> -> memref<1x2x128xi32, #tpu.memory_space<hbm>>
    %dma_wait3A_103 = tpu.memref_squeeze %dma_wait3A_102 : memref<1x2x128xi32, #tpu.memory_space<hbm>> -> memref<2x128xi32, #tpu.memory_space<hbm>>
    tpu.wait_dma2 semaphore(%arg9 : memref<!tpu.dma_semaphore, #tpu.memory_space<semaphore_mem>>) src(%dma_wait3A_103 : memref<2x128xi32, #tpu.memory_space<hbm>>) dst(%dma_wait3A_99 : memref<2x128xi32, #tpu.memory_space<vmem>>)
    %dma_start3A_104 = arith.constant 0 : i32
    %dma_start3A_105 = arith.constant 0 : i32
    %dma_start3A_106 = arith.constant 0 : i32
    %dma_start3A_107 = arith.constant 0 : i32
    %dma_start3A_108 = arith.constant 0 : i32
    %dma_start3A_109 = tpu.memref_slice %arg7[%dma_start3A_106, %dma_start3A_107, %dma_start3A_108] : memref<2x128x128xf32, #tpu.memory_space<vmem>> -> memref<1x128x128xf32, #tpu.memory_space<vmem>>
    %dma_start3A_110 = tpu.memref_squeeze %dma_start3A_109 : memref<1x128x128xf32, #tpu.memory_space<vmem>> -> memref<128x128xf32, #tpu.memory_space<vmem>>
    %dma_start3A_111 = arith.constant 0 : i32
    %dma_start3A_112 = tpu.memref_slice %arg6[%dma_start3A_104, %dma_start3A_105, %dma_start3A_111] : memref<4x2x128xi32, #tpu.memory_space<vmem>> -> memref<1x1x128xi32, #tpu.memory_space<vmem>>
    %dma_start3A_113 = tpu.memref_squeeze %dma_start3A_112 : memref<1x1x128xi32, #tpu.memory_space<vmem>> -> memref<128xi32, #tpu.memory_space<vmem>>
    %dma_start3A_114 = arith.constant 0 : i32
    %dma_start3A_115 = arith.constant 0 : i32
    %dma_start3A_116 = tpu.memref_slice %arg2[%dma_start3A_114, %dma_start3A_115] : memref<10000x128xf32, #tpu.memory_space<hbm>> -> memref<10000x128xf32, #tpu.memory_space<hbm>>
    tpu.enqueue_indirect_dma source(%dma_start3A_116 : memref<10000x128xf32, #tpu.memory_space<hbm>>) target(%dma_start3A_110 : memref<128x128xf32, #tpu.memory_space<vmem>>) offsets(%dma_start3A_113 : memref<128xi32, #tpu.memory_space<vmem>>) semaphore(%arg10 : memref<!tpu.dma_semaphore, #tpu.memory_space<semaphore_mem>>)
    %add3A_117 = arith.constant 1 : i32
    %add3A_118 = arith.addi %select_n3A, %add3A_117 : i32
    %dma_wait3A_119 = arith.constant 1 : i32
    %dma_wait3A_120 = arith.constant 0 : i32
    %dma_wait3A_121 = arith.constant 0 : i32
    %dma_wait3A_122 = tpu.memref_slice %arg6[%dma_wait3A_119, %dma_wait3A_120, %dma_wait3A_121] : memref<4x2x128xi32, #tpu.memory_space<vmem>> -> memref<1x2x128xi32, #tpu.memory_space<vmem>>
    %dma_wait3A_123 = tpu.memref_squeeze %dma_wait3A_122 : memref<1x2x128xi32, #tpu.memory_space<vmem>> -> memref<2x128xi32, #tpu.memory_space<vmem>>
    %dma_wait3A_124 = arith.constant 0 : i32
    %dma_wait3A_125 = arith.constant 0 : i32
    %dma_wait3A_126 = tpu.memref_slice %arg3[%add3A_118, %dma_wait3A_124, %dma_wait3A_125] : memref<2560x2x128xi32, #tpu.memory_space<hbm>> -> memref<1x2x128xi32, #tpu.memory_space<hbm>>
    %dma_wait3A_127 = tpu.memref_squeeze %dma_wait3A_126 : memref<1x2x128xi32, #tpu.memory_space<hbm>> -> memref<2x128xi32, #tpu.memory_space<hbm>>
    %dma_wait3A_128 = arith.constant 0 : i32
    %dma_wait3A_129 = arith.constant 0 : i32
    %dma_wait3A_130 = tpu.memref_slice %arg6[%dma_wait3A_119, %dma_wait3A_128, %dma_wait3A_129] : memref<4x2x128xi32, #tpu.memory_space<vmem>> -> memref<1x2x128xi32, #tpu.memory_space<vmem>>
    %dma_wait3A_131 = tpu.memref_squeeze %dma_wait3A_130 : memref<1x2x128xi32, #tpu.memory_space<vmem>> -> memref<2x128xi32, #tpu.memory_space<vmem>>
    %dma_wait3A_132 = arith.constant 0 : i32
    %dma_wait3A_133 = arith.constant 0 : i32
    %dma_wait3A_134 = tpu.memref_slice %arg3[%add3A_118, %dma_wait3A_132, %dma_wait3A_133] : memref<2560x2x128xi32, #tpu.memory_space<hbm>> -> memref<1x2x128xi32, #tpu.memory_space<hbm>>
    %dma_wait3A_135 = tpu.memref_squeeze %dma_wait3A_134 : memref<1x2x128xi32, #tpu.memory_space<hbm>> -> memref<2x128xi32, #tpu.memory_space<hbm>>
    tpu.wait_dma2 semaphore(%arg9 : memref<!tpu.dma_semaphore, #tpu.memory_space<semaphore_mem>>) src(%dma_wait3A_135 : memref<2x128xi32, #tpu.memory_space<hbm>>) dst(%dma_wait3A_131 : memref<2x128xi32, #tpu.memory_space<vmem>>)
    %dma_start3A_136 = arith.constant 1 : i32
    %dma_start3A_137 = arith.constant 0 : i32
    %dma_start3A_138 = arith.constant 1 : i32
    %dma_start3A_139 = arith.constant 0 : i32
    %dma_start3A_140 = arith.constant 0 : i32
    %dma_start3A_141 = tpu.memref_slice %arg7[%dma_start3A_138, %dma_start3A_139, %dma_start3A_140] : memref<2x128x128xf32, #tpu.memory_space<vmem>> -> memref<1x128x128xf32, #tpu.memory_space<vmem>>
    %dma_start3A_142 = tpu.memref_squeeze %dma_start3A_141 : memref<1x128x128xf32, #tpu.memory_space<vmem>> -> memref<128x128xf32, #tpu.memory_space<vmem>>
    %dma_start3A_143 = arith.constant 0 : i32
    %dma_start3A_144 = tpu.memref_slice %arg6[%dma_start3A_136, %dma_start3A_137, %dma_start3A_143] : memref<4x2x128xi32, #tpu.memory_space<vmem>> -> memref<1x1x128xi32, #tpu.memory_space<vmem>>
    %dma_start3A_145 = tpu.memref_squeeze %dma_start3A_144 : memref<1x1x128xi32, #tpu.memory_space<vmem>> -> memref<128xi32, #tpu.memory_space<vmem>>
    %dma_start3A_146 = arith.constant 0 : i32
    %dma_start3A_147 = arith.constant 0 : i32
    %dma_start3A_148 = tpu.memref_slice %arg2[%dma_start3A_146, %dma_start3A_147] : memref<10000x128xf32, #tpu.memory_space<hbm>> -> memref<10000x128xf32, #tpu.memory_space<hbm>>
    tpu.enqueue_indirect_dma source(%dma_start3A_148 : memref<10000x128xf32, #tpu.memory_space<hbm>>) target(%dma_start3A_142 : memref<128x128xf32, #tpu.memory_space<vmem>>) offsets(%dma_start3A_145 : memref<128xi32, #tpu.memory_space<vmem>>) semaphore(%arg10 : memref<!tpu.dma_semaphore, #tpu.memory_space<semaphore_mem>>)
    %while3A = arith.constant 0 : i32
    %while3A_149 = arith.constant 0 : i32
    %while3A_150 = arith.subi %select_n3A_8, %while3A_149 : i32
    %while3A_151 = arith.addi %while3A_149, %while3A_150 : i32
    %while3A_152 = arith.constant 1 : i32
    %while3A_153 = arith.divsi %while3A_150, %while3A_152 : i32
    %while3A_154 = arith.muli %while3A_153, %while3A_152 : i32
    %while3A_155 = arith.addi %while3A_149, %while3A_154 : i32
    %while3A_156 = arith.constant 1 : i32
    scf.for %while3A_166 = %while3A_149 to %while3A_155 step %while3A_156  : i32 {
      %rem3A = arith.constant 2 : i32
      %rem3A_167 = arith.remsi %while3A_166, %rem3A : i32
      %rem3A_168 = arith.constant 4 : i32
      %rem3A_169 = arith.remsi %while3A_166, %rem3A_168 : i32
      %dma_wait3A_170 = arith.constant 0 : i32
      %dma_wait3A_171 = arith.constant 0 : i32
      %dma_wait3A_172 = arith.constant 0 : i32
      %dma_wait3A_173 = tpu.memref_slice %arg7[%rem3A_167, %dma_wait3A_171, %dma_wait3A_172] : memref<2x128x128xf32, #tpu.memory_space<vmem>> -> memref<1x128x128xf32, #tpu.memory_space<vmem>>
      %dma_wait3A_174 = tpu.memref_squeeze %dma_wait3A_173 : memref<1x128x128xf32, #tpu.memory_space<vmem>> -> memref<128x128xf32, #tpu.memory_space<vmem>>
      %dma_wait3A_175 = arith.constant 0 : i32
      %dma_wait3A_176 = tpu.memref_slice %arg6[%rem3A_169, %dma_wait3A_170, %dma_wait3A_175] : memref<4x2x128xi32, #tpu.memory_space<vmem>> -> memref<1x1x128xi32, #tpu.memory_space<vmem>>
      %dma_wait3A_177 = tpu.memref_squeeze %dma_wait3A_176 : memref<1x1x128xi32, #tpu.memory_space<vmem>> -> memref<128xi32, #tpu.memory_space<vmem>>
      %dma_wait3A_178 = arith.constant 0 : i32
      %dma_wait3A_179 = arith.constant 0 : i32
      %dma_wait3A_180 = tpu.memref_slice %arg2[%dma_wait3A_178, %dma_wait3A_179] : memref<10000x128xf32, #tpu.memory_space<hbm>> -> memref<10000x128xf32, #tpu.memory_space<hbm>>
      tpu.wait_indirect_dma semaphore(%arg10 : memref<!tpu.dma_semaphore, #tpu.memory_space<semaphore_mem>>) src(%dma_wait3A_180 : memref<10000x128xf32, #tpu.memory_space<hbm>>) dst(%dma_wait3A_174 : memref<128x128xf32, #tpu.memory_space<vmem>>)
      %run_scoped3A = arith.constant 1 : i32
      "tpu.region"() ({
        %run_scoped3A_193 = tpu.sem_alloc : memref<!tpu.dma_semaphore, #tpu.memory_space<semaphore_mem>>
        %dma_start3A_194 = arith.constant 0 : i32
        %dma_start3A_195 = arith.constant 0 : i32
        %dma_start3A_196 = tpu.memref_slice %arg7[%rem3A_167, %dma_start3A_194, %dma_start3A_195] : memref<2x128x128xf32, #tpu.memory_space<vmem>> -> memref<1x128x128xf32, #tpu.memory_space<vmem>>
        %dma_start3A_197 = tpu.memref_squeeze %dma_start3A_196 : memref<1x128x128xf32, #tpu.memory_space<vmem>> -> memref<128x128xf32, #tpu.memory_space<vmem>>
        %dma_start3A_198 = arith.constant 0 : i32
        %dma_start3A_199 = tpu.memref_slice %arg6[%rem3A_169, %run_scoped3A, %dma_start3A_198] : memref<4x2x128xi32, #tpu.memory_space<vmem>> -> memref<1x1x128xi32, #tpu.memory_space<vmem>>
        %dma_start3A_200 = tpu.memref_squeeze %dma_start3A_199 : memref<1x1x128xi32, #tpu.memory_space<vmem>> -> memref<128xi32, #tpu.memory_space<vmem>>
        %dma_start3A_201 = arith.constant 0 : i32
        %dma_start3A_202 = arith.constant 0 : i32
        %dma_start3A_203 = tpu.memref_slice %arg8[%dma_start3A_201, %dma_start3A_202] : memref<10240x128xf32, #tpu.memory_space<vmem_shared>> -> memref<10240x128xf32, #tpu.memory_space<vmem_shared>>
        tpu.enqueue_indirect_dma source(%dma_start3A_197 : memref<128x128xf32, #tpu.memory_space<vmem>>) target(%dma_start3A_203 : memref<10240x128xf32, #tpu.memory_space<vmem_shared>>) offsets(%dma_start3A_200 : memref<128xi32, #tpu.memory_space<vmem>>) semaphore(%run_scoped3A_193 : memref<!tpu.dma_semaphore, #tpu.memory_space<semaphore_mem>>) {add = true}
        %dma_wait3A_204 = arith.constant 0 : i32
        %dma_wait3A_205 = arith.constant 0 : i32
        %dma_wait3A_206 = tpu.memref_slice %arg7[%rem3A_167, %dma_wait3A_204, %dma_wait3A_205] : memref<2x128x128xf32, #tpu.memory_space<vmem>> -> memref<1x128x128xf32, #tpu.memory_space<vmem>>
        %dma_wait3A_207 = tpu.memref_squeeze %dma_wait3A_206 : memref<1x128x128xf32, #tpu.memory_space<vmem>> -> memref<128x128xf32, #tpu.memory_space<vmem>>
        %dma_wait3A_208 = arith.constant 0 : i32
        %dma_wait3A_209 = tpu.memref_slice %arg6[%rem3A_169, %run_scoped3A, %dma_wait3A_208] : memref<4x2x128xi32, #tpu.memory_space<vmem>> -> memref<1x1x128xi32, #tpu.memory_space<vmem>>
        %dma_wait3A_210 = tpu.memref_squeeze %dma_wait3A_209 : memref<1x1x128xi32, #tpu.memory_space<vmem>> -> memref<128xi32, #tpu.memory_space<vmem>>
        %dma_wait3A_211 = arith.constant 0 : i32
        %dma_wait3A_212 = arith.constant 0 : i32
        %dma_wait3A_213 = tpu.memref_slice %arg8[%dma_wait3A_211, %dma_wait3A_212] : memref<10240x128xf32, #tpu.memory_space<vmem_shared>> -> memref<10240x128xf32, #tpu.memory_space<vmem_shared>>
        tpu.wait_indirect_dma semaphore(%run_scoped3A_193 : memref<!tpu.dma_semaphore, #tpu.memory_space<semaphore_mem>>) src(%dma_wait3A_207 : memref<128x128xf32, #tpu.memory_space<vmem>>) dst(%dma_wait3A_213 : memref<10240x128xf32, #tpu.memory_space<vmem_shared>>)
        tpu.yield
      }) : () -> ()
      %add3A_181 = arith.constant 4 : i32
      %add3A_182 = arith.addi %while3A_166, %add3A_181 : i32
      %lt3A_183 = arith.cmpi slt, %add3A_182, %select_n3A_8 : i32
      %convert_element_type3A_184 = arith.extui %lt3A_183 : i1 to i32
      %cond3A_185 = arith.constant 0 : i32
      %cond3A_186 = arith.cmpi ne, %convert_element_type3A_184, %cond3A_185 : i32
      scf.if %cond3A_186 {
        %add3A_193 = arith.addi %select_n3A, %while3A_166 : i32
        %add3A_194 = arith.constant 4 : i32
        %add3A_195 = arith.addi %add3A_193, %add3A_194 : i32
        %dma_start3A_196 = arith.constant 0 : i32
        %dma_start3A_197 = arith.constant 0 : i32
        %dma_start3A_198 = tpu.memref_slice %arg6[%rem3A_169, %dma_start3A_196, %dma_start3A_197] : memref<4x2x128xi32, #tpu.memory_space<vmem>> -> memref<1x2x128xi32, #tpu.memory_space<vmem>>
        %dma_start3A_199 = tpu.memref_squeeze %dma_start3A_198 : memref<1x2x128xi32, #tpu.memory_space<vmem>> -> memref<2x128xi32, #tpu.memory_space<vmem>>
        %dma_start3A_200 = arith.constant 0 : i32
        %dma_start3A_201 = arith.constant 0 : i32
        %dma_start3A_202 = tpu.memref_slice %arg3[%add3A_195, %dma_start3A_200, %dma_start3A_201] : memref<2560x2x128xi32, #tpu.memory_space<hbm>> -> memref<1x2x128xi32, #tpu.memory_space<hbm>>
        %dma_start3A_203 = tpu.memref_squeeze %dma_start3A_202 : memref<1x2x128xi32, #tpu.memory_space<hbm>> -> memref<2x128xi32, #tpu.memory_space<hbm>>
        %dma_start3A_204 = arith.constant 0 : i32
        %dma_start3A_205 = arith.constant 0 : i32
        %dma_start3A_206 = tpu.memref_slice %arg6[%rem3A_169, %dma_start3A_204, %dma_start3A_205] : memref<4x2x128xi32, #tpu.memory_space<vmem>> -> memref<1x2x128xi32, #tpu.memory_space<vmem>>
        %dma_start3A_207 = tpu.memref_squeeze %dma_start3A_206 : memref<1x2x128xi32, #tpu.memory_space<vmem>> -> memref<2x128xi32, #tpu.memory_space<vmem>>
        %dma_start3A_208 = arith.constant 0 : i32
        %dma_start3A_209 = arith.constant 0 : i32
        %dma_start3A_210 = tpu.memref_slice %arg3[%add3A_195, %dma_start3A_208, %dma_start3A_209] : memref<2560x2x128xi32, #tpu.memory_space<hbm>> -> memref<1x2x128xi32, #tpu.memory_space<hbm>>
        %dma_start3A_211 = tpu.memref_squeeze %dma_start3A_210 : memref<1x2x128xi32, #tpu.memory_space<hbm>> -> memref<2x128xi32, #tpu.memory_space<hbm>>
        tpu.enqueue_dma source(%dma_start3A_211 : memref<2x128xi32, #tpu.memory_space<hbm>>) target(%dma_start3A_207 : memref<2x128xi32, #tpu.memory_space<vmem>>) target_semaphore(%arg9 : memref<!tpu.dma_semaphore, #tpu.memory_space<semaphore_mem>>)
      } else {
      }
      %add3A_187 = arith.constant 2 : i32
      %add3A_188 = arith.addi %while3A_166, %add3A_187 : i32
      %lt3A_189 = arith.cmpi slt, %add3A_188, %select_n3A_8 : i32
      %convert_element_type3A_190 = arith.extui %lt3A_189 : i1 to i32
      %cond3A_191 = arith.constant 0 : i32
      %cond3A_192 = arith.cmpi ne, %convert_element_type3A_190, %cond3A_191 : i32
      scf.if %cond3A_192 {
        %add3A_193 = arith.constant 2 : i32
        %add3A_194 = arith.addi %while3A_166, %add3A_193 : i32
        %rem3A_195 = arith.constant 4 : i32
        %rem3A_196 = arith.remsi %add3A_194, %rem3A_195 : i32
        %add3A_197 = arith.addi %select_n3A, %while3A_166 : i32
        %add3A_198 = arith.constant 2 : i32
        %add3A_199 = arith.addi %add3A_197, %add3A_198 : i32
        %dma_wait3A_200 = arith.constant 0 : i32
        %dma_wait3A_201 = arith.constant 0 : i32
        %dma_wait3A_202 = tpu.memref_slice %arg6[%rem3A_196, %dma_wait3A_200, %dma_wait3A_201] : memref<4x2x128xi32, #tpu.memory_space<vmem>> -> memref<1x2x128xi32, #tpu.memory_space<vmem>>
        %dma_wait3A_203 = tpu.memref_squeeze %dma_wait3A_202 : memref<1x2x128xi32, #tpu.memory_space<vmem>> -> memref<2x128xi32, #tpu.memory_space<vmem>>
        %dma_wait3A_204 = arith.constant 0 : i32
        %dma_wait3A_205 = arith.constant 0 : i32
        %dma_wait3A_206 = tpu.memref_slice %arg3[%add3A_199, %dma_wait3A_204, %dma_wait3A_205] : memref<2560x2x128xi32, #tpu.memory_space<hbm>> -> memref<1x2x128xi32, #tpu.memory_space<hbm>>
        %dma_wait3A_207 = tpu.memref_squeeze %dma_wait3A_206 : memref<1x2x128xi32, #tpu.memory_space<hbm>> -> memref<2x128xi32, #tpu.memory_space<hbm>>
        %dma_wait3A_208 = arith.constant 0 : i32
        %dma_wait3A_209 = arith.constant 0 : i32
        %dma_wait3A_210 = tpu.memref_slice %arg6[%rem3A_196, %dma_wait3A_208, %dma_wait3A_209] : memref<4x2x128xi32, #tpu.memory_space<vmem>> -> memref<1x2x128xi32, #tpu.memory_space<vmem>>
        %dma_wait3A_211 = tpu.memref_squeeze %dma_wait3A_210 : memref<1x2x128xi32, #tpu.memory_space<vmem>> -> memref<2x128xi32, #tpu.memory_space<vmem>>
        %dma_wait3A_212 = arith.constant 0 : i32
        %dma_wait3A_213 = arith.constant 0 : i32
        %dma_wait3A_214 = tpu.memref_slice %arg3[%add3A_199, %dma_wait3A_212, %dma_wait3A_213] : memref<2560x2x128xi32, #tpu.memory_space<hbm>> -> memref<1x2x128xi32, #tpu.memory_space<hbm>>
        %dma_wait3A_215 = tpu.memref_squeeze %dma_wait3A_214 : memref<1x2x128xi32, #tpu.memory_space<hbm>> -> memref<2x128xi32, #tpu.memory_space<hbm>>
        tpu.wait_dma2 semaphore(%arg9 : memref<!tpu.dma_semaphore, #tpu.memory_space<semaphore_mem>>) src(%dma_wait3A_215 : memref<2x128xi32, #tpu.memory_space<hbm>>) dst(%dma_wait3A_211 : memref<2x128xi32, #tpu.memory_space<vmem>>)
        %dma_start3A_216 = arith.constant 0 : i32
        %dma_start3A_217 = arith.constant 0 : i32
        %dma_start3A_218 = arith.constant 0 : i32
        %dma_start3A_219 = tpu.memref_slice %arg7[%rem3A_167, %dma_start3A_217, %dma_start3A_218] : memref<2x128x128xf32, #tpu.memory_space<vmem>> -> memref<1x128x128xf32, #tpu.memory_space<vmem>>
        %dma_start3A_220 = tpu.memref_squeeze %dma_start3A_219 : memref<1x128x128xf32, #tpu.memory_space<vmem>> -> memref<128x128xf32, #tpu.memory_space<vmem>>
        %dma_start3A_221 = arith.constant 0 : i32
        %dma_start3A_222 = tpu.memref_slice %arg6[%rem3A_196, %dma_start3A_216, %dma_start3A_221] : memref<4x2x128xi32, #tpu.memory_space<vmem>> -> memref<1x1x128xi32, #tpu.memory_space<vmem>>
        %dma_start3A_223 = tpu.memref_squeeze %dma_start3A_222 : memref<1x1x128xi32, #tpu.memory_space<vmem>> -> memref<128xi32, #tpu.memory_space<vmem>>
        %dma_start3A_224 = arith.constant 0 : i32
        %dma_start3A_225 = arith.constant 0 : i32
        %dma_start3A_226 = tpu.memref_slice %arg2[%dma_start3A_224, %dma_start3A_225] : memref<10000x128xf32, #tpu.memory_space<hbm>> -> memref<10000x128xf32, #tpu.memory_space<hbm>>
        tpu.enqueue_indirect_dma source(%dma_start3A_226 : memref<10000x128xf32, #tpu.memory_space<hbm>>) target(%dma_start3A_220 : memref<128x128xf32, #tpu.memory_space<vmem>>) offsets(%dma_start3A_223 : memref<128xi32, #tpu.memory_space<vmem>>) semaphore(%arg10 : memref<!tpu.dma_semaphore, #tpu.memory_space<semaphore_mem>>)
      } else {
      }
    }
    %while3A_157 = arith.constant 1 : i32
    scf.for %while3A_166 = %while3A_155 to %while3A_151 step %while3A_157  : i32 {
      %rem3A = arith.constant 2 : i32
      %rem3A_167 = arith.remsi %while3A_166, %rem3A : i32
      %rem3A_168 = arith.constant 4 : i32
      %rem3A_169 = arith.remsi %while3A_166, %rem3A_168 : i32
      %dma_wait3A_170 = arith.constant 0 : i32
      %dma_wait3A_171 = arith.constant 0 : i32
      %dma_wait3A_172 = arith.constant 0 : i32
      %dma_wait3A_173 = tpu.memref_slice %arg7[%rem3A_167, %dma_wait3A_171, %dma_wait3A_172] : memref<2x128x128xf32, #tpu.memory_space<vmem>> -> memref<1x128x128xf32, #tpu.memory_space<vmem>>
      %dma_wait3A_174 = tpu.memref_squeeze %dma_wait3A_173 : memref<1x128x128xf32, #tpu.memory_space<vmem>> -> memref<128x128xf32, #tpu.memory_space<vmem>>
      %dma_wait3A_175 = arith.constant 0 : i32
      %dma_wait3A_176 = tpu.memref_slice %arg6[%rem3A_169, %dma_wait3A_170, %dma_wait3A_175] : memref<4x2x128xi32, #tpu.memory_space<vmem>> -> memref<1x1x128xi32, #tpu.memory_space<vmem>>
      %dma_wait3A_177 = tpu.memref_squeeze %dma_wait3A_176 : memref<1x1x128xi32, #tpu.memory_space<vmem>> -> memref<128xi32, #tpu.memory_space<vmem>>
      %dma_wait3A_178 = arith.constant 0 : i32
      %dma_wait3A_179 = arith.constant 0 : i32
      %dma_wait3A_180 = tpu.memref_slice %arg2[%dma_wait3A_178, %dma_wait3A_179] : memref<10000x128xf32, #tpu.memory_space<hbm>> -> memref<10000x128xf32, #tpu.memory_space<hbm>>
      tpu.wait_indirect_dma semaphore(%arg10 : memref<!tpu.dma_semaphore, #tpu.memory_space<semaphore_mem>>) src(%dma_wait3A_180 : memref<10000x128xf32, #tpu.memory_space<hbm>>) dst(%dma_wait3A_174 : memref<128x128xf32, #tpu.memory_space<vmem>>)
      %run_scoped3A = arith.constant 1 : i32
      "tpu.region"() ({
        %run_scoped3A_193 = tpu.sem_alloc : memref<!tpu.dma_semaphore, #tpu.memory_space<semaphore_mem>>
        %dma_start3A_194 = arith.constant 0 : i32
        %dma_start3A_195 = arith.constant 0 : i32
        %dma_start3A_196 = tpu.memref_slice %arg7[%rem3A_167, %dma_start3A_194, %dma_start3A_195] : memref<2x128x128xf32, #tpu.memory_space<vmem>> -> memref<1x128x128xf32, #tpu.memory_space<vmem>>
        %dma_start3A_197 = tpu.memref_squeeze %dma_start3A_196 : memref<1x128x128xf32, #tpu.memory_space<vmem>> -> memref<128x128xf32, #tpu.memory_space<vmem>>
        %dma_start3A_198 = arith.constant 0 : i32
        %dma_start3A_199 = tpu.memref_slice %arg6[%rem3A_169, %run_scoped3A, %dma_start3A_198] : memref<4x2x128xi32, #tpu.memory_space<vmem>> -> memref<1x1x128xi32, #tpu.memory_space<vmem>>
        %dma_start3A_200 = tpu.memref_squeeze %dma_start3A_199 : memref<1x1x128xi32, #tpu.memory_space<vmem>> -> memref<128xi32, #tpu.memory_space<vmem>>
        %dma_start3A_201 = arith.constant 0 : i32
        %dma_start3A_202 = arith.constant 0 : i32
        %dma_start3A_203 = tpu.memref_slice %arg8[%dma_start3A_201, %dma_start3A_202] : memref<10240x128xf32, #tpu.memory_space<vmem_shared>> -> memref<10240x128xf32, #tpu.memory_space<vmem_shared>>
        tpu.enqueue_indirect_dma source(%dma_start3A_197 : memref<128x128xf32, #tpu.memory_space<vmem>>) target(%dma_start3A_203 : memref<10240x128xf32, #tpu.memory_space<vmem_shared>>) offsets(%dma_start3A_200 : memref<128xi32, #tpu.memory_space<vmem>>) semaphore(%run_scoped3A_193 : memref<!tpu.dma_semaphore, #tpu.memory_space<semaphore_mem>>) {add = true}
        %dma_wait3A_204 = arith.constant 0 : i32
        %dma_wait3A_205 = arith.constant 0 : i32
        %dma_wait3A_206 = tpu.memref_slice %arg7[%rem3A_167, %dma_wait3A_204, %dma_wait3A_205] : memref<2x128x128xf32, #tpu.memory_space<vmem>> -> memref<1x128x128xf32, #tpu.memory_space<vmem>>
        %dma_wait3A_207 = tpu.memref_squeeze %dma_wait3A_206 : memref<1x128x128xf32, #tpu.memory_space<vmem>> -> memref<128x128xf32, #tpu.memory_space<vmem>>
        %dma_wait3A_208 = arith.constant 0 : i32
        %dma_wait3A_209 = tpu.memref_slice %arg6[%rem3A_169, %run_scoped3A, %dma_wait3A_208] : memref<4x2x128xi32, #tpu.memory_space<vmem>> -> memref<1x1x128xi32, #tpu.memory_space<vmem>>
        %dma_wait3A_210 = tpu.memref_squeeze %dma_wait3A_209 : memref<1x1x128xi32, #tpu.memory_space<vmem>> -> memref<128xi32, #tpu.memory_space<vmem>>
        %dma_wait3A_211 = arith.constant 0 : i32
        %dma_wait3A_212 = arith.constant 0 : i32
        %dma_wait3A_213 = tpu.memref_slice %arg8[%dma_wait3A_211, %dma_wait3A_212] : memref<10240x128xf32, #tpu.memory_space<vmem_shared>> -> memref<10240x128xf32, #tpu.memory_space<vmem_shared>>
        tpu.wait_indirect_dma semaphore(%run_scoped3A_193 : memref<!tpu.dma_semaphore, #tpu.memory_space<semaphore_mem>>) src(%dma_wait3A_207 : memref<128x128xf32, #tpu.memory_space<vmem>>) dst(%dma_wait3A_213 : memref<10240x128xf32, #tpu.memory_space<vmem_shared>>)
        tpu.yield
      }) : () -> ()
      %add3A_181 = arith.constant 4 : i32
      %add3A_182 = arith.addi %while3A_166, %add3A_181 : i32
      %lt3A_183 = arith.cmpi slt, %add3A_182, %select_n3A_8 : i32
      %convert_element_type3A_184 = arith.extui %lt3A_183 : i1 to i32
      %cond3A_185 = arith.constant 0 : i32
      %cond3A_186 = arith.cmpi ne, %convert_element_type3A_184, %cond3A_185 : i32
      scf.if %cond3A_186 {
        %add3A_193 = arith.addi %select_n3A, %while3A_166 : i32
        %add3A_194 = arith.constant 4 : i32
        %add3A_195 = arith.addi %add3A_193, %add3A_194 : i32
        %dma_start3A_196 = arith.constant 0 : i32
        %dma_start3A_197 = arith.constant 0 : i32
        %dma_start3A_198 = tpu.memref_slice %arg6[%rem3A_169, %dma_start3A_196, %dma_start3A_197] : memref<4x2x128xi32, #tpu.memory_space<vmem>> -> memref<1x2x128xi32, #tpu.memory_space<vmem>>
        %dma_start3A_199 = tpu.memref_squeeze %dma_start3A_198 : memref<1x2x128xi32, #tpu.memory_space<vmem>> -> memref<2x128xi32, #tpu.memory_space<vmem>>
        %dma_start3A_200 = arith.constant 0 : i32
        %dma_start3A_201 = arith.constant 0 : i32
        %dma_start3A_202 = tpu.memref_slice %arg3[%add3A_195, %dma_start3A_200, %dma_start3A_201] : memref<2560x2x128xi32, #tpu.memory_space<hbm>> -> memref<1x2x128xi32, #tpu.memory_space<hbm>>
        %dma_start3A_203 = tpu.memref_squeeze %dma_start3A_202 : memref<1x2x128xi32, #tpu.memory_space<hbm>> -> memref<2x128xi32, #tpu.memory_space<hbm>>
        %dma_start3A_204 = arith.constant 0 : i32
        %dma_start3A_205 = arith.constant 0 : i32
        %dma_start3A_206 = tpu.memref_slice %arg6[%rem3A_169, %dma_start3A_204, %dma_start3A_205] : memref<4x2x128xi32, #tpu.memory_space<vmem>> -> memref<1x2x128xi32, #tpu.memory_space<vmem>>
        %dma_start3A_207 = tpu.memref_squeeze %dma_start3A_206 : memref<1x2x128xi32, #tpu.memory_space<vmem>> -> memref<2x128xi32, #tpu.memory_space<vmem>>
        %dma_start3A_208 = arith.constant 0 : i32
        %dma_start3A_209 = arith.constant 0 : i32
        %dma_start3A_210 = tpu.memref_slice %arg3[%add3A_195, %dma_start3A_208, %dma_start3A_209] : memref<2560x2x128xi32, #tpu.memory_space<hbm>> -> memref<1x2x128xi32, #tpu.memory_space<hbm>>
        %dma_start3A_211 = tpu.memref_squeeze %dma_start3A_210 : memref<1x2x128xi32, #tpu.memory_space<hbm>> -> memref<2x128xi32, #tpu.memory_space<hbm>>
        tpu.enqueue_dma source(%dma_start3A_211 : memref<2x128xi32, #tpu.memory_space<hbm>>) target(%dma_start3A_207 : memref<2x128xi32, #tpu.memory_space<vmem>>) target_semaphore(%arg9 : memref<!tpu.dma_semaphore, #tpu.memory_space<semaphore_mem>>)
      } else {
      }
      %add3A_187 = arith.constant 2 : i32
      %add3A_188 = arith.addi %while3A_166, %add3A_187 : i32
      %lt3A_189 = arith.cmpi slt, %add3A_188, %select_n3A_8 : i32
      %convert_element_type3A_190 = arith.extui %lt3A_189 : i1 to i32
      %cond3A_191 = arith.constant 0 : i32
      %cond3A_192 = arith.cmpi ne, %convert_element_type3A_190, %cond3A_191 : i32
      scf.if %cond3A_192 {
        %add3A_193 = arith.constant 2 : i32
        %add3A_194 = arith.addi %while3A_166, %add3A_193 : i32
        %rem3A_195 = arith.constant 4 : i32
        %rem3A_196 = arith.remsi %add3A_194, %rem3A_195 : i32
        %add3A_197 = arith.addi %select_n3A, %while3A_166 : i32
        %add3A_198 = arith.constant 2 : i32
        %add3A_199 = arith.addi %add3A_197, %add3A_198 : i32
        %dma_wait3A_200 = arith.constant 0 : i32
        %dma_wait3A_201 = arith.constant 0 : i32
        %dma_wait3A_202 = tpu.memref_slice %arg6[%rem3A_196, %dma_wait3A_200, %dma_wait3A_201] : memref<4x2x128xi32, #tpu.memory_space<vmem>> -> memref<1x2x128xi32, #tpu.memory_space<vmem>>
        %dma_wait3A_203 = tpu.memref_squeeze %dma_wait3A_202 : memref<1x2x128xi32, #tpu.memory_space<vmem>> -> memref<2x128xi32, #tpu.memory_space<vmem>>
        %dma_wait3A_204 = arith.constant 0 : i32
        %dma_wait3A_205 = arith.constant 0 : i32
        %dma_wait3A_206 = tpu.memref_slice %arg3[%add3A_199, %dma_wait3A_204, %dma_wait3A_205] : memref<2560x2x128xi32, #tpu.memory_space<hbm>> -> memref<1x2x128xi32, #tpu.memory_space<hbm>>
        %dma_wait3A_207 = tpu.memref_squeeze %dma_wait3A_206 : memref<1x2x128xi32, #tpu.memory_space<hbm>> -> memref<2x128xi32, #tpu.memory_space<hbm>>
        %dma_wait3A_208 = arith.constant 0 : i32
        %dma_wait3A_209 = arith.constant 0 : i32
        %dma_wait3A_210 = tpu.memref_slice %arg6[%rem3A_196, %dma_wait3A_208, %dma_wait3A_209] : memref<4x2x128xi32, #tpu.memory_space<vmem>> -> memref<1x2x128xi32, #tpu.memory_space<vmem>>
        %dma_wait3A_211 = tpu.memref_squeeze %dma_wait3A_210 : memref<1x2x128xi32, #tpu.memory_space<vmem>> -> memref<2x128xi32, #tpu.memory_space<vmem>>
        %dma_wait3A_212 = arith.constant 0 : i32
        %dma_wait3A_213 = arith.constant 0 : i32
        %dma_wait3A_214 = tpu.memref_slice %arg3[%add3A_199, %dma_wait3A_212, %dma_wait3A_213] : memref<2560x2x128xi32, #tpu.memory_space<hbm>> -> memref<1x2x128xi32, #tpu.memory_space<hbm>>
        %dma_wait3A_215 = tpu.memref_squeeze %dma_wait3A_214 : memref<1x2x128xi32, #tpu.memory_space<hbm>> -> memref<2x128xi32, #tpu.memory_space<hbm>>
        tpu.wait_dma2 semaphore(%arg9 : memref<!tpu.dma_semaphore, #tpu.memory_space<semaphore_mem>>) src(%dma_wait3A_215 : memref<2x128xi32, #tpu.memory_space<hbm>>) dst(%dma_wait3A_211 : memref<2x128xi32, #tpu.memory_space<vmem>>)
        %dma_start3A_216 = arith.constant 0 : i32
        %dma_start3A_217 = arith.constant 0 : i32
        %dma_start3A_218 = arith.constant 0 : i32
        %dma_start3A_219 = tpu.memref_slice %arg7[%rem3A_167, %dma_start3A_217, %dma_start3A_218] : memref<2x128x128xf32, #tpu.memory_space<vmem>> -> memref<1x128x128xf32, #tpu.memory_space<vmem>>
        %dma_start3A_220 = tpu.memref_squeeze %dma_start3A_219 : memref<1x128x128xf32, #tpu.memory_space<vmem>> -> memref<128x128xf32, #tpu.memory_space<vmem>>
        %dma_start3A_221 = arith.constant 0 : i32
        %dma_start3A_222 = tpu.memref_slice %arg6[%rem3A_196, %dma_start3A_216, %dma_start3A_221] : memref<4x2x128xi32, #tpu.memory_space<vmem>> -> memref<1x1x128xi32, #tpu.memory_space<vmem>>
        %dma_start3A_223 = tpu.memref_squeeze %dma_start3A_222 : memref<1x1x128xi32, #tpu.memory_space<vmem>> -> memref<128xi32, #tpu.memory_space<vmem>>
        %dma_start3A_224 = arith.constant 0 : i32
        %dma_start3A_225 = arith.constant 0 : i32
        %dma_start3A_226 = tpu.memref_slice %arg2[%dma_start3A_224, %dma_start3A_225] : memref<10000x128xf32, #tpu.memory_space<hbm>> -> memref<10000x128xf32, #tpu.memory_space<hbm>>
        tpu.enqueue_indirect_dma source(%dma_start3A_226 : memref<10000x128xf32, #tpu.memory_space<hbm>>) target(%dma_start3A_220 : memref<128x128xf32, #tpu.memory_space<vmem>>) offsets(%dma_start3A_223 : memref<128xi32, #tpu.memory_space<vmem>>) semaphore(%arg10 : memref<!tpu.dma_semaphore, #tpu.memory_space<semaphore_mem>>)
      } else {
      }
    }
    %barrier3A_158 = arith.constant 0 : index
    tpu.barrier barrier_id(%barrier3A_158)
    %lt3A = arith.constant 15 : i32
    %lt3A_159 = arith.cmpi slt, %arg1, %lt3A : i32
    %convert_element_type3A = arith.extui %lt3A_159 : i1 to i32
    %cond3A = arith.constant 0 : i32
    %cond3A_160 = arith.cmpi ne, %convert_element_type3A, %cond3A : i32
    scf.if %cond3A_160 {
      %mul3A_166 = arith.constant 640 : i32
      %mul3A_167 = arith.muli %arg1, %mul3A_166 : i32
      %mul3A_168 = arith.constant 640 : i32
      %mul3A_169 = arith.muli %arg1, %mul3A_168 : i32
      "tpu.region"() ({
        %run_scoped3A = tpu.sem_alloc : memref<!tpu.dma_semaphore, #tpu.memory_space<semaphore_mem>>
        %dma_start3A_170 = arith.constant 0 : i32
        %dma_start3A_171 = tpu.memref_slice %arg5[%arg0, %mul3A_169, %dma_start3A_170] : memref<2x10000x128xf32, #tpu.memory_space<hbm>> -> memref<1x640x128xf32, #tpu.memory_space<hbm>>
        %dma_start3A_172 = tpu.memref_squeeze %dma_start3A_171 : memref<1x640x128xf32, #tpu.memory_space<hbm>> -> memref<640x128xf32, #tpu.memory_space<hbm>>
        %dma_start3A_173 = arith.constant 0 : i32
        %dma_start3A_174 = tpu.memref_slice %arg8[%mul3A_167, %dma_start3A_173] : memref<10240x128xf32, #tpu.memory_space<vmem_shared>> -> memref<640x128xf32, #tpu.memory_space<vmem_shared>>
        tpu.enqueue_dma source(%dma_start3A_174 : memref<640x128xf32, #tpu.memory_space<vmem_shared>>) target(%dma_start3A_172 : memref<640x128xf32, #tpu.memory_space<hbm>>) target_semaphore(%run_scoped3A : memref<!tpu.dma_semaphore, #tpu.memory_space<semaphore_mem>>)
        %dma_wait3A_175 = arith.constant 0 : i32
        %dma_wait3A_176 = tpu.memref_slice %arg5[%arg0, %mul3A_169, %dma_wait3A_175] : memref<2x10000x128xf32, #tpu.memory_space<hbm>> -> memref<1x640x128xf32, #tpu.memory_space<hbm>>
        %dma_wait3A_177 = tpu.memref_squeeze %dma_wait3A_176 : memref<1x640x128xf32, #tpu.memory_space<hbm>> -> memref<640x128xf32, #tpu.memory_space<hbm>>
        %dma_wait3A_178 = arith.constant 0 : i32
        %dma_wait3A_179 = tpu.memref_slice %arg8[%mul3A_167, %dma_wait3A_178] : memref<10240x128xf32, #tpu.memory_space<vmem_shared>> -> memref<640x128xf32, #tpu.memory_space<vmem_shared>>
        tpu.wait_dma2 semaphore(%run_scoped3A : memref<!tpu.dma_semaphore, #tpu.memory_space<semaphore_mem>>) src(%dma_wait3A_179 : memref<640x128xf32, #tpu.memory_space<vmem_shared>>) dst(%dma_wait3A_177 : memref<640x128xf32, #tpu.memory_space<hbm>>)
        tpu.yield
      }) : () -> ()
    } else {
    }
    %eq3A_161 = arith.constant 15 : i32
    %eq3A_162 = arith.cmpi eq, %arg1, %eq3A_161 : i32
    %convert_element_type3A_163 = arith.extui %eq3A_162 : i1 to i32
    %cond3A_164 = arith.constant 0 : i32
    %cond3A_165 = arith.cmpi ne, %convert_element_type3A_163, %cond3A_164 : i32
    scf.if %cond3A_165 {
      "tpu.region"() ({
        %run_scoped3A = tpu.sem_alloc : memref<!tpu.dma_semaphore, #tpu.memory_space<semaphore_mem>>
        %dma_start3A_166 = arith.constant 9600 : i32
        %dma_start3A_167 = arith.constant 0 : i32
        %dma_start3A_168 = tpu.memref_slice %arg5[%arg0, %dma_start3A_166, %dma_start3A_167] : memref<2x10000x128xf32, #tpu.memory_space<hbm>> -> memref<1x400x128xf32, #tpu.memory_space<hbm>>
        %dma_start3A_169 = tpu.memref_squeeze %dma_start3A_168 : memref<1x400x128xf32, #tpu.memory_space<hbm>> -> memref<400x128xf32, #tpu.memory_space<hbm>>
        %dma_start3A_170 = arith.constant 9600 : i32
        %dma_start3A_171 = arith.constant 0 : i32
        %dma_start3A_172 = tpu.memref_slice %arg8[%dma_start3A_170, %dma_start3A_171] : memref<10240x128xf32, #tpu.memory_space<vmem_shared>> -> memref<400x128xf32, #tpu.memory_space<vmem_shared>>
        tpu.enqueue_dma source(%dma_start3A_172 : memref<400x128xf32, #tpu.memory_space<vmem_shared>>) target(%dma_start3A_169 : memref<400x128xf32, #tpu.memory_space<hbm>>) target_semaphore(%run_scoped3A : memref<!tpu.dma_semaphore, #tpu.memory_space<semaphore_mem>>)
        %dma_wait3A_173 = arith.constant 9600 : i32
        %dma_wait3A_174 = arith.constant 0 : i32
        %dma_wait3A_175 = tpu.memref_slice %arg5[%arg0, %dma_wait3A_173, %dma_wait3A_174] : memref<2x10000x128xf32, #tpu.memory_space<hbm>> -> memref<1x400x128xf32, #tpu.memory_space<hbm>>
        %dma_wait3A_176 = tpu.memref_squeeze %dma_wait3A_175 : memref<1x400x128xf32, #tpu.memory_space<hbm>> -> memref<400x128xf32, #tpu.memory_space<hbm>>
        %dma_wait3A_177 = arith.constant 9600 : i32
        %dma_wait3A_178 = arith.constant 0 : i32
        %dma_wait3A_179 = tpu.memref_slice %arg8[%dma_wait3A_177, %dma_wait3A_178] : memref<10240x128xf32, #tpu.memory_space<vmem_shared>> -> memref<400x128xf32, #tpu.memory_space<vmem_shared>>
        tpu.wait_dma2 semaphore(%run_scoped3A : memref<!tpu.dma_semaphore, #tpu.memory_space<semaphore_mem>>) src(%dma_wait3A_179 : memref<400x128xf32, #tpu.memory_space<vmem_shared>>) dst(%dma_wait3A_176 : memref<400x128xf32, #tpu.memory_space<hbm>>)
        tpu.yield
      }) : () -> ()
    } else {
    }
    return
  }
}

#map = affine_map<(d0, d1) -> (0, 0)>
#map1 = affine_map<(d0, d1) -> (0, 0, 0)>
module attributes {stable_mosaic.version = 14 : i64} {
  func.func @_msgpass_body(%arg0: i32, %arg1: i32, %arg2: memref<10000x128xf32, #tpu.memory_space<hbm>>, %arg3: memref<2560x2x128xi32, #tpu.memory_space<hbm>>, %arg4: memref<640x128xf32, #tpu.memory_space<hbm>>, %arg5: memref<2x10000x128xf32, #tpu.memory_space<hbm>>, %arg6: memref<4x2x128xi32, #tpu.memory_space<vmem>>, %arg7: memref<2x128x128xf32, #tpu.memory_space<vmem>>, %arg8: memref<10240x128xf32, #tpu.memory_space<vmem_shared>>, %arg9: memref<!tpu.dma_semaphore, #tpu.memory_space<semaphore_mem>>, %arg10: memref<!tpu.dma_semaphore, #tpu.memory_space<semaphore_mem>>) attributes {dimension_semantics = [#tpu.dimension_semantics<core_parallel>, #tpu.dimension_semantics<subcore_parallel>], iteration_bounds = array<i64: 2, 16>, scalar_prefetch = 0 : i64, scratch_operands = 5 : i64, tpu.core_type = #tpu.core_type<sc_vector_subcore>, window_params = [{transform_indices = #map}, {transform_indices = #map1}, {transform_indices = #map}, {transform_indices = #map1}]} {
    %eq3A = arith.constant 0 : i32
    %eq3A_0 = arith.cmpi eq, %arg0, %eq3A : i32
    %mul3A = arith.constant 123 : i32
    %mul3A_1 = arith.muli %arg1, %mul3A : i32
    %mul3A_2 = arith.constant 37 : i32
    %mul3A_3 = arith.muli %arg1, %mul3A_2 : i32
    %add3A = arith.constant 1968 : i32
    %add3A_4 = arith.addi %add3A, %mul3A_3 : i32
    %select_n3A = arith.select %eq3A_0, %mul3A_1, %add3A_4 : i32
    %eq3A_5 = arith.constant 0 : i32
    %eq3A_6 = arith.cmpi eq, %arg0, %eq3A_5 : i32
    %jit3A = arith.constant 123 : i32
    %jit3A_7 = arith.constant 37 : i32
    %select_n3A_8 = arith.select %eq3A_6, %jit3A, %jit3A_7 : i32
    %mul3A_9 = arith.constant 640 : i32
    %mul3A_10 = arith.muli %arg1, %mul3A_9 : i32
    "tpu.region"() ({
      %run_scoped3A = tpu.sem_alloc : memref<!tpu.dma_semaphore, #tpu.memory_space<semaphore_mem>>
      %dma_start3A_166 = arith.constant 0 : i32
      %dma_start3A_167 = tpu.memref_slice %arg8[%mul3A_10, %dma_start3A_166] : memref<10240x128xf32, #tpu.memory_space<vmem_shared>> -> memref<640x128xf32, #tpu.memory_space<vmem_shared>>
      tpu.enqueue_dma source(%arg4 : memref<640x128xf32, #tpu.memory_space<hbm>>) target(%dma_start3A_167 : memref<640x128xf32, #tpu.memory_space<vmem_shared>>) target_semaphore(%run_scoped3A : memref<!tpu.dma_semaphore, #tpu.memory_space<semaphore_mem>>)
      %dma_wait3A_168 = arith.constant 0 : i32
      %dma_wait3A_169 = tpu.memref_slice %arg8[%mul3A_10, %dma_wait3A_168] : memref<10240x128xf32, #tpu.memory_space<vmem_shared>> -> memref<640x128xf32, #tpu.memory_space<vmem_shared>>
      tpu.wait_dma2 semaphore(%run_scoped3A : memref<!tpu.dma_semaphore, #tpu.memory_space<semaphore_mem>>) src(%arg4 : memref<640x128xf32, #tpu.memory_space<hbm>>) dst(%dma_wait3A_169 : memref<640x128xf32, #tpu.memory_space<vmem_shared>>)
      tpu.yield
    }) : () -> ()
    %add3A_11 = arith.constant 0 : i32
    %add3A_12 = arith.addi %select_n3A, %add3A_11 : i32
    %dma_start3A = arith.constant 0 : i32
    %dma_start3A_13 = arith.constant 0 : i32
    %dma_start3A_14 = arith.constant 0 : i32
    %dma_start3A_15 = tpu.memref_slice %arg6[%dma_start3A, %dma_start3A_13, %dma_start3A_14] : memref<4x2x128xi32, #tpu.memory_space<vmem>> -> memref<1x2x128xi32, #tpu.memory_space<vmem>>
    %dma_start3A_16 = tpu.memref_squeeze %dma_start3A_15 : memref<1x2x128xi32, #tpu.memory_space<vmem>> -> memref<2x128xi32, #tpu.memory_space<vmem>>
    %dma_start3A_17 = arith.constant 0 : i32
    %dma_start3A_18 = arith.constant 0 : i32
    %dma_start3A_19 = tpu.memref_slice %arg3[%add3A_12, %dma_start3A_17, %dma_start3A_18] : memref<2560x2x128xi32, #tpu.memory_space<hbm>> -> memref<1x2x128xi32, #tpu.memory_space<hbm>>
    %dma_start3A_20 = tpu.memref_squeeze %dma_start3A_19 : memref<1x2x128xi32, #tpu.memory_space<hbm>> -> memref<2x128xi32, #tpu.memory_space<hbm>>
    %dma_start3A_21 = arith.constant 0 : i32
    %dma_start3A_22 = arith.constant 0 : i32
    %dma_start3A_23 = tpu.memref_slice %arg6[%dma_start3A, %dma_start3A_21, %dma_start3A_22] : memref<4x2x128xi32, #tpu.memory_space<vmem>> -> memref<1x2x128xi32, #tpu.memory_space<vmem>>
    %dma_start3A_24 = tpu.memref_squeeze %dma_start3A_23 : memref<1x2x128xi32, #tpu.memory_space<vmem>> -> memref<2x128xi32, #tpu.memory_space<vmem>>
    %dma_start3A_25 = arith.constant 0 : i32
    %dma_start3A_26 = arith.constant 0 : i32
    %dma_start3A_27 = tpu.memref_slice %arg3[%add3A_12, %dma_start3A_25, %dma_start3A_26] : memref<2560x2x128xi32, #tpu.memory_space<hbm>> -> memref<1x2x128xi32, #tpu.memory_space<hbm>>
    %dma_start3A_28 = tpu.memref_squeeze %dma_start3A_27 : memref<1x2x128xi32, #tpu.memory_space<hbm>> -> memref<2x128xi32, #tpu.memory_space<hbm>>
    tpu.enqueue_dma source(%dma_start3A_28 : memref<2x128xi32, #tpu.memory_space<hbm>>) target(%dma_start3A_24 : memref<2x128xi32, #tpu.memory_space<vmem>>) target_semaphore(%arg9 : memref<!tpu.dma_semaphore, #tpu.memory_space<semaphore_mem>>)
    %add3A_29 = arith.constant 1 : i32
    %add3A_30 = arith.addi %select_n3A, %add3A_29 : i32
    %dma_start3A_31 = arith.constant 1 : i32
    %dma_start3A_32 = arith.constant 0 : i32
    %dma_start3A_33 = arith.constant 0 : i32
    %dma_start3A_34 = tpu.memref_slice %arg6[%dma_start3A_31, %dma_start3A_32, %dma_start3A_33] : memref<4x2x128xi32, #tpu.memory_space<vmem>> -> memref<1x2x128xi32, #tpu.memory_space<vmem>>
    %dma_start3A_35 = tpu.memref_squeeze %dma_start3A_34 : memref<1x2x128xi32, #tpu.memory_space<vmem>> -> memref<2x128xi32, #tpu.memory_space<vmem>>
    %dma_start3A_36 = arith.constant 0 : i32
    %dma_start3A_37 = arith.constant 0 : i32
    %dma_start3A_38 = tpu.memref_slice %arg3[%add3A_30, %dma_start3A_36, %dma_start3A_37] : memref<2560x2x128xi32, #tpu.memory_space<hbm>> -> memref<1x2x128xi32, #tpu.memory_space<hbm>>
    %dma_start3A_39 = tpu.memref_squeeze %dma_start3A_38 : memref<1x2x128xi32, #tpu.memory_space<hbm>> -> memref<2x128xi32, #tpu.memory_space<hbm>>
    %dma_start3A_40 = arith.constant 0 : i32
    %dma_start3A_41 = arith.constant 0 : i32
    %dma_start3A_42 = tpu.memref_slice %arg6[%dma_start3A_31, %dma_start3A_40, %dma_start3A_41] : memref<4x2x128xi32, #tpu.memory_space<vmem>> -> memref<1x2x128xi32, #tpu.memory_space<vmem>>
    %dma_start3A_43 = tpu.memref_squeeze %dma_start3A_42 : memref<1x2x128xi32, #tpu.memory_space<vmem>> -> memref<2x128xi32, #tpu.memory_space<vmem>>
    %dma_start3A_44 = arith.constant 0 : i32
    %dma_start3A_45 = arith.constant 0 : i32
    %dma_start3A_46 = tpu.memref_slice %arg3[%add3A_30, %dma_start3A_44, %dma_start3A_45] : memref<2560x2x128xi32, #tpu.memory_space<hbm>> -> memref<1x2x128xi32, #tpu.memory_space<hbm>>
    %dma_start3A_47 = tpu.memref_squeeze %dma_start3A_46 : memref<1x2x128xi32, #tpu.memory_space<hbm>> -> memref<2x128xi32, #tpu.memory_space<hbm>>
    tpu.enqueue_dma source(%dma_start3A_47 : memref<2x128xi32, #tpu.memory_space<hbm>>) target(%dma_start3A_43 : memref<2x128xi32, #tpu.memory_space<vmem>>) target_semaphore(%arg9 : memref<!tpu.dma_semaphore, #tpu.memory_space<semaphore_mem>>)
    %add3A_48 = arith.constant 2 : i32
    %add3A_49 = arith.addi %select_n3A, %add3A_48 : i32
    %dma_start3A_50 = arith.constant 2 : i32
    %dma_start3A_51 = arith.constant 0 : i32
    %dma_start3A_52 = arith.constant 0 : i32
    %dma_start3A_53 = tpu.memref_slice %arg6[%dma_start3A_50, %dma_start3A_51, %dma_start3A_52] : memref<4x2x128xi32, #tpu.memory_space<vmem>> -> memref<1x2x128xi32, #tpu.memory_space<vmem>>
    %dma_start3A_54 = tpu.memref_squeeze %dma_start3A_53 : memref<1x2x128xi32, #tpu.memory_space<vmem>> -> memref<2x128xi32, #tpu.memory_space<vmem>>
    %dma_start3A_55 = arith.constant 0 : i32
    %dma_start3A_56 = arith.constant 0 : i32
    %dma_start3A_57 = tpu.memref_slice %arg3[%add3A_49, %dma_start3A_55, %dma_start3A_56] : memref<2560x2x128xi32, #tpu.memory_space<hbm>> -> memref<1x2x128xi32, #tpu.memory_space<hbm>>
    %dma_start3A_58 = tpu.memref_squeeze %dma_start3A_57 : memref<1x2x128xi32, #tpu.memory_space<hbm>> -> memref<2x128xi32, #tpu.memory_space<hbm>>
    %dma_start3A_59 = arith.constant 0 : i32
    %dma_start3A_60 = arith.constant 0 : i32
    %dma_start3A_61 = tpu.memref_slice %arg6[%dma_start3A_50, %dma_start3A_59, %dma_start3A_60] : memref<4x2x128xi32, #tpu.memory_space<vmem>> -> memref<1x2x128xi32, #tpu.memory_space<vmem>>
    %dma_start3A_62 = tpu.memref_squeeze %dma_start3A_61 : memref<1x2x128xi32, #tpu.memory_space<vmem>> -> memref<2x128xi32, #tpu.memory_space<vmem>>
    %dma_start3A_63 = arith.constant 0 : i32
    %dma_start3A_64 = arith.constant 0 : i32
    %dma_start3A_65 = tpu.memref_slice %arg3[%add3A_49, %dma_start3A_63, %dma_start3A_64] : memref<2560x2x128xi32, #tpu.memory_space<hbm>> -> memref<1x2x128xi32, #tpu.memory_space<hbm>>
    %dma_start3A_66 = tpu.memref_squeeze %dma_start3A_65 : memref<1x2x128xi32, #tpu.memory_space<hbm>> -> memref<2x128xi32, #tpu.memory_space<hbm>>
    tpu.enqueue_dma source(%dma_start3A_66 : memref<2x128xi32, #tpu.memory_space<hbm>>) target(%dma_start3A_62 : memref<2x128xi32, #tpu.memory_space<vmem>>) target_semaphore(%arg9 : memref<!tpu.dma_semaphore, #tpu.memory_space<semaphore_mem>>)
    %add3A_67 = arith.constant 3 : i32
    %add3A_68 = arith.addi %select_n3A, %add3A_67 : i32
    %dma_start3A_69 = arith.constant 3 : i32
    %dma_start3A_70 = arith.constant 0 : i32
    %dma_start3A_71 = arith.constant 0 : i32
    %dma_start3A_72 = tpu.memref_slice %arg6[%dma_start3A_69, %dma_start3A_70, %dma_start3A_71] : memref<4x2x128xi32, #tpu.memory_space<vmem>> -> memref<1x2x128xi32, #tpu.memory_space<vmem>>
    %dma_start3A_73 = tpu.memref_squeeze %dma_start3A_72 : memref<1x2x128xi32, #tpu.memory_space<vmem>> -> memref<2x128xi32, #tpu.memory_space<vmem>>
    %dma_start3A_74 = arith.constant 0 : i32
    %dma_start3A_75 = arith.constant 0 : i32
    %dma_start3A_76 = tpu.memref_slice %arg3[%add3A_68, %dma_start3A_74, %dma_start3A_75] : memref<2560x2x128xi32, #tpu.memory_space<hbm>> -> memref<1x2x128xi32, #tpu.memory_space<hbm>>
    %dma_start3A_77 = tpu.memref_squeeze %dma_start3A_76 : memref<1x2x128xi32, #tpu.memory_space<hbm>> -> memref<2x128xi32, #tpu.memory_space<hbm>>
    %dma_start3A_78 = arith.constant 0 : i32
    %dma_start3A_79 = arith.constant 0 : i32
    %dma_start3A_80 = tpu.memref_slice %arg6[%dma_start3A_69, %dma_start3A_78, %dma_start3A_79] : memref<4x2x128xi32, #tpu.memory_space<vmem>> -> memref<1x2x128xi32, #tpu.memory_space<vmem>>
    %dma_start3A_81 = tpu.memref_squeeze %dma_start3A_80 : memref<1x2x128xi32, #tpu.memory_space<vmem>> -> memref<2x128xi32, #tpu.memory_space<vmem>>
    %dma_start3A_82 = arith.constant 0 : i32
    %dma_start3A_83 = arith.constant 0 : i32
    %dma_start3A_84 = tpu.memref_slice %arg3[%add3A_68, %dma_start3A_82, %dma_start3A_83] : memref<2560x2x128xi32, #tpu.memory_space<hbm>> -> memref<1x2x128xi32, #tpu.memory_space<hbm>>
    %dma_start3A_85 = tpu.memref_squeeze %dma_start3A_84 : memref<1x2x128xi32, #tpu.memory_space<hbm>> -> memref<2x128xi32, #tpu.memory_space<hbm>>
    tpu.enqueue_dma source(%dma_start3A_85 : memref<2x128xi32, #tpu.memory_space<hbm>>) target(%dma_start3A_81 : memref<2x128xi32, #tpu.memory_space<vmem>>) target_semaphore(%arg9 : memref<!tpu.dma_semaphore, #tpu.memory_space<semaphore_mem>>)
    %barrier3A = arith.constant 0 : index
    tpu.barrier barrier_id(%barrier3A)
    %add3A_86 = arith.constant 0 : i32
    %add3A_87 = arith.addi %select_n3A, %add3A_86 : i32
    %dma_wait3A = arith.constant 0 : i32
    %dma_wait3A_88 = arith.constant 0 : i32
    %dma_wait3A_89 = arith.constant 0 : i32
    %dma_wait3A_90 = tpu.memref_slice %arg6[%dma_wait3A, %dma_wait3A_88, %dma_wait3A_89] : memref<4x2x128xi32, #tpu.memory_space<vmem>> -> memref<1x2x128xi32, #tpu.memory_space<vmem>>
    %dma_wait3A_91 = tpu.memref_squeeze %dma_wait3A_90 : memref<1x2x128xi32, #tpu.memory_space<vmem>> -> memref<2x128xi32, #tpu.memory_space<vmem>>
    %dma_wait3A_92 = arith.constant 0 : i32
    %dma_wait3A_93 = arith.constant 0 : i32
    %dma_wait3A_94 = tpu.memref_slice %arg3[%add3A_87, %dma_wait3A_92, %dma_wait3A_93] : memref<2560x2x128xi32, #tpu.memory_space<hbm>> -> memref<1x2x128xi32, #tpu.memory_space<hbm>>
    %dma_wait3A_95 = tpu.memref_squeeze %dma_wait3A_94 : memref<1x2x128xi32, #tpu.memory_space<hbm>> -> memref<2x128xi32, #tpu.memory_space<hbm>>
    %dma_wait3A_96 = arith.constant 0 : i32
    %dma_wait3A_97 = arith.constant 0 : i32
    %dma_wait3A_98 = tpu.memref_slice %arg6[%dma_wait3A, %dma_wait3A_96, %dma_wait3A_97] : memref<4x2x128xi32, #tpu.memory_space<vmem>> -> memref<1x2x128xi32, #tpu.memory_space<vmem>>
    %dma_wait3A_99 = tpu.memref_squeeze %dma_wait3A_98 : memref<1x2x128xi32, #tpu.memory_space<vmem>> -> memref<2x128xi32, #tpu.memory_space<vmem>>
    %dma_wait3A_100 = arith.constant 0 : i32
    %dma_wait3A_101 = arith.constant 0 : i32
    %dma_wait3A_102 = tpu.memref_slice %arg3[%add3A_87, %dma_wait3A_100, %dma_wait3A_101] : memref<2560x2x128xi32, #tpu.memory_space<hbm>> -> memref<1x2x128xi32, #tpu.memory_space<hbm>>
    %dma_wait3A_103 = tpu.memref_squeeze %dma_wait3A_102 : memref<1x2x128xi32, #tpu.memory_space<hbm>> -> memref<2x128xi32, #tpu.memory_space<hbm>>
    tpu.wait_dma2 semaphore(%arg9 : memref<!tpu.dma_semaphore, #tpu.memory_space<semaphore_mem>>) src(%dma_wait3A_103 : memref<2x128xi32, #tpu.memory_space<hbm>>) dst(%dma_wait3A_99 : memref<2x128xi32, #tpu.memory_space<vmem>>)
    %dma_start3A_104 = arith.constant 0 : i32
    %dma_start3A_105 = arith.constant 0 : i32
    %dma_start3A_106 = arith.constant 0 : i32
    %dma_start3A_107 = arith.constant 0 : i32
    %dma_start3A_108 = arith.constant 0 : i32
    %dma_start3A_109 = tpu.memref_slice %arg7[%dma_start3A_106, %dma_start3A_107, %dma_start3A_108] : memref<2x128x128xf32, #tpu.memory_space<vmem>> -> memref<1x128x128xf32, #tpu.memory_space<vmem>>
    %dma_start3A_110 = tpu.memref_squeeze %dma_start3A_109 : memref<1x128x128xf32, #tpu.memory_space<vmem>> -> memref<128x128xf32, #tpu.memory_space<vmem>>
    %dma_start3A_111 = arith.constant 0 : i32
    %dma_start3A_112 = tpu.memref_slice %arg6[%dma_start3A_104, %dma_start3A_105, %dma_start3A_111] : memref<4x2x128xi32, #tpu.memory_space<vmem>> -> memref<1x1x128xi32, #tpu.memory_space<vmem>>
    %dma_start3A_113 = tpu.memref_squeeze %dma_start3A_112 : memref<1x1x128xi32, #tpu.memory_space<vmem>> -> memref<128xi32, #tpu.memory_space<vmem>>
    %dma_start3A_114 = arith.constant 0 : i32
    %dma_start3A_115 = arith.constant 0 : i32
    %dma_start3A_116 = tpu.memref_slice %arg2[%dma_start3A_114, %dma_start3A_115] : memref<10000x128xf32, #tpu.memory_space<hbm>> -> memref<10000x128xf32, #tpu.memory_space<hbm>>
    tpu.enqueue_indirect_dma source(%dma_start3A_116 : memref<10000x128xf32, #tpu.memory_space<hbm>>) target(%dma_start3A_110 : memref<128x128xf32, #tpu.memory_space<vmem>>) offsets(%dma_start3A_113 : memref<128xi32, #tpu.memory_space<vmem>>) semaphore(%arg10 : memref<!tpu.dma_semaphore, #tpu.memory_space<semaphore_mem>>)
    %add3A_117 = arith.constant 1 : i32
    %add3A_118 = arith.addi %select_n3A, %add3A_117 : i32
    %dma_wait3A_119 = arith.constant 1 : i32
    %dma_wait3A_120 = arith.constant 0 : i32
    %dma_wait3A_121 = arith.constant 0 : i32
    %dma_wait3A_122 = tpu.memref_slice %arg6[%dma_wait3A_119, %dma_wait3A_120, %dma_wait3A_121] : memref<4x2x128xi32, #tpu.memory_space<vmem>> -> memref<1x2x128xi32, #tpu.memory_space<vmem>>
    %dma_wait3A_123 = tpu.memref_squeeze %dma_wait3A_122 : memref<1x2x128xi32, #tpu.memory_space<vmem>> -> memref<2x128xi32, #tpu.memory_space<vmem>>
    %dma_wait3A_124 = arith.constant 0 : i32
    %dma_wait3A_125 = arith.constant 0 : i32
    %dma_wait3A_126 = tpu.memref_slice %arg3[%add3A_118, %dma_wait3A_124, %dma_wait3A_125] : memref<2560x2x128xi32, #tpu.memory_space<hbm>> -> memref<1x2x128xi32, #tpu.memory_space<hbm>>
    %dma_wait3A_127 = tpu.memref_squeeze %dma_wait3A_126 : memref<1x2x128xi32, #tpu.memory_space<hbm>> -> memref<2x128xi32, #tpu.memory_space<hbm>>
    %dma_wait3A_128 = arith.constant 0 : i32
    %dma_wait3A_129 = arith.constant 0 : i32
    %dma_wait3A_130 = tpu.memref_slice %arg6[%dma_wait3A_119, %dma_wait3A_128, %dma_wait3A_129] : memref<4x2x128xi32, #tpu.memory_space<vmem>> -> memref<1x2x128xi32, #tpu.memory_space<vmem>>
    %dma_wait3A_131 = tpu.memref_squeeze %dma_wait3A_130 : memref<1x2x128xi32, #tpu.memory_space<vmem>> -> memref<2x128xi32, #tpu.memory_space<vmem>>
    %dma_wait3A_132 = arith.constant 0 : i32
    %dma_wait3A_133 = arith.constant 0 : i32
    %dma_wait3A_134 = tpu.memref_slice %arg3[%add3A_118, %dma_wait3A_132, %dma_wait3A_133] : memref<2560x2x128xi32, #tpu.memory_space<hbm>> -> memref<1x2x128xi32, #tpu.memory_space<hbm>>
    %dma_wait3A_135 = tpu.memref_squeeze %dma_wait3A_134 : memref<1x2x128xi32, #tpu.memory_space<hbm>> -> memref<2x128xi32, #tpu.memory_space<hbm>>
    tpu.wait_dma2 semaphore(%arg9 : memref<!tpu.dma_semaphore, #tpu.memory_space<semaphore_mem>>) src(%dma_wait3A_135 : memref<2x128xi32, #tpu.memory_space<hbm>>) dst(%dma_wait3A_131 : memref<2x128xi32, #tpu.memory_space<vmem>>)
    %dma_start3A_136 = arith.constant 1 : i32
    %dma_start3A_137 = arith.constant 0 : i32
    %dma_start3A_138 = arith.constant 1 : i32
    %dma_start3A_139 = arith.constant 0 : i32
    %dma_start3A_140 = arith.constant 0 : i32
    %dma_start3A_141 = tpu.memref_slice %arg7[%dma_start3A_138, %dma_start3A_139, %dma_start3A_140] : memref<2x128x128xf32, #tpu.memory_space<vmem>> -> memref<1x128x128xf32, #tpu.memory_space<vmem>>
    %dma_start3A_142 = tpu.memref_squeeze %dma_start3A_141 : memref<1x128x128xf32, #tpu.memory_space<vmem>> -> memref<128x128xf32, #tpu.memory_space<vmem>>
    %dma_start3A_143 = arith.constant 0 : i32
    %dma_start3A_144 = tpu.memref_slice %arg6[%dma_start3A_136, %dma_start3A_137, %dma_start3A_143] : memref<4x2x128xi32, #tpu.memory_space<vmem>> -> memref<1x1x128xi32, #tpu.memory_space<vmem>>
    %dma_start3A_145 = tpu.memref_squeeze %dma_start3A_144 : memref<1x1x128xi32, #tpu.memory_space<vmem>> -> memref<128xi32, #tpu.memory_space<vmem>>
    %dma_start3A_146 = arith.constant 0 : i32
    %dma_start3A_147 = arith.constant 0 : i32
    %dma_start3A_148 = tpu.memref_slice %arg2[%dma_start3A_146, %dma_start3A_147] : memref<10000x128xf32, #tpu.memory_space<hbm>> -> memref<10000x128xf32, #tpu.memory_space<hbm>>
    tpu.enqueue_indirect_dma source(%dma_start3A_148 : memref<10000x128xf32, #tpu.memory_space<hbm>>) target(%dma_start3A_142 : memref<128x128xf32, #tpu.memory_space<vmem>>) offsets(%dma_start3A_145 : memref<128xi32, #tpu.memory_space<vmem>>) semaphore(%arg10 : memref<!tpu.dma_semaphore, #tpu.memory_space<semaphore_mem>>)
    %while3A = arith.constant 0 : i32
    %while3A_149 = arith.constant 0 : i32
    %while3A_150 = arith.subi %select_n3A_8, %while3A_149 : i32
    %while3A_151 = arith.addi %while3A_149, %while3A_150 : i32
    %while3A_152 = arith.constant 1 : i32
    %while3A_153 = arith.divsi %while3A_150, %while3A_152 : i32
    %while3A_154 = arith.muli %while3A_153, %while3A_152 : i32
    %while3A_155 = arith.addi %while3A_149, %while3A_154 : i32
    %while3A_156 = arith.constant 1 : i32
    scf.for %while3A_166 = %while3A_149 to %while3A_155 step %while3A_156  : i32 {
      %rem3A = arith.constant 2 : i32
      %rem3A_167 = arith.remsi %while3A_166, %rem3A : i32
      %rem3A_168 = arith.constant 4 : i32
      %rem3A_169 = arith.remsi %while3A_166, %rem3A_168 : i32
      %dma_wait3A_170 = arith.constant 0 : i32
      %dma_wait3A_171 = arith.constant 0 : i32
      %dma_wait3A_172 = arith.constant 0 : i32
      %dma_wait3A_173 = tpu.memref_slice %arg7[%rem3A_167, %dma_wait3A_171, %dma_wait3A_172] : memref<2x128x128xf32, #tpu.memory_space<vmem>> -> memref<1x128x128xf32, #tpu.memory_space<vmem>>
      %dma_wait3A_174 = tpu.memref_squeeze %dma_wait3A_173 : memref<1x128x128xf32, #tpu.memory_space<vmem>> -> memref<128x128xf32, #tpu.memory_space<vmem>>
      %dma_wait3A_175 = arith.constant 0 : i32
      %dma_wait3A_176 = tpu.memref_slice %arg6[%rem3A_169, %dma_wait3A_170, %dma_wait3A_175] : memref<4x2x128xi32, #tpu.memory_space<vmem>> -> memref<1x1x128xi32, #tpu.memory_space<vmem>>
      %dma_wait3A_177 = tpu.memref_squeeze %dma_wait3A_176 : memref<1x1x128xi32, #tpu.memory_space<vmem>> -> memref<128xi32, #tpu.memory_space<vmem>>
      %dma_wait3A_178 = arith.constant 0 : i32
      %dma_wait3A_179 = arith.constant 0 : i32
      %dma_wait3A_180 = tpu.memref_slice %arg2[%dma_wait3A_178, %dma_wait3A_179] : memref<10000x128xf32, #tpu.memory_space<hbm>> -> memref<10000x128xf32, #tpu.memory_space<hbm>>
      tpu.wait_indirect_dma semaphore(%arg10 : memref<!tpu.dma_semaphore, #tpu.memory_space<semaphore_mem>>) src(%dma_wait3A_180 : memref<10000x128xf32, #tpu.memory_space<hbm>>) dst(%dma_wait3A_174 : memref<128x128xf32, #tpu.memory_space<vmem>>)
      %run_scoped3A = arith.constant 1 : i32
      "tpu.region"() ({
        %run_scoped3A_193 = tpu.sem_alloc : memref<!tpu.dma_semaphore, #tpu.memory_space<semaphore_mem>>
        %dma_start3A_194 = arith.constant 0 : i32
        %dma_start3A_195 = arith.constant 0 : i32
        %dma_start3A_196 = tpu.memref_slice %arg7[%rem3A_167, %dma_start3A_194, %dma_start3A_195] : memref<2x128x128xf32, #tpu.memory_space<vmem>> -> memref<1x128x128xf32, #tpu.memory_space<vmem>>
        %dma_start3A_197 = tpu.memref_squeeze %dma_start3A_196 : memref<1x128x128xf32, #tpu.memory_space<vmem>> -> memref<128x128xf32, #tpu.memory_space<vmem>>
        %dma_start3A_198 = arith.constant 0 : i32
        %dma_start3A_199 = tpu.memref_slice %arg6[%rem3A_169, %run_scoped3A, %dma_start3A_198] : memref<4x2x128xi32, #tpu.memory_space<vmem>> -> memref<1x1x128xi32, #tpu.memory_space<vmem>>
        %dma_start3A_200 = tpu.memref_squeeze %dma_start3A_199 : memref<1x1x128xi32, #tpu.memory_space<vmem>> -> memref<128xi32, #tpu.memory_space<vmem>>
        %dma_start3A_201 = arith.constant 0 : i32
        %dma_start3A_202 = arith.constant 0 : i32
        %dma_start3A_203 = tpu.memref_slice %arg8[%dma_start3A_201, %dma_start3A_202] : memref<10240x128xf32, #tpu.memory_space<vmem_shared>> -> memref<10240x128xf32, #tpu.memory_space<vmem_shared>>
        tpu.enqueue_indirect_dma source(%dma_start3A_197 : memref<128x128xf32, #tpu.memory_space<vmem>>) target(%dma_start3A_203 : memref<10240x128xf32, #tpu.memory_space<vmem_shared>>) offsets(%dma_start3A_200 : memref<128xi32, #tpu.memory_space<vmem>>) semaphore(%run_scoped3A_193 : memref<!tpu.dma_semaphore, #tpu.memory_space<semaphore_mem>>) {add = true}
        %dma_wait3A_204 = arith.constant 0 : i32
        %dma_wait3A_205 = arith.constant 0 : i32
        %dma_wait3A_206 = tpu.memref_slice %arg7[%rem3A_167, %dma_wait3A_204, %dma_wait3A_205] : memref<2x128x128xf32, #tpu.memory_space<vmem>> -> memref<1x128x128xf32, #tpu.memory_space<vmem>>
        %dma_wait3A_207 = tpu.memref_squeeze %dma_wait3A_206 : memref<1x128x128xf32, #tpu.memory_space<vmem>> -> memref<128x128xf32, #tpu.memory_space<vmem>>
        %dma_wait3A_208 = arith.constant 0 : i32
        %dma_wait3A_209 = tpu.memref_slice %arg6[%rem3A_169, %run_scoped3A, %dma_wait3A_208] : memref<4x2x128xi32, #tpu.memory_space<vmem>> -> memref<1x1x128xi32, #tpu.memory_space<vmem>>
        %dma_wait3A_210 = tpu.memref_squeeze %dma_wait3A_209 : memref<1x1x128xi32, #tpu.memory_space<vmem>> -> memref<128xi32, #tpu.memory_space<vmem>>
        %dma_wait3A_211 = arith.constant 0 : i32
        %dma_wait3A_212 = arith.constant 0 : i32
        %dma_wait3A_213 = tpu.memref_slice %arg8[%dma_wait3A_211, %dma_wait3A_212] : memref<10240x128xf32, #tpu.memory_space<vmem_shared>> -> memref<10240x128xf32, #tpu.memory_space<vmem_shared>>
        tpu.wait_indirect_dma semaphore(%run_scoped3A_193 : memref<!tpu.dma_semaphore, #tpu.memory_space<semaphore_mem>>) src(%dma_wait3A_207 : memref<128x128xf32, #tpu.memory_space<vmem>>) dst(%dma_wait3A_213 : memref<10240x128xf32, #tpu.memory_space<vmem_shared>>)
        tpu.yield
      }) : () -> ()
      %add3A_181 = arith.constant 4 : i32
      %add3A_182 = arith.addi %while3A_166, %add3A_181 : i32
      %lt3A_183 = arith.cmpi slt, %add3A_182, %select_n3A_8 : i32
      %convert_element_type3A_184 = arith.extui %lt3A_183 : i1 to i32
      %cond3A_185 = arith.constant 0 : i32
      %cond3A_186 = arith.cmpi ne, %convert_element_type3A_184, %cond3A_185 : i32
      scf.if %cond3A_186 {
        %add3A_193 = arith.addi %select_n3A, %while3A_166 : i32
        %add3A_194 = arith.constant 4 : i32
        %add3A_195 = arith.addi %add3A_193, %add3A_194 : i32
        %dma_start3A_196 = arith.constant 0 : i32
        %dma_start3A_197 = arith.constant 0 : i32
        %dma_start3A_198 = tpu.memref_slice %arg6[%rem3A_169, %dma_start3A_196, %dma_start3A_197] : memref<4x2x128xi32, #tpu.memory_space<vmem>> -> memref<1x2x128xi32, #tpu.memory_space<vmem>>
        %dma_start3A_199 = tpu.memref_squeeze %dma_start3A_198 : memref<1x2x128xi32, #tpu.memory_space<vmem>> -> memref<2x128xi32, #tpu.memory_space<vmem>>
        %dma_start3A_200 = arith.constant 0 : i32
        %dma_start3A_201 = arith.constant 0 : i32
        %dma_start3A_202 = tpu.memref_slice %arg3[%add3A_195, %dma_start3A_200, %dma_start3A_201] : memref<2560x2x128xi32, #tpu.memory_space<hbm>> -> memref<1x2x128xi32, #tpu.memory_space<hbm>>
        %dma_start3A_203 = tpu.memref_squeeze %dma_start3A_202 : memref<1x2x128xi32, #tpu.memory_space<hbm>> -> memref<2x128xi32, #tpu.memory_space<hbm>>
        %dma_start3A_204 = arith.constant 0 : i32
        %dma_start3A_205 = arith.constant 0 : i32
        %dma_start3A_206 = tpu.memref_slice %arg6[%rem3A_169, %dma_start3A_204, %dma_start3A_205] : memref<4x2x128xi32, #tpu.memory_space<vmem>> -> memref<1x2x128xi32, #tpu.memory_space<vmem>>
        %dma_start3A_207 = tpu.memref_squeeze %dma_start3A_206 : memref<1x2x128xi32, #tpu.memory_space<vmem>> -> memref<2x128xi32, #tpu.memory_space<vmem>>
        %dma_start3A_208 = arith.constant 0 : i32
        %dma_start3A_209 = arith.constant 0 : i32
        %dma_start3A_210 = tpu.memref_slice %arg3[%add3A_195, %dma_start3A_208, %dma_start3A_209] : memref<2560x2x128xi32, #tpu.memory_space<hbm>> -> memref<1x2x128xi32, #tpu.memory_space<hbm>>
        %dma_start3A_211 = tpu.memref_squeeze %dma_start3A_210 : memref<1x2x128xi32, #tpu.memory_space<hbm>> -> memref<2x128xi32, #tpu.memory_space<hbm>>
        tpu.enqueue_dma source(%dma_start3A_211 : memref<2x128xi32, #tpu.memory_space<hbm>>) target(%dma_start3A_207 : memref<2x128xi32, #tpu.memory_space<vmem>>) target_semaphore(%arg9 : memref<!tpu.dma_semaphore, #tpu.memory_space<semaphore_mem>>)
      } else {
      }
      %add3A_187 = arith.constant 2 : i32
      %add3A_188 = arith.addi %while3A_166, %add3A_187 : i32
      %lt3A_189 = arith.cmpi slt, %add3A_188, %select_n3A_8 : i32
      %convert_element_type3A_190 = arith.extui %lt3A_189 : i1 to i32
      %cond3A_191 = arith.constant 0 : i32
      %cond3A_192 = arith.cmpi ne, %convert_element_type3A_190, %cond3A_191 : i32
      scf.if %cond3A_192 {
        %add3A_193 = arith.constant 2 : i32
        %add3A_194 = arith.addi %while3A_166, %add3A_193 : i32
        %rem3A_195 = arith.constant 4 : i32
        %rem3A_196 = arith.remsi %add3A_194, %rem3A_195 : i32
        %add3A_197 = arith.addi %select_n3A, %while3A_166 : i32
        %add3A_198 = arith.constant 2 : i32
        %add3A_199 = arith.addi %add3A_197, %add3A_198 : i32
        %dma_wait3A_200 = arith.constant 0 : i32
        %dma_wait3A_201 = arith.constant 0 : i32
        %dma_wait3A_202 = tpu.memref_slice %arg6[%rem3A_196, %dma_wait3A_200, %dma_wait3A_201] : memref<4x2x128xi32, #tpu.memory_space<vmem>> -> memref<1x2x128xi32, #tpu.memory_space<vmem>>
        %dma_wait3A_203 = tpu.memref_squeeze %dma_wait3A_202 : memref<1x2x128xi32, #tpu.memory_space<vmem>> -> memref<2x128xi32, #tpu.memory_space<vmem>>
        %dma_wait3A_204 = arith.constant 0 : i32
        %dma_wait3A_205 = arith.constant 0 : i32
        %dma_wait3A_206 = tpu.memref_slice %arg3[%add3A_199, %dma_wait3A_204, %dma_wait3A_205] : memref<2560x2x128xi32, #tpu.memory_space<hbm>> -> memref<1x2x128xi32, #tpu.memory_space<hbm>>
        %dma_wait3A_207 = tpu.memref_squeeze %dma_wait3A_206 : memref<1x2x128xi32, #tpu.memory_space<hbm>> -> memref<2x128xi32, #tpu.memory_space<hbm>>
        %dma_wait3A_208 = arith.constant 0 : i32
        %dma_wait3A_209 = arith.constant 0 : i32
        %dma_wait3A_210 = tpu.memref_slice %arg6[%rem3A_196, %dma_wait3A_208, %dma_wait3A_209] : memref<4x2x128xi32, #tpu.memory_space<vmem>> -> memref<1x2x128xi32, #tpu.memory_space<vmem>>
        %dma_wait3A_211 = tpu.memref_squeeze %dma_wait3A_210 : memref<1x2x128xi32, #tpu.memory_space<vmem>> -> memref<2x128xi32, #tpu.memory_space<vmem>>
        %dma_wait3A_212 = arith.constant 0 : i32
        %dma_wait3A_213 = arith.constant 0 : i32
        %dma_wait3A_214 = tpu.memref_slice %arg3[%add3A_199, %dma_wait3A_212, %dma_wait3A_213] : memref<2560x2x128xi32, #tpu.memory_space<hbm>> -> memref<1x2x128xi32, #tpu.memory_space<hbm>>
        %dma_wait3A_215 = tpu.memref_squeeze %dma_wait3A_214 : memref<1x2x128xi32, #tpu.memory_space<hbm>> -> memref<2x128xi32, #tpu.memory_space<hbm>>
        tpu.wait_dma2 semaphore(%arg9 : memref<!tpu.dma_semaphore, #tpu.memory_space<semaphore_mem>>) src(%dma_wait3A_215 : memref<2x128xi32, #tpu.memory_space<hbm>>) dst(%dma_wait3A_211 : memref<2x128xi32, #tpu.memory_space<vmem>>)
        %dma_start3A_216 = arith.constant 0 : i32
        %dma_start3A_217 = arith.constant 0 : i32
        %dma_start3A_218 = arith.constant 0 : i32
        %dma_start3A_219 = tpu.memref_slice %arg7[%rem3A_167, %dma_start3A_217, %dma_start3A_218] : memref<2x128x128xf32, #tpu.memory_space<vmem>> -> memref<1x128x128xf32, #tpu.memory_space<vmem>>
        %dma_start3A_220 = tpu.memref_squeeze %dma_start3A_219 : memref<1x128x128xf32, #tpu.memory_space<vmem>> -> memref<128x128xf32, #tpu.memory_space<vmem>>
        %dma_start3A_221 = arith.constant 0 : i32
        %dma_start3A_222 = tpu.memref_slice %arg6[%rem3A_196, %dma_start3A_216, %dma_start3A_221] : memref<4x2x128xi32, #tpu.memory_space<vmem>> -> memref<1x1x128xi32, #tpu.memory_space<vmem>>
        %dma_start3A_223 = tpu.memref_squeeze %dma_start3A_222 : memref<1x1x128xi32, #tpu.memory_space<vmem>> -> memref<128xi32, #tpu.memory_space<vmem>>
        %dma_start3A_224 = arith.constant 0 : i32
        %dma_start3A_225 = arith.constant 0 : i32
        %dma_start3A_226 = tpu.memref_slice %arg2[%dma_start3A_224, %dma_start3A_225] : memref<10000x128xf32, #tpu.memory_space<hbm>> -> memref<10000x128xf32, #tpu.memory_space<hbm>>
        tpu.enqueue_indirect_dma source(%dma_start3A_226 : memref<10000x128xf32, #tpu.memory_space<hbm>>) target(%dma_start3A_220 : memref<128x128xf32, #tpu.memory_space<vmem>>) offsets(%dma_start3A_223 : memref<128xi32, #tpu.memory_space<vmem>>) semaphore(%arg10 : memref<!tpu.dma_semaphore, #tpu.memory_space<semaphore_mem>>)
      } else {
      }
    }
    %while3A_157 = arith.constant 1 : i32
    scf.for %while3A_166 = %while3A_155 to %while3A_151 step %while3A_157  : i32 {
      %rem3A = arith.constant 2 : i32
      %rem3A_167 = arith.remsi %while3A_166, %rem3A : i32
      %rem3A_168 = arith.constant 4 : i32
      %rem3A_169 = arith.remsi %while3A_166, %rem3A_168 : i32
      %dma_wait3A_170 = arith.constant 0 : i32
      %dma_wait3A_171 = arith.constant 0 : i32
      %dma_wait3A_172 = arith.constant 0 : i32
      %dma_wait3A_173 = tpu.memref_slice %arg7[%rem3A_167, %dma_wait3A_171, %dma_wait3A_172] : memref<2x128x128xf32, #tpu.memory_space<vmem>> -> memref<1x128x128xf32, #tpu.memory_space<vmem>>
      %dma_wait3A_174 = tpu.memref_squeeze %dma_wait3A_173 : memref<1x128x128xf32, #tpu.memory_space<vmem>> -> memref<128x128xf32, #tpu.memory_space<vmem>>
      %dma_wait3A_175 = arith.constant 0 : i32
      %dma_wait3A_176 = tpu.memref_slice %arg6[%rem3A_169, %dma_wait3A_170, %dma_wait3A_175] : memref<4x2x128xi32, #tpu.memory_space<vmem>> -> memref<1x1x128xi32, #tpu.memory_space<vmem>>
      %dma_wait3A_177 = tpu.memref_squeeze %dma_wait3A_176 : memref<1x1x128xi32, #tpu.memory_space<vmem>> -> memref<128xi32, #tpu.memory_space<vmem>>
      %dma_wait3A_178 = arith.constant 0 : i32
      %dma_wait3A_179 = arith.constant 0 : i32
      %dma_wait3A_180 = tpu.memref_slice %arg2[%dma_wait3A_178, %dma_wait3A_179] : memref<10000x128xf32, #tpu.memory_space<hbm>> -> memref<10000x128xf32, #tpu.memory_space<hbm>>
      tpu.wait_indirect_dma semaphore(%arg10 : memref<!tpu.dma_semaphore, #tpu.memory_space<semaphore_mem>>) src(%dma_wait3A_180 : memref<10000x128xf32, #tpu.memory_space<hbm>>) dst(%dma_wait3A_174 : memref<128x128xf32, #tpu.memory_space<vmem>>)
      %run_scoped3A = arith.constant 1 : i32
      "tpu.region"() ({
        %run_scoped3A_193 = tpu.sem_alloc : memref<!tpu.dma_semaphore, #tpu.memory_space<semaphore_mem>>
        %dma_start3A_194 = arith.constant 0 : i32
        %dma_start3A_195 = arith.constant 0 : i32
        %dma_start3A_196 = tpu.memref_slice %arg7[%rem3A_167, %dma_start3A_194, %dma_start3A_195] : memref<2x128x128xf32, #tpu.memory_space<vmem>> -> memref<1x128x128xf32, #tpu.memory_space<vmem>>
        %dma_start3A_197 = tpu.memref_squeeze %dma_start3A_196 : memref<1x128x128xf32, #tpu.memory_space<vmem>> -> memref<128x128xf32, #tpu.memory_space<vmem>>
        %dma_start3A_198 = arith.constant 0 : i32
        %dma_start3A_199 = tpu.memref_slice %arg6[%rem3A_169, %run_scoped3A, %dma_start3A_198] : memref<4x2x128xi32, #tpu.memory_space<vmem>> -> memref<1x1x128xi32, #tpu.memory_space<vmem>>
        %dma_start3A_200 = tpu.memref_squeeze %dma_start3A_199 : memref<1x1x128xi32, #tpu.memory_space<vmem>> -> memref<128xi32, #tpu.memory_space<vmem>>
        %dma_start3A_201 = arith.constant 0 : i32
        %dma_start3A_202 = arith.constant 0 : i32
        %dma_start3A_203 = tpu.memref_slice %arg8[%dma_start3A_201, %dma_start3A_202] : memref<10240x128xf32, #tpu.memory_space<vmem_shared>> -> memref<10240x128xf32, #tpu.memory_space<vmem_shared>>
        tpu.enqueue_indirect_dma source(%dma_start3A_197 : memref<128x128xf32, #tpu.memory_space<vmem>>) target(%dma_start3A_203 : memref<10240x128xf32, #tpu.memory_space<vmem_shared>>) offsets(%dma_start3A_200 : memref<128xi32, #tpu.memory_space<vmem>>) semaphore(%run_scoped3A_193 : memref<!tpu.dma_semaphore, #tpu.memory_space<semaphore_mem>>) {add = true}
        %dma_wait3A_204 = arith.constant 0 : i32
        %dma_wait3A_205 = arith.constant 0 : i32
        %dma_wait3A_206 = tpu.memref_slice %arg7[%rem3A_167, %dma_wait3A_204, %dma_wait3A_205] : memref<2x128x128xf32, #tpu.memory_space<vmem>> -> memref<1x128x128xf32, #tpu.memory_space<vmem>>
        %dma_wait3A_207 = tpu.memref_squeeze %dma_wait3A_206 : memref<1x128x128xf32, #tpu.memory_space<vmem>> -> memref<128x128xf32, #tpu.memory_space<vmem>>
        %dma_wait3A_208 = arith.constant 0 : i32
        %dma_wait3A_209 = tpu.memref_slice %arg6[%rem3A_169, %run_scoped3A, %dma_wait3A_208] : memref<4x2x128xi32, #tpu.memory_space<vmem>> -> memref<1x1x128xi32, #tpu.memory_space<vmem>>
        %dma_wait3A_210 = tpu.memref_squeeze %dma_wait3A_209 : memref<1x1x128xi32, #tpu.memory_space<vmem>> -> memref<128xi32, #tpu.memory_space<vmem>>
        %dma_wait3A_211 = arith.constant 0 : i32
        %dma_wait3A_212 = arith.constant 0 : i32
        %dma_wait3A_213 = tpu.memref_slice %arg8[%dma_wait3A_211, %dma_wait3A_212] : memref<10240x128xf32, #tpu.memory_space<vmem_shared>> -> memref<10240x128xf32, #tpu.memory_space<vmem_shared>>
        tpu.wait_indirect_dma semaphore(%run_scoped3A_193 : memref<!tpu.dma_semaphore, #tpu.memory_space<semaphore_mem>>) src(%dma_wait3A_207 : memref<128x128xf32, #tpu.memory_space<vmem>>) dst(%dma_wait3A_213 : memref<10240x128xf32, #tpu.memory_space<vmem_shared>>)
        tpu.yield
      }) : () -> ()
      %add3A_181 = arith.constant 4 : i32
      %add3A_182 = arith.addi %while3A_166, %add3A_181 : i32
      %lt3A_183 = arith.cmpi slt, %add3A_182, %select_n3A_8 : i32
      %convert_element_type3A_184 = arith.extui %lt3A_183 : i1 to i32
      %cond3A_185 = arith.constant 0 : i32
      %cond3A_186 = arith.cmpi ne, %convert_element_type3A_184, %cond3A_185 : i32
      scf.if %cond3A_186 {
        %add3A_193 = arith.addi %select_n3A, %while3A_166 : i32
        %add3A_194 = arith.constant 4 : i32
        %add3A_195 = arith.addi %add3A_193, %add3A_194 : i32
        %dma_start3A_196 = arith.constant 0 : i32
        %dma_start3A_197 = arith.constant 0 : i32
        %dma_start3A_198 = tpu.memref_slice %arg6[%rem3A_169, %dma_start3A_196, %dma_start3A_197] : memref<4x2x128xi32, #tpu.memory_space<vmem>> -> memref<1x2x128xi32, #tpu.memory_space<vmem>>
        %dma_start3A_199 = tpu.memref_squeeze %dma_start3A_198 : memref<1x2x128xi32, #tpu.memory_space<vmem>> -> memref<2x128xi32, #tpu.memory_space<vmem>>
        %dma_start3A_200 = arith.constant 0 : i32
        %dma_start3A_201 = arith.constant 0 : i32
        %dma_start3A_202 = tpu.memref_slice %arg3[%add3A_195, %dma_start3A_200, %dma_start3A_201] : memref<2560x2x128xi32, #tpu.memory_space<hbm>> -> memref<1x2x128xi32, #tpu.memory_space<hbm>>
        %dma_start3A_203 = tpu.memref_squeeze %dma_start3A_202 : memref<1x2x128xi32, #tpu.memory_space<hbm>> -> memref<2x128xi32, #tpu.memory_space<hbm>>
        %dma_start3A_204 = arith.constant 0 : i32
        %dma_start3A_205 = arith.constant 0 : i32
        %dma_start3A_206 = tpu.memref_slice %arg6[%rem3A_169, %dma_start3A_204, %dma_start3A_205] : memref<4x2x128xi32, #tpu.memory_space<vmem>> -> memref<1x2x128xi32, #tpu.memory_space<vmem>>
        %dma_start3A_207 = tpu.memref_squeeze %dma_start3A_206 : memref<1x2x128xi32, #tpu.memory_space<vmem>> -> memref<2x128xi32, #tpu.memory_space<vmem>>
        %dma_start3A_208 = arith.constant 0 : i32
        %dma_start3A_209 = arith.constant 0 : i32
        %dma_start3A_210 = tpu.memref_slice %arg3[%add3A_195, %dma_start3A_208, %dma_start3A_209] : memref<2560x2x128xi32, #tpu.memory_space<hbm>> -> memref<1x2x128xi32, #tpu.memory_space<hbm>>
        %dma_start3A_211 = tpu.memref_squeeze %dma_start3A_210 : memref<1x2x128xi32, #tpu.memory_space<hbm>> -> memref<2x128xi32, #tpu.memory_space<hbm>>
        tpu.enqueue_dma source(%dma_start3A_211 : memref<2x128xi32, #tpu.memory_space<hbm>>) target(%dma_start3A_207 : memref<2x128xi32, #tpu.memory_space<vmem>>) target_semaphore(%arg9 : memref<!tpu.dma_semaphore, #tpu.memory_space<semaphore_mem>>)
      } else {
      }
      %add3A_187 = arith.constant 2 : i32
      %add3A_188 = arith.addi %while3A_166, %add3A_187 : i32
      %lt3A_189 = arith.cmpi slt, %add3A_188, %select_n3A_8 : i32
      %convert_element_type3A_190 = arith.extui %lt3A_189 : i1 to i32
      %cond3A_191 = arith.constant 0 : i32
      %cond3A_192 = arith.cmpi ne, %convert_element_type3A_190, %cond3A_191 : i32
      scf.if %cond3A_192 {
        %add3A_193 = arith.constant 2 : i32
        %add3A_194 = arith.addi %while3A_166, %add3A_193 : i32
        %rem3A_195 = arith.constant 4 : i32
        %rem3A_196 = arith.remsi %add3A_194, %rem3A_195 : i32
        %add3A_197 = arith.addi %select_n3A, %while3A_166 : i32
        %add3A_198 = arith.constant 2 : i32
        %add3A_199 = arith.addi %add3A_197, %add3A_198 : i32
        %dma_wait3A_200 = arith.constant 0 : i32
        %dma_wait3A_201 = arith.constant 0 : i32
        %dma_wait3A_202 = tpu.memref_slice %arg6[%rem3A_196, %dma_wait3A_200, %dma_wait3A_201] : memref<4x2x128xi32, #tpu.memory_space<vmem>> -> memref<1x2x128xi32, #tpu.memory_space<vmem>>
        %dma_wait3A_203 = tpu.memref_squeeze %dma_wait3A_202 : memref<1x2x128xi32, #tpu.memory_space<vmem>> -> memref<2x128xi32, #tpu.memory_space<vmem>>
        %dma_wait3A_204 = arith.constant 0 : i32
        %dma_wait3A_205 = arith.constant 0 : i32
        %dma_wait3A_206 = tpu.memref_slice %arg3[%add3A_199, %dma_wait3A_204, %dma_wait3A_205] : memref<2560x2x128xi32, #tpu.memory_space<hbm>> -> memref<1x2x128xi32, #tpu.memory_space<hbm>>
        %dma_wait3A_207 = tpu.memref_squeeze %dma_wait3A_206 : memref<1x2x128xi32, #tpu.memory_space<hbm>> -> memref<2x128xi32, #tpu.memory_space<hbm>>
        %dma_wait3A_208 = arith.constant 0 : i32
        %dma_wait3A_209 = arith.constant 0 : i32
        %dma_wait3A_210 = tpu.memref_slice %arg6[%rem3A_196, %dma_wait3A_208, %dma_wait3A_209] : memref<4x2x128xi32, #tpu.memory_space<vmem>> -> memref<1x2x128xi32, #tpu.memory_space<vmem>>
        %dma_wait3A_211 = tpu.memref_squeeze %dma_wait3A_210 : memref<1x2x128xi32, #tpu.memory_space<vmem>> -> memref<2x128xi32, #tpu.memory_space<vmem>>
        %dma_wait3A_212 = arith.constant 0 : i32
        %dma_wait3A_213 = arith.constant 0 : i32
        %dma_wait3A_214 = tpu.memref_slice %arg3[%add3A_199, %dma_wait3A_212, %dma_wait3A_213] : memref<2560x2x128xi32, #tpu.memory_space<hbm>> -> memref<1x2x128xi32, #tpu.memory_space<hbm>>
        %dma_wait3A_215 = tpu.memref_squeeze %dma_wait3A_214 : memref<1x2x128xi32, #tpu.memory_space<hbm>> -> memref<2x128xi32, #tpu.memory_space<hbm>>
        tpu.wait_dma2 semaphore(%arg9 : memref<!tpu.dma_semaphore, #tpu.memory_space<semaphore_mem>>) src(%dma_wait3A_215 : memref<2x128xi32, #tpu.memory_space<hbm>>) dst(%dma_wait3A_211 : memref<2x128xi32, #tpu.memory_space<vmem>>)
        %dma_start3A_216 = arith.constant 0 : i32
        %dma_start3A_217 = arith.constant 0 : i32
        %dma_start3A_218 = arith.constant 0 : i32
        %dma_start3A_219 = tpu.memref_slice %arg7[%rem3A_167, %dma_start3A_217, %dma_start3A_218] : memref<2x128x128xf32, #tpu.memory_space<vmem>> -> memref<1x128x128xf32, #tpu.memory_space<vmem>>
        %dma_start3A_220 = tpu.memref_squeeze %dma_start3A_219 : memref<1x128x128xf32, #tpu.memory_space<vmem>> -> memref<128x128xf32, #tpu.memory_space<vmem>>
        %dma_start3A_221 = arith.constant 0 : i32
        %dma_start3A_222 = tpu.memref_slice %arg6[%rem3A_196, %dma_start3A_216, %dma_start3A_221] : memref<4x2x128xi32, #tpu.memory_space<vmem>> -> memref<1x1x128xi32, #tpu.memory_space<vmem>>
        %dma_start3A_223 = tpu.memref_squeeze %dma_start3A_222 : memref<1x1x128xi32, #tpu.memory_space<vmem>> -> memref<128xi32, #tpu.memory_space<vmem>>
        %dma_start3A_224 = arith.constant 0 : i32
        %dma_start3A_225 = arith.constant 0 : i32
        %dma_start3A_226 = tpu.memref_slice %arg2[%dma_start3A_224, %dma_start3A_225] : memref<10000x128xf32, #tpu.memory_space<hbm>> -> memref<10000x128xf32, #tpu.memory_space<hbm>>
        tpu.enqueue_indirect_dma source(%dma_start3A_226 : memref<10000x128xf32, #tpu.memory_space<hbm>>) target(%dma_start3A_220 : memref<128x128xf32, #tpu.memory_space<vmem>>) offsets(%dma_start3A_223 : memref<128xi32, #tpu.memory_space<vmem>>) semaphore(%arg10 : memref<!tpu.dma_semaphore, #tpu.memory_space<semaphore_mem>>)
      } else {
      }
    }
    %barrier3A_158 = arith.constant 0 : index
    tpu.barrier barrier_id(%barrier3A_158)
    %lt3A = arith.constant 15 : i32
    %lt3A_159 = arith.cmpi slt, %arg1, %lt3A : i32
    %convert_element_type3A = arith.extui %lt3A_159 : i1 to i32
    %cond3A = arith.constant 0 : i32
    %cond3A_160 = arith.cmpi ne, %convert_element_type3A, %cond3A : i32
    scf.if %cond3A_160 {
      %mul3A_166 = arith.constant 640 : i32
      %mul3A_167 = arith.muli %arg1, %mul3A_166 : i32
      %mul3A_168 = arith.constant 640 : i32
      %mul3A_169 = arith.muli %arg1, %mul3A_168 : i32
      "tpu.region"() ({
        %run_scoped3A = tpu.sem_alloc : memref<!tpu.dma_semaphore, #tpu.memory_space<semaphore_mem>>
        %dma_start3A_170 = arith.constant 0 : i32
        %dma_start3A_171 = tpu.memref_slice %arg5[%arg0, %mul3A_169, %dma_start3A_170] : memref<2x10000x128xf32, #tpu.memory_space<hbm>> -> memref<1x640x128xf32, #tpu.memory_space<hbm>>
        %dma_start3A_172 = tpu.memref_squeeze %dma_start3A_171 : memref<1x640x128xf32, #tpu.memory_space<hbm>> -> memref<640x128xf32, #tpu.memory_space<hbm>>
        %dma_start3A_173 = arith.constant 0 : i32
        %dma_start3A_174 = tpu.memref_slice %arg8[%mul3A_167, %dma_start3A_173] : memref<10240x128xf32, #tpu.memory_space<vmem_shared>> -> memref<640x128xf32, #tpu.memory_space<vmem_shared>>
        tpu.enqueue_dma source(%dma_start3A_174 : memref<640x128xf32, #tpu.memory_space<vmem_shared>>) target(%dma_start3A_172 : memref<640x128xf32, #tpu.memory_space<hbm>>) target_semaphore(%run_scoped3A : memref<!tpu.dma_semaphore, #tpu.memory_space<semaphore_mem>>)
        %dma_wait3A_175 = arith.constant 0 : i32
        %dma_wait3A_176 = tpu.memref_slice %arg5[%arg0, %mul3A_169, %dma_wait3A_175] : memref<2x10000x128xf32, #tpu.memory_space<hbm>> -> memref<1x640x128xf32, #tpu.memory_space<hbm>>
        %dma_wait3A_177 = tpu.memref_squeeze %dma_wait3A_176 : memref<1x640x128xf32, #tpu.memory_space<hbm>> -> memref<640x128xf32, #tpu.memory_space<hbm>>
        %dma_wait3A_178 = arith.constant 0 : i32
        %dma_wait3A_179 = tpu.memref_slice %arg8[%mul3A_167, %dma_wait3A_178] : memref<10240x128xf32, #tpu.memory_space<vmem_shared>> -> memref<640x128xf32, #tpu.memory_space<vmem_shared>>
        tpu.wait_dma2 semaphore(%run_scoped3A : memref<!tpu.dma_semaphore, #tpu.memory_space<semaphore_mem>>) src(%dma_wait3A_179 : memref<640x128xf32, #tpu.memory_space<vmem_shared>>) dst(%dma_wait3A_177 : memref<640x128xf32, #tpu.memory_space<hbm>>)
        tpu.yield
      }) : () -> ()
    } else {
    }
    %eq3A_161 = arith.constant 15 : i32
    %eq3A_162 = arith.cmpi eq, %arg1, %eq3A_161 : i32
    %convert_element_type3A_163 = arith.extui %eq3A_162 : i1 to i32
    %cond3A_164 = arith.constant 0 : i32
    %cond3A_165 = arith.cmpi ne, %convert_element_type3A_163, %cond3A_164 : i32
    scf.if %cond3A_165 {
      "tpu.region"() ({
        %run_scoped3A = tpu.sem_alloc : memref<!tpu.dma_semaphore, #tpu.memory_space<semaphore_mem>>
        %dma_start3A_166 = arith.constant 9600 : i32
        %dma_start3A_167 = arith.constant 0 : i32
        %dma_start3A_168 = tpu.memref_slice %arg5[%arg0, %dma_start3A_166, %dma_start3A_167] : memref<2x10000x128xf32, #tpu.memory_space<hbm>> -> memref<1x400x128xf32, #tpu.memory_space<hbm>>
        %dma_start3A_169 = tpu.memref_squeeze %dma_start3A_168 : memref<1x400x128xf32, #tpu.memory_space<hbm>> -> memref<400x128xf32, #tpu.memory_space<hbm>>
        %dma_start3A_170 = arith.constant 9600 : i32
        %dma_start3A_171 = arith.constant 0 : i32
        %dma_start3A_172 = tpu.memref_slice %arg8[%dma_start3A_170, %dma_start3A_171] : memref<10240x128xf32, #tpu.memory_space<vmem_shared>> -> memref<400x128xf32, #tpu.memory_space<vmem_shared>>
        tpu.enqueue_dma source(%dma_start3A_172 : memref<400x128xf32, #tpu.memory_space<vmem_shared>>) target(%dma_start3A_169 : memref<400x128xf32, #tpu.memory_space<hbm>>) target_semaphore(%run_scoped3A : memref<!tpu.dma_semaphore, #tpu.memory_space<semaphore_mem>>)
        %dma_wait3A_173 = arith.constant 9600 : i32
        %dma_wait3A_174 = arith.constant 0 : i32
        %dma_wait3A_175 = tpu.memref_slice %arg5[%arg0, %dma_wait3A_173, %dma_wait3A_174] : memref<2x10000x128xf32, #tpu.memory_space<hbm>> -> memref<1x400x128xf32, #tpu.memory_space<hbm>>
        %dma_wait3A_176 = tpu.memref_squeeze %dma_wait3A_175 : memref<1x400x128xf32, #tpu.memory_space<hbm>> -> memref<400x128xf32, #tpu.memory_space<hbm>>
        %dma_wait3A_177 = arith.constant 9600 : i32
        %dma_wait3A_178 = arith.constant 0 : i32
        %dma_wait3A_179 = tpu.memref_slice %arg8[%dma_wait3A_177, %dma_wait3A_178] : memref<10240x128xf32, #tpu.memory_space<vmem_shared>> -> memref<400x128xf32, #tpu.memory_space<vmem_shared>>
        tpu.wait_dma2 semaphore(%run_scoped3A : memref<!tpu.dma_semaphore, #tpu.memory_space<semaphore_mem>>) src(%dma_wait3A_179 : memref<400x128xf32, #tpu.memory_space<vmem_shared>>) dst(%dma_wait3A_176 : memref<400x128xf32, #tpu.memory_space<hbm>>)
        tpu.yield
      }) : () -> ()
    } else {
    }
    return
  }
}

#map = affine_map<(d0, d1) -> (0, 0)>
#map1 = affine_map<(d0, d1) -> (0, 0, 0)>
module attributes {stable_mosaic.version = 14 : i64} {
  func.func @_pool_body(%arg0: i32, %arg1: i32, %arg2: memref<10000x128xf32, #tpu.memory_space<hbm>>, %arg3: memref<96x2x128xi32, #tpu.memory_space<hbm>>, %arg4: memref<256x128xf32, #tpu.memory_space<hbm>>, %arg5: memref<128x128xf32, #tpu.memory_space<hbm>>, %arg6: memref<2x64x128xf32, #tpu.memory_space<hbm>>, %arg7: memref<2x64x128xf32, #tpu.memory_space<hbm>>, %arg8: memref<2x2x128xi32, #tpu.memory_space<vmem>>, %arg9: memref<128x128xf32, #tpu.memory_space<vmem>>, %arg10: memref<128x128xf32, #tpu.memory_space<vmem>>, %arg11: memref<128x128xf32, #tpu.memory_space<vmem_shared>>, %arg12: memref<128x128xf32, #tpu.memory_space<vmem_shared>>, %arg13: memref<!tpu.dma_semaphore, #tpu.memory_space<semaphore_mem>>) attributes {dimension_semantics = [#tpu.dimension_semantics<core_parallel>, #tpu.dimension_semantics<subcore_parallel>], iteration_bounds = array<i64: 2, 16>, scalar_prefetch = 0 : i64, scratch_operands = 6 : i64, tpu.core_type = #tpu.core_type<sc_vector_subcore>, window_params = [{transform_indices = #map}, {transform_indices = #map1}, {transform_indices = #map}, {transform_indices = #map}, {transform_indices = #map1}, {transform_indices = #map1}]} {
    %eq3A = arith.constant 0 : i32
    %eq3A_0 = arith.cmpi eq, %arg0, %eq3A : i32
    %mul3A = arith.constant 5 : i32
    %mul3A_1 = arith.muli %arg1, %mul3A : i32
    %mul3A_2 = arith.constant 1 : i32
    %mul3A_3 = arith.muli %arg1, %mul3A_2 : i32
    %add3A = arith.constant 80 : i32
    %add3A_4 = arith.addi %add3A, %mul3A_3 : i32
    %select_n3A = arith.select %eq3A_0, %mul3A_1, %add3A_4 : i32
    %eq3A_5 = arith.constant 0 : i32
    %eq3A_6 = arith.cmpi eq, %arg0, %eq3A_5 : i32
    %jit3A = arith.constant 5 : i32
    %jit3A_7 = arith.constant 1 : i32
    %select_n3A_8 = arith.select %eq3A_6, %jit3A, %jit3A_7 : i32
    "tpu.region"() ({
      %run_scoped3A = tpu.sem_alloc : memref<!tpu.dma_semaphore, #tpu.memory_space<semaphore_mem>>
      tpu.enqueue_dma source(%arg5 : memref<128x128xf32, #tpu.memory_space<hbm>>) target(%arg10 : memref<128x128xf32, #tpu.memory_space<vmem>>) target_semaphore(%run_scoped3A : memref<!tpu.dma_semaphore, #tpu.memory_space<semaphore_mem>>)
      tpu.wait_dma2 semaphore(%run_scoped3A : memref<!tpu.dma_semaphore, #tpu.memory_space<semaphore_mem>>) src(%arg5 : memref<128x128xf32, #tpu.memory_space<hbm>>) dst(%arg10 : memref<128x128xf32, #tpu.memory_space<vmem>>)
      tpu.yield
    }) : () -> ()
    %eq3A_9 = arith.constant 0 : i32
    %eq3A_10 = arith.cmpi eq, %arg1, %eq3A_9 : i32
    %convert_element_type3A = arith.extui %eq3A_10 : i1 to i32
    %cond3A = arith.constant 0 : i32
    %cond3A_11 = arith.cmpi ne, %convert_element_type3A, %cond3A : i32
    scf.if %cond3A_11 {
      "tpu.region"() ({
        %run_scoped3A = tpu.sem_alloc : memref<!tpu.dma_semaphore, #tpu.memory_space<semaphore_mem>>
        %dma_start3A = arith.constant 0 : i32
        %dma_start3A_27 = arith.constant 0 : i32
        %dma_start3A_28 = tpu.memref_slice %arg4[%dma_start3A, %dma_start3A_27] : memref<256x128xf32, #tpu.memory_space<hbm>> -> memref<128x128xf32, #tpu.memory_space<hbm>>
        tpu.enqueue_dma source(%dma_start3A_28 : memref<128x128xf32, #tpu.memory_space<hbm>>) target(%arg11 : memref<128x128xf32, #tpu.memory_space<vmem_shared>>) target_semaphore(%run_scoped3A : memref<!tpu.dma_semaphore, #tpu.memory_space<semaphore_mem>>)
        %dma_wait3A = arith.constant 0 : i32
        %dma_wait3A_29 = arith.constant 0 : i32
        %dma_wait3A_30 = tpu.memref_slice %arg4[%dma_wait3A, %dma_wait3A_29] : memref<256x128xf32, #tpu.memory_space<hbm>> -> memref<128x128xf32, #tpu.memory_space<hbm>>
        tpu.wait_dma2 semaphore(%run_scoped3A : memref<!tpu.dma_semaphore, #tpu.memory_space<semaphore_mem>>) src(%dma_wait3A_30 : memref<128x128xf32, #tpu.memory_space<hbm>>) dst(%arg11 : memref<128x128xf32, #tpu.memory_space<vmem_shared>>)
        tpu.yield
      }) : () -> ()
      "tpu.region"() ({
        %run_scoped3A = tpu.sem_alloc : memref<!tpu.dma_semaphore, #tpu.memory_space<semaphore_mem>>
        %dma_start3A = arith.constant 128 : i32
        %dma_start3A_27 = arith.constant 0 : i32
        %dma_start3A_28 = tpu.memref_slice %arg4[%dma_start3A, %dma_start3A_27] : memref<256x128xf32, #tpu.memory_space<hbm>> -> memref<128x128xf32, #tpu.memory_space<hbm>>
        tpu.enqueue_dma source(%dma_start3A_28 : memref<128x128xf32, #tpu.memory_space<hbm>>) target(%arg12 : memref<128x128xf32, #tpu.memory_space<vmem_shared>>) target_semaphore(%run_scoped3A : memref<!tpu.dma_semaphore, #tpu.memory_space<semaphore_mem>>)
        %dma_wait3A = arith.constant 128 : i32
        %dma_wait3A_29 = arith.constant 0 : i32
        %dma_wait3A_30 = tpu.memref_slice %arg4[%dma_wait3A, %dma_wait3A_29] : memref<256x128xf32, #tpu.memory_space<hbm>> -> memref<128x128xf32, #tpu.memory_space<hbm>>
        tpu.wait_dma2 semaphore(%run_scoped3A : memref<!tpu.dma_semaphore, #tpu.memory_space<semaphore_mem>>) src(%dma_wait3A_30 : memref<128x128xf32, #tpu.memory_space<hbm>>) dst(%arg12 : memref<128x128xf32, #tpu.memory_space<vmem_shared>>)
        tpu.yield
      }) : () -> ()
    } else {
    }
    %barrier3A = arith.constant 0 : index
    tpu.barrier barrier_id(%barrier3A)
    %while3A = arith.constant 0 : i32
    %while3A_12 = arith.constant 0 : i32
    %while3A_13 = arith.subi %select_n3A_8, %while3A_12 : i32
    %while3A_14 = arith.addi %while3A_12, %while3A_13 : i32
    %while3A_15 = arith.constant 1 : i32
    %while3A_16 = arith.divsi %while3A_13, %while3A_15 : i32
    %while3A_17 = arith.muli %while3A_16, %while3A_15 : i32
    %while3A_18 = arith.addi %while3A_12, %while3A_17 : i32
    %while3A_19 = arith.constant 1 : i32
    scf.for %while3A_27 = %while3A_12 to %while3A_18 step %while3A_19  : i32 {
      %rem3A = arith.constant 2 : i32
      %rem3A_28 = arith.remsi %while3A_27, %rem3A : i32
      %add3A_29 = arith.addi %select_n3A, %while3A_27 : i32
      "tpu.region"() ({
        %run_scoped3A_43 = tpu.sem_alloc : memref<!tpu.dma_semaphore, #tpu.memory_space<semaphore_mem>>
        %dma_start3A_44 = arith.constant 0 : i32
        %dma_start3A_45 = arith.constant 0 : i32
        %dma_start3A_46 = tpu.memref_slice %arg8[%rem3A_28, %dma_start3A_44, %dma_start3A_45] : memref<2x2x128xi32, #tpu.memory_space<vmem>> -> memref<1x2x128xi32, #tpu.memory_space<vmem>>
        %dma_start3A_47 = tpu.memref_squeeze %dma_start3A_46 : memref<1x2x128xi32, #tpu.memory_space<vmem>> -> memref<2x128xi32, #tpu.memory_space<vmem>>
        %dma_start3A_48 = arith.constant 0 : i32
        %dma_start3A_49 = arith.constant 0 : i32
        %dma_start3A_50 = tpu.memref_slice %arg3[%add3A_29, %dma_start3A_48, %dma_start3A_49] : memref<96x2x128xi32, #tpu.memory_space<hbm>> -> memref<1x2x128xi32, #tpu.memory_space<hbm>>
        %dma_start3A_51 = tpu.memref_squeeze %dma_start3A_50 : memref<1x2x128xi32, #tpu.memory_space<hbm>> -> memref<2x128xi32, #tpu.memory_space<hbm>>
        %dma_start3A_52 = arith.constant 0 : i32
        %dma_start3A_53 = arith.constant 0 : i32
        %dma_start3A_54 = tpu.memref_slice %arg8[%rem3A_28, %dma_start3A_52, %dma_start3A_53] : memref<2x2x128xi32, #tpu.memory_space<vmem>> -> memref<1x2x128xi32, #tpu.memory_space<vmem>>
        %dma_start3A_55 = tpu.memref_squeeze %dma_start3A_54 : memref<1x2x128xi32, #tpu.memory_space<vmem>> -> memref<2x128xi32, #tpu.memory_space<vmem>>
        %dma_start3A_56 = arith.constant 0 : i32
        %dma_start3A_57 = arith.constant 0 : i32
        %dma_start3A_58 = tpu.memref_slice %arg3[%add3A_29, %dma_start3A_56, %dma_start3A_57] : memref<96x2x128xi32, #tpu.memory_space<hbm>> -> memref<1x2x128xi32, #tpu.memory_space<hbm>>
        %dma_start3A_59 = tpu.memref_squeeze %dma_start3A_58 : memref<1x2x128xi32, #tpu.memory_space<hbm>> -> memref<2x128xi32, #tpu.memory_space<hbm>>
        tpu.enqueue_dma source(%dma_start3A_59 : memref<2x128xi32, #tpu.memory_space<hbm>>) target(%dma_start3A_55 : memref<2x128xi32, #tpu.memory_space<vmem>>) target_semaphore(%run_scoped3A_43 : memref<!tpu.dma_semaphore, #tpu.memory_space<semaphore_mem>>)
        %dma_wait3A_60 = arith.constant 0 : i32
        %dma_wait3A_61 = arith.constant 0 : i32
        %dma_wait3A_62 = tpu.memref_slice %arg8[%rem3A_28, %dma_wait3A_60, %dma_wait3A_61] : memref<2x2x128xi32, #tpu.memory_space<vmem>> -> memref<1x2x128xi32, #tpu.memory_space<vmem>>
        %dma_wait3A_63 = tpu.memref_squeeze %dma_wait3A_62 : memref<1x2x128xi32, #tpu.memory_space<vmem>> -> memref<2x128xi32, #tpu.memory_space<vmem>>
        %dma_wait3A_64 = arith.constant 0 : i32
        %dma_wait3A_65 = arith.constant 0 : i32
        %dma_wait3A_66 = tpu.memref_slice %arg3[%add3A_29, %dma_wait3A_64, %dma_wait3A_65] : memref<96x2x128xi32, #tpu.memory_space<hbm>> -> memref<1x2x128xi32, #tpu.memory_space<hbm>>
        %dma_wait3A_67 = tpu.memref_squeeze %dma_wait3A_66 : memref<1x2x128xi32, #tpu.memory_space<hbm>> -> memref<2x128xi32, #tpu.memory_space<hbm>>
        %dma_wait3A_68 = arith.constant 0 : i32
        %dma_wait3A_69 = arith.constant 0 : i32
        %dma_wait3A_70 = tpu.memref_slice %arg8[%rem3A_28, %dma_wait3A_68, %dma_wait3A_69] : memref<2x2x128xi32, #tpu.memory_space<vmem>> -> memref<1x2x128xi32, #tpu.memory_space<vmem>>
        %dma_wait3A_71 = tpu.memref_squeeze %dma_wait3A_70 : memref<1x2x128xi32, #tpu.memory_space<vmem>> -> memref<2x128xi32, #tpu.memory_space<vmem>>
        %dma_wait3A_72 = arith.constant 0 : i32
        %dma_wait3A_73 = arith.constant 0 : i32
        %dma_wait3A_74 = tpu.memref_slice %arg3[%add3A_29, %dma_wait3A_72, %dma_wait3A_73] : memref<96x2x128xi32, #tpu.memory_space<hbm>> -> memref<1x2x128xi32, #tpu.memory_space<hbm>>
        %dma_wait3A_75 = tpu.memref_squeeze %dma_wait3A_74 : memref<1x2x128xi32, #tpu.memory_space<hbm>> -> memref<2x128xi32, #tpu.memory_space<hbm>>
        tpu.wait_dma2 semaphore(%run_scoped3A_43 : memref<!tpu.dma_semaphore, #tpu.memory_space<semaphore_mem>>) src(%dma_wait3A_75 : memref<2x128xi32, #tpu.memory_space<hbm>>) dst(%dma_wait3A_71 : memref<2x128xi32, #tpu.memory_space<vmem>>)
        tpu.yield
      }) : () -> ()
      %dma_start3A = arith.constant 0 : i32
      %dma_start3A_30 = arith.constant 0 : i32
      %dma_start3A_31 = tpu.memref_slice %arg8[%rem3A_28, %dma_start3A, %dma_start3A_30] : memref<2x2x128xi32, #tpu.memory_space<vmem>> -> memref<1x1x128xi32, #tpu.memory_space<vmem>>
      %dma_start3A_32 = tpu.memref_squeeze %dma_start3A_31 : memref<1x1x128xi32, #tpu.memory_space<vmem>> -> memref<128xi32, #tpu.memory_space<vmem>>
      %dma_start3A_33 = arith.constant 0 : i32
      %dma_start3A_34 = arith.constant 0 : i32
      %dma_start3A_35 = tpu.memref_slice %arg2[%dma_start3A_33, %dma_start3A_34] : memref<10000x128xf32, #tpu.memory_space<hbm>> -> memref<10000x128xf32, #tpu.memory_space<hbm>>
      tpu.enqueue_indirect_dma source(%dma_start3A_35 : memref<10000x128xf32, #tpu.memory_space<hbm>>) target(%arg9 : memref<128x128xf32, #tpu.memory_space<vmem>>) offsets(%dma_start3A_32 : memref<128xi32, #tpu.memory_space<vmem>>) semaphore(%arg13 : memref<!tpu.dma_semaphore, #tpu.memory_space<semaphore_mem>>)
      %dma_wait3A = arith.constant 0 : i32
      %dma_wait3A_36 = arith.constant 0 : i32
      %dma_wait3A_37 = tpu.memref_slice %arg8[%rem3A_28, %dma_wait3A, %dma_wait3A_36] : memref<2x2x128xi32, #tpu.memory_space<vmem>> -> memref<1x1x128xi32, #tpu.memory_space<vmem>>
      %dma_wait3A_38 = tpu.memref_squeeze %dma_wait3A_37 : memref<1x1x128xi32, #tpu.memory_space<vmem>> -> memref<128xi32, #tpu.memory_space<vmem>>
      %dma_wait3A_39 = arith.constant 0 : i32
      %dma_wait3A_40 = arith.constant 0 : i32
      %dma_wait3A_41 = tpu.memref_slice %arg2[%dma_wait3A_39, %dma_wait3A_40] : memref<10000x128xf32, #tpu.memory_space<hbm>> -> memref<10000x128xf32, #tpu.memory_space<hbm>>
      tpu.wait_indirect_dma semaphore(%arg13 : memref<!tpu.dma_semaphore, #tpu.memory_space<semaphore_mem>>) src(%dma_wait3A_41 : memref<10000x128xf32, #tpu.memory_space<hbm>>) dst(%arg9 : memref<128x128xf32, #tpu.memory_space<vmem>>)
      %run_scoped3A = arith.constant 1 : i32
      "tpu.region"() ({
        %run_scoped3A_43 = tpu.sem_alloc : memref<!tpu.dma_semaphore, #tpu.memory_space<semaphore_mem>>
        %dma_start3A_44 = arith.constant 0 : i32
        %dma_start3A_45 = tpu.memref_slice %arg8[%rem3A_28, %run_scoped3A, %dma_start3A_44] : memref<2x2x128xi32, #tpu.memory_space<vmem>> -> memref<1x1x128xi32, #tpu.memory_space<vmem>>
        %dma_start3A_46 = tpu.memref_squeeze %dma_start3A_45 : memref<1x1x128xi32, #tpu.memory_space<vmem>> -> memref<128xi32, #tpu.memory_space<vmem>>
        %dma_start3A_47 = arith.constant 0 : i32
        %dma_start3A_48 = arith.constant 0 : i32
        %dma_start3A_49 = tpu.memref_slice %arg11[%dma_start3A_47, %dma_start3A_48] : memref<128x128xf32, #tpu.memory_space<vmem_shared>> -> memref<128x128xf32, #tpu.memory_space<vmem_shared>>
        tpu.enqueue_indirect_dma source(%arg9 : memref<128x128xf32, #tpu.memory_space<vmem>>) target(%dma_start3A_49 : memref<128x128xf32, #tpu.memory_space<vmem_shared>>) offsets(%dma_start3A_46 : memref<128xi32, #tpu.memory_space<vmem>>) semaphore(%run_scoped3A_43 : memref<!tpu.dma_semaphore, #tpu.memory_space<semaphore_mem>>) {add = true}
        %dma_wait3A_50 = arith.constant 0 : i32
        %dma_wait3A_51 = tpu.memref_slice %arg8[%rem3A_28, %run_scoped3A, %dma_wait3A_50] : memref<2x2x128xi32, #tpu.memory_space<vmem>> -> memref<1x1x128xi32, #tpu.memory_space<vmem>>
        %dma_wait3A_52 = tpu.memref_squeeze %dma_wait3A_51 : memref<1x1x128xi32, #tpu.memory_space<vmem>> -> memref<128xi32, #tpu.memory_space<vmem>>
        %dma_wait3A_53 = arith.constant 0 : i32
        %dma_wait3A_54 = arith.constant 0 : i32
        %dma_wait3A_55 = tpu.memref_slice %arg11[%dma_wait3A_53, %dma_wait3A_54] : memref<128x128xf32, #tpu.memory_space<vmem_shared>> -> memref<128x128xf32, #tpu.memory_space<vmem_shared>>
        tpu.wait_indirect_dma semaphore(%run_scoped3A_43 : memref<!tpu.dma_semaphore, #tpu.memory_space<semaphore_mem>>) src(%arg9 : memref<128x128xf32, #tpu.memory_space<vmem>>) dst(%dma_wait3A_55 : memref<128x128xf32, #tpu.memory_space<vmem_shared>>)
        tpu.yield
      }) : () -> ()
      %run_scoped3A_42 = arith.constant 1 : i32
      "tpu.region"() ({
        %run_scoped3A_43 = tpu.sem_alloc : memref<!tpu.dma_semaphore, #tpu.memory_space<semaphore_mem>>
        %dma_start3A_44 = arith.constant 0 : i32
        %dma_start3A_45 = tpu.memref_slice %arg8[%rem3A_28, %run_scoped3A_42, %dma_start3A_44] : memref<2x2x128xi32, #tpu.memory_space<vmem>> -> memref<1x1x128xi32, #tpu.memory_space<vmem>>
        %dma_start3A_46 = tpu.memref_squeeze %dma_start3A_45 : memref<1x1x128xi32, #tpu.memory_space<vmem>> -> memref<128xi32, #tpu.memory_space<vmem>>
        %dma_start3A_47 = arith.constant 0 : i32
        %dma_start3A_48 = arith.constant 0 : i32
        %dma_start3A_49 = tpu.memref_slice %arg12[%dma_start3A_47, %dma_start3A_48] : memref<128x128xf32, #tpu.memory_space<vmem_shared>> -> memref<128x128xf32, #tpu.memory_space<vmem_shared>>
        tpu.enqueue_indirect_dma source(%arg10 : memref<128x128xf32, #tpu.memory_space<vmem>>) target(%dma_start3A_49 : memref<128x128xf32, #tpu.memory_space<vmem_shared>>) offsets(%dma_start3A_46 : memref<128xi32, #tpu.memory_space<vmem>>) semaphore(%run_scoped3A_43 : memref<!tpu.dma_semaphore, #tpu.memory_space<semaphore_mem>>) {add = true}
        %dma_wait3A_50 = arith.constant 0 : i32
        %dma_wait3A_51 = tpu.memref_slice %arg8[%rem3A_28, %run_scoped3A_42, %dma_wait3A_50] : memref<2x2x128xi32, #tpu.memory_space<vmem>> -> memref<1x1x128xi32, #tpu.memory_space<vmem>>
        %dma_wait3A_52 = tpu.memref_squeeze %dma_wait3A_51 : memref<1x1x128xi32, #tpu.memory_space<vmem>> -> memref<128xi32, #tpu.memory_space<vmem>>
        %dma_wait3A_53 = arith.constant 0 : i32
        %dma_wait3A_54 = arith.constant 0 : i32
        %dma_wait3A_55 = tpu.memref_slice %arg12[%dma_wait3A_53, %dma_wait3A_54] : memref<128x128xf32, #tpu.memory_space<vmem_shared>> -> memref<128x128xf32, #tpu.memory_space<vmem_shared>>
        tpu.wait_indirect_dma semaphore(%run_scoped3A_43 : memref<!tpu.dma_semaphore, #tpu.memory_space<semaphore_mem>>) src(%arg10 : memref<128x128xf32, #tpu.memory_space<vmem>>) dst(%dma_wait3A_55 : memref<128x128xf32, #tpu.memory_space<vmem_shared>>)
        tpu.yield
      }) : () -> ()
    }
    %while3A_20 = arith.constant 1 : i32
    scf.for %while3A_27 = %while3A_18 to %while3A_14 step %while3A_20  : i32 {
      %rem3A = arith.constant 2 : i32
      %rem3A_28 = arith.remsi %while3A_27, %rem3A : i32
      %add3A_29 = arith.addi %select_n3A, %while3A_27 : i32
      "tpu.region"() ({
        %run_scoped3A_43 = tpu.sem_alloc : memref<!tpu.dma_semaphore, #tpu.memory_space<semaphore_mem>>
        %dma_start3A_44 = arith.constant 0 : i32
        %dma_start3A_45 = arith.constant 0 : i32
        %dma_start3A_46 = tpu.memref_slice %arg8[%rem3A_28, %dma_start3A_44, %dma_start3A_45] : memref<2x2x128xi32, #tpu.memory_space<vmem>> -> memref<1x2x128xi32, #tpu.memory_space<vmem>>
        %dma_start3A_47 = tpu.memref_squeeze %dma_start3A_46 : memref<1x2x128xi32, #tpu.memory_space<vmem>> -> memref<2x128xi32, #tpu.memory_space<vmem>>
        %dma_start3A_48 = arith.constant 0 : i32
        %dma_start3A_49 = arith.constant 0 : i32
        %dma_start3A_50 = tpu.memref_slice %arg3[%add3A_29, %dma_start3A_48, %dma_start3A_49] : memref<96x2x128xi32, #tpu.memory_space<hbm>> -> memref<1x2x128xi32, #tpu.memory_space<hbm>>
        %dma_start3A_51 = tpu.memref_squeeze %dma_start3A_50 : memref<1x2x128xi32, #tpu.memory_space<hbm>> -> memref<2x128xi32, #tpu.memory_space<hbm>>
        %dma_start3A_52 = arith.constant 0 : i32
        %dma_start3A_53 = arith.constant 0 : i32
        %dma_start3A_54 = tpu.memref_slice %arg8[%rem3A_28, %dma_start3A_52, %dma_start3A_53] : memref<2x2x128xi32, #tpu.memory_space<vmem>> -> memref<1x2x128xi32, #tpu.memory_space<vmem>>
        %dma_start3A_55 = tpu.memref_squeeze %dma_start3A_54 : memref<1x2x128xi32, #tpu.memory_space<vmem>> -> memref<2x128xi32, #tpu.memory_space<vmem>>
        %dma_start3A_56 = arith.constant 0 : i32
        %dma_start3A_57 = arith.constant 0 : i32
        %dma_start3A_58 = tpu.memref_slice %arg3[%add3A_29, %dma_start3A_56, %dma_start3A_57] : memref<96x2x128xi32, #tpu.memory_space<hbm>> -> memref<1x2x128xi32, #tpu.memory_space<hbm>>
        %dma_start3A_59 = tpu.memref_squeeze %dma_start3A_58 : memref<1x2x128xi32, #tpu.memory_space<hbm>> -> memref<2x128xi32, #tpu.memory_space<hbm>>
        tpu.enqueue_dma source(%dma_start3A_59 : memref<2x128xi32, #tpu.memory_space<hbm>>) target(%dma_start3A_55 : memref<2x128xi32, #tpu.memory_space<vmem>>) target_semaphore(%run_scoped3A_43 : memref<!tpu.dma_semaphore, #tpu.memory_space<semaphore_mem>>)
        %dma_wait3A_60 = arith.constant 0 : i32
        %dma_wait3A_61 = arith.constant 0 : i32
        %dma_wait3A_62 = tpu.memref_slice %arg8[%rem3A_28, %dma_wait3A_60, %dma_wait3A_61] : memref<2x2x128xi32, #tpu.memory_space<vmem>> -> memref<1x2x128xi32, #tpu.memory_space<vmem>>
        %dma_wait3A_63 = tpu.memref_squeeze %dma_wait3A_62 : memref<1x2x128xi32, #tpu.memory_space<vmem>> -> memref<2x128xi32, #tpu.memory_space<vmem>>
        %dma_wait3A_64 = arith.constant 0 : i32
        %dma_wait3A_65 = arith.constant 0 : i32
        %dma_wait3A_66 = tpu.memref_slice %arg3[%add3A_29, %dma_wait3A_64, %dma_wait3A_65] : memref<96x2x128xi32, #tpu.memory_space<hbm>> -> memref<1x2x128xi32, #tpu.memory_space<hbm>>
        %dma_wait3A_67 = tpu.memref_squeeze %dma_wait3A_66 : memref<1x2x128xi32, #tpu.memory_space<hbm>> -> memref<2x128xi32, #tpu.memory_space<hbm>>
        %dma_wait3A_68 = arith.constant 0 : i32
        %dma_wait3A_69 = arith.constant 0 : i32
        %dma_wait3A_70 = tpu.memref_slice %arg8[%rem3A_28, %dma_wait3A_68, %dma_wait3A_69] : memref<2x2x128xi32, #tpu.memory_space<vmem>> -> memref<1x2x128xi32, #tpu.memory_space<vmem>>
        %dma_wait3A_71 = tpu.memref_squeeze %dma_wait3A_70 : memref<1x2x128xi32, #tpu.memory_space<vmem>> -> memref<2x128xi32, #tpu.memory_space<vmem>>
        %dma_wait3A_72 = arith.constant 0 : i32
        %dma_wait3A_73 = arith.constant 0 : i32
        %dma_wait3A_74 = tpu.memref_slice %arg3[%add3A_29, %dma_wait3A_72, %dma_wait3A_73] : memref<96x2x128xi32, #tpu.memory_space<hbm>> -> memref<1x2x128xi32, #tpu.memory_space<hbm>>
        %dma_wait3A_75 = tpu.memref_squeeze %dma_wait3A_74 : memref<1x2x128xi32, #tpu.memory_space<hbm>> -> memref<2x128xi32, #tpu.memory_space<hbm>>
        tpu.wait_dma2 semaphore(%run_scoped3A_43 : memref<!tpu.dma_semaphore, #tpu.memory_space<semaphore_mem>>) src(%dma_wait3A_75 : memref<2x128xi32, #tpu.memory_space<hbm>>) dst(%dma_wait3A_71 : memref<2x128xi32, #tpu.memory_space<vmem>>)
        tpu.yield
      }) : () -> ()
      %dma_start3A = arith.constant 0 : i32
      %dma_start3A_30 = arith.constant 0 : i32
      %dma_start3A_31 = tpu.memref_slice %arg8[%rem3A_28, %dma_start3A, %dma_start3A_30] : memref<2x2x128xi32, #tpu.memory_space<vmem>> -> memref<1x1x128xi32, #tpu.memory_space<vmem>>
      %dma_start3A_32 = tpu.memref_squeeze %dma_start3A_31 : memref<1x1x128xi32, #tpu.memory_space<vmem>> -> memref<128xi32, #tpu.memory_space<vmem>>
      %dma_start3A_33 = arith.constant 0 : i32
      %dma_start3A_34 = arith.constant 0 : i32
      %dma_start3A_35 = tpu.memref_slice %arg2[%dma_start3A_33, %dma_start3A_34] : memref<10000x128xf32, #tpu.memory_space<hbm>> -> memref<10000x128xf32, #tpu.memory_space<hbm>>
      tpu.enqueue_indirect_dma source(%dma_start3A_35 : memref<10000x128xf32, #tpu.memory_space<hbm>>) target(%arg9 : memref<128x128xf32, #tpu.memory_space<vmem>>) offsets(%dma_start3A_32 : memref<128xi32, #tpu.memory_space<vmem>>) semaphore(%arg13 : memref<!tpu.dma_semaphore, #tpu.memory_space<semaphore_mem>>)
      %dma_wait3A = arith.constant 0 : i32
      %dma_wait3A_36 = arith.constant 0 : i32
      %dma_wait3A_37 = tpu.memref_slice %arg8[%rem3A_28, %dma_wait3A, %dma_wait3A_36] : memref<2x2x128xi32, #tpu.memory_space<vmem>> -> memref<1x1x128xi32, #tpu.memory_space<vmem>>
      %dma_wait3A_38 = tpu.memref_squeeze %dma_wait3A_37 : memref<1x1x128xi32, #tpu.memory_space<vmem>> -> memref<128xi32, #tpu.memory_space<vmem>>
      %dma_wait3A_39 = arith.constant 0 : i32
      %dma_wait3A_40 = arith.constant 0 : i32
      %dma_wait3A_41 = tpu.memref_slice %arg2[%dma_wait3A_39, %dma_wait3A_40] : memref<10000x128xf32, #tpu.memory_space<hbm>> -> memref<10000x128xf32, #tpu.memory_space<hbm>>
      tpu.wait_indirect_dma semaphore(%arg13 : memref<!tpu.dma_semaphore, #tpu.memory_space<semaphore_mem>>) src(%dma_wait3A_41 : memref<10000x128xf32, #tpu.memory_space<hbm>>) dst(%arg9 : memref<128x128xf32, #tpu.memory_space<vmem>>)
      %run_scoped3A = arith.constant 1 : i32
      "tpu.region"() ({
        %run_scoped3A_43 = tpu.sem_alloc : memref<!tpu.dma_semaphore, #tpu.memory_space<semaphore_mem>>
        %dma_start3A_44 = arith.constant 0 : i32
        %dma_start3A_45 = tpu.memref_slice %arg8[%rem3A_28, %run_scoped3A, %dma_start3A_44] : memref<2x2x128xi32, #tpu.memory_space<vmem>> -> memref<1x1x128xi32, #tpu.memory_space<vmem>>
        %dma_start3A_46 = tpu.memref_squeeze %dma_start3A_45 : memref<1x1x128xi32, #tpu.memory_space<vmem>> -> memref<128xi32, #tpu.memory_space<vmem>>
        %dma_start3A_47 = arith.constant 0 : i32
        %dma_start3A_48 = arith.constant 0 : i32
        %dma_start3A_49 = tpu.memref_slice %arg11[%dma_start3A_47, %dma_start3A_48] : memref<128x128xf32, #tpu.memory_space<vmem_shared>> -> memref<128x128xf32, #tpu.memory_space<vmem_shared>>
        tpu.enqueue_indirect_dma source(%arg9 : memref<128x128xf32, #tpu.memory_space<vmem>>) target(%dma_start3A_49 : memref<128x128xf32, #tpu.memory_space<vmem_shared>>) offsets(%dma_start3A_46 : memref<128xi32, #tpu.memory_space<vmem>>) semaphore(%run_scoped3A_43 : memref<!tpu.dma_semaphore, #tpu.memory_space<semaphore_mem>>) {add = true}
        %dma_wait3A_50 = arith.constant 0 : i32
        %dma_wait3A_51 = tpu.memref_slice %arg8[%rem3A_28, %run_scoped3A, %dma_wait3A_50] : memref<2x2x128xi32, #tpu.memory_space<vmem>> -> memref<1x1x128xi32, #tpu.memory_space<vmem>>
        %dma_wait3A_52 = tpu.memref_squeeze %dma_wait3A_51 : memref<1x1x128xi32, #tpu.memory_space<vmem>> -> memref<128xi32, #tpu.memory_space<vmem>>
        %dma_wait3A_53 = arith.constant 0 : i32
        %dma_wait3A_54 = arith.constant 0 : i32
        %dma_wait3A_55 = tpu.memref_slice %arg11[%dma_wait3A_53, %dma_wait3A_54] : memref<128x128xf32, #tpu.memory_space<vmem_shared>> -> memref<128x128xf32, #tpu.memory_space<vmem_shared>>
        tpu.wait_indirect_dma semaphore(%run_scoped3A_43 : memref<!tpu.dma_semaphore, #tpu.memory_space<semaphore_mem>>) src(%arg9 : memref<128x128xf32, #tpu.memory_space<vmem>>) dst(%dma_wait3A_55 : memref<128x128xf32, #tpu.memory_space<vmem_shared>>)
        tpu.yield
      }) : () -> ()
      %run_scoped3A_42 = arith.constant 1 : i32
      "tpu.region"() ({
        %run_scoped3A_43 = tpu.sem_alloc : memref<!tpu.dma_semaphore, #tpu.memory_space<semaphore_mem>>
        %dma_start3A_44 = arith.constant 0 : i32
        %dma_start3A_45 = tpu.memref_slice %arg8[%rem3A_28, %run_scoped3A_42, %dma_start3A_44] : memref<2x2x128xi32, #tpu.memory_space<vmem>> -> memref<1x1x128xi32, #tpu.memory_space<vmem>>
        %dma_start3A_46 = tpu.memref_squeeze %dma_start3A_45 : memref<1x1x128xi32, #tpu.memory_space<vmem>> -> memref<128xi32, #tpu.memory_space<vmem>>
        %dma_start3A_47 = arith.constant 0 : i32
        %dma_start3A_48 = arith.constant 0 : i32
        %dma_start3A_49 = tpu.memref_slice %arg12[%dma_start3A_47, %dma_start3A_48] : memref<128x128xf32, #tpu.memory_space<vmem_shared>> -> memref<128x128xf32, #tpu.memory_space<vmem_shared>>
        tpu.enqueue_indirect_dma source(%arg10 : memref<128x128xf32, #tpu.memory_space<vmem>>) target(%dma_start3A_49 : memref<128x128xf32, #tpu.memory_space<vmem_shared>>) offsets(%dma_start3A_46 : memref<128xi32, #tpu.memory_space<vmem>>) semaphore(%run_scoped3A_43 : memref<!tpu.dma_semaphore, #tpu.memory_space<semaphore_mem>>) {add = true}
        %dma_wait3A_50 = arith.constant 0 : i32
        %dma_wait3A_51 = tpu.memref_slice %arg8[%rem3A_28, %run_scoped3A_42, %dma_wait3A_50] : memref<2x2x128xi32, #tpu.memory_space<vmem>> -> memref<1x1x128xi32, #tpu.memory_space<vmem>>
        %dma_wait3A_52 = tpu.memref_squeeze %dma_wait3A_51 : memref<1x1x128xi32, #tpu.memory_space<vmem>> -> memref<128xi32, #tpu.memory_space<vmem>>
        %dma_wait3A_53 = arith.constant 0 : i32
        %dma_wait3A_54 = arith.constant 0 : i32
        %dma_wait3A_55 = tpu.memref_slice %arg12[%dma_wait3A_53, %dma_wait3A_54] : memref<128x128xf32, #tpu.memory_space<vmem_shared>> -> memref<128x128xf32, #tpu.memory_space<vmem_shared>>
        tpu.wait_indirect_dma semaphore(%run_scoped3A_43 : memref<!tpu.dma_semaphore, #tpu.memory_space<semaphore_mem>>) src(%arg10 : memref<128x128xf32, #tpu.memory_space<vmem>>) dst(%dma_wait3A_55 : memref<128x128xf32, #tpu.memory_space<vmem_shared>>)
        tpu.yield
      }) : () -> ()
    }
    %barrier3A_21 = arith.constant 0 : index
    tpu.barrier barrier_id(%barrier3A_21)
    %eq3A_22 = arith.constant 0 : i32
    %eq3A_23 = arith.cmpi eq, %arg1, %eq3A_22 : i32
    %convert_element_type3A_24 = arith.extui %eq3A_23 : i1 to i32
    %cond3A_25 = arith.constant 0 : i32
    %cond3A_26 = arith.cmpi ne, %convert_element_type3A_24, %cond3A_25 : i32
    scf.if %cond3A_26 {
      "tpu.region"() ({
        %run_scoped3A = tpu.sem_alloc : memref<!tpu.dma_semaphore, #tpu.memory_space<semaphore_mem>>
        %dma_start3A = arith.constant 0 : i32
        %dma_start3A_27 = arith.constant 0 : i32
        %dma_start3A_28 = tpu.memref_slice %arg6[%arg0, %dma_start3A, %dma_start3A_27] : memref<2x64x128xf32, #tpu.memory_space<hbm>> -> memref<1x64x128xf32, #tpu.memory_space<hbm>>
        %dma_start3A_29 = tpu.memref_squeeze %dma_start3A_28 : memref<1x64x128xf32, #tpu.memory_space<hbm>> -> memref<64x128xf32, #tpu.memory_space<hbm>>
        %dma_start3A_30 = arith.constant 0 : i32
        %dma_start3A_31 = arith.constant 0 : i32
        %dma_start3A_32 = tpu.memref_slice %arg11[%dma_start3A_30, %dma_start3A_31] : memref<128x128xf32, #tpu.memory_space<vmem_shared>> -> memref<64x128xf32, #tpu.memory_space<vmem_shared>>
        tpu.enqueue_dma source(%dma_start3A_32 : memref<64x128xf32, #tpu.memory_space<vmem_shared>>) target(%dma_start3A_29 : memref<64x128xf32, #tpu.memory_space<hbm>>) target_semaphore(%run_scoped3A : memref<!tpu.dma_semaphore, #tpu.memory_space<semaphore_mem>>)
        %dma_wait3A = arith.constant 0 : i32
        %dma_wait3A_33 = arith.constant 0 : i32
        %dma_wait3A_34 = tpu.memref_slice %arg6[%arg0, %dma_wait3A, %dma_wait3A_33] : memref<2x64x128xf32, #tpu.memory_space<hbm>> -> memref<1x64x128xf32, #tpu.memory_space<hbm>>
        %dma_wait3A_35 = tpu.memref_squeeze %dma_wait3A_34 : memref<1x64x128xf32, #tpu.memory_space<hbm>> -> memref<64x128xf32, #tpu.memory_space<hbm>>
        %dma_wait3A_36 = arith.constant 0 : i32
        %dma_wait3A_37 = arith.constant 0 : i32
        %dma_wait3A_38 = tpu.memref_slice %arg11[%dma_wait3A_36, %dma_wait3A_37] : memref<128x128xf32, #tpu.memory_space<vmem_shared>> -> memref<64x128xf32, #tpu.memory_space<vmem_shared>>
        tpu.wait_dma2 semaphore(%run_scoped3A : memref<!tpu.dma_semaphore, #tpu.memory_space<semaphore_mem>>) src(%dma_wait3A_38 : memref<64x128xf32, #tpu.memory_space<vmem_shared>>) dst(%dma_wait3A_35 : memref<64x128xf32, #tpu.memory_space<hbm>>)
        tpu.yield
      }) : () -> ()
      "tpu.region"() ({
        %run_scoped3A = tpu.sem_alloc : memref<!tpu.dma_semaphore, #tpu.memory_space<semaphore_mem>>
        %dma_start3A = arith.constant 0 : i32
        %dma_start3A_27 = arith.constant 0 : i32
        %dma_start3A_28 = tpu.memref_slice %arg7[%arg0, %dma_start3A, %dma_start3A_27] : memref<2x64x128xf32, #tpu.memory_space<hbm>> -> memref<1x64x128xf32, #tpu.memory_space<hbm>>
        %dma_start3A_29 = tpu.memref_squeeze %dma_start3A_28 : memref<1x64x128xf32, #tpu.memory_space<hbm>> -> memref<64x128xf32, #tpu.memory_space<hbm>>
        %dma_start3A_30 = arith.constant 0 : i32
        %dma_start3A_31 = arith.constant 0 : i32
        %dma_start3A_32 = tpu.memref_slice %arg12[%dma_start3A_30, %dma_start3A_31] : memref<128x128xf32, #tpu.memory_space<vmem_shared>> -> memref<64x128xf32, #tpu.memory_space<vmem_shared>>
        tpu.enqueue_dma source(%dma_start3A_32 : memref<64x128xf32, #tpu.memory_space<vmem_shared>>) target(%dma_start3A_29 : memref<64x128xf32, #tpu.memory_space<hbm>>) target_semaphore(%run_scoped3A : memref<!tpu.dma_semaphore, #tpu.memory_space<semaphore_mem>>)
        %dma_wait3A = arith.constant 0 : i32
        %dma_wait3A_33 = arith.constant 0 : i32
        %dma_wait3A_34 = tpu.memref_slice %arg7[%arg0, %dma_wait3A, %dma_wait3A_33] : memref<2x64x128xf32, #tpu.memory_space<hbm>> -> memref<1x64x128xf32, #tpu.memory_space<hbm>>
        %dma_wait3A_35 = tpu.memref_squeeze %dma_wait3A_34 : memref<1x64x128xf32, #tpu.memory_space<hbm>> -> memref<64x128xf32, #tpu.memory_space<hbm>>
        %dma_wait3A_36 = arith.constant 0 : i32
        %dma_wait3A_37 = arith.constant 0 : i32
        %dma_wait3A_38 = tpu.memref_slice %arg12[%dma_wait3A_36, %dma_wait3A_37] : memref<128x128xf32, #tpu.memory_space<vmem_shared>> -> memref<64x128xf32, #tpu.memory_space<vmem_shared>>
        tpu.wait_dma2 semaphore(%run_scoped3A : memref<!tpu.dma_semaphore, #tpu.memory_space<semaphore_mem>>) src(%dma_wait3A_38 : memref<64x128xf32, #tpu.memory_space<vmem_shared>>) dst(%dma_wait3A_35 : memref<64x128xf32, #tpu.memory_space<hbm>>)
        tpu.yield
      }) : () -> ()
    } else {
    }
    return
  }
}

module attributes {stable_mosaic.version = 14 : i64} {
  func.func @_dense_body(%arg0: i32, %arg1: memref<1000x128xf32, #tpu.memory_space<vmem>>, %arg2: memref<1000x128xf32, #tpu.memory_space<vmem>>, %arg3: memref<1000x128xf32, #tpu.memory_space<vmem>>, %arg4: memref<128x128xf32, #tpu.memory_space<vmem>>, %arg5: memref<1x128xf32, #tpu.memory_space<vmem>>, %arg6: memref<128x128xf32, #tpu.memory_space<vmem>>, %arg7: memref<1000x128xf32, #tpu.memory_space<vmem>>) attributes {dimension_semantics = [#tpu.dimension_semantics<arbitrary>], iteration_bounds = array<i64: 10>, scalar_prefetch = 0 : i64, scratch_operands = 0 : i64, tpu.core_type = #tpu.core_type<tc>, window_params = [{transform_indices = @transform_0, window_bounds = array<i64: 1000, 128>}, {transform_indices = @transform_1, window_bounds = array<i64: 1000, 128>}, {transform_indices = @transform_2, window_bounds = array<i64: 1000, 128>}, {pipeline_mode = #tpu.pipeline_mode<synchronous>, transform_indices = @transform_3, window_bounds = array<i64: 128, 128>}, {pipeline_mode = #tpu.pipeline_mode<synchronous>, transform_indices = @transform_4, window_bounds = array<i64: 1, 128>}, {pipeline_mode = #tpu.pipeline_mode<synchronous>, transform_indices = @transform_5, window_bounds = array<i64: 128, 128>}, {transform_indices = @transform_6, window_bounds = array<i64: 1000, 128>}]} {
    %get3A = arith.constant 0 : index
    %get3A_0 = arith.constant 0 : index
    %get3A_1 = vector.load %arg1[%get3A, %get3A_0] : memref<1000x128xf32, #tpu.memory_space<vmem>>, vector<1000x128xf32>
    %get3A_2 = arith.constant 0 : index
    %get3A_3 = arith.constant 0 : index
    %get3A_4 = vector.load %arg2[%get3A_2, %get3A_3] : memref<1000x128xf32, #tpu.memory_space<vmem>>, vector<1000x128xf32>
    %add3A = arith.addf %get3A_1, %get3A_4 : vector<1000x128xf32>
    %get3A_5 = arith.constant 0 : index
    %get3A_6 = arith.constant 0 : index
    %get3A_7 = vector.load %arg4[%get3A_5, %get3A_6] : memref<128x128xf32, #tpu.memory_space<vmem>>, vector<128x128xf32>
    %dot_general3A = arith.constant dense<0.000000e+00> : vector<1000x128xf32>
    %dot_general3A_8 = tpu.matmul %add3A, %get3A_7, %dot_general3A {dimension_numbers = #tpu.dot_dimension_numbers<[1], [1], [0], [0], [0, 0, 1, 0], [], []>, precision = #tpu.contract_precision<fp32>, transpose_lhs_hint = false} : vector<1000x128xf32>, vector<128x128xf32>, vector<1000x128xf32> -> vector<1000x128xf32>
    %get3A_9 = arith.constant 0 : index
    %get3A_10 = arith.constant 0 : index
    %get3A_11 = vector.load %arg3[%get3A_9, %get3A_10] : memref<1000x128xf32, #tpu.memory_space<vmem>>, vector<1000x128xf32>
    %get3A_12 = arith.constant 0 : index
    %get3A_13 = arith.constant 0 : index
    %get3A_14 = vector.load %arg6[%get3A_12, %get3A_13] : memref<128x128xf32, #tpu.memory_space<vmem>>, vector<128x128xf32>
    %dot_general3A_15 = arith.constant dense<0.000000e+00> : vector<1000x128xf32>
    %dot_general3A_16 = tpu.matmul %get3A_11, %get3A_14, %dot_general3A_15 {dimension_numbers = #tpu.dot_dimension_numbers<[1], [1], [0], [0], [0, 0, 1, 0], [], []>, precision = #tpu.contract_precision<fp32>, transpose_lhs_hint = false} : vector<1000x128xf32>, vector<128x128xf32>, vector<1000x128xf32> -> vector<1000x128xf32>
    %add3A_17 = arith.addf %dot_general3A_8, %dot_general3A_16 : vector<1000x128xf32>
    %get3A_18 = arith.constant 0 : index
    %get3A_19 = arith.constant 0 : index
    %get3A_20 = vector.load %arg5[%get3A_18, %get3A_19] : memref<1x128xf32, #tpu.memory_space<vmem>>, vector<1x128xf32>
    %add3A_21 = vector.broadcast %get3A_20 : vector<1x128xf32> to vector<1000x128xf32>
    %add3A_22 = arith.addf %add3A_17, %add3A_21 : vector<1000x128xf32>
    %mul3A = arith.constant 5.000000e-01 : f32
    %mul3A_23 = vector.broadcast %mul3A : f32 to vector<1000x128xf32>
    %mul3A_24 = arith.mulf %mul3A_23, %add3A_22 : vector<1000x128xf32>
    %mul3A_25 = arith.constant 0.707106769 : f32
    %mul3A_26 = vector.broadcast %mul3A_25 : f32 to vector<1000x128xf32>
    %mul3A_27 = arith.mulf %add3A_22, %mul3A_26 : vector<1000x128xf32>
    %erf3A = math.erf %mul3A_27 : vector<1000x128xf32>
    %add3A_28 = arith.constant 1.000000e+00 : f32
    %add3A_29 = vector.broadcast %add3A_28 : f32 to vector<1000x128xf32>
    %add3A_30 = arith.addf %add3A_29, %erf3A : vector<1000x128xf32>
    %mul3A_31 = arith.mulf %mul3A_24, %add3A_30 : vector<1000x128xf32>
    %swap3A = arith.constant 0 : index
    %swap3A_32 = arith.constant 0 : index
    %swap3A_33 = vector.load %arg7[%swap3A, %swap3A_32] : memref<1000x128xf32, #tpu.memory_space<vmem>>, vector<1000x128xf32>
    tpu.vector_store %arg7[%swap3A, %swap3A_32], %mul3A_31 {strides = array<i32>} : memref<1000x128xf32, #tpu.memory_space<vmem>>, vector<1000x128xf32>,
    return
  }
  func.func @transform_0(%arg0: i32) -> (i32, i32) {
    %c0_i32 = arith.constant 0 : i32
    %c0_i32_0 = arith.constant 0 : i32
    return %arg0, %c0_i32 : i32, i32
  }
  func.func @transform_1(%arg0: i32) -> (i32, i32) {
    %c0_i32 = arith.constant 0 : i32
    %c0_i32_0 = arith.constant 0 : i32
    return %arg0, %c0_i32 : i32, i32
  }
  func.func @transform_2(%arg0: i32) -> (i32, i32) {
    %c0_i32 = arith.constant 0 : i32
    %c0_i32_0 = arith.constant 0 : i32
    return %arg0, %c0_i32 : i32, i32
  }
  func.func @transform_3(%arg0: i32) -> (i32, i32) {
    %c0_i32 = arith.constant 0 : i32
    %c0_i32_0 = arith.constant 0 : i32
    %c0_i32_1 = arith.constant 0 : i32
    return %c0_i32, %c0_i32_0 : i32, i32
  }
  func.func @transform_4(%arg0: i32) -> (i32, i32) {
    %c0_i32 = arith.constant 0 : i32
    %c0_i32_0 = arith.constant 0 : i32
    %c0_i32_1 = arith.constant 0 : i32
    return %c0_i32, %c0_i32_0 : i32, i32
  }
  func.func @transform_5(%arg0: i32) -> (i32, i32) {
    %c0_i32 = arith.constant 0 : i32
    %c0_i32_0 = arith.constant 0 : i32
    %c0_i32_1 = arith.constant 0 : i32
    return %c0_i32, %c0_i32_0 : i32, i32
  }
  func.func @transform_6(%arg0: i32) -> (i32, i32) {
    %c0_i32 = arith.constant 0 : i32
    %c0_i32_0 = arith.constant 0 : i32
    return %arg0, %c0_i32 : i32, i32
  }
}

module attributes {stable_mosaic.version = 14 : i64} {
  func.func @_final_body(%arg0: memref<1xf32, #tpu.memory_space<smem>>, %arg1: memref<64x128xf32, #tpu.memory_space<vmem>>, %arg2: memref<64x128xf32, #tpu.memory_space<vmem>>, %arg3: memref<64x128xf32, #tpu.memory_space<vmem>>, %arg4: memref<64x128xf32, #tpu.memory_space<vmem>>, %arg5: memref<1x128xf32, #tpu.memory_space<vmem>>, %arg6: memref<64x128xf32, #tpu.memory_space<vmem>>) attributes {dimension_semantics = [], scalar_prefetch = 0 : i64, scratch_operands = 0 : i64, tpu.core_type = #tpu.core_type<tc>} {
    %get3A = arith.constant 0 : index
    %get3A_0 = arith.constant 0 : index
    %get3A_1 = vector.load %arg1[%get3A, %get3A_0] : memref<64x128xf32, #tpu.memory_space<vmem>>, vector<64x128xf32>
    %get3A_2 = arith.constant 0 : index
    %get3A_3 = arith.constant 0 : index
    %get3A_4 = vector.load %arg2[%get3A_2, %get3A_3] : memref<64x128xf32, #tpu.memory_space<vmem>>, vector<64x128xf32>
    %add3A = arith.addf %get3A_1, %get3A_4 : vector<64x128xf32>
    %get3A_5 = arith.constant 0 : index
    %get3A_6 = arith.constant 0 : index
    %get3A_7 = vector.load %arg3[%get3A_5, %get3A_6] : memref<64x128xf32, #tpu.memory_space<vmem>>, vector<64x128xf32>
    %get3A_8 = arith.constant 0 : index
    %get3A_9 = arith.constant 0 : index
    %get3A_10 = vector.load %arg4[%get3A_8, %get3A_9] : memref<64x128xf32, #tpu.memory_space<vmem>>, vector<64x128xf32>
    %add3A_11 = arith.addf %get3A_7, %get3A_10 : vector<64x128xf32>
    %max3A = arith.constant 1.000000e+00 : f32
    %max3A_12 = vector.broadcast %max3A : f32 to vector<64x128xf32>
    %max3A_13 = arith.maximumf %add3A_11, %max3A_12 : vector<64x128xf32>
    %div3A = arith.divf %add3A, %max3A_13 : vector<64x128xf32>
    %get3A_14 = arith.constant 0 : index
    %get3A_15 = arith.constant 0 : index
    %get3A_16 = vector.load %arg5[%get3A_14, %get3A_15] : memref<1x128xf32, #tpu.memory_space<vmem>>, vector<1x128xf32>
    %mul3A = vector.broadcast %get3A_16 : vector<1x128xf32> to vector<64x128xf32>
    %mul3A_17 = arith.mulf %div3A, %mul3A : vector<64x128xf32>
    %reduce_sum3A = arith.constant dense<0.000000e+00> : vector<64xf32>
    %reduce_sum3A_18 = vector.multi_reduction <add>, %mul3A_17, %reduce_sum3A [1] : vector<64x128xf32> to vector<64xf32>
    %broadcast_in_dim3A = vector.shape_cast %reduce_sum3A_18 : vector<64xf32> to vector<64x1xf32>
    %get3A_19 = arith.constant 0 : index
    %get3A_20 = memref.load %arg0[%get3A_19] : memref<1xf32, #tpu.memory_space<smem>>
    %add3A_21 = vector.broadcast %get3A_20 : f32 to vector<64x1xf32>
    %add3A_22 = arith.addf %broadcast_in_dim3A, %add3A_21 : vector<64x1xf32>
    %broadcast_in_dim3A_23 = vector.shape_cast %add3A_22 : vector<64x1xf32> to vector<64x1xf32>
    %broadcast_in_dim3A_24 = vector.broadcast %broadcast_in_dim3A_23 : vector<64x1xf32> to vector<64x128xf32>
    %swap3A = arith.constant 0 : index
    %swap3A_25 = arith.constant 0 : index
    %swap3A_26 = vector.load %arg6[%swap3A, %swap3A_25] : memref<64x128xf32, #tpu.memory_space<vmem>>, vector<64x128xf32>
    tpu.vector_store %arg6[%swap3A, %swap3A_25], %broadcast_in_dim3A_24 {strides = array<i32>} : memref<64x128xf32, #tpu.memory_space<vmem>>, vector<64x128xf32>,
    return
  }
}

</mosaic_0001>

<sc_bundles>
// kernel: kernel.12.cloned.1.call-start
scs
__scs_entry_jumppad:
0x0: {  	(pc) =	sbr.rel $0x88, $3  }
0x1: {  	(tag) =	ssettag $0x0;
	lr =	simm.s32 $0x1  }
0x2: {  	[smem:$0x3F90] =	sst lr;
	_ =	strace $0xD0000000  }
0x3: {  	_ = 	snop  }
0x4: {  	_ = 	snop  }
0x5: {  	_ = 	snop  }
0x6: {  	_ = 	snop  }
0x7: {  	_ = 	snop  }
__scs_overlays_trampoline_lowered:
0x8: {  	[smem:$0x3F9F] =	sst s0  }
0x9: {  	[smem:$0x3FA0] =	sst s1  }
0xa: {  	[smem:$0x3FA1] =	sst s2  }
0xb: {  	[smem:$0x3FA2] =	sst s3  }
0xc: {  	[smem:$0x3FA3] =	sst s4  }
0xd: {  	[smem:$0x3FA4] =	sst s5  }
0xe: {  	[smem:$0x3FA5] =	sst s6  }
0xf: {  	[smem:$0x3FA6] =	sst s7  }
0x10: {  	[smem:$0x3FA7] =	sst s8  }
0x11: {  	[smem:$0x3FA8] =	sst s9;
	s0 =	simm.s32 @!p0 $0x0  }
0x12: {  	s1 =	sld [smem:$0x3F8E];
	s0 =	simm.s32 @p0 $0x1  }
0x13: {  	[smem:$0x3FA9] =	sst s0;
	s0 =	simm.s32 @!p1 $0x0  }
0x14: {  	s2 =	sld [smem:$0x3F8D];
	s0 =	simm.s32 @p1 $0x1  }
0x15: {  	[smem:$0x3FAA] =	sst s0;
	s0 =	simm.s32 @!p2 $0x0  }
0x16: {  	s3 =	sld [smem:$0x3FDB];
	s0 =	simm.s32 @p2 $0x1  }
0x17: {  	s4 =	simm.s32 $0x1BF5;
	[smem:$0x3FAC] =	sst s0  }
0x18: {  	s0 =	sld [smem:$0x3F8F];
	_ =	swait.ge [sflag:s4], $0x0  }
0x19: {  	s7 =	sld [smem:$0x3F90]  }
0x1a: {  	s8 =	sadd.s32 $0xFFFFE003, lr  }
0x1b: {  	s9 =	sadd.s32 $0xFFFFFEF7, lr;
	s5 =	simm.s32 $0xFFFFFFFF;
	p2 =	slt.u32 s8, $0xFFFFF086  }
0x1c: {  	p1 =	slt.u32 s9, $0xF7A;
	s5 =	simm.s32 @!p2 $0x0  }
0x1d: {  	s5 =	simm.s32 @p1 $0x1;
	p0 =	seq.s32 s7, s2  }
0x1e: {  	s7 =	smul.u32 @!p0 $0xF7A, s2;
	p2 =	seq.s32 @!p0 s5, $0x0  }
0x1f: {  	s9 =	smul.u32 $0xF7A, s1;
	s8 =	simm.s32 @!p0 $0x1BF5;
	p2 =	por !p2, p0  }
0x20: {  	[sflag:s8] =	ssyncset.s32 @!p0 $0xFFFFF086;
	s6 =	sadd.s32 @!p0 s3, s7;
	s7 =	simm.s32 @!p0 $0x108  }
0x21: {  	s3 =	sadd.s32 s3, s9;
	s6 =	sadd.s32 @!p0 $0x88, s6;
	s7 =	simm.s32 @p2 $0x1082  }
0x22: {  	[simem:s7], [sflag:s8] =	dma.local @!p0 [hbm:s6], $0xF7A  }
0x23: {  	s9 =	sor.u32 $0xD0000000, s2;
	s6 =	simm.s32 $0x108;
	_ =	swait.ge @!p0 [sflag:s8], $0x0  }
0x24: {  	s3 =	sadd.s32 $0x88, s3;
	s6 =	simm.s32 @!p1 $0x1082;
	[sflag:s4] =	ssyncset.s32 $0xFFFFF086  }
0x25: {  	[simem:s6], [sflag:s4] =	dma.local [hbm:s3], $0xF7A  }
0x26: {  	[smem:$0x3F90] =	sst s1;
	(tag) =	ssettag s2;
	_ =	strace s9  }
0x27: {  	s1 =	sld [smem:$0x3FA0]  }
0x28: {  	s2 =	sld [smem:$0x3FA1]  }
0x29: {  	s4 =	sld [smem:$0x3FA3]  }
0x2a: {  	p0 =	seq.s32 s5, $0x0;
	s5 =	sld [smem:$0x3FA4]  }
0x2b: {  	s6 =	sld [smem:$0x3FA5]  }
0x2c: {  	s7 =	sld [smem:$0x3FA6]  }
0x2d: {  	s3 =	simm.s32 $0x108;
	s8 =	sld [smem:$0x3FA7]  }
0x2e: {  	s3 =	simm.s32 @!p0 $0x1082;
	s9 =	sld [smem:$0x3FA8]  }
0x2f: {  	lr =	sadd.s32 s0, s3;
	s0 =	sld [smem:$0x3F9F]  }
0x30: {  	s3 =	sld [smem:$0x3FA2]  }
0x31: {  	[smem:$0x3FAB] =	sst s10  }
0x32: {  	s10 =	sld [smem:$0x3FA9];
	_ =	sdelay $0x3  }
0x33: {  	p0 =	seq.s32 s10, $0x1;
	s10 =	sld [smem:$0x3FAB];
	_ =	sdelay $0x3  }
0x34: {  	[smem:$0x3FAB] =	sst s10  }
0x35: {  	s10 =	sld [smem:$0x3FAA];
	_ =	sdelay $0x3  }
0x36: {  	p1 =	seq.s32 s10, $0x1;
	s10 =	sld [smem:$0x3FAB];
	_ =	sdelay $0x3  }
0x37: {  	[smem:$0x3FAB] =	sst s10  }
0x38: {  	s10 =	sld [smem:$0x3FAC]  }
0x39: {  	_ = 	snop;
	(pc) =	sbr.ind lr, $3  }
0x3a: {  	_ = 	snop  }
0x3b: {  	_ = 	snop  }
0x3c: {  	p2 =	seq.s32 s10, $0x1;
	s10 =	sld [smem:$0x3FAB]  }
0x3d: {  	_ =	shalt  }
0x3e: {  	_ =	shalt  }
0x3f: {  	_ =	shalt  }
0x40: {  	_ =	shalt  }
0x41: {  	_ =	shalt  }
0x42: {  	_ =	shalt  }
0x43: {  	_ =	shalt  }
0x44: {  	_ =	shalt  }
0x45: {  	_ =	shalt  }
0x46: {  	_ =	shalt  }
0x47: {  	_ =	shalt  }
0x48: {  	_ =	shalt  }
0x49: {  	_ =	shalt  }
0x4a: {  	_ =	shalt  }
0x4b: {  	_ =	shalt  }
0x4c: {  	_ =	shalt  }
0x4d: {  	_ =	shalt  }
0x4e: {  	_ =	shalt  }
0x4f: {  	_ =	shalt  }
0x50: {  	_ =	shalt  }
0x51: {  	_ =	shalt  }
0x52: {  	_ =	shalt  }
0x53: {  	_ =	shalt  }
0x54: {  	_ =	shalt  }
0x55: {  	_ =	shalt  }
0x56: {  	_ =	shalt  }
0x57: {  	_ =	shalt  }
0x58: {  	_ =	shalt  }
0x59: {  	_ =	shalt  }
0x5a: {  	_ =	shalt  }
0x5b: {  	_ =	shalt  }
0x5c: {  	_ =	shalt  }
0x5d: {  	_ =	shalt  }
0x5e: {  	_ =	shalt  }
0x5f: {  	_ =	shalt  }
0x60: {  	_ =	shalt  }
0x61: {  	_ =	shalt  }
0x62: {  	_ =	shalt  }
0x63: {  	_ =	shalt  }
0x64: {  	_ =	shalt  }
0x65: {  	_ =	shalt  }
0x66: {  	_ =	shalt  }
0x67: {  	_ =	shalt  }
0x68: {  	_ =	shalt  }
0x69: {  	_ =	shalt  }
0x6a: {  	_ =	shalt  }
0x6b: {  	_ =	shalt  }
0x6c: {  	_ =	shalt  }
0x6d: {  	_ =	shalt  }
0x6e: {  	_ =	shalt  }
0x6f: {  	_ =	shalt  }
0x70: {  	_ =	shalt  }
0x71: {  	_ =	shalt  }
0x72: {  	_ =	shalt  }
0x73: {  	_ =	shalt  }
0x74: {  	_ =	shalt  }
0x75: {  	_ =	shalt  }
0x76: {  	_ =	shalt  }
0x77: {  	_ =	shalt  }
0x78: {  	_ =	shalt  }
0x79: {  	_ =	shalt  }
0x7a: {  	_ =	shalt  }
0x7b: {  	_ =	shalt  }
0x7c: {  	_ =	shalt  }
0x7d: {  	_ =	shalt  }
0x7e: {  	_ =	shalt  }
0x7f: {  	_ =	shalt  }
0x80: {  	_ =	shalt  }
0x81: {  	_ =	shalt  }
0x82: {  	_ =	shalt  }
0x83: {  	_ =	shalt  }
0x84: {  	_ =	shalt  }
0x85: {  	_ =	shalt  }
0x86: {  	_ =	shalt  }
0x87: {  	_ =	shalt  }
.Lfunc_end0:
.L_simem_size_0:
called_computation_lowered:
.L_overlay_start_0:
0x88: {  	s2 =	sld [smem:$0x3FD9]  }
0x89: {  	s3 =	sld [smem:$0x3FFE];
	_ =	sdelay $0x1  }
0x8a: {  	s1 =	srdreg.scid  }
0x8b: {  	s0 =	sand.u32 $0x1, s1  }
0x8c: {  	s17 =	sshll.u32 s0, $0xA;
	s2 =	sadd.s32 s3, s2  }
0x8d: {  	s2 =	sadd.s32 s2, s17  }
0x8e: {  	[smem:$0x3FB7] =	sst s2  }
0x8f: {  	_ = 	snop  }
0x90: {  	s2 =	sld [smem:$0x3FC9];
	(tm) =	ssettm $0x1  }
0x91: {  	s18 =	sld [smem:$0x3FFB];
	_ =	sdelay $0x3  }
0x92: {  	_ =	strace s18  }
0x93: {  	s3 =	sld [smem:$0x3FFC];
	_ =	sdelay $0x3  }
0x94: {  	_ =	strace s3  }
0x95: {  	s3 =	sld [smem:$0x3FFD];
	_ =	sdelay $0x3  }
0x96: {  	_ =	strace s3  }
0x97: {  	_ =	strace $0x8FFFFFFF  }
0x98: {  	s19 =	sld [smem:$0x3FDB];
	_ =	sdelay $0x1  }
0x99: {  	s4 =	simm.s32 $_scs_section_size  }
0x9a: {  	s5 =	simm.s32 $_size__tile_overlayer_lowered;
	s6 =	simm.s32 $_tile_overlayer_lowered  }
0x9b: {  	s22 =	simm.s32 $0x1BFF;
	s21 =	sshll.u32 s6, $0x1;
	s3 =	sadd.s32 s4, s19  }
0x9c: {  	s7 =	simm.s32 $0x0;
	s20 =	sshll.u32 s5, $0x1;
	s5 =	sadd.s32 s21, s3  }
0x9d: {  	[timem:s7], [sflag:s22] =	dma.local [hbm:s5], s20  }
0x9e: {  	_ =	swait.ge [sflag:s22], s20  }
0x9f: {  	s4 =	ssub.s32 $0x0, s20;
	[sflag:s22] =	ssyncset.done $0x0  }
0xa0: {  	[sflag:s22] =	ssyncadd.s32 s4;
	_ =	sdelay $0x1  }
0xa1: {  	s23 =	simm.s32 $0x1B8B  }
0xa2: {  	_ =	swait.ge [sflag:s23], $0x1  }
0xa3: {  	[sflag:s23] =	ssyncset.done $0x0  }
0xa4: {  	s25 =	simm.s32 $0x1B8E;
	s24 =	sld [smem:$0x3FFE];
	[sflag:s23] =	ssyncadd.s32 $0xFFFFFFFF  }
0xa5: {  	s26 =	simm.s32 $execute0_lowered;
	[smem:$0x3FD2] =	sst s25  }
0xa6: {  	s5 =	sshll.u32 s26, $0x1;
	_ =	strace $0x80000046;
	[dreg:$0x1] =	wrdreg $0xFFFFFFFF  }
0xa7: {  	s28 =	simm.s32 $_size_execute0_lowered;
	s3 =	sadd.s32 s3, s5;
	[dreg:$0x0] =	wrdreg $0x0  }
0xa8: {  	s5 =	sshll.u32 s28, $0x1;
	[dreg:$0x2] =	wrdreg s3  }
0xa9: {  	[dreg:$0x3] =	wrdreg s5  }
0xaa: {  	[dreg:$0x4] =	wrdreg $0xC0  }
0xab: {  	_ =	task [dreg:s7], $0x5FFFF  }
0xac: {  	[dreg:$0x1] =	wrdreg $0xFFFFFFFF  }
0xad: {  	[dreg:$0x0] =	wrdreg $0x60  }
0xae: {  	[dreg:$0x2] =	wrdreg s2  }
0xaf: {  	[dreg:$0x3] =	wrdreg s24  }
0xb0: {  	[dreg:$0x4] =	wrdreg $0x84000  }
0xb1: {  	[dreg:$0x5] =	wrdreg $0x9  }
0xb2: {  	_ =	task.clear_ibuf [dreg:s7], $0x6FFFF;
	_ =	strace $0x90000046  }
0xb3: {  	s29 =	simm.s32 $0x9;
	_ =	strace $0x80000048  }
0xb4: {  	_ =	swait.ge [sflag:s29], $0x1  }
0xb5: {  	[sflag:s29] =	ssyncadd.s32 $0xFFFFFFFF  }
0xb6: {  	_ =	strace $0x90000048  }
0xb7: {  	_ =	sfence  }
0xb8: {  	s30 =	sld [smem:$0x0];
	_ =	sdelay $0x2  }
0xb9: {  	s31 =	sshll.u32 s1, $0xD;
	s1 =	sshrl.u32 s1, $0x2  }
0xba: {  	s3 =	sand.u32 $0x4000, s31;
	s1 =	sadd.s32 s1, s30  }
0xbb: {  	s0 =	sor.u32 s3, s0;
	s1 =	sshll.u32 s1, $0x11  }
0xbc: {  	s0 =	sor.u32 s1, s0  }
0xbd: {  	s0 =	sadd.s32 $0x8F2B, s0  }
0xbe: {  	[sflag:s0] =	ssyncadd.remote.s32 $0x1  }
0xbf: {  	_ =	sfence.sel $0xFFFF  }
0xc0: {  	[dreg:$0x0] =	wrdreg $0xFFFFFFFF;
	(pc) =	sbr.abs _section_cstart, $3  }
0xc1: {  	[dreg:$0x1] =	wrdreg $0xFFFFFFFF  }
0xc2: {  	_ =	task.clear_ibuf [dreg:s7], $0x2FFFF;
	_ =	strace $0x9FFFFFFF  }
0xc3: {  	(tm) =	ssettm $0x7FFFFFFF  }
tec
execute0_lowered:
.L_overlay_start_1:
0x0: {  	(tag) =	ssettag $0x1  }
0x1: {  	s2 =	rddreg [dreg:$0x0]  }
0x2: {  	s0 =	rddreg [dreg:$0x1]  }
0x3: {  	s3 =	rddreg [dreg:$0x2];
	s17 =	stileid.u32  }
0x4: {  	s1 =	srdreg.scid;
	s4 =	simm.s32 $0x0;
	s19 =	simm.s32 $0x3  }
0x5: {  	s20 =	simm.s32 $0x100;
	s23 =	simm.s32 $0x1;
	s24 =	simm.s32 $0x80  }
0x6: {  	s29 =	simm.s32 $0x2;
	s30 =	simm.s32 $0x0;
	s5 =	smul.u32 $0x25, s17  }
0x7: {  	s1 =	sand.u32 $0x1, s1;
	s6 =	smul.u32 $0x7B, s17;
	[smem:$0x7FF] =	sst s4  }
0x8: {  	s25 =	sadd.s32 $0x1A000, s0;
	s9 =	smul.u32 $0x50000, s17;
	s28 =	sshll.u32 s17, $0x6  }
0x9: {  	s31 =	smul.u32 $0x14000, s17;
	p0 =	seq.s32 s1, $0x0;
	_ =	strace $0x80000047  }
0xa: {  	[dreg:$0x4] =	wrdreg s25;
	s7 =	ssub.s32 $0x2, s1;
	s1 =	smul.u32 $0x138800, s1  }
0xb: {  	s5 =	sadd.s32 $0x7B0, s5;
	s8 =	sshrl.u32 s7, $0x1;
	s26 =	sshrl.u32 s9, $0x2  }
0xc: {  	s5 =	smov.u32 @p0 s6;
	s6 =	simm.s32 $0x7B;
	s16 =	ssub.s32 s7, s8  }
0xd: {  	s7 =	sadd.s32 s26, s3;
	s8 =	sor.u32 $0x1C03, s28;
	s9 =	sadd.s32 s31, s1  }
0xe: {  	s1 =	sshrl.u32 s1, $0x3;
	s5 =	sshll.u32 s5, $0x5;
	s6 =	simm.s32 @!p0 $0x25  }
0xf: {  	s9 =	sshrl.u32 s9, $0x3;
	s16 =	smax.u32 s16, $0x1;
	s18 =	sshrl.u32 s7, $0x3  }
0x10: {  	p0 =	seq.s32 s17, $0xF;
	s5 =	sadd.s32 s5, s0;
	s0 =	sadd.s32 $0x1C800, s0  }
0x11: {  	s13 =	sadd.s32 $0xFFFFFFFC, s6;
	s10 =	sadd.s32 $0x6000, s5;
	s11 =	sadd.s32 $0x6040, s5  }
0x12: {  	s12 =	sadd.s32 $0x6060, s5;
	s1 =	sadd.s32 s0, s1;
	s14 =	sadd.s32 s0, s9  }
0x13: {  	s0 =	sadd.s32 $0x12C000, s3;
	s22 =	sadd.s32 $0x6080, s5;
	[dreg:$0x5] =	wrdreg s10  }
0x14: {  	s10 =	sadd.s32 $0x6020, s5;
	s15 =	sadd.s32 $0x25800, s1;
	s25 =	sshrl.u32 @p0 s0, $0x3  }
.LBB2_1:
0x15: {  	s0 =	rddreg [dreg:$0x4]  }
0x16: {  	[spmem:s18], [sflag:s8] =	dma.local [hbm:s0], $0x2800  }
0x17: {  	_ =	swait.ge [sflag:s19], $0x2800  }
0x18: {  	[sflag:s19] =	ssyncset.done $0x0  }
0x19: {  	s1 =	rddreg [dreg:$0x5];
	[sflag:s19] =	ssyncadd.s32 $0xFFFFD800  }
0x1a: {  	[tilespmem:s4], [sflag:$0x1] =	stream.linear.gather [hbm4b:s1+s4], $0x100, $0x38;
	[tilespmem:$0x1C400] =	vst v63  }
0x1b: {  	_ = 	snop  }
0x1c: {  	[tilespmem:s20], [sflag:$0x1] =	stream.linear.gather [hbm4b:s10+s4], $0x100, $0x38;
	[tilespmem:$0x1C400] =	vst v63  }
0x1d: {  	s5 =	simm.s32 $0x200  }
0x1e: {  	[tilespmem:s5], [sflag:$0x1] =	stream.linear.gather [hbm4b:s11+s4], $0x100, $0x38;
	[tilespmem:$0x1C400] =	vst v63  }
0x1f: {  	s9 =	simm.s32 $0x300  }
0x20: {  	[tilespmem:s9], [sflag:$0x1] =	stream.linear.gather [hbm4b:s12+s4], $0x100, $0x38;
	[tilespmem:$0x1C400] =	vst v63  }
0x21: {  	[bflag:$0x0] =	sbarrier.arrive $0xFFFF  }
0x22: {  	_ =	swait.ge [sflag:s23], $0x100  }
0x23: {  	[sflag:s23] =	ssyncset.done $0x0  }
0x24: {  	s17 =	simm.s32 $0x400;
	[sflag:s23] =	ssyncadd.s32 $0xFFFFFF00  }
0x25: {  	[tilespmem:s17], [sflag:$0x2] =	stream.indirect.gather [hbm4b:s2+s24], $0x80, s4, s24, $0xb8;
	[tilespmem:$0x1C400] =	vst v63  }
0x26: {  	_ =	swait.ge [sflag:s23], $0x100  }
0x27: {  	[sflag:s23] =	ssyncset.done $0x0  }
0x28: {  	s21 =	simm.s32 $0x4400;
	[sflag:s23] =	ssyncadd.s32 $0xFFFFFF00  }
0x29: {  	[tilespmem:s21], [sflag:$0x2] =	stream.indirect.gather [hbm4b:s2+s24], $0x80, s20, s24, $0xb8;
	[tilespmem:$0x1C400] =	vst v63  }
0x2a: {  	s26 =	sand.u32 $0x10000, s4;
	_ =	swait.ge [sflag:s29], $0x4000  }
0x2b: {  	s0 =	sshrl.u32 s26, $0x2;
	s5 =	sand.u32 $0x300, s4;
	[sflag:s29] =	ssyncset.done $0x0  }
0x2c: {  	s0 =	sor.u32 $0x400, s0;
	s1 =	sor.u32 $0x80, s5;
	[sflag:s29] =	ssyncadd.s32 $0xFFFFC000  }
0x2d: {  	[spmem:s3] =	stream.indirect.scatter.add.f32 [tilespmem:s0], [sflag:$0x3], $0x80, s1, s24, $0xb8;
	[tilespmem:$0x1C400] =	vst v63  }
0x2e: {  	_ =	swait.ge [sflag:s19], $0x4000  }
0x2f: {  	p2 =	sle.u32 s13, $0x0;
	[sflag:s19] =	ssyncset.done $0x0  }
0x30: {  	s9 =	simm.s32 @!p2 $0x0;
	[sflag:s19] =	ssyncadd.s32 $0xFFFFC000  }
0x31: {  	[tilespmem:s5], [sflag:$0x1] =	stream.linear.gather @!p2 [hbm4b:s22+s9], $0x100, $0x38;
	[tilespmem:$0x1C400] =	vst v63  }
0x32: {  	p2 =	sne.s32 s6, $0x1  }
.Ltmp0:
0x33: {  	p1 =	sle.u32 s6, $0x2;
	(pc) =	sbr.rel @!p2 .LBB2_3-.Ltmp0, $4  }
0x34: {  	s31 =	simm.s32 $0x800;
	s28 =	simm.s32 @!p1 $0x1  }
0x35: {  	s26 =	simm.s32 $0x1;
	s17 =	smov.u32 s22;
	s21 =	simm.s32 $0x10000  }
0x36: {  	s1 =	simm.s32 $0x100;
	s5 =	sand.u32 @!p1 $0xC00, s31;
	_ =	swait.ge @!p1 [sflag:s28], $0x100  }
0x37: {  	s9 =	simm.s32 @!p1 $0x80;
	s5 =	sshrl.u32 @!p1 s5, $0x2;
	[sflag:s28] =	ssyncset.done @!p1 $0x0  }
.LBB2_2:
0x38: {  	[sflag:s28] =	ssyncadd.s32 @!p1 $0xFFFFFF00;
	s17 =	sadd.s32 $0x20, s17;
	s31 =	sadd.s32 $0x400, s31  }
0x39: {  	[tilespmem:s0], [sflag:$0x2] =	stream.indirect.gather @!p1 [hbm4b:s2+s9], $0x80, s5, s9, $0xb8;
	[tilespmem:$0x1C400] =	vst v63  }
0x3a: {  	_ = 	snop  }
0x3b: {  	s0 =	sand.u32 $0x10000, s21;
	_ =	swait.ge [sflag:s29], $0x4000  }
0x3c: {  	s5 =	sand.u32 $0x300, s1;
	s0 =	sshrl.u32 s0, $0x2;
	[sflag:s29] =	ssyncset.done $0x0  }
0x3d: {  	s9 =	sor.u32 $0x80, s5;
	s0 =	sor.u32 $0x400, s0;
	[sflag:s29] =	ssyncadd.s32 $0xFFFFC000  }
0x3e: {  	[spmem:s3] =	stream.indirect.scatter.add.f32 [tilespmem:s0], [sflag:$0x3], $0x80, s9, s24, $0xb8;
	[tilespmem:$0x1C400] =	vst v63  }
0x3f: {  	s1 =	sadd.s32 $0x100, s1;
	_ =	swait.ge [sflag:s19], $0x4000  }
0x40: {  	p2 =	sge.u32 s26, s13;
	s9 =	sadd.s32 $0x2, s26;
	[sflag:s19] =	ssyncset.done $0x0  }
0x41: {  	s26 =	simm.s32 @!p2 $0x0;
	p1 =	sge.u32 s9, s6;
	[sflag:s19] =	ssyncadd.s32 $0xFFFFC000  }
0x42: {  	[tilespmem:s5], [sflag:$0x1] =	stream.linear.gather @!p2 [hbm4b:s17+s26], $0x100, $0x38;
	[tilespmem:$0x1C400] =	vst v63  }
0x43: {  	s26 =	sadd.s32 $0xFFFFFFFF, s9  }
0x44: {  	p2 =	sne.s32 s26, s6  }
.Ltmp1:
0x45: {  	_ = 	snop;
	(pc) =	sbr.rel @p2 .LBB2_2-.Ltmp1, $4  }
0x46: {  	_ = 	snop  }
0x47: {  	s28 =	simm.s32 @!p1 $0x1;
	s5 =	sand.u32 @!p1 $0xC00, s31  }
0x48: {  	s5 =	sshrl.u32 @!p1 s5, $0x2;
	_ =	swait.ge @!p1 [sflag:s28], $0x100  }
0x49: {  	s21 =	sadd.s32 $0x10000, s21;
	s9 =	simm.s32 @!p1 $0x80;
	[sflag:s28] =	ssyncset.done @!p1 $0x0  }
.LBB2_3:
0x4a: {  	[sflag:s28] =	ssyncadd.s32 @!p1 $0xFFFFFF00  }
0x4b: {  	[tilespmem:s0], [sflag:$0x2] =	stream.indirect.gather @!p1 [hbm4b:s2+s9], $0x80, s5, s9, $0xb8;
	[tilespmem:$0x1C400] =	vst v63  }
0x4c: {  	s0 =	simm.s32 @p0 $0x3;
	[bflag:$0x0] =	sbarrier.arrive $0xFFFF  }
0x4d: {  	[hbm:s15], [sflag:s8] =	dma.local @p0 [spmem:s25], $0x1900  }
0x4e: {  	_ =	swait.ge @p0 [sflag:s0], $0x1900  }
0x4f: {  	s30 =	sadd.s32 $0x1, s30;
	[sflag:s0] =	ssyncset.done @p0 $0x0  }
0x50: {  	p1 =	sne.s32 s30, s16;
	[sflag:s0] =	ssyncadd.s32 @p0 $0xFFFFE700;
	s0 =	sshrl.u32 @!p0 s7, $0x3  }
0x51: {  	[hbm:s14], [sflag:s8] =	dma.local @!p0 [spmem:s0], $0x2800  }
.Ltmp2:
0x52: {  	_ = 	snop;
	(pc) =	sbr.rel @p1 .LBB2_1-.Ltmp2, $4  }
0x53: {  	s0 =	simm.s32 @!p0 $0x3  }
0x54: {  	_ =	swait.ge @!p0 [sflag:s0], $0x2800  }
0x55: {  	[sflag:s0] =	ssyncset.done @!p0 $0x0  }
0x56: {  	[sflag:s0] =	ssyncadd.s32 @!p0 $0xFFFFD800  }
0x57: {  	_ =	sfence.sel $0x180000  }
0x58: {  	[bflag:$0x0] =	sbarrier.arrive $0xFFFF  }
0x59: {  	_ =	strace $0x90000047  }
0x5a: {  	s0 =	stileid.u32;
	[bflag:$0x2] =	sbarrier.arrive $0xFFFF  }
0x5b: {  	p0 =	sne.s32 s0, $0x0;
	s0 =	rddreg [dreg:$0x3]  }
0x5c: {  	s0 =	sadd.s32 @!p0 $0x100000, s0  }
0x5d: {  	[sflag:s0] =	ssyncadd.tile.s32 @!p0 $0x1;
	_ =	shalt  }
.Lfunc_end2:
_tile_overlayer_lowered:
.L_overlay_start_2:
0x5e: {  	(tag) =	ssettag $0x2  }
0x5f: {  	s0 =	rddreg [dreg:$0x0];
	s2 =	stileid.u32  }
0x60: {  	s1 =	rddreg [dreg:$0x1];
	p0 =	sne.s32 s2, $0x0  }
0x61: {  	s3 =	rddreg [dreg:$0x2];
	[bflag:$0x3] =	sbarrier.arrive $0xFFFF;
	s2 =	simm.s32 @!p0 $0x1C03  }
0x62: {  	[timem:s3], [sflag:s2] =	dma.local @!p0 [hbm:s0], s1  }
0x63: {  	s0 =	simm.s32 @!p0 $0x3  }
0x64: {  	_ =	swait.ge @!p0 [sflag:s0], s1  }
0x65: {  	s1 =	ssub.s32 @!p0 $0x0, s1;
	[sflag:s0] =	ssyncset.done @!p0 $0x0  }
0x66: {  	[sflag:s0] =	ssyncadd.s32 @!p0 s1  }
0x67: {  	[bflag:$0x3] =	sbarrier.arrive $0xFFFF  }
0x68: {  	_ =	shalt  }

// kernel: kernel.15.cloned.1.call-start
scs
__scs_entry_jumppad:
0x0: {  	(pc) =	sbr.rel $0x88, $3  }
0x1: {  	(tag) =	ssettag $0x0;
	lr =	simm.s32 $0x1  }
0x2: {  	[smem:$0x3F90] =	sst lr;
	_ =	strace $0xD0000000  }
0x3: {  	_ = 	snop  }
0x4: {  	_ = 	snop  }
0x5: {  	_ = 	snop  }
0x6: {  	_ = 	snop  }
0x7: {  	_ = 	snop  }
__scs_overlays_trampoline_lowered:
0x8: {  	[smem:$0x3F9F] =	sst s0  }
0x9: {  	[smem:$0x3FA0] =	sst s1  }
0xa: {  	[smem:$0x3FA1] =	sst s2  }
0xb: {  	[smem:$0x3FA2] =	sst s3  }
0xc: {  	[smem:$0x3FA3] =	sst s4  }
0xd: {  	[smem:$0x3FA4] =	sst s5  }
0xe: {  	[smem:$0x3FA5] =	sst s6  }
0xf: {  	[smem:$0x3FA6] =	sst s7  }
0x10: {  	[smem:$0x3FA7] =	sst s8  }
0x11: {  	[smem:$0x3FA8] =	sst s9;
	s0 =	simm.s32 @!p0 $0x0  }
0x12: {  	s1 =	sld [smem:$0x3F8E];
	s0 =	simm.s32 @p0 $0x1  }
0x13: {  	[smem:$0x3FA9] =	sst s0;
	s0 =	simm.s32 @!p1 $0x0  }
0x14: {  	s2 =	sld [smem:$0x3F8D];
	s0 =	simm.s32 @p1 $0x1  }
0x15: {  	[smem:$0x3FAA] =	sst s0;
	s0 =	simm.s32 @!p2 $0x0  }
0x16: {  	s3 =	sld [smem:$0x3FDB];
	s0 =	simm.s32 @p2 $0x1  }
0x17: {  	s4 =	simm.s32 $0x1BF5;
	[smem:$0x3FAC] =	sst s0  }
0x18: {  	s0 =	sld [smem:$0x3F8F];
	_ =	swait.ge [sflag:s4], $0x0  }
0x19: {  	s7 =	sld [smem:$0x3F90]  }
0x1a: {  	s8 =	sadd.s32 $0xFFFFE003, lr  }
0x1b: {  	s9 =	sadd.s32 $0xFFFFFEF7, lr;
	s5 =	simm.s32 $0xFFFFFFFF;
	p2 =	slt.u32 s8, $0xFFFFF086  }
0x1c: {  	p1 =	slt.u32 s9, $0xF7A;
	s5 =	simm.s32 @!p2 $0x0  }
0x1d: {  	s5 =	simm.s32 @p1 $0x1;
	p0 =	seq.s32 s7, s2  }
0x1e: {  	s7 =	smul.u32 @!p0 $0xF7A, s2;
	p2 =	seq.s32 @!p0 s5, $0x0  }
0x1f: {  	s9 =	smul.u32 $0xF7A, s1;
	s8 =	simm.s32 @!p0 $0x1BF5;
	p2 =	por !p2, p0  }
0x20: {  	[sflag:s8] =	ssyncset.s32 @!p0 $0xFFFFF086;
	s6 =	sadd.s32 @!p0 s3, s7;
	s7 =	simm.s32 @!p0 $0x108  }
0x21: {  	s3 =	sadd.s32 s3, s9;
	s6 =	sadd.s32 @!p0 $0x88, s6;
	s7 =	simm.s32 @p2 $0x1082  }
0x22: {  	[simem:s7], [sflag:s8] =	dma.local @!p0 [hbm:s6], $0xF7A  }
0x23: {  	s9 =	sor.u32 $0xD0000000, s2;
	s6 =	simm.s32 $0x108;
	_ =	swait.ge @!p0 [sflag:s8], $0x0  }
0x24: {  	s3 =	sadd.s32 $0x88, s3;
	s6 =	simm.s32 @!p1 $0x1082;
	[sflag:s4] =	ssyncset.s32 $0xFFFFF086  }
0x25: {  	[simem:s6], [sflag:s4] =	dma.local [hbm:s3], $0xF7A  }
0x26: {  	[smem:$0x3F90] =	sst s1;
	(tag) =	ssettag s2;
	_ =	strace s9  }
0x27: {  	s1 =	sld [smem:$0x3FA0]  }
0x28: {  	s2 =	sld [smem:$0x3FA1]  }
0x29: {  	s4 =	sld [smem:$0x3FA3]  }
0x2a: {  	p0 =	seq.s32 s5, $0x0;
	s5 =	sld [smem:$0x3FA4]  }
0x2b: {  	s6 =	sld [smem:$0x3FA5]  }
0x2c: {  	s7 =	sld [smem:$0x3FA6]  }
0x2d: {  	s3 =	simm.s32 $0x108;
	s8 =	sld [smem:$0x3FA7]  }
0x2e: {  	s3 =	simm.s32 @!p0 $0x1082;
	s9 =	sld [smem:$0x3FA8]  }
0x2f: {  	lr =	sadd.s32 s0, s3;
	s0 =	sld [smem:$0x3F9F]  }
0x30: {  	s3 =	sld [smem:$0x3FA2]  }
0x31: {  	[smem:$0x3FAB] =	sst s10  }
0x32: {  	s10 =	sld [smem:$0x3FA9];
	_ =	sdelay $0x3  }
0x33: {  	p0 =	seq.s32 s10, $0x1;
	s10 =	sld [smem:$0x3FAB];
	_ =	sdelay $0x3  }
0x34: {  	[smem:$0x3FAB] =	sst s10  }
0x35: {  	s10 =	sld [smem:$0x3FAA];
	_ =	sdelay $0x3  }
0x36: {  	p1 =	seq.s32 s10, $0x1;
	s10 =	sld [smem:$0x3FAB];
	_ =	sdelay $0x3  }
0x37: {  	[smem:$0x3FAB] =	sst s10  }
0x38: {  	s10 =	sld [smem:$0x3FAC]  }
0x39: {  	_ = 	snop;
	(pc) =	sbr.ind lr, $3  }
0x3a: {  	_ = 	snop  }
0x3b: {  	_ = 	snop  }
0x3c: {  	p2 =	seq.s32 s10, $0x1;
	s10 =	sld [smem:$0x3FAB]  }
0x3d: {  	_ =	shalt  }
0x3e: {  	_ =	shalt  }
0x3f: {  	_ =	shalt  }
0x40: {  	_ =	shalt  }
0x41: {  	_ =	shalt  }
0x42: {  	_ =	shalt  }
0x43: {  	_ =	shalt  }
0x44: {  	_ =	shalt  }
0x45: {  	_ =	shalt  }
0x46: {  	_ =	shalt  }
0x47: {  	_ =	shalt  }
0x48: {  	_ =	shalt  }
0x49: {  	_ =	shalt  }
0x4a: {  	_ =	shalt  }
0x4b: {  	_ =	shalt  }
0x4c: {  	_ =	shalt  }
0x4d: {  	_ =	shalt  }
0x4e: {  	_ =	shalt  }
0x4f: {  	_ =	shalt  }
0x50: {  	_ =	shalt  }
0x51: {  	_ =	shalt  }
0x52: {  	_ =	shalt  }
0x53: {  	_ =	shalt  }
0x54: {  	_ =	shalt  }
0x55: {  	_ =	shalt  }
0x56: {  	_ =	shalt  }
0x57: {  	_ =	shalt  }
0x58: {  	_ =	shalt  }
0x59: {  	_ =	shalt  }
0x5a: {  	_ =	shalt  }
0x5b: {  	_ =	shalt  }
0x5c: {  	_ =	shalt  }
0x5d: {  	_ =	shalt  }
0x5e: {  	_ =	shalt  }
0x5f: {  	_ =	shalt  }
0x60: {  	_ =	shalt  }
0x61: {  	_ =	shalt  }
0x62: {  	_ =	shalt  }
0x63: {  	_ =	shalt  }
0x64: {  	_ =	shalt  }
0x65: {  	_ =	shalt  }
0x66: {  	_ =	shalt  }
0x67: {  	_ =	shalt  }
0x68: {  	_ =	shalt  }
0x69: {  	_ =	shalt  }
0x6a: {  	_ =	shalt  }
0x6b: {  	_ =	shalt  }
0x6c: {  	_ =	shalt  }
0x6d: {  	_ =	shalt  }
0x6e: {  	_ =	shalt  }
0x6f: {  	_ =	shalt  }
0x70: {  	_ =	shalt  }
0x71: {  	_ =	shalt  }
0x72: {  	_ =	shalt  }
0x73: {  	_ =	shalt  }
0x74: {  	_ =	shalt  }
0x75: {  	_ =	shalt  }
0x76: {  	_ =	shalt  }
0x77: {  	_ =	shalt  }
0x78: {  	_ =	shalt  }
0x79: {  	_ =	shalt  }
0x7a: {  	_ =	shalt  }
0x7b: {  	_ =	shalt  }
0x7c: {  	_ =	shalt  }
0x7d: {  	_ =	shalt  }
0x7e: {  	_ =	shalt  }
0x7f: {  	_ =	shalt  }
0x80: {  	_ =	shalt  }
0x81: {  	_ =	shalt  }
0x82: {  	_ =	shalt  }
0x83: {  	_ =	shalt  }
0x84: {  	_ =	shalt  }
0x85: {  	_ =	shalt  }
0x86: {  	_ =	shalt  }
0x87: {  	_ =	shalt  }
.Lfunc_end0:
.L_simem_size_0:
called_computation.1_lowered:
.L_overlay_start_0:
0x88: {  	s2 =	sld [smem:$0x3FD9]  }
0x89: {  	s3 =	sld [smem:$0x3FFE];
	_ =	sdelay $0x1  }
0x8a: {  	s1 =	srdreg.scid  }
0x8b: {  	s0 =	sand.u32 $0x1, s1  }
0x8c: {  	s16 =	sshll.u32 s0, $0xA;
	s2 =	sadd.s32 s3, s2  }
0x8d: {  	s2 =	sadd.s32 s2, s16  }
0x8e: {  	[smem:$0x3FB7] =	sst s2  }
0x8f: {  	_ = 	snop  }
0x90: {  	(tm) =	ssettm $0x1  }
0x91: {  	s17 =	sld [smem:$0x3FFB];
	_ =	sdelay $0x3  }
0x92: {  	_ =	strace s17  }
0x93: {  	s2 =	sld [smem:$0x3FFC];
	_ =	sdelay $0x3  }
0x94: {  	_ =	strace s2  }
0x95: {  	s2 =	sld [smem:$0x3FFD];
	_ =	sdelay $0x3  }
0x96: {  	_ =	strace s2  }
0x97: {  	_ =	strace $0x8FFFFFFF  }
0x98: {  	s18 =	sld [smem:$0x3FDB];
	_ =	sdelay $0x1  }
0x99: {  	s19 =	simm.s32 $_scs_section_size  }
0x9a: {  	s4 =	simm.s32 $_size__tile_overlayer_lowered;
	s5 =	simm.s32 $_tile_overlayer_lowered  }
0x9b: {  	s22 =	simm.s32 $0x1BFF;
	s21 =	sshll.u32 s5, $0x1;
	s2 =	sadd.s32 s19, s18  }
0x9c: {  	s6 =	simm.s32 $0x0;
	s20 =	sshll.u32 s4, $0x1;
	s4 =	sadd.s32 s21, s2  }
0x9d: {  	[timem:s6], [sflag:s22] =	dma.local [hbm:s4], s20  }
0x9e: {  	_ =	swait.ge [sflag:s22], s20  }
0x9f: {  	s3 =	ssub.s32 $0x0, s20;
	[sflag:s22] =	ssyncset.done $0x0  }
0xa0: {  	[sflag:s22] =	ssyncadd.s32 s3;
	_ =	sdelay $0x1  }
0xa1: {  	s23 =	simm.s32 $0x1B8B  }
0xa2: {  	_ =	swait.ge [sflag:s23], $0x1  }
0xa3: {  	[sflag:s23] =	ssyncset.done $0x0  }
0xa4: {  	s25 =	simm.s32 $0x1B8E;
	s24 =	sld [smem:$0x3FFE];
	[sflag:s23] =	ssyncadd.s32 $0xFFFFFFFF  }
0xa5: {  	s26 =	simm.s32 $execute0_lowered;
	[smem:$0x3FD2] =	sst s25  }
0xa6: {  	s4 =	sshll.u32 s26, $0x1;
	_ =	strace $0x80000049;
	[dreg:$0x1] =	wrdreg $0xFFFFFFFF  }
0xa7: {  	s28 =	simm.s32 $_size_execute0_lowered;
	s2 =	sadd.s32 s2, s4;
	[dreg:$0x0] =	wrdreg $0x0  }
0xa8: {  	s4 =	sshll.u32 s28, $0x1;
	[dreg:$0x2] =	wrdreg s2  }
0xa9: {  	[dreg:$0x3] =	wrdreg s4  }
0xaa: {  	[dreg:$0x4] =	wrdreg $0xC0  }
0xab: {  	_ =	task [dreg:s6], $0x5FFFF  }
0xac: {  	[dreg:$0x1] =	wrdreg $0xFFFFFFFF  }
0xad: {  	[dreg:$0x0] =	wrdreg $0x60  }
0xae: {  	[dreg:$0x2] =	wrdreg s24  }
0xaf: {  	[dreg:$0x3] =	wrdreg $0x84000  }
0xb0: {  	[dreg:$0x4] =	wrdreg $0x9  }
0xb1: {  	_ =	task.clear_ibuf [dreg:s6], $0x5FFFF;
	_ =	strace $0x90000049  }
0xb2: {  	s29 =	simm.s32 $0x9;
	_ =	strace $0x8000004B  }
0xb3: {  	_ =	swait.ge [sflag:s29], $0x1  }
0xb4: {  	[sflag:s29] =	ssyncadd.s32 $0xFFFFFFFF  }
0xb5: {  	_ =	strace $0x9000004B  }
0xb6: {  	_ =	sfence  }
0xb7: {  	s30 =	sld [smem:$0x0];
	_ =	sdelay $0x2  }
0xb8: {  	s31 =	sshll.u32 s1, $0xD;
	s1 =	sshrl.u32 s1, $0x2  }
0xb9: {  	s3 =	sand.u32 $0x4000, s31;
	s1 =	sadd.s32 s1, s30  }
0xba: {  	s0 =	sor.u32 s3, s0;
	s1 =	sshll.u32 s1, $0x11  }
0xbb: {  	s0 =	sor.u32 s1, s0  }
0xbc: {  	s0 =	sadd.s32 $0x8F2B, s0  }
0xbd: {  	[sflag:s0] =	ssyncadd.remote.s32 $0x1  }
0xbe: {  	_ =	sfence.sel $0xFFFF  }
0xbf: {  	[dreg:$0x0] =	wrdreg $0xFFFFFFFF;
	(pc) =	sbr.abs _section_cstart, $3  }
0xc0: {  	[dreg:$0x1] =	wrdreg $0xFFFFFFFF  }
0xc1: {  	_ =	task.clear_ibuf [dreg:s6], $0x2FFFF;
	_ =	strace $0x9FFFFFFF  }
0xc2: {  	(tm) =	ssettm $0x7FFFFFFF  }
0xc3: {  	_ =	shalt  }
tec
execute0_lowered:
.L_overlay_start_1:
0x0: {  	(tag) =	ssettag $0x1  }
0x1: {  	s0 =	rddreg [dreg:$0x0]  }
0x2: {  	s2 =	rddreg [dreg:$0x1]  }
0x3: {  	s17 =	stileid.u32;
	s1 =	srdreg.scid  }
0x4: {  	s3 =	simm.s32 $0x0;
	s19 =	simm.s32 $0x3;
	s20 =	simm.s32 $0x100  }
0x5: {  	s23 =	simm.s32 $0x1;
	s24 =	simm.s32 $0x80;
	s4 =	smul.u32 $0x25, s17  }
0x6: {  	s29 =	simm.s32 $0x2;
	s30 =	simm.s32 $0x0;
	s5 =	smul.u32 $0x7B, s17  }
0x7: {  	s1 =	sand.u32 $0x1, s1;
	[smem:$0x7FF] =	sst s3;
	s9 =	smul.u32 $0x50000, s17  }
0x8: {  	s25 =	sadd.s32 $0x1A000, s0;
	s28 =	sshll.u32 s17, $0x6;
	s31 =	smul.u32 $0x14000, s17  }
0x9: {  	p0 =	seq.s32 s1, $0x0;
	_ =	strace $0x8000004A;
	[dreg:$0x3] =	wrdreg s25  }
0xa: {  	s7 =	ssub.s32 $0x2, s1;
	s1 =	smul.u32 $0x138800, s1;
	s6 =	sadd.s32 $0x7B0, s4  }
0xb: {  	s4 =	sadd.s32 $0x1C800, s0;
	s8 =	sshrl.u32 s7, $0x1;
	s26 =	sshrl.u32 s9, $0x2  }
0xc: {  	s6 =	smov.u32 @p0 s5;
	s16 =	ssub.s32 s7, s8;
	s7 =	sadd.s32 s26, s2  }
0xd: {  	s8 =	sor.u32 $0x1C03, s28;
	s9 =	sadd.s32 s31, s1;
	s1 =	sshrl.u32 s1, $0x3  }
0xe: {  	s5 =	sshll.u32 s6, $0x5;
	s6 =	simm.s32 $0x7B;
	s9 =	sshrl.u32 s9, $0x3  }
0xf: {  	s16 =	smax.u32 s16, $0x1;
	s18 =	sshrl.u32 s7, $0x3;
	s5 =	sadd.s32 s5, s0  }
0x10: {  	s0 =	sadd.s32 $0x43A00, s0;
	s6 =	simm.s32 @!p0 $0x25;
	p0 =	seq.s32 s17, $0xF  }
0x11: {  	s10 =	sadd.s32 $0x6000, s5;
	s11 =	sadd.s32 $0x6040, s5;
	s12 =	sadd.s32 $0x6060, s5  }
0x12: {  	s13 =	sadd.s32 $0xFFFFFFFC, s6;
	s1 =	sadd.s32 s0, s1;
	s14 =	sadd.s32 s0, s9  }
0x13: {  	s0 =	sadd.s32 $0x12C000, s2;
	s22 =	sadd.s32 $0x6080, s5;
	[dreg:$0x4] =	wrdreg s10  }
0x14: {  	s10 =	sadd.s32 $0x6020, s5;
	s15 =	sadd.s32 $0x25800, s1;
	s25 =	sshrl.u32 @p0 s0, $0x3  }
.LBB2_1:
0x15: {  	s0 =	rddreg [dreg:$0x3]  }
0x16: {  	[spmem:s18], [sflag:s8] =	dma.local [hbm:s0], $0x2800  }
0x17: {  	_ =	swait.ge [sflag:s19], $0x2800  }
0x18: {  	[sflag:s19] =	ssyncset.done $0x0  }
0x19: {  	s1 =	rddreg [dreg:$0x4];
	[sflag:s19] =	ssyncadd.s32 $0xFFFFD800  }
0x1a: {  	[tilespmem:s3], [sflag:$0x1] =	stream.linear.gather [hbm4b:s1+s3], $0x100, $0x38;
	[tilespmem:$0x1C400] =	vst v63  }
0x1b: {  	_ = 	snop  }
0x1c: {  	[tilespmem:s20], [sflag:$0x1] =	stream.linear.gather [hbm4b:s10+s3], $0x100, $0x38;
	[tilespmem:$0x1C400] =	vst v63  }
0x1d: {  	s5 =	simm.s32 $0x200  }
0x1e: {  	[tilespmem:s5], [sflag:$0x1] =	stream.linear.gather [hbm4b:s11+s3], $0x100, $0x38;
	[tilespmem:$0x1C400] =	vst v63  }
0x1f: {  	s9 =	simm.s32 $0x300  }
0x20: {  	[tilespmem:s9], [sflag:$0x1] =	stream.linear.gather [hbm4b:s12+s3], $0x100, $0x38;
	[tilespmem:$0x1C400] =	vst v63  }
0x21: {  	[bflag:$0x0] =	sbarrier.arrive $0xFFFF  }
0x22: {  	_ =	swait.ge [sflag:s23], $0x100  }
0x23: {  	[sflag:s23] =	ssyncset.done $0x0  }
0x24: {  	s17 =	simm.s32 $0x400;
	[sflag:s23] =	ssyncadd.s32 $0xFFFFFF00  }
0x25: {  	[tilespmem:s17], [sflag:$0x2] =	stream.indirect.gather [hbm4b:s4+s24], $0x80, s3, s24, $0xb8;
	[tilespmem:$0x1C400] =	vst v63  }
0x26: {  	_ =	swait.ge [sflag:s23], $0x100  }
0x27: {  	[sflag:s23] =	ssyncset.done $0x0  }
0x28: {  	s21 =	simm.s32 $0x4400;
	[sflag:s23] =	ssyncadd.s32 $0xFFFFFF00  }
0x29: {  	[tilespmem:s21], [sflag:$0x2] =	stream.indirect.gather [hbm4b:s4+s24], $0x80, s20, s24, $0xb8;
	[tilespmem:$0x1C400] =	vst v63  }
0x2a: {  	s26 =	sand.u32 $0x10000, s3;
	_ =	swait.ge [sflag:s29], $0x4000  }
0x2b: {  	s0 =	sshrl.u32 s26, $0x2;
	s5 =	sand.u32 $0x300, s3;
	[sflag:s29] =	ssyncset.done $0x0  }
0x2c: {  	s0 =	sor.u32 $0x400, s0;
	s1 =	sor.u32 $0x80, s5;
	[sflag:s29] =	ssyncadd.s32 $0xFFFFC000  }
0x2d: {  	[spmem:s2] =	stream.indirect.scatter.add.f32 [tilespmem:s0], [sflag:$0x3], $0x80, s1, s24, $0xb8;
	[tilespmem:$0x1C400] =	vst v63  }
0x2e: {  	_ =	swait.ge [sflag:s19], $0x4000  }
0x2f: {  	p2 =	sle.u32 s13, $0x0;
	[sflag:s19] =	ssyncset.done $0x0  }
0x30: {  	s9 =	simm.s32 @!p2 $0x0;
	[sflag:s19] =	ssyncadd.s32 $0xFFFFC000  }
0x31: {  	[tilespmem:s5], [sflag:$0x1] =	stream.linear.gather @!p2 [hbm4b:s22+s9], $0x100, $0x38;
	[tilespmem:$0x1C400] =	vst v63  }
0x32: {  	p2 =	sne.s32 s6, $0x1  }
.Ltmp0:
0x33: {  	p1 =	sle.u32 s6, $0x2;
	(pc) =	sbr.rel @!p2 .LBB2_3-.Ltmp0, $4  }
0x34: {  	s31 =	simm.s32 $0x800;
	s28 =	simm.s32 @!p1 $0x1  }
0x35: {  	s26 =	simm.s32 $0x1;
	s17 =	smov.u32 s22;
	s21 =	simm.s32 $0x10000  }
0x36: {  	s1 =	simm.s32 $0x100;
	s5 =	sand.u32 @!p1 $0xC00, s31;
	_ =	swait.ge @!p1 [sflag:s28], $0x100  }
0x37: {  	s9 =	simm.s32 @!p1 $0x80;
	s5 =	sshrl.u32 @!p1 s5, $0x2;
	[sflag:s28] =	ssyncset.done @!p1 $0x0  }
.LBB2_2:
0x38: {  	[sflag:s28] =	ssyncadd.s32 @!p1 $0xFFFFFF00;
	s17 =	sadd.s32 $0x20, s17;
	s31 =	sadd.s32 $0x400, s31  }
0x39: {  	[tilespmem:s0], [sflag:$0x2] =	stream.indirect.gather @!p1 [hbm4b:s4+s9], $0x80, s5, s9, $0xb8;
	[tilespmem:$0x1C400] =	vst v63  }
0x3a: {  	_ = 	snop  }
0x3b: {  	s0 =	sand.u32 $0x10000, s21;
	_ =	swait.ge [sflag:s29], $0x4000  }
0x3c: {  	s5 =	sand.u32 $0x300, s1;
	s0 =	sshrl.u32 s0, $0x2;
	[sflag:s29] =	ssyncset.done $0x0  }
0x3d: {  	s9 =	sor.u32 $0x80, s5;
	s0 =	sor.u32 $0x400, s0;
	[sflag:s29] =	ssyncadd.s32 $0xFFFFC000  }
0x3e: {  	[spmem:s2] =	stream.indirect.scatter.add.f32 [tilespmem:s0], [sflag:$0x3], $0x80, s9, s24, $0xb8;
	[tilespmem:$0x1C400] =	vst v63  }
0x3f: {  	s1 =	sadd.s32 $0x100, s1;
	_ =	swait.ge [sflag:s19], $0x4000  }
0x40: {  	p2 =	sge.u32 s26, s13;
	s9 =	sadd.s32 $0x2, s26;
	[sflag:s19] =	ssyncset.done $0x0  }
0x41: {  	s26 =	simm.s32 @!p2 $0x0;
	p1 =	sge.u32 s9, s6;
	[sflag:s19] =	ssyncadd.s32 $0xFFFFC000  }
0x42: {  	[tilespmem:s5], [sflag:$0x1] =	stream.linear.gather @!p2 [hbm4b:s17+s26], $0x100, $0x38;
	[tilespmem:$0x1C400] =	vst v63  }
0x43: {  	s26 =	sadd.s32 $0xFFFFFFFF, s9  }
0x44: {  	p2 =	sne.s32 s26, s6  }
.Ltmp1:
0x45: {  	_ = 	snop;
	(pc) =	sbr.rel @p2 .LBB2_2-.Ltmp1, $4  }
0x46: {  	_ = 	snop  }
0x47: {  	s28 =	simm.s32 @!p1 $0x1;
	s5 =	sand.u32 @!p1 $0xC00, s31  }
0x48: {  	s5 =	sshrl.u32 @!p1 s5, $0x2;
	_ =	swait.ge @!p1 [sflag:s28], $0x100  }
0x49: {  	s21 =	sadd.s32 $0x10000, s21;
	s9 =	simm.s32 @!p1 $0x80;
	[sflag:s28] =	ssyncset.done @!p1 $0x0  }
.LBB2_3:
0x4a: {  	[sflag:s28] =	ssyncadd.s32 @!p1 $0xFFFFFF00  }
0x4b: {  	[tilespmem:s0], [sflag:$0x2] =	stream.indirect.gather @!p1 [hbm4b:s4+s9], $0x80, s5, s9, $0xb8;
	[tilespmem:$0x1C400] =	vst v63  }
0x4c: {  	s0 =	simm.s32 @p0 $0x3;
	[bflag:$0x0] =	sbarrier.arrive $0xFFFF  }
0x4d: {  	[hbm:s15], [sflag:s8] =	dma.local @p0 [spmem:s25], $0x1900  }
0x4e: {  	_ =	swait.ge @p0 [sflag:s0], $0x1900  }
0x4f: {  	s30 =	sadd.s32 $0x1, s30;
	[sflag:s0] =	ssyncset.done @p0 $0x0  }
0x50: {  	p1 =	sne.s32 s30, s16;
	[sflag:s0] =	ssyncadd.s32 @p0 $0xFFFFE700;
	s0 =	sshrl.u32 @!p0 s7, $0x3  }
0x51: {  	[hbm:s14], [sflag:s8] =	dma.local @!p0 [spmem:s0], $0x2800  }
.Ltmp2:
0x52: {  	_ = 	snop;
	(pc) =	sbr.rel @p1 .LBB2_1-.Ltmp2, $4  }
0x53: {  	s0 =	simm.s32 @!p0 $0x3  }
0x54: {  	_ =	swait.ge @!p0 [sflag:s0], $0x2800  }
0x55: {  	[sflag:s0] =	ssyncset.done @!p0 $0x0  }
0x56: {  	[sflag:s0] =	ssyncadd.s32 @!p0 $0xFFFFD800  }
0x57: {  	_ =	sfence.sel $0x180000  }
0x58: {  	[bflag:$0x0] =	sbarrier.arrive $0xFFFF  }
0x59: {  	_ =	strace $0x9000004A  }
0x5a: {  	s0 =	stileid.u32;
	[bflag:$0x2] =	sbarrier.arrive $0xFFFF  }
0x5b: {  	p0 =	sne.s32 s0, $0x0;
	s0 =	rddreg [dreg:$0x2]  }
0x5c: {  	s0 =	sadd.s32 @!p0 $0x100000, s0  }
0x5d: {  	[sflag:s0] =	ssyncadd.tile.s32 @!p0 $0x1;
	_ =	shalt  }
.Lfunc_end2:
_tile_overlayer_lowered:
.L_overlay_start_2:
0x5e: {  	(tag) =	ssettag $0x2  }
0x5f: {  	s0 =	rddreg [dreg:$0x0];
	s2 =	stileid.u32  }
0x60: {  	s1 =	rddreg [dreg:$0x1];
	p0 =	sne.s32 s2, $0x0  }
0x61: {  	s3 =	rddreg [dreg:$0x2];
	[bflag:$0x3] =	sbarrier.arrive $0xFFFF;
	s2 =	simm.s32 @!p0 $0x1C03  }
0x62: {  	[timem:s3], [sflag:s2] =	dma.local @!p0 [hbm:s0], s1  }
0x63: {  	s0 =	simm.s32 @!p0 $0x3  }
0x64: {  	_ =	swait.ge @!p0 [sflag:s0], s1  }
0x65: {  	s1 =	ssub.s32 @!p0 $0x0, s1;
	[sflag:s0] =	ssyncset.done @!p0 $0x0  }
0x66: {  	[sflag:s0] =	ssyncadd.s32 @!p0 s1  }
0x67: {  	[bflag:$0x3] =	sbarrier.arrive $0xFFFF  }
0x68: {  	_ =	shalt  }

// kernel: kernel.18.cloned.1.call-start
scs
__scs_entry_jumppad:
0x0: {  	(pc) =	sbr.rel $0x88, $3  }
0x1: {  	(tag) =	ssettag $0x0;
	lr =	simm.s32 $0x1  }
0x2: {  	[smem:$0x3F90] =	sst lr;
	_ =	strace $0xD0000000  }
0x3: {  	_ = 	snop  }
0x4: {  	_ = 	snop  }
0x5: {  	_ = 	snop  }
0x6: {  	_ = 	snop  }
0x7: {  	_ = 	snop  }
__scs_overlays_trampoline_lowered:
0x8: {  	[smem:$0x3F9F] =	sst s0  }
0x9: {  	[smem:$0x3FA0] =	sst s1  }
0xa: {  	[smem:$0x3FA1] =	sst s2  }
0xb: {  	[smem:$0x3FA2] =	sst s3  }
0xc: {  	[smem:$0x3FA3] =	sst s4  }
0xd: {  	[smem:$0x3FA4] =	sst s5  }
0xe: {  	[smem:$0x3FA5] =	sst s6  }
0xf: {  	[smem:$0x3FA6] =	sst s7  }
0x10: {  	[smem:$0x3FA7] =	sst s8  }
0x11: {  	[smem:$0x3FA8] =	sst s9;
	s0 =	simm.s32 @!p0 $0x0  }
0x12: {  	s1 =	sld [smem:$0x3F8E];
	s0 =	simm.s32 @p0 $0x1  }
0x13: {  	[smem:$0x3FA9] =	sst s0;
	s0 =	simm.s32 @!p1 $0x0  }
0x14: {  	s2 =	sld [smem:$0x3F8D];
	s0 =	simm.s32 @p1 $0x1  }
0x15: {  	[smem:$0x3FAA] =	sst s0;
	s0 =	simm.s32 @!p2 $0x0  }
0x16: {  	s3 =	sld [smem:$0x3FDB];
	s0 =	simm.s32 @p2 $0x1  }
0x17: {  	s4 =	simm.s32 $0x1BF5;
	[smem:$0x3FAC] =	sst s0  }
0x18: {  	s0 =	sld [smem:$0x3F8F];
	_ =	swait.ge [sflag:s4], $0x0  }
0x19: {  	s7 =	sld [smem:$0x3F90]  }
0x1a: {  	s8 =	sadd.s32 $0xFFFFE003, lr  }
0x1b: {  	s9 =	sadd.s32 $0xFFFFFEF7, lr;
	s5 =	simm.s32 $0xFFFFFFFF;
	p2 =	slt.u32 s8, $0xFFFFF086  }
0x1c: {  	p1 =	slt.u32 s9, $0xF7A;
	s5 =	simm.s32 @!p2 $0x0  }
0x1d: {  	s5 =	simm.s32 @p1 $0x1;
	p0 =	seq.s32 s7, s2  }
0x1e: {  	s7 =	smul.u32 @!p0 $0xF7A, s2;
	p2 =	seq.s32 @!p0 s5, $0x0  }
0x1f: {  	s9 =	smul.u32 $0xF7A, s1;
	s8 =	simm.s32 @!p0 $0x1BF5;
	p2 =	por !p2, p0  }
0x20: {  	[sflag:s8] =	ssyncset.s32 @!p0 $0xFFFFF086;
	s6 =	sadd.s32 @!p0 s3, s7;
	s7 =	simm.s32 @!p0 $0x108  }
0x21: {  	s3 =	sadd.s32 s3, s9;
	s6 =	sadd.s32 @!p0 $0x88, s6;
	s7 =	simm.s32 @p2 $0x1082  }
0x22: {  	[simem:s7], [sflag:s8] =	dma.local @!p0 [hbm:s6], $0xF7A  }
0x23: {  	s9 =	sor.u32 $0xD0000000, s2;
	s6 =	simm.s32 $0x108;
	_ =	swait.ge @!p0 [sflag:s8], $0x0  }
0x24: {  	s3 =	sadd.s32 $0x88, s3;
	s6 =	simm.s32 @!p1 $0x1082;
	[sflag:s4] =	ssyncset.s32 $0xFFFFF086  }
0x25: {  	[simem:s6], [sflag:s4] =	dma.local [hbm:s3], $0xF7A  }
0x26: {  	[smem:$0x3F90] =	sst s1;
	(tag) =	ssettag s2;
	_ =	strace s9  }
0x27: {  	s1 =	sld [smem:$0x3FA0]  }
0x28: {  	s2 =	sld [smem:$0x3FA1]  }
0x29: {  	s4 =	sld [smem:$0x3FA3]  }
0x2a: {  	p0 =	seq.s32 s5, $0x0;
	s5 =	sld [smem:$0x3FA4]  }
0x2b: {  	s6 =	sld [smem:$0x3FA5]  }
0x2c: {  	s7 =	sld [smem:$0x3FA6]  }
0x2d: {  	s3 =	simm.s32 $0x108;
	s8 =	sld [smem:$0x3FA7]  }
0x2e: {  	s3 =	simm.s32 @!p0 $0x1082;
	s9 =	sld [smem:$0x3FA8]  }
0x2f: {  	lr =	sadd.s32 s0, s3;
	s0 =	sld [smem:$0x3F9F]  }
0x30: {  	s3 =	sld [smem:$0x3FA2]  }
0x31: {  	[smem:$0x3FAB] =	sst s10  }
0x32: {  	s10 =	sld [smem:$0x3FA9];
	_ =	sdelay $0x3  }
0x33: {  	p0 =	seq.s32 s10, $0x1;
	s10 =	sld [smem:$0x3FAB];
	_ =	sdelay $0x3  }
0x34: {  	[smem:$0x3FAB] =	sst s10  }
0x35: {  	s10 =	sld [smem:$0x3FAA];
	_ =	sdelay $0x3  }
0x36: {  	p1 =	seq.s32 s10, $0x1;
	s10 =	sld [smem:$0x3FAB];
	_ =	sdelay $0x3  }
0x37: {  	[smem:$0x3FAB] =	sst s10  }
0x38: {  	s10 =	sld [smem:$0x3FAC]  }
0x39: {  	_ = 	snop;
	(pc) =	sbr.ind lr, $3  }
0x3a: {  	_ = 	snop  }
0x3b: {  	_ = 	snop  }
0x3c: {  	p2 =	seq.s32 s10, $0x1;
	s10 =	sld [smem:$0x3FAB]  }
0x3d: {  	_ =	shalt  }
0x3e: {  	_ =	shalt  }
0x3f: {  	_ =	shalt  }
0x40: {  	_ =	shalt  }
0x41: {  	_ =	shalt  }
0x42: {  	_ =	shalt  }
0x43: {  	_ =	shalt  }
0x44: {  	_ =	shalt  }
0x45: {  	_ =	shalt  }
0x46: {  	_ =	shalt  }
0x47: {  	_ =	shalt  }
0x48: {  	_ =	shalt  }
0x49: {  	_ =	shalt  }
0x4a: {  	_ =	shalt  }
0x4b: {  	_ =	shalt  }
0x4c: {  	_ =	shalt  }
0x4d: {  	_ =	shalt  }
0x4e: {  	_ =	shalt  }
0x4f: {  	_ =	shalt  }
0x50: {  	_ =	shalt  }
0x51: {  	_ =	shalt  }
0x52: {  	_ =	shalt  }
0x53: {  	_ =	shalt  }
0x54: {  	_ =	shalt  }
0x55: {  	_ =	shalt  }
0x56: {  	_ =	shalt  }
0x57: {  	_ =	shalt  }
0x58: {  	_ =	shalt  }
0x59: {  	_ =	shalt  }
0x5a: {  	_ =	shalt  }
0x5b: {  	_ =	shalt  }
0x5c: {  	_ =	shalt  }
0x5d: {  	_ =	shalt  }
0x5e: {  	_ =	shalt  }
0x5f: {  	_ =	shalt  }
0x60: {  	_ =	shalt  }
0x61: {  	_ =	shalt  }
0x62: {  	_ =	shalt  }
0x63: {  	_ =	shalt  }
0x64: {  	_ =	shalt  }
0x65: {  	_ =	shalt  }
0x66: {  	_ =	shalt  }
0x67: {  	_ =	shalt  }
0x68: {  	_ =	shalt  }
0x69: {  	_ =	shalt  }
0x6a: {  	_ =	shalt  }
0x6b: {  	_ =	shalt  }
0x6c: {  	_ =	shalt  }
0x6d: {  	_ =	shalt  }
0x6e: {  	_ =	shalt  }
0x6f: {  	_ =	shalt  }
0x70: {  	_ =	shalt  }
0x71: {  	_ =	shalt  }
0x72: {  	_ =	shalt  }
0x73: {  	_ =	shalt  }
0x74: {  	_ =	shalt  }
0x75: {  	_ =	shalt  }
0x76: {  	_ =	shalt  }
0x77: {  	_ =	shalt  }
0x78: {  	_ =	shalt  }
0x79: {  	_ =	shalt  }
0x7a: {  	_ =	shalt  }
0x7b: {  	_ =	shalt  }
0x7c: {  	_ =	shalt  }
0x7d: {  	_ =	shalt  }
0x7e: {  	_ =	shalt  }
0x7f: {  	_ =	shalt  }
0x80: {  	_ =	shalt  }
0x81: {  	_ =	shalt  }
0x82: {  	_ =	shalt  }
0x83: {  	_ =	shalt  }
0x84: {  	_ =	shalt  }
0x85: {  	_ =	shalt  }
0x86: {  	_ =	shalt  }
0x87: {  	_ =	shalt  }
.Lfunc_end0:
.L_simem_size_0:
called_computation.2_lowered:
.L_overlay_start_0:
0x88: {  	s2 =	sld [smem:$0x3FD9]  }
0x89: {  	s3 =	sld [smem:$0x3FFE];
	_ =	sdelay $0x1  }
0x8a: {  	s1 =	srdreg.scid  }
0x8b: {  	s0 =	sand.u32 $0x1, s1  }
0x8c: {  	s16 =	sshll.u32 s0, $0xA;
	s2 =	sadd.s32 s3, s2  }
0x8d: {  	s2 =	sadd.s32 s2, s16  }
0x8e: {  	[smem:$0x3FB7] =	sst s2  }
0x8f: {  	_ = 	snop  }
0x90: {  	(tm) =	ssettm $0x1  }
0x91: {  	s17 =	sld [smem:$0x3FFB];
	_ =	sdelay $0x3  }
0x92: {  	_ =	strace s17  }
0x93: {  	s2 =	sld [smem:$0x3FFC];
	_ =	sdelay $0x3  }
0x94: {  	_ =	strace s2  }
0x95: {  	s2 =	sld [smem:$0x3FFD];
	_ =	sdelay $0x3  }
0x96: {  	_ =	strace s2  }
0x97: {  	_ =	strace $0x8FFFFFFF  }
0x98: {  	s18 =	sld [smem:$0x3FDB];
	_ =	sdelay $0x1  }
0x99: {  	s19 =	simm.s32 $_scs_section_size  }
0x9a: {  	s4 =	simm.s32 $_size__tile_overlayer_lowered;
	s5 =	simm.s32 $_tile_overlayer_lowered  }
0x9b: {  	s22 =	simm.s32 $0x1BFF;
	s21 =	sshll.u32 s5, $0x1;
	s2 =	sadd.s32 s19, s18  }
0x9c: {  	s6 =	simm.s32 $0x0;
	s20 =	sshll.u32 s4, $0x1;
	s4 =	sadd.s32 s21, s2  }
0x9d: {  	[timem:s6], [sflag:s22] =	dma.local [hbm:s4], s20  }
0x9e: {  	_ =	swait.ge [sflag:s22], s20  }
0x9f: {  	s3 =	ssub.s32 $0x0, s20;
	[sflag:s22] =	ssyncset.done $0x0  }
0xa0: {  	[sflag:s22] =	ssyncadd.s32 s3;
	_ =	sdelay $0x1  }
0xa1: {  	s23 =	simm.s32 $0x1B8B  }
0xa2: {  	_ =	swait.ge [sflag:s23], $0x1  }
0xa3: {  	[sflag:s23] =	ssyncset.done $0x0  }
0xa4: {  	s25 =	simm.s32 $0x1B8E;
	s24 =	sld [smem:$0x3FFE];
	[sflag:s23] =	ssyncadd.s32 $0xFFFFFFFF  }
0xa5: {  	s26 =	simm.s32 $execute0_lowered;
	[smem:$0x3FD2] =	sst s25  }
0xa6: {  	s4 =	sshll.u32 s26, $0x1;
	_ =	strace $0x8000004C;
	[dreg:$0x1] =	wrdreg $0xFFFFFFFF  }
0xa7: {  	s28 =	simm.s32 $_size_execute0_lowered;
	s2 =	sadd.s32 s2, s4;
	[dreg:$0x0] =	wrdreg $0x0  }
0xa8: {  	s4 =	sshll.u32 s28, $0x1;
	[dreg:$0x2] =	wrdreg s2  }
0xa9: {  	[dreg:$0x3] =	wrdreg s4  }
0xaa: {  	[dreg:$0x4] =	wrdreg $0xC0  }
0xab: {  	_ =	task [dreg:s6], $0x5FFFF  }
0xac: {  	[dreg:$0x1] =	wrdreg $0xFFFFFFFF  }
0xad: {  	[dreg:$0x0] =	wrdreg $0x60  }
0xae: {  	[dreg:$0x2] =	wrdreg s24  }
0xaf: {  	[dreg:$0x3] =	wrdreg $0x84000  }
0xb0: {  	[dreg:$0x4] =	wrdreg $0x9  }
0xb1: {  	_ =	task.clear_ibuf [dreg:s6], $0x5FFFF;
	_ =	strace $0x9000004C  }
0xb2: {  	s29 =	simm.s32 $0x9;
	_ =	strace $0x8000004E  }
0xb3: {  	_ =	swait.ge [sflag:s29], $0x1  }
0xb4: {  	[sflag:s29] =	ssyncadd.s32 $0xFFFFFFFF  }
0xb5: {  	_ =	strace $0x9000004E  }
0xb6: {  	_ =	sfence  }
0xb7: {  	s30 =	sld [smem:$0x0];
	_ =	sdelay $0x2  }
0xb8: {  	s31 =	sshll.u32 s1, $0xD;
	s1 =	sshrl.u32 s1, $0x2  }
0xb9: {  	s3 =	sand.u32 $0x4000, s31;
	s1 =	sadd.s32 s1, s30  }
0xba: {  	s0 =	sor.u32 s3, s0;
	s1 =	sshll.u32 s1, $0x11  }
0xbb: {  	s0 =	sor.u32 s1, s0  }
0xbc: {  	s0 =	sadd.s32 $0x8F2B, s0  }
0xbd: {  	[sflag:s0] =	ssyncadd.remote.s32 $0x1  }
0xbe: {  	_ =	sfence.sel $0xFFFF  }
0xbf: {  	[dreg:$0x0] =	wrdreg $0xFFFFFFFF;
	(pc) =	sbr.abs _section_cstart, $3  }
0xc0: {  	[dreg:$0x1] =	wrdreg $0xFFFFFFFF  }
0xc1: {  	_ =	task.clear_ibuf [dreg:s6], $0x2FFFF;
	_ =	strace $0x9FFFFFFF  }
0xc2: {  	(tm) =	ssettm $0x7FFFFFFF  }
0xc3: {  	_ =	shalt  }
tec
execute0_lowered:
.L_overlay_start_1:
0x0: {  	(tag) =	ssettag $0x1  }
0x1: {  	s0 =	rddreg [dreg:$0x0]  }
0x2: {  	s2 =	rddreg [dreg:$0x1]  }
0x3: {  	s17 =	stileid.u32;
	s1 =	srdreg.scid  }
0x4: {  	s3 =	simm.s32 $0x0;
	s19 =	simm.s32 $0x3;
	s20 =	simm.s32 $0x100  }
0x5: {  	s23 =	simm.s32 $0x1;
	s24 =	simm.s32 $0x80;
	s4 =	smul.u32 $0x25, s17  }
0x6: {  	s29 =	simm.s32 $0x2;
	s30 =	simm.s32 $0x0;
	s5 =	smul.u32 $0x7B, s17  }
0x7: {  	s1 =	sand.u32 $0x1, s1;
	[smem:$0x7FF] =	sst s3;
	s9 =	smul.u32 $0x50000, s17  }
0x8: {  	s25 =	sadd.s32 $0x1A000, s0;
	s28 =	sshll.u32 s17, $0x6;
	s31 =	smul.u32 $0x14000, s17  }
0x9: {  	p0 =	seq.s32 s1, $0x0;
	_ =	strace $0x8000004D;
	[dreg:$0x3] =	wrdreg s25  }
0xa: {  	s7 =	ssub.s32 $0x2, s1;
	s1 =	smul.u32 $0x138800, s1;
	s6 =	sadd.s32 $0x7B0, s4  }
0xb: {  	s4 =	sadd.s32 $0x1C800, s0;
	s8 =	sshrl.u32 s7, $0x1;
	s26 =	sshrl.u32 s9, $0x2  }
0xc: {  	s6 =	smov.u32 @p0 s5;
	s16 =	ssub.s32 s7, s8;
	s7 =	sadd.s32 s26, s2  }
0xd: {  	s8 =	sor.u32 $0x1C03, s28;
	s9 =	sadd.s32 s31, s1;
	s1 =	sshrl.u32 s1, $0x3  }
0xe: {  	s5 =	sshll.u32 s6, $0x5;
	s6 =	simm.s32 $0x7B;
	s9 =	sshrl.u32 s9, $0x3  }
0xf: {  	s16 =	smax.u32 s16, $0x1;
	s18 =	sshrl.u32 s7, $0x3;
	s5 =	sadd.s32 s5, s0  }
0x10: {  	s0 =	sadd.s32 $0x43A00, s0;
	s6 =	simm.s32 @!p0 $0x25;
	p0 =	seq.s32 s17, $0xF  }
0x11: {  	s10 =	sadd.s32 $0x6000, s5;
	s11 =	sadd.s32 $0x6040, s5;
	s12 =	sadd.s32 $0x6060, s5  }
0x12: {  	s13 =	sadd.s32 $0xFFFFFFFC, s6;
	s1 =	sadd.s32 s0, s1;
	s14 =	sadd.s32 s0, s9  }
0x13: {  	s0 =	sadd.s32 $0x12C000, s2;
	s22 =	sadd.s32 $0x6080, s5;
	[dreg:$0x4] =	wrdreg s10  }
0x14: {  	s10 =	sadd.s32 $0x6020, s5;
	s15 =	sadd.s32 $0x25800, s1;
	s25 =	sshrl.u32 @p0 s0, $0x3  }
.LBB2_1:
0x15: {  	s0 =	rddreg [dreg:$0x3]  }
0x16: {  	[spmem:s18], [sflag:s8] =	dma.local [hbm:s0], $0x2800  }
0x17: {  	_ =	swait.ge [sflag:s19], $0x2800  }
0x18: {  	[sflag:s19] =	ssyncset.done $0x0  }
0x19: {  	s1 =	rddreg [dreg:$0x4];
	[sflag:s19] =	ssyncadd.s32 $0xFFFFD800  }
0x1a: {  	[tilespmem:s3], [sflag:$0x1] =	stream.linear.gather [hbm4b:s1+s3], $0x100, $0x38;
	[tilespmem:$0x1C400] =	vst v63  }
0x1b: {  	_ = 	snop  }
0x1c: {  	[tilespmem:s20], [sflag:$0x1] =	stream.linear.gather [hbm4b:s10+s3], $0x100, $0x38;
	[tilespmem:$0x1C400] =	vst v63  }
0x1d: {  	s5 =	simm.s32 $0x200  }
0x1e: {  	[tilespmem:s5], [sflag:$0x1] =	stream.linear.gather [hbm4b:s11+s3], $0x100, $0x38;
	[tilespmem:$0x1C400] =	vst v63  }
0x1f: {  	s9 =	simm.s32 $0x300  }
0x20: {  	[tilespmem:s9], [sflag:$0x1] =	stream.linear.gather [hbm4b:s12+s3], $0x100, $0x38;
	[tilespmem:$0x1C400] =	vst v63  }
0x21: {  	[bflag:$0x0] =	sbarrier.arrive $0xFFFF  }
0x22: {  	_ =	swait.ge [sflag:s23], $0x100  }
0x23: {  	[sflag:s23] =	ssyncset.done $0x0  }
0x24: {  	s17 =	simm.s32 $0x400;
	[sflag:s23] =	ssyncadd.s32 $0xFFFFFF00  }
0x25: {  	[tilespmem:s17], [sflag:$0x2] =	stream.indirect.gather [hbm4b:s4+s24], $0x80, s3, s24, $0xb8;
	[tilespmem:$0x1C400] =	vst v63  }
0x26: {  	_ =	swait.ge [sflag:s23], $0x100  }
0x27: {  	[sflag:s23] =	ssyncset.done $0x0  }
0x28: {  	s21 =	simm.s32 $0x4400;
	[sflag:s23] =	ssyncadd.s32 $0xFFFFFF00  }
0x29: {  	[tilespmem:s21], [sflag:$0x2] =	stream.indirect.gather [hbm4b:s4+s24], $0x80, s20, s24, $0xb8;
	[tilespmem:$0x1C400] =	vst v63  }
0x2a: {  	s26 =	sand.u32 $0x10000, s3;
	_ =	swait.ge [sflag:s29], $0x4000  }
0x2b: {  	s0 =	sshrl.u32 s26, $0x2;
	s5 =	sand.u32 $0x300, s3;
	[sflag:s29] =	ssyncset.done $0x0  }
0x2c: {  	s0 =	sor.u32 $0x400, s0;
	s1 =	sor.u32 $0x80, s5;
	[sflag:s29] =	ssyncadd.s32 $0xFFFFC000  }
0x2d: {  	[spmem:s2] =	stream.indirect.scatter.add.f32 [tilespmem:s0], [sflag:$0x3], $0x80, s1, s24, $0xb8;
	[tilespmem:$0x1C400] =	vst v63  }
0x2e: {  	_ =	swait.ge [sflag:s19], $0x4000  }
0x2f: {  	p2 =	sle.u32 s13, $0x0;
	[sflag:s19] =	ssyncset.done $0x0  }
0x30: {  	s9 =	simm.s32 @!p2 $0x0;
	[sflag:s19] =	ssyncadd.s32 $0xFFFFC000  }
0x31: {  	[tilespmem:s5], [sflag:$0x1] =	stream.linear.gather @!p2 [hbm4b:s22+s9], $0x100, $0x38;
	[tilespmem:$0x1C400] =	vst v63  }
0x32: {  	p2 =	sne.s32 s6, $0x1  }
.Ltmp0:
0x33: {  	p1 =	sle.u32 s6, $0x2;
	(pc) =	sbr.rel @!p2 .LBB2_3-.Ltmp0, $4  }
0x34: {  	s31 =	simm.s32 $0x800;
	s28 =	simm.s32 @!p1 $0x1  }
0x35: {  	s26 =	simm.s32 $0x1;
	s17 =	smov.u32 s22;
	s21 =	simm.s32 $0x10000  }
0x36: {  	s1 =	simm.s32 $0x100;
	s5 =	sand.u32 @!p1 $0xC00, s31;
	_ =	swait.ge @!p1 [sflag:s28], $0x100  }
0x37: {  	s9 =	simm.s32 @!p1 $0x80;
	s5 =	sshrl.u32 @!p1 s5, $0x2;
	[sflag:s28] =	ssyncset.done @!p1 $0x0  }
.LBB2_2:
0x38: {  	[sflag:s28] =	ssyncadd.s32 @!p1 $0xFFFFFF00;
	s17 =	sadd.s32 $0x20, s17;
	s31 =	sadd.s32 $0x400, s31  }
0x39: {  	[tilespmem:s0], [sflag:$0x2] =	stream.indirect.gather @!p1 [hbm4b:s4+s9], $0x80, s5, s9, $0xb8;
	[tilespmem:$0x1C400] =	vst v63  }
0x3a: {  	_ = 	snop  }
0x3b: {  	s0 =	sand.u32 $0x10000, s21;
	_ =	swait.ge [sflag:s29], $0x4000  }
0x3c: {  	s5 =	sand.u32 $0x300, s1;
	s0 =	sshrl.u32 s0, $0x2;
	[sflag:s29] =	ssyncset.done $0x0  }
0x3d: {  	s9 =	sor.u32 $0x80, s5;
	s0 =	sor.u32 $0x400, s0;
	[sflag:s29] =	ssyncadd.s32 $0xFFFFC000  }
0x3e: {  	[spmem:s2] =	stream.indirect.scatter.add.f32 [tilespmem:s0], [sflag:$0x3], $0x80, s9, s24, $0xb8;
	[tilespmem:$0x1C400] =	vst v63  }
0x3f: {  	s1 =	sadd.s32 $0x100, s1;
	_ =	swait.ge [sflag:s19], $0x4000  }
0x40: {  	p2 =	sge.u32 s26, s13;
	s9 =	sadd.s32 $0x2, s26;
	[sflag:s19] =	ssyncset.done $0x0  }
0x41: {  	s26 =	simm.s32 @!p2 $0x0;
	p1 =	sge.u32 s9, s6;
	[sflag:s19] =	ssyncadd.s32 $0xFFFFC000  }
0x42: {  	[tilespmem:s5], [sflag:$0x1] =	stream.linear.gather @!p2 [hbm4b:s17+s26], $0x100, $0x38;
	[tilespmem:$0x1C400] =	vst v63  }
0x43: {  	s26 =	sadd.s32 $0xFFFFFFFF, s9  }
0x44: {  	p2 =	sne.s32 s26, s6  }
.Ltmp1:
0x45: {  	_ = 	snop;
	(pc) =	sbr.rel @p2 .LBB2_2-.Ltmp1, $4  }
0x46: {  	_ = 	snop  }
0x47: {  	s28 =	simm.s32 @!p1 $0x1;
	s5 =	sand.u32 @!p1 $0xC00, s31  }
0x48: {  	s5 =	sshrl.u32 @!p1 s5, $0x2;
	_ =	swait.ge @!p1 [sflag:s28], $0x100  }
0x49: {  	s21 =	sadd.s32 $0x10000, s21;
	s9 =	simm.s32 @!p1 $0x80;
	[sflag:s28] =	ssyncset.done @!p1 $0x0  }
.LBB2_3:
0x4a: {  	[sflag:s28] =	ssyncadd.s32 @!p1 $0xFFFFFF00  }
0x4b: {  	[tilespmem:s0], [sflag:$0x2] =	stream.indirect.gather @!p1 [hbm4b:s4+s9], $0x80, s5, s9, $0xb8;
	[tilespmem:$0x1C400] =	vst v63  }
0x4c: {  	s0 =	simm.s32 @p0 $0x3;
	[bflag:$0x0] =	sbarrier.arrive $0xFFFF  }
0x4d: {  	[hbm:s15], [sflag:s8] =	dma.local @p0 [spmem:s25], $0x1900  }
0x4e: {  	_ =	swait.ge @p0 [sflag:s0], $0x1900  }
0x4f: {  	s30 =	sadd.s32 $0x1, s30;
	[sflag:s0] =	ssyncset.done @p0 $0x0  }
0x50: {  	p1 =	sne.s32 s30, s16;
	[sflag:s0] =	ssyncadd.s32 @p0 $0xFFFFE700;
	s0 =	sshrl.u32 @!p0 s7, $0x3  }
0x51: {  	[hbm:s14], [sflag:s8] =	dma.local @!p0 [spmem:s0], $0x2800  }
.Ltmp2:
0x52: {  	_ = 	snop;
	(pc) =	sbr.rel @p1 .LBB2_1-.Ltmp2, $4  }
0x53: {  	s0 =	simm.s32 @!p0 $0x3  }
0x54: {  	_ =	swait.ge @!p0 [sflag:s0], $0x2800  }
0x55: {  	[sflag:s0] =	ssyncset.done @!p0 $0x0  }
0x56: {  	[sflag:s0] =	ssyncadd.s32 @!p0 $0xFFFFD800  }
0x57: {  	_ =	sfence.sel $0x180000  }
0x58: {  	[bflag:$0x0] =	sbarrier.arrive $0xFFFF  }
0x59: {  	_ =	strace $0x9000004D  }
0x5a: {  	s0 =	stileid.u32;
	[bflag:$0x2] =	sbarrier.arrive $0xFFFF  }
0x5b: {  	p0 =	sne.s32 s0, $0x0;
	s0 =	rddreg [dreg:$0x2]  }
0x5c: {  	s0 =	sadd.s32 @!p0 $0x100000, s0  }
0x5d: {  	[sflag:s0] =	ssyncadd.tile.s32 @!p0 $0x1;
	_ =	shalt  }
.Lfunc_end2:
_tile_overlayer_lowered:
.L_overlay_start_2:
0x5e: {  	(tag) =	ssettag $0x2  }
0x5f: {  	s0 =	rddreg [dreg:$0x0];
	s2 =	stileid.u32  }
0x60: {  	s1 =	rddreg [dreg:$0x1];
	p0 =	sne.s32 s2, $0x0  }
0x61: {  	s3 =	rddreg [dreg:$0x2];
	[bflag:$0x3] =	sbarrier.arrive $0xFFFF;
	s2 =	simm.s32 @!p0 $0x1C03  }
0x62: {  	[timem:s3], [sflag:s2] =	dma.local @!p0 [hbm:s0], s1  }
0x63: {  	s0 =	simm.s32 @!p0 $0x3  }
0x64: {  	_ =	swait.ge @!p0 [sflag:s0], s1  }
0x65: {  	s1 =	ssub.s32 @!p0 $0x0, s1;
	[sflag:s0] =	ssyncset.done @!p0 $0x0  }
0x66: {  	[sflag:s0] =	ssyncadd.s32 @!p0 s1  }
0x67: {  	[bflag:$0x3] =	sbarrier.arrive $0xFFFF  }
0x68: {  	_ =	shalt  }

// kernel: kernel.21.cloned.1.call-start
scs
__scs_entry_jumppad:
0x0: {  	(pc) =	sbr.rel $0x88, $3  }
0x1: {  	(tag) =	ssettag $0x0;
	lr =	simm.s32 $0x1  }
0x2: {  	[smem:$0x3F90] =	sst lr;
	_ =	strace $0xD0000000  }
0x3: {  	_ = 	snop  }
0x4: {  	_ = 	snop  }
0x5: {  	_ = 	snop  }
0x6: {  	_ = 	snop  }
0x7: {  	_ = 	snop  }
__scs_overlays_trampoline_lowered:
0x8: {  	[smem:$0x3F9F] =	sst s0  }
0x9: {  	[smem:$0x3FA0] =	sst s1  }
0xa: {  	[smem:$0x3FA1] =	sst s2  }
0xb: {  	[smem:$0x3FA2] =	sst s3  }
0xc: {  	[smem:$0x3FA3] =	sst s4  }
0xd: {  	[smem:$0x3FA4] =	sst s5  }
0xe: {  	[smem:$0x3FA5] =	sst s6  }
0xf: {  	[smem:$0x3FA6] =	sst s7  }
0x10: {  	[smem:$0x3FA7] =	sst s8  }
0x11: {  	[smem:$0x3FA8] =	sst s9;
	s0 =	simm.s32 @!p0 $0x0  }
0x12: {  	s1 =	sld [smem:$0x3F8E];
	s0 =	simm.s32 @p0 $0x1  }
0x13: {  	[smem:$0x3FA9] =	sst s0;
	s0 =	simm.s32 @!p1 $0x0  }
0x14: {  	s2 =	sld [smem:$0x3F8D];
	s0 =	simm.s32 @p1 $0x1  }
0x15: {  	[smem:$0x3FAA] =	sst s0;
	s0 =	simm.s32 @!p2 $0x0  }
0x16: {  	s3 =	sld [smem:$0x3FDB];
	s0 =	simm.s32 @p2 $0x1  }
0x17: {  	s4 =	simm.s32 $0x1BF5;
	[smem:$0x3FAC] =	sst s0  }
0x18: {  	s0 =	sld [smem:$0x3F8F];
	_ =	swait.ge [sflag:s4], $0x0  }
0x19: {  	s7 =	sld [smem:$0x3F90]  }
0x1a: {  	s8 =	sadd.s32 $0xFFFFE003, lr  }
0x1b: {  	s9 =	sadd.s32 $0xFFFFFEF7, lr;
	s5 =	simm.s32 $0xFFFFFFFF;
	p2 =	slt.u32 s8, $0xFFFFF086  }
0x1c: {  	p1 =	slt.u32 s9, $0xF7A;
	s5 =	simm.s32 @!p2 $0x0  }
0x1d: {  	s5 =	simm.s32 @p1 $0x1;
	p0 =	seq.s32 s7, s2  }
0x1e: {  	s7 =	smul.u32 @!p0 $0xF7A, s2;
	p2 =	seq.s32 @!p0 s5, $0x0  }
0x1f: {  	s9 =	smul.u32 $0xF7A, s1;
	s8 =	simm.s32 @!p0 $0x1BF5;
	p2 =	por !p2, p0  }
0x20: {  	[sflag:s8] =	ssyncset.s32 @!p0 $0xFFFFF086;
	s6 =	sadd.s32 @!p0 s3, s7;
	s7 =	simm.s32 @!p0 $0x108  }
0x21: {  	s3 =	sadd.s32 s3, s9;
	s6 =	sadd.s32 @!p0 $0x88, s6;
	s7 =	simm.s32 @p2 $0x1082  }
0x22: {  	[simem:s7], [sflag:s8] =	dma.local @!p0 [hbm:s6], $0xF7A  }
0x23: {  	s9 =	sor.u32 $0xD0000000, s2;
	s6 =	simm.s32 $0x108;
	_ =	swait.ge @!p0 [sflag:s8], $0x0  }
0x24: {  	s3 =	sadd.s32 $0x88, s3;
	s6 =	simm.s32 @!p1 $0x1082;
	[sflag:s4] =	ssyncset.s32 $0xFFFFF086  }
0x25: {  	[simem:s6], [sflag:s4] =	dma.local [hbm:s3], $0xF7A  }
0x26: {  	[smem:$0x3F90] =	sst s1;
	(tag) =	ssettag s2;
	_ =	strace s9  }
0x27: {  	s1 =	sld [smem:$0x3FA0]  }
0x28: {  	s2 =	sld [smem:$0x3FA1]  }
0x29: {  	s4 =	sld [smem:$0x3FA3]  }
0x2a: {  	p0 =	seq.s32 s5, $0x0;
	s5 =	sld [smem:$0x3FA4]  }
0x2b: {  	s6 =	sld [smem:$0x3FA5]  }
0x2c: {  	s7 =	sld [smem:$0x3FA6]  }
0x2d: {  	s3 =	simm.s32 $0x108;
	s8 =	sld [smem:$0x3FA7]  }
0x2e: {  	s3 =	simm.s32 @!p0 $0x1082;
	s9 =	sld [smem:$0x3FA8]  }
0x2f: {  	lr =	sadd.s32 s0, s3;
	s0 =	sld [smem:$0x3F9F]  }
0x30: {  	s3 =	sld [smem:$0x3FA2]  }
0x31: {  	[smem:$0x3FAB] =	sst s10  }
0x32: {  	s10 =	sld [smem:$0x3FA9];
	_ =	sdelay $0x3  }
0x33: {  	p0 =	seq.s32 s10, $0x1;
	s10 =	sld [smem:$0x3FAB];
	_ =	sdelay $0x3  }
0x34: {  	[smem:$0x3FAB] =	sst s10  }
0x35: {  	s10 =	sld [smem:$0x3FAA];
	_ =	sdelay $0x3  }
0x36: {  	p1 =	seq.s32 s10, $0x1;
	s10 =	sld [smem:$0x3FAB];
	_ =	sdelay $0x3  }
0x37: {  	[smem:$0x3FAB] =	sst s10  }
0x38: {  	s10 =	sld [smem:$0x3FAC]  }
0x39: {  	_ = 	snop;
	(pc) =	sbr.ind lr, $3  }
0x3a: {  	_ = 	snop  }
0x3b: {  	_ = 	snop  }
0x3c: {  	p2 =	seq.s32 s10, $0x1;
	s10 =	sld [smem:$0x3FAB]  }
0x3d: {  	_ =	shalt  }
0x3e: {  	_ =	shalt  }
0x3f: {  	_ =	shalt  }
0x40: {  	_ =	shalt  }
0x41: {  	_ =	shalt  }
0x42: {  	_ =	shalt  }
0x43: {  	_ =	shalt  }
0x44: {  	_ =	shalt  }
0x45: {  	_ =	shalt  }
0x46: {  	_ =	shalt  }
0x47: {  	_ =	shalt  }
0x48: {  	_ =	shalt  }
0x49: {  	_ =	shalt  }
0x4a: {  	_ =	shalt  }
0x4b: {  	_ =	shalt  }
0x4c: {  	_ =	shalt  }
0x4d: {  	_ =	shalt  }
0x4e: {  	_ =	shalt  }
0x4f: {  	_ =	shalt  }
0x50: {  	_ =	shalt  }
0x51: {  	_ =	shalt  }
0x52: {  	_ =	shalt  }
0x53: {  	_ =	shalt  }
0x54: {  	_ =	shalt  }
0x55: {  	_ =	shalt  }
0x56: {  	_ =	shalt  }
0x57: {  	_ =	shalt  }
0x58: {  	_ =	shalt  }
0x59: {  	_ =	shalt  }
0x5a: {  	_ =	shalt  }
0x5b: {  	_ =	shalt  }
0x5c: {  	_ =	shalt  }
0x5d: {  	_ =	shalt  }
0x5e: {  	_ =	shalt  }
0x5f: {  	_ =	shalt  }
0x60: {  	_ =	shalt  }
0x61: {  	_ =	shalt  }
0x62: {  	_ =	shalt  }
0x63: {  	_ =	shalt  }
0x64: {  	_ =	shalt  }
0x65: {  	_ =	shalt  }
0x66: {  	_ =	shalt  }
0x67: {  	_ =	shalt  }
0x68: {  	_ =	shalt  }
0x69: {  	_ =	shalt  }
0x6a: {  	_ =	shalt  }
0x6b: {  	_ =	shalt  }
0x6c: {  	_ =	shalt  }
0x6d: {  	_ =	shalt  }
0x6e: {  	_ =	shalt  }
0x6f: {  	_ =	shalt  }
0x70: {  	_ =	shalt  }
0x71: {  	_ =	shalt  }
0x72: {  	_ =	shalt  }
0x73: {  	_ =	shalt  }
0x74: {  	_ =	shalt  }
0x75: {  	_ =	shalt  }
0x76: {  	_ =	shalt  }
0x77: {  	_ =	shalt  }
0x78: {  	_ =	shalt  }
0x79: {  	_ =	shalt  }
0x7a: {  	_ =	shalt  }
0x7b: {  	_ =	shalt  }
0x7c: {  	_ =	shalt  }
0x7d: {  	_ =	shalt  }
0x7e: {  	_ =	shalt  }
0x7f: {  	_ =	shalt  }
0x80: {  	_ =	shalt  }
0x81: {  	_ =	shalt  }
0x82: {  	_ =	shalt  }
0x83: {  	_ =	shalt  }
0x84: {  	_ =	shalt  }
0x85: {  	_ =	shalt  }
0x86: {  	_ =	shalt  }
0x87: {  	_ =	shalt  }
.Lfunc_end0:
.L_simem_size_0:
called_computation.3_lowered:
.L_overlay_start_0:
0x88: {  	s2 =	sld [smem:$0x3FD9]  }
0x89: {  	s3 =	sld [smem:$0x3FFE];
	_ =	sdelay $0x1  }
0x8a: {  	s1 =	srdreg.scid  }
0x8b: {  	s0 =	sand.u32 $0x1, s1  }
0x8c: {  	s16 =	sshll.u32 s0, $0xA;
	s2 =	sadd.s32 s3, s2  }
0x8d: {  	s2 =	sadd.s32 s2, s16  }
0x8e: {  	[smem:$0x3FB7] =	sst s2  }
0x8f: {  	_ = 	snop  }
0x90: {  	(tm) =	ssettm $0x1  }
0x91: {  	s17 =	sld [smem:$0x3FFB];
	_ =	sdelay $0x3  }
0x92: {  	_ =	strace s17  }
0x93: {  	s2 =	sld [smem:$0x3FFC];
	_ =	sdelay $0x3  }
0x94: {  	_ =	strace s2  }
0x95: {  	s2 =	sld [smem:$0x3FFD];
	_ =	sdelay $0x3  }
0x96: {  	_ =	strace s2  }
0x97: {  	_ =	strace $0x8FFFFFFF  }
0x98: {  	s18 =	sld [smem:$0x3FDB];
	_ =	sdelay $0x1  }
0x99: {  	s19 =	simm.s32 $_scs_section_size  }
0x9a: {  	s4 =	simm.s32 $_size__tile_overlayer_lowered;
	s5 =	simm.s32 $_tile_overlayer_lowered  }
0x9b: {  	s22 =	simm.s32 $0x1BFF;
	s21 =	sshll.u32 s5, $0x1;
	s2 =	sadd.s32 s19, s18  }
0x9c: {  	s6 =	simm.s32 $0x0;
	s20 =	sshll.u32 s4, $0x1;
	s4 =	sadd.s32 s21, s2  }
0x9d: {  	[timem:s6], [sflag:s22] =	dma.local [hbm:s4], s20  }
0x9e: {  	_ =	swait.ge [sflag:s22], s20  }
0x9f: {  	s3 =	ssub.s32 $0x0, s20;
	[sflag:s22] =	ssyncset.done $0x0  }
0xa0: {  	[sflag:s22] =	ssyncadd.s32 s3;
	_ =	sdelay $0x1  }
0xa1: {  	s23 =	simm.s32 $0x1B8B  }
0xa2: {  	_ =	swait.ge [sflag:s23], $0x1  }
0xa3: {  	[sflag:s23] =	ssyncset.done $0x0  }
0xa4: {  	s25 =	simm.s32 $0x1B8E;
	s24 =	sld [smem:$0x3FFE];
	[sflag:s23] =	ssyncadd.s32 $0xFFFFFFFF  }
0xa5: {  	s26 =	simm.s32 $execute0_lowered;
	[smem:$0x3FD2] =	sst s25  }
0xa6: {  	s4 =	sshll.u32 s26, $0x1;
	_ =	strace $0x8000004F;
	[dreg:$0x1] =	wrdreg $0xFFFFFFFF  }
0xa7: {  	s28 =	simm.s32 $_size_execute0_lowered;
	s2 =	sadd.s32 s2, s4;
	[dreg:$0x0] =	wrdreg $0x0  }
0xa8: {  	s4 =	sshll.u32 s28, $0x1;
	[dreg:$0x2] =	wrdreg s2  }
0xa9: {  	[dreg:$0x3] =	wrdreg s4  }
0xaa: {  	[dreg:$0x4] =	wrdreg $0xC0  }
0xab: {  	_ =	task [dreg:s6], $0x5FFFF  }
0xac: {  	[dreg:$0x1] =	wrdreg $0xFFFFFFFF  }
0xad: {  	[dreg:$0x0] =	wrdreg $0x60  }
0xae: {  	[dreg:$0x2] =	wrdreg s24  }
0xaf: {  	[dreg:$0x3] =	wrdreg $0x84000  }
0xb0: {  	[dreg:$0x4] =	wrdreg $0x9  }
0xb1: {  	_ =	task.clear_ibuf [dreg:s6], $0x5FFFF;
	_ =	strace $0x9000004F  }
0xb2: {  	s29 =	simm.s32 $0x9;
	_ =	strace $0x80000051  }
0xb3: {  	_ =	swait.ge [sflag:s29], $0x1  }
0xb4: {  	[sflag:s29] =	ssyncadd.s32 $0xFFFFFFFF  }
0xb5: {  	_ =	strace $0x90000051  }
0xb6: {  	_ =	sfence  }
0xb7: {  	s30 =	sld [smem:$0x0];
	_ =	sdelay $0x2  }
0xb8: {  	s31 =	sshll.u32 s1, $0xD;
	s1 =	sshrl.u32 s1, $0x2  }
0xb9: {  	s3 =	sand.u32 $0x4000, s31;
	s1 =	sadd.s32 s1, s30  }
0xba: {  	s0 =	sor.u32 s3, s0;
	s1 =	sshll.u32 s1, $0x11  }
0xbb: {  	s0 =	sor.u32 s1, s0  }
0xbc: {  	s0 =	sadd.s32 $0x8F2B, s0  }
0xbd: {  	[sflag:s0] =	ssyncadd.remote.s32 $0x1  }
0xbe: {  	_ =	sfence.sel $0xFFFF  }
0xbf: {  	[dreg:$0x0] =	wrdreg $0xFFFFFFFF;
	(pc) =	sbr.abs _section_cstart, $3  }
0xc0: {  	[dreg:$0x1] =	wrdreg $0xFFFFFFFF  }
0xc1: {  	_ =	task.clear_ibuf [dreg:s6], $0x2FFFF;
	_ =	strace $0x9FFFFFFF  }
0xc2: {  	(tm) =	ssettm $0x7FFFFFFF  }
0xc3: {  	_ =	shalt  }
tec
execute0_lowered:
.L_overlay_start_1:
0x0: {  	(tag) =	ssettag $0x1  }
0x1: {  	s0 =	rddreg [dreg:$0x0]  }
0x2: {  	s2 =	rddreg [dreg:$0x1]  }
0x3: {  	s17 =	stileid.u32;
	s1 =	srdreg.scid  }
0x4: {  	s3 =	simm.s32 $0x0;
	s19 =	simm.s32 $0x3;
	s20 =	simm.s32 $0x100  }
0x5: {  	s23 =	simm.s32 $0x1;
	s24 =	simm.s32 $0x80;
	s4 =	smul.u32 $0x25, s17  }
0x6: {  	s29 =	simm.s32 $0x2;
	s30 =	simm.s32 $0x0;
	s5 =	smul.u32 $0x7B, s17  }
0x7: {  	s1 =	sand.u32 $0x1, s1;
	[smem:$0x7FF] =	sst s3;
	s9 =	smul.u32 $0x50000, s17  }
0x8: {  	s25 =	sadd.s32 $0x1A000, s0;
	s28 =	sshll.u32 s17, $0x6;
	s31 =	smul.u32 $0x14000, s17  }
0x9: {  	p0 =	seq.s32 s1, $0x0;
	_ =	strace $0x80000050;
	[dreg:$0x3] =	wrdreg s25  }
0xa: {  	s7 =	ssub.s32 $0x2, s1;
	s1 =	smul.u32 $0x138800, s1;
	s6 =	sadd.s32 $0x7B0, s4  }
0xb: {  	s4 =	sadd.s32 $0x1C800, s0;
	s8 =	sshrl.u32 s7, $0x1;
	s26 =	sshrl.u32 s9, $0x2  }
0xc: {  	s6 =	smov.u32 @p0 s5;
	s16 =	ssub.s32 s7, s8;
	s7 =	sadd.s32 s26, s2  }
0xd: {  	s8 =	sor.u32 $0x1C03, s28;
	s9 =	sadd.s32 s31, s1;
	s1 =	sshrl.u32 s1, $0x3  }
0xe: {  	s5 =	sshll.u32 s6, $0x5;
	s6 =	simm.s32 $0x7B;
	s9 =	sshrl.u32 s9, $0x3  }
0xf: {  	s16 =	smax.u32 s16, $0x1;
	s18 =	sshrl.u32 s7, $0x3;
	s5 =	sadd.s32 s5, s0  }
0x10: {  	s0 =	sadd.s32 $0x43A00, s0;
	s6 =	simm.s32 @!p0 $0x25;
	p0 =	seq.s32 s17, $0xF  }
0x11: {  	s10 =	sadd.s32 $0x6000, s5;
	s11 =	sadd.s32 $0x6040, s5;
	s12 =	sadd.s32 $0x6060, s5  }
0x12: {  	s13 =	sadd.s32 $0xFFFFFFFC, s6;
	s1 =	sadd.s32 s0, s1;
	s14 =	sadd.s32 s0, s9  }
0x13: {  	s0 =	sadd.s32 $0x12C000, s2;
	s22 =	sadd.s32 $0x6080, s5;
	[dreg:$0x4] =	wrdreg s10  }
0x14: {  	s10 =	sadd.s32 $0x6020, s5;
	s15 =	sadd.s32 $0x25800, s1;
	s25 =	sshrl.u32 @p0 s0, $0x3  }
.LBB2_1:
0x15: {  	s0 =	rddreg [dreg:$0x3]  }
0x16: {  	[spmem:s18], [sflag:s8] =	dma.local [hbm:s0], $0x2800  }
0x17: {  	_ =	swait.ge [sflag:s19], $0x2800  }
0x18: {  	[sflag:s19] =	ssyncset.done $0x0  }
0x19: {  	s1 =	rddreg [dreg:$0x4];
	[sflag:s19] =	ssyncadd.s32 $0xFFFFD800  }
0x1a: {  	[tilespmem:s3], [sflag:$0x1] =	stream.linear.gather [hbm4b:s1+s3], $0x100, $0x38;
	[tilespmem:$0x1C400] =	vst v63  }
0x1b: {  	_ = 	snop  }
0x1c: {  	[tilespmem:s20], [sflag:$0x1] =	stream.linear.gather [hbm4b:s10+s3], $0x100, $0x38;
	[tilespmem:$0x1C400] =	vst v63  }
0x1d: {  	s5 =	simm.s32 $0x200  }
0x1e: {  	[tilespmem:s5], [sflag:$0x1] =	stream.linear.gather [hbm4b:s11+s3], $0x100, $0x38;
	[tilespmem:$0x1C400] =	vst v63  }
0x1f: {  	s9 =	simm.s32 $0x300  }
0x20: {  	[tilespmem:s9], [sflag:$0x1] =	stream.linear.gather [hbm4b:s12+s3], $0x100, $0x38;
	[tilespmem:$0x1C400] =	vst v63  }
0x21: {  	[bflag:$0x0] =	sbarrier.arrive $0xFFFF  }
0x22: {  	_ =	swait.ge [sflag:s23], $0x100  }
0x23: {  	[sflag:s23] =	ssyncset.done $0x0  }
0x24: {  	s17 =	simm.s32 $0x400;
	[sflag:s23] =	ssyncadd.s32 $0xFFFFFF00  }
0x25: {  	[tilespmem:s17], [sflag:$0x2] =	stream.indirect.gather [hbm4b:s4+s24], $0x80, s3, s24, $0xb8;
	[tilespmem:$0x1C400] =	vst v63  }
0x26: {  	_ =	swait.ge [sflag:s23], $0x100  }
0x27: {  	[sflag:s23] =	ssyncset.done $0x0  }
0x28: {  	s21 =	simm.s32 $0x4400;
	[sflag:s23] =	ssyncadd.s32 $0xFFFFFF00  }
0x29: {  	[tilespmem:s21], [sflag:$0x2] =	stream.indirect.gather [hbm4b:s4+s24], $0x80, s20, s24, $0xb8;
	[tilespmem:$0x1C400] =	vst v63  }
0x2a: {  	s26 =	sand.u32 $0x10000, s3;
	_ =	swait.ge [sflag:s29], $0x4000  }
0x2b: {  	s0 =	sshrl.u32 s26, $0x2;
	s5 =	sand.u32 $0x300, s3;
	[sflag:s29] =	ssyncset.done $0x0  }
0x2c: {  	s0 =	sor.u32 $0x400, s0;
	s1 =	sor.u32 $0x80, s5;
	[sflag:s29] =	ssyncadd.s32 $0xFFFFC000  }
0x2d: {  	[spmem:s2] =	stream.indirect.scatter.add.f32 [tilespmem:s0], [sflag:$0x3], $0x80, s1, s24, $0xb8;
	[tilespmem:$0x1C400] =	vst v63  }
0x2e: {  	_ =	swait.ge [sflag:s19], $0x4000  }
0x2f: {  	p2 =	sle.u32 s13, $0x0;
	[sflag:s19] =	ssyncset.done $0x0  }
0x30: {  	s9 =	simm.s32 @!p2 $0x0;
	[sflag:s19] =	ssyncadd.s32 $0xFFFFC000  }
0x31: {  	[tilespmem:s5], [sflag:$0x1] =	stream.linear.gather @!p2 [hbm4b:s22+s9], $0x100, $0x38;
	[tilespmem:$0x1C400] =	vst v63  }
0x32: {  	p2 =	sne.s32 s6, $0x1  }
.Ltmp0:
0x33: {  	p1 =	sle.u32 s6, $0x2;
	(pc) =	sbr.rel @!p2 .LBB2_3-.Ltmp0, $4  }
0x34: {  	s31 =	simm.s32 $0x800;
	s28 =	simm.s32 @!p1 $0x1  }
0x35: {  	s26 =	simm.s32 $0x1;
	s17 =	smov.u32 s22;
	s21 =	simm.s32 $0x10000  }
0x36: {  	s1 =	simm.s32 $0x100;
	s5 =	sand.u32 @!p1 $0xC00, s31;
	_ =	swait.ge @!p1 [sflag:s28], $0x100  }
0x37: {  	s9 =	simm.s32 @!p1 $0x80;
	s5 =	sshrl.u32 @!p1 s5, $0x2;
	[sflag:s28] =	ssyncset.done @!p1 $0x0  }
.LBB2_2:
0x38: {  	[sflag:s28] =	ssyncadd.s32 @!p1 $0xFFFFFF00;
	s17 =	sadd.s32 $0x20, s17;
	s31 =	sadd.s32 $0x400, s31  }
0x39: {  	[tilespmem:s0], [sflag:$0x2] =	stream.indirect.gather @!p1 [hbm4b:s4+s9], $0x80, s5, s9, $0xb8;
	[tilespmem:$0x1C400] =	vst v63  }
0x3a: {  	_ = 	snop  }
0x3b: {  	s0 =	sand.u32 $0x10000, s21;
	_ =	swait.ge [sflag:s29], $0x4000  }
0x3c: {  	s5 =	sand.u32 $0x300, s1;
	s0 =	sshrl.u32 s0, $0x2;
	[sflag:s29] =	ssyncset.done $0x0  }
0x3d: {  	s9 =	sor.u32 $0x80, s5;
	s0 =	sor.u32 $0x400, s0;
	[sflag:s29] =	ssyncadd.s32 $0xFFFFC000  }
0x3e: {  	[spmem:s2] =	stream.indirect.scatter.add.f32 [tilespmem:s0], [sflag:$0x3], $0x80, s9, s24, $0xb8;
	[tilespmem:$0x1C400] =	vst v63  }
0x3f: {  	s1 =	sadd.s32 $0x100, s1;
	_ =	swait.ge [sflag:s19], $0x4000  }
0x40: {  	p2 =	sge.u32 s26, s13;
	s9 =	sadd.s32 $0x2, s26;
	[sflag:s19] =	ssyncset.done $0x0  }
0x41: {  	s26 =	simm.s32 @!p2 $0x0;
	p1 =	sge.u32 s9, s6;
	[sflag:s19] =	ssyncadd.s32 $0xFFFFC000  }
0x42: {  	[tilespmem:s5], [sflag:$0x1] =	stream.linear.gather @!p2 [hbm4b:s17+s26], $0x100, $0x38;
	[tilespmem:$0x1C400] =	vst v63  }
0x43: {  	s26 =	sadd.s32 $0xFFFFFFFF, s9  }
0x44: {  	p2 =	sne.s32 s26, s6  }
.Ltmp1:
0x45: {  	_ = 	snop;
	(pc) =	sbr.rel @p2 .LBB2_2-.Ltmp1, $4  }
0x46: {  	_ = 	snop  }
0x47: {  	s28 =	simm.s32 @!p1 $0x1;
	s5 =	sand.u32 @!p1 $0xC00, s31  }
0x48: {  	s5 =	sshrl.u32 @!p1 s5, $0x2;
	_ =	swait.ge @!p1 [sflag:s28], $0x100  }
0x49: {  	s21 =	sadd.s32 $0x10000, s21;
	s9 =	simm.s32 @!p1 $0x80;
	[sflag:s28] =	ssyncset.done @!p1 $0x0  }
.LBB2_3:
0x4a: {  	[sflag:s28] =	ssyncadd.s32 @!p1 $0xFFFFFF00  }
0x4b: {  	[tilespmem:s0], [sflag:$0x2] =	stream.indirect.gather @!p1 [hbm4b:s4+s9], $0x80, s5, s9, $0xb8;
	[tilespmem:$0x1C400] =	vst v63  }
0x4c: {  	s0 =	simm.s32 @p0 $0x3;
	[bflag:$0x0] =	sbarrier.arrive $0xFFFF  }
0x4d: {  	[hbm:s15], [sflag:s8] =	dma.local @p0 [spmem:s25], $0x1900  }
0x4e: {  	_ =	swait.ge @p0 [sflag:s0], $0x1900  }
0x4f: {  	s30 =	sadd.s32 $0x1, s30;
	[sflag:s0] =	ssyncset.done @p0 $0x0  }
0x50: {  	p1 =	sne.s32 s30, s16;
	[sflag:s0] =	ssyncadd.s32 @p0 $0xFFFFE700;
	s0 =	sshrl.u32 @!p0 s7, $0x3  }
0x51: {  	[hbm:s14], [sflag:s8] =	dma.local @!p0 [spmem:s0], $0x2800  }
.Ltmp2:
0x52: {  	_ = 	snop;
	(pc) =	sbr.rel @p1 .LBB2_1-.Ltmp2, $4  }
0x53: {  	s0 =	simm.s32 @!p0 $0x3  }
0x54: {  	_ =	swait.ge @!p0 [sflag:s0], $0x2800  }
0x55: {  	[sflag:s0] =	ssyncset.done @!p0 $0x0  }
0x56: {  	[sflag:s0] =	ssyncadd.s32 @!p0 $0xFFFFD800  }
0x57: {  	_ =	sfence.sel $0x180000  }
0x58: {  	[bflag:$0x0] =	sbarrier.arrive $0xFFFF  }
0x59: {  	_ =	strace $0x90000050  }
0x5a: {  	s0 =	stileid.u32;
	[bflag:$0x2] =	sbarrier.arrive $0xFFFF  }
0x5b: {  	p0 =	sne.s32 s0, $0x0;
	s0 =	rddreg [dreg:$0x2]  }
0x5c: {  	s0 =	sadd.s32 @!p0 $0x100000, s0  }
0x5d: {  	[sflag:s0] =	ssyncadd.tile.s32 @!p0 $0x1;
	_ =	shalt  }
.Lfunc_end2:
_tile_overlayer_lowered:
.L_overlay_start_2:
0x5e: {  	(tag) =	ssettag $0x2  }
0x5f: {  	s0 =	rddreg [dreg:$0x0];
	s2 =	stileid.u32  }
0x60: {  	s1 =	rddreg [dreg:$0x1];
	p0 =	sne.s32 s2, $0x0  }
0x61: {  	s3 =	rddreg [dreg:$0x2];
	[bflag:$0x3] =	sbarrier.arrive $0xFFFF;
	s2 =	simm.s32 @!p0 $0x1C03  }
0x62: {  	[timem:s3], [sflag:s2] =	dma.local @!p0 [hbm:s0], s1  }
0x63: {  	s0 =	simm.s32 @!p0 $0x3  }
0x64: {  	_ =	swait.ge @!p0 [sflag:s0], s1  }
0x65: {  	s1 =	ssub.s32 @!p0 $0x0, s1;
	[sflag:s0] =	ssyncset.done @!p0 $0x0  }
0x66: {  	[sflag:s0] =	ssyncadd.s32 @!p0 s1  }
0x67: {  	[bflag:$0x3] =	sbarrier.arrive $0xFFFF  }
0x68: {  	_ =	shalt  }

// kernel: kernel.24.cloned.1.call-start
scs
__scs_entry_jumppad:
0x0: {  	(pc) =	sbr.rel $0x88, $3  }
0x1: {  	(tag) =	ssettag $0x0;
	lr =	simm.s32 $0x1  }
0x2: {  	[smem:$0x3F90] =	sst lr;
	_ =	strace $0xD0000000  }
0x3: {  	_ = 	snop  }
0x4: {  	_ = 	snop  }
0x5: {  	_ = 	snop  }
0x6: {  	_ = 	snop  }
0x7: {  	_ = 	snop  }
__scs_overlays_trampoline_lowered:
0x8: {  	[smem:$0x3F9F] =	sst s0  }
0x9: {  	[smem:$0x3FA0] =	sst s1  }
0xa: {  	[smem:$0x3FA1] =	sst s2  }
0xb: {  	[smem:$0x3FA2] =	sst s3  }
0xc: {  	[smem:$0x3FA3] =	sst s4  }
0xd: {  	[smem:$0x3FA4] =	sst s5  }
0xe: {  	[smem:$0x3FA5] =	sst s6  }
0xf: {  	[smem:$0x3FA6] =	sst s7  }
0x10: {  	[smem:$0x3FA7] =	sst s8  }
0x11: {  	[smem:$0x3FA8] =	sst s9;
	s0 =	simm.s32 @!p0 $0x0  }
0x12: {  	s1 =	sld [smem:$0x3F8E];
	s0 =	simm.s32 @p0 $0x1  }
0x13: {  	[smem:$0x3FA9] =	sst s0;
	s0 =	simm.s32 @!p1 $0x0  }
0x14: {  	s2 =	sld [smem:$0x3F8D];
	s0 =	simm.s32 @p1 $0x1  }
0x15: {  	[smem:$0x3FAA] =	sst s0;
	s0 =	simm.s32 @!p2 $0x0  }
0x16: {  	s3 =	sld [smem:$0x3FDB];
	s0 =	simm.s32 @p2 $0x1  }
0x17: {  	s4 =	simm.s32 $0x1BF5;
	[smem:$0x3FAC] =	sst s0  }
0x18: {  	s0 =	sld [smem:$0x3F8F];
	_ =	swait.ge [sflag:s4], $0x0  }
0x19: {  	s7 =	sld [smem:$0x3F90]  }
0x1a: {  	s8 =	sadd.s32 $0xFFFFE003, lr  }
0x1b: {  	s9 =	sadd.s32 $0xFFFFFEF7, lr;
	s5 =	simm.s32 $0xFFFFFFFF;
	p2 =	slt.u32 s8, $0xFFFFF086  }
0x1c: {  	p1 =	slt.u32 s9, $0xF7A;
	s5 =	simm.s32 @!p2 $0x0  }
0x1d: {  	s5 =	simm.s32 @p1 $0x1;
	p0 =	seq.s32 s7, s2  }
0x1e: {  	s7 =	smul.u32 @!p0 $0xF7A, s2;
	p2 =	seq.s32 @!p0 s5, $0x0  }
0x1f: {  	s9 =	smul.u32 $0xF7A, s1;
	s8 =	simm.s32 @!p0 $0x1BF5;
	p2 =	por !p2, p0  }
0x20: {  	[sflag:s8] =	ssyncset.s32 @!p0 $0xFFFFF086;
	s6 =	sadd.s32 @!p0 s3, s7;
	s7 =	simm.s32 @!p0 $0x108  }
0x21: {  	s3 =	sadd.s32 s3, s9;
	s6 =	sadd.s32 @!p0 $0x88, s6;
	s7 =	simm.s32 @p2 $0x1082  }
0x22: {  	[simem:s7], [sflag:s8] =	dma.local @!p0 [hbm:s6], $0xF7A  }
0x23: {  	s9 =	sor.u32 $0xD0000000, s2;
	s6 =	simm.s32 $0x108;
	_ =	swait.ge @!p0 [sflag:s8], $0x0  }
0x24: {  	s3 =	sadd.s32 $0x88, s3;
	s6 =	simm.s32 @!p1 $0x1082;
	[sflag:s4] =	ssyncset.s32 $0xFFFFF086  }
0x25: {  	[simem:s6], [sflag:s4] =	dma.local [hbm:s3], $0xF7A  }
0x26: {  	[smem:$0x3F90] =	sst s1;
	(tag) =	ssettag s2;
	_ =	strace s9  }
0x27: {  	s1 =	sld [smem:$0x3FA0]  }
0x28: {  	s2 =	sld [smem:$0x3FA1]  }
0x29: {  	s4 =	sld [smem:$0x3FA3]  }
0x2a: {  	p0 =	seq.s32 s5, $0x0;
	s5 =	sld [smem:$0x3FA4]  }
0x2b: {  	s6 =	sld [smem:$0x3FA5]  }
0x2c: {  	s7 =	sld [smem:$0x3FA6]  }
0x2d: {  	s3 =	simm.s32 $0x108;
	s8 =	sld [smem:$0x3FA7]  }
0x2e: {  	s3 =	simm.s32 @!p0 $0x1082;
	s9 =	sld [smem:$0x3FA8]  }
0x2f: {  	lr =	sadd.s32 s0, s3;
	s0 =	sld [smem:$0x3F9F]  }
0x30: {  	s3 =	sld [smem:$0x3FA2]  }
0x31: {  	[smem:$0x3FAB] =	sst s10  }
0x32: {  	s10 =	sld [smem:$0x3FA9];
	_ =	sdelay $0x3  }
0x33: {  	p0 =	seq.s32 s10, $0x1;
	s10 =	sld [smem:$0x3FAB];
	_ =	sdelay $0x3  }
0x34: {  	[smem:$0x3FAB] =	sst s10  }
0x35: {  	s10 =	sld [smem:$0x3FAA];
	_ =	sdelay $0x3  }
0x36: {  	p1 =	seq.s32 s10, $0x1;
	s10 =	sld [smem:$0x3FAB];
	_ =	sdelay $0x3  }
0x37: {  	[smem:$0x3FAB] =	sst s10  }
0x38: {  	s10 =	sld [smem:$0x3FAC]  }
0x39: {  	_ = 	snop;
	(pc) =	sbr.ind lr, $3  }
0x3a: {  	_ = 	snop  }
0x3b: {  	_ = 	snop  }
0x3c: {  	p2 =	seq.s32 s10, $0x1;
	s10 =	sld [smem:$0x3FAB]  }
0x3d: {  	_ =	shalt  }
0x3e: {  	_ =	shalt  }
0x3f: {  	_ =	shalt  }
0x40: {  	_ =	shalt  }
0x41: {  	_ =	shalt  }
0x42: {  	_ =	shalt  }
0x43: {  	_ =	shalt  }
0x44: {  	_ =	shalt  }
0x45: {  	_ =	shalt  }
0x46: {  	_ =	shalt  }
0x47: {  	_ =	shalt  }
0x48: {  	_ =	shalt  }
0x49: {  	_ =	shalt  }
0x4a: {  	_ =	shalt  }
0x4b: {  	_ =	shalt  }
0x4c: {  	_ =	shalt  }
0x4d: {  	_ =	shalt  }
0x4e: {  	_ =	shalt  }
0x4f: {  	_ =	shalt  }
0x50: {  	_ =	shalt  }
0x51: {  	_ =	shalt  }
0x52: {  	_ =	shalt  }
0x53: {  	_ =	shalt  }
0x54: {  	_ =	shalt  }
0x55: {  	_ =	shalt  }
0x56: {  	_ =	shalt  }
0x57: {  	_ =	shalt  }
0x58: {  	_ =	shalt  }
0x59: {  	_ =	shalt  }
0x5a: {  	_ =	shalt  }
0x5b: {  	_ =	shalt  }
0x5c: {  	_ =	shalt  }
0x5d: {  	_ =	shalt  }
0x5e: {  	_ =	shalt  }
0x5f: {  	_ =	shalt  }
0x60: {  	_ =	shalt  }
0x61: {  	_ =	shalt  }
0x62: {  	_ =	shalt  }
0x63: {  	_ =	shalt  }
0x64: {  	_ =	shalt  }
0x65: {  	_ =	shalt  }
0x66: {  	_ =	shalt  }
0x67: {  	_ =	shalt  }
0x68: {  	_ =	shalt  }
0x69: {  	_ =	shalt  }
0x6a: {  	_ =	shalt  }
0x6b: {  	_ =	shalt  }
0x6c: {  	_ =	shalt  }
0x6d: {  	_ =	shalt  }
0x6e: {  	_ =	shalt  }
0x6f: {  	_ =	shalt  }
0x70: {  	_ =	shalt  }
0x71: {  	_ =	shalt  }
0x72: {  	_ =	shalt  }
0x73: {  	_ =	shalt  }
0x74: {  	_ =	shalt  }
0x75: {  	_ =	shalt  }
0x76: {  	_ =	shalt  }
0x77: {  	_ =	shalt  }
0x78: {  	_ =	shalt  }
0x79: {  	_ =	shalt  }
0x7a: {  	_ =	shalt  }
0x7b: {  	_ =	shalt  }
0x7c: {  	_ =	shalt  }
0x7d: {  	_ =	shalt  }
0x7e: {  	_ =	shalt  }
0x7f: {  	_ =	shalt  }
0x80: {  	_ =	shalt  }
0x81: {  	_ =	shalt  }
0x82: {  	_ =	shalt  }
0x83: {  	_ =	shalt  }
0x84: {  	_ =	shalt  }
0x85: {  	_ =	shalt  }
0x86: {  	_ =	shalt  }
0x87: {  	_ =	shalt  }
.Lfunc_end0:
.L_simem_size_0:
called_computation.4_lowered:
.L_overlay_start_0:
0x88: {  	s2 =	sld [smem:$0x3FD9]  }
0x89: {  	s3 =	sld [smem:$0x3FFE];
	_ =	sdelay $0x1  }
0x8a: {  	s1 =	srdreg.scid  }
0x8b: {  	s0 =	sand.u32 $0x1, s1  }
0x8c: {  	s16 =	sshll.u32 s0, $0xA;
	s2 =	sadd.s32 s3, s2  }
0x8d: {  	s2 =	sadd.s32 s2, s16  }
0x8e: {  	[smem:$0x3FB7] =	sst s2  }
0x8f: {  	_ = 	snop  }
0x90: {  	(tm) =	ssettm $0x1  }
0x91: {  	s17 =	sld [smem:$0x3FFB];
	_ =	sdelay $0x3  }
0x92: {  	_ =	strace s17  }
0x93: {  	s2 =	sld [smem:$0x3FFC];
	_ =	sdelay $0x3  }
0x94: {  	_ =	strace s2  }
0x95: {  	s2 =	sld [smem:$0x3FFD];
	_ =	sdelay $0x3  }
0x96: {  	_ =	strace s2  }
0x97: {  	_ =	strace $0x8FFFFFFF  }
0x98: {  	s18 =	sld [smem:$0x3FDB];
	_ =	sdelay $0x1  }
0x99: {  	s19 =	simm.s32 $_scs_section_size  }
0x9a: {  	s4 =	simm.s32 $_size__tile_overlayer_lowered;
	s5 =	simm.s32 $_tile_overlayer_lowered  }
0x9b: {  	s22 =	simm.s32 $0x1BFF;
	s21 =	sshll.u32 s5, $0x1;
	s2 =	sadd.s32 s19, s18  }
0x9c: {  	s6 =	simm.s32 $0x0;
	s20 =	sshll.u32 s4, $0x1;
	s4 =	sadd.s32 s21, s2  }
0x9d: {  	[timem:s6], [sflag:s22] =	dma.local [hbm:s4], s20  }
0x9e: {  	_ =	swait.ge [sflag:s22], s20  }
0x9f: {  	s3 =	ssub.s32 $0x0, s20;
	[sflag:s22] =	ssyncset.done $0x0  }
0xa0: {  	[sflag:s22] =	ssyncadd.s32 s3;
	_ =	sdelay $0x1  }
0xa1: {  	s23 =	simm.s32 $0x1B8B  }
0xa2: {  	_ =	swait.ge [sflag:s23], $0x1  }
0xa3: {  	[sflag:s23] =	ssyncset.done $0x0  }
0xa4: {  	s25 =	simm.s32 $0x1B8E;
	s24 =	sld [smem:$0x3FFE];
	[sflag:s23] =	ssyncadd.s32 $0xFFFFFFFF  }
0xa5: {  	s26 =	simm.s32 $execute0_lowered;
	[smem:$0x3FD2] =	sst s25  }
0xa6: {  	s4 =	sshll.u32 s26, $0x1;
	_ =	strace $0x80000052;
	[dreg:$0x1] =	wrdreg $0xFFFFFFFF  }
0xa7: {  	s28 =	simm.s32 $_size_execute0_lowered;
	s2 =	sadd.s32 s2, s4;
	[dreg:$0x0] =	wrdreg $0x0  }
0xa8: {  	s4 =	sshll.u32 s28, $0x1;
	[dreg:$0x2] =	wrdreg s2  }
0xa9: {  	[dreg:$0x3] =	wrdreg s4  }
0xaa: {  	[dreg:$0x4] =	wrdreg $0xC0  }
0xab: {  	_ =	task [dreg:s6], $0x5FFFF  }
0xac: {  	[dreg:$0x1] =	wrdreg $0xFFFFFFFF  }
0xad: {  	[dreg:$0x0] =	wrdreg $0x60  }
0xae: {  	[dreg:$0x2] =	wrdreg s24  }
0xaf: {  	[dreg:$0x3] =	wrdreg $0x82000  }
0xb0: {  	[dreg:$0x4] =	wrdreg $0x86000  }
0xb1: {  	[dreg:$0x5] =	wrdreg $0x9  }
0xb2: {  	_ =	task.clear_ibuf [dreg:s6], $0x6FFFF;
	_ =	strace $0x90000052  }
0xb3: {  	s29 =	simm.s32 $0x9;
	_ =	strace $0x80000054  }
0xb4: {  	_ =	swait.ge [sflag:s29], $0x1  }
0xb5: {  	[sflag:s29] =	ssyncadd.s32 $0xFFFFFFFF  }
0xb6: {  	_ =	strace $0x90000054  }
0xb7: {  	_ =	sfence  }
0xb8: {  	s30 =	sld [smem:$0x0];
	_ =	sdelay $0x2  }
0xb9: {  	s31 =	sshll.u32 s1, $0xD;
	s1 =	sshrl.u32 s1, $0x2  }
0xba: {  	s3 =	sand.u32 $0x4000, s31;
	s1 =	sadd.s32 s1, s30  }
0xbb: {  	s0 =	sor.u32 s3, s0;
	s1 =	sshll.u32 s1, $0x11  }
0xbc: {  	s0 =	sor.u32 s1, s0  }
0xbd: {  	s0 =	sadd.s32 $0x8F2B, s0  }
0xbe: {  	[sflag:s0] =	ssyncadd.remote.s32 $0x1  }
0xbf: {  	_ =	sfence.sel $0xFFFF  }
0xc0: {  	[dreg:$0x0] =	wrdreg $0xFFFFFFFF;
	(pc) =	sbr.abs _section_cstart, $3  }
0xc1: {  	[dreg:$0x1] =	wrdreg $0xFFFFFFFF  }
0xc2: {  	_ =	task.clear_ibuf [dreg:s6], $0x2FFFF;
	_ =	strace $0x9FFFFFFF  }
0xc3: {  	(tm) =	ssettm $0x7FFFFFFF  }
tec
execute0_lowered:
.L_overlay_start_1:
0x0: {  	(tag) =	ssettag $0x1  }
0x1: {  	s7 =	rddreg [dreg:$0x0]  }
0x2: {  	s1 =	rddreg [dreg:$0x1]  }
0x3: {  	s2 =	rddreg [dreg:$0x2];
	s3 =	srdreg.scid  }
0x4: {  	s12 =	stileid.u32;
	s0 =	rddreg [dreg:$0x3]  }
0x5: {  	s13 =	simm.s32 $0x2;
	s17 =	simm.s32 $0x200;
	s18 =	simm.s32 $0x1  }
0x6: {  	s19 =	simm.s32 $0x0;
	s16 =	sand.u32 $0x1, s3;
	s4 =	smul.u32 $0x5, s12  }
0x7: {  	s3 =	simm.s32 $0x0;
	s5 =	sor.u32 $0x50, s12;
	s6 =	sadd.s32 $0x2E200, s7  }
0x8: {  	p0 =	seq.s32 s16, $0x0;
	[smem:$0x7FF] =	sst s3;
	s8 =	ssub.s32 $0x2, s16  }
0x9: {  	s9 =	sshll.u32 s16, $0xA;
	p1 =	sne.s32 s16, $0x0;
	s16 =	simm.s32 $0x80  }
0xa: {  	s5 =	smov.u32 @p0 s4;
	_ =	strace $0x80000053;
	s4 =	sadd.s32 $0x6000, s7  }
0xb: {  	s10 =	sshrl.u32 s8, $0x1;
	s9 =	sadd.s32 s9, s7;
	p0 =	sne.s32 s12, $0x0  }
0xc: {  	s12 =	simm.s32 $0x4200;
	s5 =	sshll.u32 s5, $0x5;
	s10 =	ssub.s32 s8, s10  }
0xd: {  	s8 =	sadd.s32 $0x2EA00, s9;
	s9 =	sadd.s32 $0x2F200, s9;
	s14 =	sshrl.u32 @!p0 s1, $0x3  }
0xe: {  	s15 =	sshrl.u32 @!p0 s2, $0x3;
	s11 =	sadd.s32 s5, s7;
	s5 =	sadd.s32 $0x2D200, s7  }
0xf: {  	s7 =	sadd.s32 $0x2DA00, s7;
	s10 =	smax.u32 s10, $0x1;
	s11 =	sadd.s32 $0x91C00, s11  }
.LBB2_1:
0x10: {  	[tilespmem:s12], [sflag:$0x2] =	stream.linear.gather [hbm4b:s6+s3], $0x4000, $0x38;
	[tilespmem:$0x8A00] =	vst v63  }
0x11: {  	_ =	swait.ge [sflag:s13], $0x4000  }
0x12: {  	[sflag:s13] =	ssyncset.done $0x0  }
0x13: {  	s20 =	simm.s32 @!p0 $0x1C02;
	s21 =	simm.s32 @!p0 $0x2;
	[sflag:s13] =	ssyncadd.s32 $0xFFFFC000  }
0x14: {  	[spmem:s14], [sflag:s20] =	dma.local @!p0 [hbm:s5], $0x800  }
0x15: {  	_ =	swait.ge @!p0 [sflag:s21], $0x800  }
0x16: {  	[sflag:s21] =	ssyncset.done @!p0 $0x0  }
0x17: {  	[sflag:s21] =	ssyncadd.s32 @!p0 $0xFFFFF800  }
0x18: {  	[spmem:s15], [sflag:s20] =	dma.local @!p0 [hbm:s7], $0x800  }
0x19: {  	_ =	swait.ge @!p0 [sflag:s21], $0x800  }
0x1a: {  	[sflag:s21] =	ssyncset.done @!p0 $0x0  }
0x1b: {  	s22 =	simm.s32 $0x0;
	[sflag:s21] =	ssyncadd.s32 @!p0 $0xFFFFF800  }
0x1c: {  	s20 =	simm.s32 $0x0;
	s21 =	smov.u32 s11;
	[bflag:$0x0] =	sbarrier.arrive $0xFFFF  }
.LBB2_2:
0x1d: {  	s23 =	sand.u32 $0x100, s20  }
0x1e: {  	[tilespmem:s23], [sflag:$0x2] =	stream.linear.gather [hbm4b:s21+s3], $0x100, $0x38;
	[tilespmem:$0x8A00] =	vst v63  }
0x1f: {  	_ =	swait.ge [sflag:s13], $0x100  }
0x20: {  	[sflag:s13] =	ssyncset.done $0x0  }
0x21: {  	[sflag:s13] =	ssyncadd.s32 $0xFFFFFF00  }
0x22: {  	[tilespmem:s17], [sflag:$0x1] =	stream.indirect.gather [hbm4b:s4+s16], $0x80, s23, s16, $0xb8;
	[tilespmem:$0x8A00] =	vst v63  }
0x23: {  	_ =	swait.ge [sflag:s18], $0x4000  }
0x24: {  	[sflag:s18] =	ssyncset.done $0x0  }
0x25: {  	s23 =	sor.u32 $0x80, s23;
	[sflag:s18] =	ssyncadd.s32 $0xFFFFC000  }
0x26: {  	[spmem:s1] =	stream.indirect.scatter.add.f32 [tilespmem:s17], [sflag:$0x2], $0x80, s23, s16, $0xb8;
	[tilespmem:$0x8A00] =	vst v63  }
0x27: {  	p2 =	slt.u32 @!p1 s22, $0x4;
	_ =	swait.ge [sflag:s13], $0x4000  }
0x28: {  	p2 =	por p1, !p2;
	[sflag:s13] =	ssyncset.done $0x0  }
.Ltmp0:
0x29: {  	[sflag:s13] =	ssyncadd.s32 $0xFFFFC000;
	(pc) =	sbr.rel @!p2 .LBB2_2-.Ltmp0, $4  }
0x2a: {  	[spmem:s2] =	stream.indirect.scatter.add.f32 [tilespmem:s12], [sflag:$0x2], $0x80, s23, s16, $0xb8;
	[tilespmem:$0x8A00] =	vst v63  }
0x2b: {  	_ =	swait.ge [sflag:s13], $0x4000  }
0x2c: {  	s22 =	sadd.s32 $0x1, s22;
	[sflag:s13] =	ssyncset.done $0x0  }
0x2d: {  	s20 =	sadd.s32 $0x100, s20;
	s21 =	sadd.s32 $0x20, s21;
	[sflag:s13] =	ssyncadd.s32 $0xFFFFC000  }
0x2e: {  	[bflag:$0x0] =	sbarrier.arrive $0xFFFF;
	s20 =	simm.s32 @!p0 $0x1C02;
	s21 =	simm.s32 @!p0 $0x2  }
0x2f: {  	[hbm:s8], [sflag:s20] =	dma.local @!p0 [spmem:s14], $0x400  }
0x30: {  	s19 =	sadd.s32 $0x1, s19;
	_ =	swait.ge @!p0 [sflag:s21], $0x400  }
0x31: {  	p2 =	sne.s32 s19, s10;
	[sflag:s21] =	ssyncset.done @!p0 $0x0  }
.Ltmp1:
0x32: {  	[sflag:s21] =	ssyncadd.s32 @!p0 $0xFFFFFC00;
	(pc) =	sbr.rel @p2 .LBB2_1-.Ltmp1, $4  }
0x33: {  	[hbm:s9], [sflag:s20] =	dma.local @!p0 [spmem:s15], $0x400  }
0x34: {  	_ =	swait.ge @!p0 [sflag:s21], $0x400  }
0x35: {  	[sflag:s21] =	ssyncset.done @!p0 $0x0  }
0x36: {  	[sflag:s21] =	ssyncadd.s32 @!p0 $0xFFFFFC00  }
0x37: {  	_ =	sfence.sel $0x180000  }
0x38: {  	[bflag:$0x0] =	sbarrier.arrive $0xFFFF  }
0x39: {  	_ =	strace $0x90000053  }
0x3a: {  	s0 =	sadd.s32 @!p0 $0x100000, s0;
	[bflag:$0x2] =	sbarrier.arrive $0xFFFF  }
0x3b: {  	[sflag:s0] =	ssyncadd.tile.s32 @!p0 $0x1;
	_ =	shalt  }
.Lfunc_end2:
_tile_overlayer_lowered:
.L_overlay_start_2:
0x3c: {  	(tag) =	ssettag $0x2  }
0x3d: {  	s0 =	rddreg [dreg:$0x0];
	s2 =	stileid.u32  }
0x3e: {  	s1 =	rddreg [dreg:$0x1];
	p0 =	sne.s32 s2, $0x0  }
0x3f: {  	s3 =	rddreg [dreg:$0x2];
	[bflag:$0x3] =	sbarrier.arrive $0xFFFF;
	s2 =	simm.s32 @!p0 $0x1C02  }
0x40: {  	[timem:s3], [sflag:s2] =	dma.local @!p0 [hbm:s0], s1  }
0x41: {  	s0 =	simm.s32 @!p0 $0x2  }
0x42: {  	_ =	swait.ge @!p0 [sflag:s0], s1  }
0x43: {  	s1 =	ssub.s32 @!p0 $0x0, s1;
	[sflag:s0] =	ssyncset.done @!p0 $0x0  }
0x44: {  	[sflag:s0] =	ssyncadd.s32 @!p0 s1  }
0x45: {  	[bflag:$0x3] =	sbarrier.arrive $0xFFFF  }
0x46: {  	_ =	shalt  }

</sc_bundles>
